<compile_context>
chip_gen: v7x
topology: tpu7x:2x2x1
jax: 0.10.2.dev20260603
libtpu: 0.0.44.dev20260713+nightly
codegen_flags: <defaults>
</compile_context>

<pallas_src>
import functools

import jax
import jax.numpy as jnp
from jax import lax
from jax.experimental import pallas as pl
from jax.experimental.pallas import tpu as pltpu
from jax.experimental.pallas import tpu_sc as plsc

N_NODES = 10000
N_EDGES = 320000
D_FEAT = 128
N_POOL = 16
POOL_STRIDE = 666

NC = 2
NS = 16
L = 16
NW = NC * NS
EPW = N_EDGES // NW
NV = EPW // L
ACC = N_POOL * D_FEAT
CSTEP = D_FEAT // L


def _sc_body(h_hbm, ei_hbm, part_hbm, srcv, dstv, srcc, idxb, hrows,
             acc, hshared, nref, sem, sem2):
    sid = lax.axis_index("s")
    wid = sid * NC + lax.axis_index("c")
    base = wid * EPW

    cp_src = pltpu.async_copy(ei_hbm.at[pl.ds(base, EPW)], srcv, sem)
    cp_dst = pltpu.async_copy(ei_hbm.at[pl.ds(N_EDGES + base, EPW)], dstv,
                              sem)

    is0 = jnp.where(sid == 0, 1, 0)

    def _preload(_, c):
        pltpu.async_copy(h_hbm, hshared, sem2)
        return c

    lax.fori_loop(0, is0, _preload, 0)

    ninf = jnp.full((L,), -jnp.inf, dtype=jnp.float32)

    def init_body(i, carry):
        acc[pl.ds(i * L, L)] = ninf
        return carry

    lax.fori_loop(0, (ACC + D_FEAT) // L, init_body, 0)
    cp_src.wait()
    cp_dst.wait()

    stride = jnp.int32(POOL_STRIDE)
    magic = jnp.int32(100765)
    nref[0] = jnp.int32(0)

    def divmask(off):
        vd = dstv[pl.ds(off, L)]
        q = lax.shift_right_logical(vd * magic, 26)
        return vd, q, (vd - q * stride) == 0

    UNROLL = 8

    def compact_chunk(off):
        _, q, mask = divmask(off)
        vs = srcv[pl.ds(off, L)]
        mvals = mask.astype(jnp.int32)
        incl = plsc.cumsum(mvals)
        packed = vs * N_POOL + q
        n = nref[0]
        plsc.store_scatter(srcc, [n + (incl - mvals)], packed, mask=mask)
        nref[0] = n + incl[L - 1]

    def scan_body(i, carry):
        gbase = i * (UNROLL * L)
        masks = [divmask(gbase + u * L)[2] for u in range(UNROLL)]
        many = masks[0]
        for m in masks[1:]:
            many = many | m
        any_cnt = plsc.all_reduce_population_count(many)[0]

        def _slow(_, sc):
            for u in range(UNROLL):
                cnt_u = plsc.all_reduce_population_count(masks[u])[0]

                def _one(_2, sc2, off=gbase + u * L):
                    compact_chunk(off)
                    return sc2

                lax.fori_loop(0, (cnt_u + (L - 1)) >> 4, _one, 0)
            return sc

        lax.fori_loop(0, (any_cnt + (L - 1)) >> 4, _slow, 0)
        return carry

    lax.fori_loop(0, NV // UNROLL, scan_body, 0)

    for t in range(NV - NV % UNROLL, NV):
        cnt_t = plsc.all_reduce_population_count(divmask(t * L)[2])[0]

        def _tail(_, sc, off=t * L):
            compact_chunk(off)
            return sc

        lax.fori_loop(0, (cnt_t + (L - 1)) >> 4, _tail, 0)

    n_match = nref[0]

    def _preload_wait(_, c):
        pltpu.make_async_copy(h_hbm, hshared, sem2).wait()
        return c

    lax.fori_loop(0, is0, _preload_wait, 0)
    plsc.subcore_barrier()

    lanes = lax.iota(jnp.int32, L)
    dump = jnp.full((L,), N_POOL, jnp.int32)

    def group_body(g, carry):
        packed = srcc[pl.ds(g * L, L)]
        valid = (lanes + g * L) < n_match
        slot = jnp.where(valid, packed & (N_POOL - 1), dump)
        idxb[pl.ds(0, L)] = jnp.where(
            valid, lax.shift_right_logical(packed, 4), 0
        )
        pltpu.async_copy(hshared.at[idxb], hrows, sem).wait()
        for l in range(L):
            k = slot[l] * D_FEAT
            for c in range(CSTEP):
                acc[pl.ds(k + c * L, L)] = jnp.maximum(
                    acc[pl.ds(k + c * L, L)], hrows[l, pl.ds(c * L, L)]
                )
        return carry

    n_groups = (n_match + (L - 1)) >> 4
    lax.fori_loop(0, n_groups, group_body, 0)

    pltpu.sync_copy(acc.at[pl.ds(0, ACC)], part_hbm.at[wid])


def _tc_body(part_ref, out_ref):
    x = part_ref[...]
    m = jnp.max(x, axis=0)
    out_ref[...] = jnp.where(jnp.isneginf(m), 0.0, m)


@jax.jit
def kernel(h, edge_index):
    mesh = plsc.VectorSubcoreMesh(
        core_axis_name="c", subcore_axis_name="s", num_cores=NC,
        num_subcores=NS,
    )
    sc_call = functools.partial(
        pl.kernel,
        out_type=jax.ShapeDtypeStruct((NW, ACC), jnp.float32),
        mesh=mesh,
        scratch_types=[
            pltpu.VMEM((EPW,), jnp.int32),
            pltpu.VMEM((EPW,), jnp.int32),
            pltpu.VMEM((EPW + L,), jnp.int32),
            pltpu.VMEM((L,), jnp.int32),
            pltpu.VMEM((L, D_FEAT), jnp.float32),
            pltpu.VMEM((ACC + D_FEAT,), jnp.float32),
            pltpu.VMEM_SHARED((N_NODES, D_FEAT), jnp.float32),
            pltpu.SMEM((1,), jnp.int32),
            pltpu.SemaphoreType.DMA,
            pltpu.SemaphoreType.DMA,
        ],
        compiler_params=pltpu.CompilerParams(needs_layout_passes=False),
    )(_sc_body)
    part = sc_call(h, edge_index.reshape(-1))
    part = part.reshape(NW, N_POOL, D_FEAT)

    out = pl.pallas_call(
        _tc_body,
        out_shape=jax.ShapeDtypeStruct((N_POOL, D_FEAT), jnp.float32),
    )(part)
    return out

# --- scband reference (transcript-rebuilt; emitter-appended) ---
"""Pipeline reference for scband-max-pool-83339545412231 (READ-ONLY COPY).

The authoritative reference and input builder live on the scoring server;
editing this copy changes nothing except your own understanding.
"""

import jax, jax.numpy as jnp
import numpy as np

N_NODES = 10000
N_EDGES = 320000
D_FEAT = 128
POOL = jnp.array([0, 666, 1332, 1998, 2664, 3330, 3996, 4662, 5328, 5994, 6660, 7326, 7992, 8658, 9324, 9990], dtype=jnp.int32)


def setup_inputs(seed: int = 0) -> dict:
    key = jax.random.key(seed)
    k1, k2 = jax.random.split(key)
    h = jax.random.normal(k1, (N_NODES, D_FEAT), dtype=jnp.float32)
    edge_index = jax.random.randint(k2, (2, N_EDGES), 0, N_NODES, dtype=jnp.int32)
    return {"h": h, "edge_index": edge_index}


def reference(h, edge_index):
    # DGL semantics: message = copy_u('h') i.e. gather src features along each edge,
    # reduce = max over incoming messages at each dst node; nodes with no in-edges get 0.
    src = edge_index[0]
    dst = edge_index[1]
    msgs = jnp.take(h, src, axis=0)                      # gather: [E, d]
    h_max = jax.ops.segment_max(msgs, dst, num_segments=N_NODES)  # scatter-max reduce: [N, d]
    h_max = jnp.where(jnp.isneginf(h_max), 0.0, h_max)   # DGL fills zero-degree nodes with 0
    return h_max[POOL]                                   # gather pooled node rows: [16, d]

if __name__ == "__main__":
    import jax
    _d = setup_inputs()
    print(jax.jit(kernel)(*tuple(_d.values())))

</pallas_src>

<mosaic_0001>
#map = affine_map<(d0, d1) -> (0, 0)>
#map1 = affine_map<(d0, d1) -> (0)>
module attributes {stable_mosaic.version = 14 : i64} {
  func.func @_sc_body(%arg0: i32, %arg1: i32, %arg2: memref<10000x128xf32, #tpu.memory_space<hbm>>, %arg3: memref<640000xi32, #tpu.memory_space<hbm>>, %arg4: memref<32x2048xf32, #tpu.memory_space<hbm>>, %arg5: memref<10000xi32, #tpu.memory_space<vmem>>, %arg6: memref<10000xi32, #tpu.memory_space<vmem>>, %arg7: memref<10016xi32, #tpu.memory_space<vmem>>, %arg8: memref<16xi32, #tpu.memory_space<vmem>>, %arg9: memref<16x128xf32, #tpu.memory_space<vmem>>, %arg10: memref<2176xf32, #tpu.memory_space<vmem>>, %arg11: memref<10000x128xf32, #tpu.memory_space<vmem_shared>>, %arg12: memref<1xi32, #tpu.memory_space<smem>>, %arg13: memref<!tpu.dma_semaphore, #tpu.memory_space<semaphore_mem>>, %arg14: memref<!tpu.dma_semaphore, #tpu.memory_space<semaphore_mem>>) attributes {dimension_semantics = [#tpu.dimension_semantics<core_parallel>, #tpu.dimension_semantics<subcore_parallel>], iteration_bounds = array<i64: 2, 16>, scalar_prefetch = 0 : i64, scratch_operands = 10 : i64, tpu.core_type = #tpu.core_type<sc_vector_subcore>, window_params = [{transform_indices = #map}, {transform_indices = #map1}, {transform_indices = #map}]} {
    %mul3A = arith.constant 2 : i32
    %mul3A_0 = arith.muli %arg1, %mul3A : i32
    %add3A = arith.addi %mul3A_0, %arg0 : i32
    %mul3A_1 = arith.constant 10000 : i32
    %mul3A_2 = arith.muli %add3A, %mul3A_1 : i32
    %dma_start3A = tpu.memref_slice %arg3[%mul3A_2] : memref<640000xi32, #tpu.memory_space<hbm>> -> memref<10000xi32, #tpu.memory_space<hbm>>
    %dma_start3A_3 = tpu.memref_slice %arg3[%mul3A_2] : memref<640000xi32, #tpu.memory_space<hbm>> -> memref<10000xi32, #tpu.memory_space<hbm>>
    tpu.enqueue_dma source(%dma_start3A_3 : memref<10000xi32, #tpu.memory_space<hbm>>) target(%arg5 : memref<10000xi32, #tpu.memory_space<vmem>>) target_semaphore(%arg13 : memref<!tpu.dma_semaphore, #tpu.memory_space<semaphore_mem>>)
    %add3A_4 = arith.constant 320000 : i32
    %add3A_5 = arith.addi %add3A_4, %mul3A_2 : i32
    %dma_start3A_6 = tpu.memref_slice %arg3[%add3A_5] : memref<640000xi32, #tpu.memory_space<hbm>> -> memref<10000xi32, #tpu.memory_space<hbm>>
    %dma_start3A_7 = tpu.memref_slice %arg3[%add3A_5] : memref<640000xi32, #tpu.memory_space<hbm>> -> memref<10000xi32, #tpu.memory_space<hbm>>
    tpu.enqueue_dma source(%dma_start3A_7 : memref<10000xi32, #tpu.memory_space<hbm>>) target(%arg6 : memref<10000xi32, #tpu.memory_space<vmem>>) target_semaphore(%arg13 : memref<!tpu.dma_semaphore, #tpu.memory_space<semaphore_mem>>)
    %eq3A = arith.constant 0 : i32
    %eq3A_8 = arith.cmpi eq, %arg1, %eq3A : i32
    %jit3A = arith.constant 1 : i32
    %jit3A_9 = arith.constant 0 : i32
    %select_n3A = arith.select %eq3A_8, %jit3A, %jit3A_9 : i32
    %while3A = arith.constant 0 : i32
    %while3A_10 = arith.constant 0 : i32
    %while3A_11 = arith.subi %select_n3A, %while3A_10 : i32
    %while3A_12 = arith.addi %while3A_10, %while3A_11 : i32
    %while3A_13 = arith.constant 1 : i32
    %while3A_14 = arith.divsi %while3A_11, %while3A_13 : i32
    %while3A_15 = arith.muli %while3A_14, %while3A_13 : i32
    %while3A_16 = arith.addi %while3A_10, %while3A_15 : i32
    %while3A_17 = arith.constant 1 : i32
    scf.for %while3A_95 = %while3A_10 to %while3A_16 step %while3A_17  : i32 {
      tpu.enqueue_dma source(%arg2 : memref<10000x128xf32, #tpu.memory_space<hbm>>) target(%arg11 : memref<10000x128xf32, #tpu.memory_space<vmem_shared>>) target_semaphore(%arg14 : memref<!tpu.dma_semaphore, #tpu.memory_space<semaphore_mem>>)
    }
    %while3A_18 = arith.constant 1 : i32
    scf.for %while3A_95 = %while3A_16 to %while3A_12 step %while3A_18  : i32 {
      tpu.enqueue_dma source(%arg2 : memref<10000x128xf32, #tpu.memory_space<hbm>>) target(%arg11 : memref<10000x128xf32, #tpu.memory_space<vmem_shared>>) target_semaphore(%arg14 : memref<!tpu.dma_semaphore, #tpu.memory_space<semaphore_mem>>)
    }
    %broadcast_in_dim3A = arith.constant 0xFF800000 : f32
    %broadcast_in_dim3A_19 = vector.broadcast %broadcast_in_dim3A : f32 to vector<16xf32>
    %scan3A = arith.constant 0 : i32
    %scan3A_20 = arith.constant 0 : i32
    %scan3A_21 = arith.constant 136 : i32
    %scan3A_22 = arith.addi %scan3A_20, %scan3A_21 : i32
    %scan3A_23 = arith.constant 1 : i32
    scf.for %scan3A_95 = %scan3A_20 to %scan3A_22 step %scan3A_23  : i32 {
      %mul3A_96 = arith.constant 16 : i32
      %mul3A_97 = arith.muli %scan3A_95, %mul3A_96 : i32
      %swap3A_98 = arith.index_cast %mul3A_97 : i32 to index
      %swap3A_99 = tpu.vector_load %arg10[%swap3A_98] {strides = array<i32>} : memref<2176xf32, #tpu.memory_space<vmem>>, vector<16xf32>,
      tpu.vector_store %arg10[%swap3A_98], %broadcast_in_dim3A_19 {strides = array<i32>} : memref<2176xf32, #tpu.memory_space<vmem>>, vector<16xf32>,
    }
    %scan3A_24 = arith.constant 136 : i32
    %dma_wait3A = tpu.memref_slice %arg3[%mul3A_2] : memref<640000xi32, #tpu.memory_space<hbm>> -> memref<10000xi32, #tpu.memory_space<hbm>>
    %dma_wait3A_25 = tpu.memref_slice %arg3[%mul3A_2] : memref<640000xi32, #tpu.memory_space<hbm>> -> memref<10000xi32, #tpu.memory_space<hbm>>
    tpu.wait_dma2 semaphore(%arg13 : memref<!tpu.dma_semaphore, #tpu.memory_space<semaphore_mem>>) src(%dma_wait3A_25 : memref<10000xi32, #tpu.memory_space<hbm>>) dst(%arg5 : memref<10000xi32, #tpu.memory_space<vmem>>)
    %dma_wait3A_26 = tpu.memref_slice %arg3[%add3A_5] : memref<640000xi32, #tpu.memory_space<hbm>> -> memref<10000xi32, #tpu.memory_space<hbm>>
    %dma_wait3A_27 = tpu.memref_slice %arg3[%add3A_5] : memref<640000xi32, #tpu.memory_space<hbm>> -> memref<10000xi32, #tpu.memory_space<hbm>>
    tpu.wait_dma2 semaphore(%arg13 : memref<!tpu.dma_semaphore, #tpu.memory_space<semaphore_mem>>) src(%dma_wait3A_27 : memref<10000xi32, #tpu.memory_space<hbm>>) dst(%arg6 : memref<10000xi32, #tpu.memory_space<vmem>>)
    %swap3A = arith.constant 0 : i32
    %swap3A_28 = arith.constant 0 : i32
    %swap3A_29 = arith.index_cast %swap3A_28 : i32 to index
    %swap3A_30 = memref.load %arg12[%swap3A_29] : memref<1xi32, #tpu.memory_space<smem>>
    memref.store %swap3A, %arg12[%swap3A_29] : memref<1xi32, #tpu.memory_space<smem>>
    %scan3A_31 = arith.constant 0 : i32
    %scan3A_32 = arith.constant 100765 : i32
    %scan3A_33 = arith.constant 666 : i32
    %scan3A_34 = arith.constant 0 : i32
    %scan3A_35 = arith.constant 78 : i32
    %scan3A_36 = arith.addi %scan3A_34, %scan3A_35 : i32
    %scan3A_37 = arith.constant 1 : i32
    scf.for %scan3A_95 = %scan3A_34 to %scan3A_36 step %scan3A_37  : i32 {
      %mul3A_96 = arith.constant 128 : i32
      %mul3A_97 = arith.muli %scan3A_95, %mul3A_96 : i32
      %add3A_98 = arith.constant 0 : i32
      %add3A_99 = arith.addi %mul3A_97, %add3A_98 : i32
      %get3A_100 = arith.index_cast %add3A_99 : i32 to index
      %get3A_101 = tpu.vector_load %arg6[%get3A_100] {strides = array<i32>} : memref<10000xi32, #tpu.memory_space<vmem>>, vector<16xi32>,
      %mul3A_102 = vector.broadcast %scan3A_32 : i32 to vector<16xi32>
      %mul3A_103 = arith.muli %get3A_101, %mul3A_102 : vector<16xi32>
      %shift_right_logical3A_104 = arith.constant 26 : i32
      %shift_right_logical3A_105 = vector.broadcast %shift_right_logical3A_104 : i32 to vector<16xi32>
      %shift_right_logical3A_106 = arith.shrui %mul3A_103, %shift_right_logical3A_105 : vector<16xi32>
      %mul3A_107 = vector.broadcast %scan3A_33 : i32 to vector<16xi32>
      %mul3A_108 = arith.muli %shift_right_logical3A_106, %mul3A_107 : vector<16xi32>
      %sub3A_109 = arith.subi %get3A_101, %mul3A_108 : vector<16xi32>
      %eq3A_110 = arith.constant 0 : i32
      %eq3A_111 = vector.broadcast %eq3A_110 : i32 to vector<16xi32>
      %eq3A_112 = arith.cmpi eq, %sub3A_109, %eq3A_111 : vector<16xi32>
      %add3A_113 = arith.constant 16 : i32
      %add3A_114 = arith.addi %mul3A_97, %add3A_113 : i32
      %get3A_115 = arith.index_cast %add3A_114 : i32 to index
      %get3A_116 = tpu.vector_load %arg6[%get3A_115] {strides = array<i32>} : memref<10000xi32, #tpu.memory_space<vmem>>, vector<16xi32>,
      %mul3A_117 = vector.broadcast %scan3A_32 : i32 to vector<16xi32>
      %mul3A_118 = arith.muli %get3A_116, %mul3A_117 : vector<16xi32>
      %shift_right_logical3A_119 = arith.constant 26 : i32
      %shift_right_logical3A_120 = vector.broadcast %shift_right_logical3A_119 : i32 to vector<16xi32>
      %shift_right_logical3A_121 = arith.shrui %mul3A_118, %shift_right_logical3A_120 : vector<16xi32>
      %mul3A_122 = vector.broadcast %scan3A_33 : i32 to vector<16xi32>
      %mul3A_123 = arith.muli %shift_right_logical3A_121, %mul3A_122 : vector<16xi32>
      %sub3A_124 = arith.subi %get3A_116, %mul3A_123 : vector<16xi32>
      %eq3A_125 = arith.constant 0 : i32
      %eq3A_126 = vector.broadcast %eq3A_125 : i32 to vector<16xi32>
      %eq3A_127 = arith.cmpi eq, %sub3A_124, %eq3A_126 : vector<16xi32>
      %add3A_128 = arith.constant 32 : i32
      %add3A_129 = arith.addi %mul3A_97, %add3A_128 : i32
      %get3A_130 = arith.index_cast %add3A_129 : i32 to index
      %get3A_131 = tpu.vector_load %arg6[%get3A_130] {strides = array<i32>} : memref<10000xi32, #tpu.memory_space<vmem>>, vector<16xi32>,
      %mul3A_132 = vector.broadcast %scan3A_32 : i32 to vector<16xi32>
      %mul3A_133 = arith.muli %get3A_131, %mul3A_132 : vector<16xi32>
      %shift_right_logical3A_134 = arith.constant 26 : i32
      %shift_right_logical3A_135 = vector.broadcast %shift_right_logical3A_134 : i32 to vector<16xi32>
      %shift_right_logical3A_136 = arith.shrui %mul3A_133, %shift_right_logical3A_135 : vector<16xi32>
      %mul3A_137 = vector.broadcast %scan3A_33 : i32 to vector<16xi32>
      %mul3A_138 = arith.muli %shift_right_logical3A_136, %mul3A_137 : vector<16xi32>
      %sub3A_139 = arith.subi %get3A_131, %mul3A_138 : vector<16xi32>
      %eq3A_140 = arith.constant 0 : i32
      %eq3A_141 = vector.broadcast %eq3A_140 : i32 to vector<16xi32>
      %eq3A_142 = arith.cmpi eq, %sub3A_139, %eq3A_141 : vector<16xi32>
      %add3A_143 = arith.constant 48 : i32
      %add3A_144 = arith.addi %mul3A_97, %add3A_143 : i32
      %get3A_145 = arith.index_cast %add3A_144 : i32 to index
      %get3A_146 = tpu.vector_load %arg6[%get3A_145] {strides = array<i32>} : memref<10000xi32, #tpu.memory_space<vmem>>, vector<16xi32>,
      %mul3A_147 = vector.broadcast %scan3A_32 : i32 to vector<16xi32>
      %mul3A_148 = arith.muli %get3A_146, %mul3A_147 : vector<16xi32>
      %shift_right_logical3A_149 = arith.constant 26 : i32
      %shift_right_logical3A_150 = vector.broadcast %shift_right_logical3A_149 : i32 to vector<16xi32>
      %shift_right_logical3A_151 = arith.shrui %mul3A_148, %shift_right_logical3A_150 : vector<16xi32>
      %mul3A_152 = vector.broadcast %scan3A_33 : i32 to vector<16xi32>
      %mul3A_153 = arith.muli %shift_right_logical3A_151, %mul3A_152 : vector<16xi32>
      %sub3A_154 = arith.subi %get3A_146, %mul3A_153 : vector<16xi32>
      %eq3A_155 = arith.constant 0 : i32
      %eq3A_156 = vector.broadcast %eq3A_155 : i32 to vector<16xi32>
      %eq3A_157 = arith.cmpi eq, %sub3A_154, %eq3A_156 : vector<16xi32>
      %add3A_158 = arith.constant 64 : i32
      %add3A_159 = arith.addi %mul3A_97, %add3A_158 : i32
      %get3A_160 = arith.index_cast %add3A_159 : i32 to index
      %get3A_161 = tpu.vector_load %arg6[%get3A_160] {strides = array<i32>} : memref<10000xi32, #tpu.memory_space<vmem>>, vector<16xi32>,
      %mul3A_162 = vector.broadcast %scan3A_32 : i32 to vector<16xi32>
      %mul3A_163 = arith.muli %get3A_161, %mul3A_162 : vector<16xi32>
      %shift_right_logical3A_164 = arith.constant 26 : i32
      %shift_right_logical3A_165 = vector.broadcast %shift_right_logical3A_164 : i32 to vector<16xi32>
      %shift_right_logical3A_166 = arith.shrui %mul3A_163, %shift_right_logical3A_165 : vector<16xi32>
      %mul3A_167 = vector.broadcast %scan3A_33 : i32 to vector<16xi32>
      %mul3A_168 = arith.muli %shift_right_logical3A_166, %mul3A_167 : vector<16xi32>
      %sub3A_169 = arith.subi %get3A_161, %mul3A_168 : vector<16xi32>
      %eq3A_170 = arith.constant 0 : i32
      %eq3A_171 = vector.broadcast %eq3A_170 : i32 to vector<16xi32>
      %eq3A_172 = arith.cmpi eq, %sub3A_169, %eq3A_171 : vector<16xi32>
      %add3A_173 = arith.constant 80 : i32
      %add3A_174 = arith.addi %mul3A_97, %add3A_173 : i32
      %get3A_175 = arith.index_cast %add3A_174 : i32 to index
      %get3A_176 = tpu.vector_load %arg6[%get3A_175] {strides = array<i32>} : memref<10000xi32, #tpu.memory_space<vmem>>, vector<16xi32>,
      %mul3A_177 = vector.broadcast %scan3A_32 : i32 to vector<16xi32>
      %mul3A_178 = arith.muli %get3A_176, %mul3A_177 : vector<16xi32>
      %shift_right_logical3A_179 = arith.constant 26 : i32
      %shift_right_logical3A_180 = vector.broadcast %shift_right_logical3A_179 : i32 to vector<16xi32>
      %shift_right_logical3A_181 = arith.shrui %mul3A_178, %shift_right_logical3A_180 : vector<16xi32>
      %mul3A_182 = vector.broadcast %scan3A_33 : i32 to vector<16xi32>
      %mul3A_183 = arith.muli %shift_right_logical3A_181, %mul3A_182 : vector<16xi32>
      %sub3A_184 = arith.subi %get3A_176, %mul3A_183 : vector<16xi32>
      %eq3A_185 = arith.constant 0 : i32
      %eq3A_186 = vector.broadcast %eq3A_185 : i32 to vector<16xi32>
      %eq3A_187 = arith.cmpi eq, %sub3A_184, %eq3A_186 : vector<16xi32>
      %add3A_188 = arith.constant 96 : i32
      %add3A_189 = arith.addi %mul3A_97, %add3A_188 : i32
      %get3A_190 = arith.index_cast %add3A_189 : i32 to index
      %get3A_191 = tpu.vector_load %arg6[%get3A_190] {strides = array<i32>} : memref<10000xi32, #tpu.memory_space<vmem>>, vector<16xi32>,
      %mul3A_192 = vector.broadcast %scan3A_32 : i32 to vector<16xi32>
      %mul3A_193 = arith.muli %get3A_191, %mul3A_192 : vector<16xi32>
      %shift_right_logical3A_194 = arith.constant 26 : i32
      %shift_right_logical3A_195 = vector.broadcast %shift_right_logical3A_194 : i32 to vector<16xi32>
      %shift_right_logical3A_196 = arith.shrui %mul3A_193, %shift_right_logical3A_195 : vector<16xi32>
      %mul3A_197 = vector.broadcast %scan3A_33 : i32 to vector<16xi32>
      %mul3A_198 = arith.muli %shift_right_logical3A_196, %mul3A_197 : vector<16xi32>
      %sub3A_199 = arith.subi %get3A_191, %mul3A_198 : vector<16xi32>
      %eq3A_200 = arith.constant 0 : i32
      %eq3A_201 = vector.broadcast %eq3A_200 : i32 to vector<16xi32>
      %eq3A_202 = arith.cmpi eq, %sub3A_199, %eq3A_201 : vector<16xi32>
      %add3A_203 = arith.constant 112 : i32
      %add3A_204 = arith.addi %mul3A_97, %add3A_203 : i32
      %get3A_205 = arith.index_cast %add3A_204 : i32 to index
      %get3A_206 = tpu.vector_load %arg6[%get3A_205] {strides = array<i32>} : memref<10000xi32, #tpu.memory_space<vmem>>, vector<16xi32>,
      %mul3A_207 = vector.broadcast %scan3A_32 : i32 to vector<16xi32>
      %mul3A_208 = arith.muli %get3A_206, %mul3A_207 : vector<16xi32>
      %shift_right_logical3A_209 = arith.constant 26 : i32
      %shift_right_logical3A_210 = vector.broadcast %shift_right_logical3A_209 : i32 to vector<16xi32>
      %shift_right_logical3A_211 = arith.shrui %mul3A_208, %shift_right_logical3A_210 : vector<16xi32>
      %mul3A_212 = vector.broadcast %scan3A_33 : i32 to vector<16xi32>
      %mul3A_213 = arith.muli %shift_right_logical3A_211, %mul3A_212 : vector<16xi32>
      %sub3A_214 = arith.subi %get3A_206, %mul3A_213 : vector<16xi32>
      %eq3A_215 = arith.constant 0 : i32
      %eq3A_216 = vector.broadcast %eq3A_215 : i32 to vector<16xi32>
      %eq3A_217 = arith.cmpi eq, %sub3A_214, %eq3A_216 : vector<16xi32>
      %or3A = arith.ori %eq3A_112, %eq3A_127 : vector<16xi1>
      %or3A_218 = arith.ori %or3A, %eq3A_142 : vector<16xi1>
      %or3A_219 = arith.ori %or3A_218, %eq3A_157 : vector<16xi1>
      %or3A_220 = arith.ori %or3A_219, %eq3A_172 : vector<16xi1>
      %or3A_221 = arith.ori %or3A_220, %eq3A_187 : vector<16xi1>
      %or3A_222 = arith.ori %or3A_221, %eq3A_202 : vector<16xi1>
      %or3A_223 = arith.ori %or3A_222, %eq3A_217 : vector<16xi1>
      %all_reduce_population_count3A_224 = tpu.all_reduce %or3A_223 {dim = 0 : i64, kind = #tpu.reduction_kind<sum>} : vector<16xi1> -> vector<16xi32>
      %slice3A_225 = vector.extract_strided_slice %all_reduce_population_count3A_224 {offsets = [0], sizes = [1], strides = [1]} : vector<16xi32> to vector<1xi32>
      %squeeze3A_226 = vector.extract %slice3A_225[0] : i32 from vector<1xi32>
      %add3A_227 = arith.constant 15 : i32
      %add3A_228 = arith.addi %squeeze3A_226, %add3A_227 : i32
      %shift_right_arithmetic3A_229 = arith.constant 4 : i32
      %shift_right_arithmetic3A_230 = arith.shrsi %add3A_228, %shift_right_arithmetic3A_229 : i32
      %while3A_231 = arith.constant 0 : i32
      %while3A_232 = arith.constant 0 : i32
      %while3A_233 = arith.subi %shift_right_arithmetic3A_230, %while3A_232 : i32
      %while3A_234 = arith.addi %while3A_232, %while3A_233 : i32
      %while3A_235 = arith.constant 1 : i32
      %while3A_236 = arith.divsi %while3A_233, %while3A_235 : i32
      %while3A_237 = arith.muli %while3A_236, %while3A_235 : i32
      %while3A_238 = arith.addi %while3A_232, %while3A_237 : i32
      %while3A_239 = arith.constant 1 : i32
      scf.for %while3A_241 = %while3A_232 to %while3A_238 step %while3A_239  : i32 {
        %all_reduce_population_count3A_242 = tpu.all_reduce %eq3A_112 {dim = 0 : i64, kind = #tpu.reduction_kind<sum>} : vector<16xi1> -> vector<16xi32>
        %slice3A_243 = vector.extract_strided_slice %all_reduce_population_count3A_242 {offsets = [0], sizes = [1], strides = [1]} : vector<16xi32> to vector<1xi32>
        %squeeze3A_244 = vector.extract %slice3A_243[0] : i32 from vector<1xi32>
        %add3A_245 = arith.constant 0 : i32
        %add3A_246 = arith.addi %mul3A_97, %add3A_245 : i32
        %add3A_247 = arith.constant 15 : i32
        %add3A_248 = arith.addi %squeeze3A_244, %add3A_247 : i32
        %shift_right_arithmetic3A_249 = arith.constant 4 : i32
        %shift_right_arithmetic3A_250 = arith.shrsi %add3A_248, %shift_right_arithmetic3A_249 : i32
        %while3A_251 = arith.constant 0 : i32
        %while3A_252 = arith.constant 0 : i32
        %while3A_253 = arith.subi %shift_right_arithmetic3A_250, %while3A_252 : i32
        %while3A_254 = arith.addi %while3A_252, %while3A_253 : i32
        %while3A_255 = arith.constant 1 : i32
        %while3A_256 = arith.divsi %while3A_253, %while3A_255 : i32
        %while3A_257 = arith.muli %while3A_256, %while3A_255 : i32
        %while3A_258 = arith.addi %while3A_252, %while3A_257 : i32
        %while3A_259 = arith.constant 1 : i32
        scf.for %while3A_394 = %while3A_252 to %while3A_258 step %while3A_259  : i32 {
          %get3A_395 = arith.index_cast %add3A_246 : i32 to index
          %get3A_396 = tpu.vector_load %arg6[%get3A_395] {strides = array<i32>} : memref<10000xi32, #tpu.memory_space<vmem>>, vector<16xi32>,
          %mul3A_397 = vector.broadcast %scan3A_32 : i32 to vector<16xi32>
          %mul3A_398 = arith.muli %get3A_396, %mul3A_397 : vector<16xi32>
          %shift_right_logical3A_399 = arith.constant 26 : i32
          %shift_right_logical3A_400 = vector.broadcast %shift_right_logical3A_399 : i32 to vector<16xi32>
          %shift_right_logical3A_401 = arith.shrui %mul3A_398, %shift_right_logical3A_400 : vector<16xi32>
          %mul3A_402 = vector.broadcast %scan3A_33 : i32 to vector<16xi32>
          %mul3A_403 = arith.muli %shift_right_logical3A_401, %mul3A_402 : vector<16xi32>
          %sub3A_404 = arith.subi %get3A_396, %mul3A_403 : vector<16xi32>
          %eq3A_405 = arith.constant 0 : i32
          %eq3A_406 = vector.broadcast %eq3A_405 : i32 to vector<16xi32>
          %eq3A_407 = arith.cmpi eq, %sub3A_404, %eq3A_406 : vector<16xi32>
          %get3A_408 = arith.index_cast %add3A_246 : i32 to index
          %get3A_409 = tpu.vector_load %arg5[%get3A_408] {strides = array<i32>} : memref<10000xi32, #tpu.memory_space<vmem>>, vector<16xi32>,
          %convert_element_type3A = arith.extui %eq3A_407 : vector<16xi1> to vector<16xi32>
          %broadcast_in_dim3A_410 = arith.constant true
          %broadcast_in_dim3A_411 = vector.broadcast %broadcast_in_dim3A_410 : i1 to vector<16xi1>
          %masked_cumsum3A = tpu.scan <sum>, %convert_element_type3A masked %broadcast_in_dim3A_411 : vector<16xi32>, vector<16xi1> -> vector<16xi32>
          %mul3A_412 = arith.constant 16 : i32
          %mul3A_413 = vector.broadcast %mul3A_412 : i32 to vector<16xi32>
          %mul3A_414 = arith.muli %get3A_409, %mul3A_413 : vector<16xi32>
          %add3A_415 = arith.addi %mul3A_414, %shift_right_logical3A_401 : vector<16xi32>
          %get3A_416 = arith.constant 0 : i32
          %get3A_417 = arith.index_cast %get3A_416 : i32 to index
          %get3A_418 = memref.load %arg12[%get3A_417] : memref<1xi32, #tpu.memory_space<smem>>
          %sub3A_419 = arith.subi %masked_cumsum3A, %convert_element_type3A : vector<16xi32>
          %add3A_420 = vector.broadcast %get3A_418 : i32 to vector<16xi32>
          %add3A_421 = arith.addi %add3A_420, %sub3A_419 : vector<16xi32>
          tpu.vector_store_idx %arg7[%add3A_421], %add3A_415 masked %eq3A_407 : memref<10016xi32, #tpu.memory_space<vmem>>[vector<16xi32>], vector<16xi32>, vector<16xi1>
          %slice3A_422 = vector.extract_strided_slice %masked_cumsum3A {offsets = [15], sizes = [1], strides = [1]} : vector<16xi32> to vector<1xi32>
          %squeeze3A_423 = vector.extract %slice3A_422[0] : i32 from vector<1xi32>
          %add3A_424 = arith.addi %get3A_418, %squeeze3A_423 : i32
          %swap3A_425 = arith.constant 0 : i32
          %swap3A_426 = arith.index_cast %swap3A_425 : i32 to index
          %swap3A_427 = memref.load %arg12[%swap3A_426] : memref<1xi32, #tpu.memory_space<smem>>
          memref.store %add3A_424, %arg12[%swap3A_426] : memref<1xi32, #tpu.memory_space<smem>>
        }
        %while3A_260 = arith.constant 1 : i32
        scf.for %while3A_394 = %while3A_258 to %while3A_254 step %while3A_260  : i32 {
          %get3A_395 = arith.index_cast %add3A_246 : i32 to index
          %get3A_396 = tpu.vector_load %arg6[%get3A_395] {strides = array<i32>} : memref<10000xi32, #tpu.memory_space<vmem>>, vector<16xi32>,
          %mul3A_397 = vector.broadcast %scan3A_32 : i32 to vector<16xi32>
          %mul3A_398 = arith.muli %get3A_396, %mul3A_397 : vector<16xi32>
          %shift_right_logical3A_399 = arith.constant 26 : i32
          %shift_right_logical3A_400 = vector.broadcast %shift_right_logical3A_399 : i32 to vector<16xi32>
          %shift_right_logical3A_401 = arith.shrui %mul3A_398, %shift_right_logical3A_400 : vector<16xi32>
          %mul3A_402 = vector.broadcast %scan3A_33 : i32 to vector<16xi32>
          %mul3A_403 = arith.muli %shift_right_logical3A_401, %mul3A_402 : vector<16xi32>
          %sub3A_404 = arith.subi %get3A_396, %mul3A_403 : vector<16xi32>
          %eq3A_405 = arith.constant 0 : i32
          %eq3A_406 = vector.broadcast %eq3A_405 : i32 to vector<16xi32>
          %eq3A_407 = arith.cmpi eq, %sub3A_404, %eq3A_406 : vector<16xi32>
          %get3A_408 = arith.index_cast %add3A_246 : i32 to index
          %get3A_409 = tpu.vector_load %arg5[%get3A_408] {strides = array<i32>} : memref<10000xi32, #tpu.memory_space<vmem>>, vector<16xi32>,
          %convert_element_type3A = arith.extui %eq3A_407 : vector<16xi1> to vector<16xi32>
          %broadcast_in_dim3A_410 = arith.constant true
          %broadcast_in_dim3A_411 = vector.broadcast %broadcast_in_dim3A_410 : i1 to vector<16xi1>
          %masked_cumsum3A = tpu.scan <sum>, %convert_element_type3A masked %broadcast_in_dim3A_411 : vector<16xi32>, vector<16xi1> -> vector<16xi32>
          %mul3A_412 = arith.constant 16 : i32
          %mul3A_413 = vector.broadcast %mul3A_412 : i32 to vector<16xi32>
          %mul3A_414 = arith.muli %get3A_409, %mul3A_413 : vector<16xi32>
          %add3A_415 = arith.addi %mul3A_414, %shift_right_logical3A_401 : vector<16xi32>
          %get3A_416 = arith.constant 0 : i32
          %get3A_417 = arith.index_cast %get3A_416 : i32 to index
          %get3A_418 = memref.load %arg12[%get3A_417] : memref<1xi32, #tpu.memory_space<smem>>
          %sub3A_419 = arith.subi %masked_cumsum3A, %convert_element_type3A : vector<16xi32>
          %add3A_420 = vector.broadcast %get3A_418 : i32 to vector<16xi32>
          %add3A_421 = arith.addi %add3A_420, %sub3A_419 : vector<16xi32>
          tpu.vector_store_idx %arg7[%add3A_421], %add3A_415 masked %eq3A_407 : memref<10016xi32, #tpu.memory_space<vmem>>[vector<16xi32>], vector<16xi32>, vector<16xi1>
          %slice3A_422 = vector.extract_strided_slice %masked_cumsum3A {offsets = [15], sizes = [1], strides = [1]} : vector<16xi32> to vector<1xi32>
          %squeeze3A_423 = vector.extract %slice3A_422[0] : i32 from vector<1xi32>
          %add3A_424 = arith.addi %get3A_418, %squeeze3A_423 : i32
          %swap3A_425 = arith.constant 0 : i32
          %swap3A_426 = arith.index_cast %swap3A_425 : i32 to index
          %swap3A_427 = memref.load %arg12[%swap3A_426] : memref<1xi32, #tpu.memory_space<smem>>
          memref.store %add3A_424, %arg12[%swap3A_426] : memref<1xi32, #tpu.memory_space<smem>>
        }
        %all_reduce_population_count3A_261 = tpu.all_reduce %eq3A_127 {dim = 0 : i64, kind = #tpu.reduction_kind<sum>} : vector<16xi1> -> vector<16xi32>
        %slice3A_262 = vector.extract_strided_slice %all_reduce_population_count3A_261 {offsets = [0], sizes = [1], strides = [1]} : vector<16xi32> to vector<1xi32>
        %squeeze3A_263 = vector.extract %slice3A_262[0] : i32 from vector<1xi32>
        %add3A_264 = arith.constant 16 : i32
        %add3A_265 = arith.addi %mul3A_97, %add3A_264 : i32
        %add3A_266 = arith.constant 15 : i32
        %add3A_267 = arith.addi %squeeze3A_263, %add3A_266 : i32
        %shift_right_arithmetic3A_268 = arith.constant 4 : i32
        %shift_right_arithmetic3A_269 = arith.shrsi %add3A_267, %shift_right_arithmetic3A_268 : i32
        %while3A_270 = arith.constant 0 : i32
        %while3A_271 = arith.constant 0 : i32
        %while3A_272 = arith.subi %shift_right_arithmetic3A_269, %while3A_271 : i32
        %while3A_273 = arith.addi %while3A_271, %while3A_272 : i32
        %while3A_274 = arith.constant 1 : i32
        %while3A_275 = arith.divsi %while3A_272, %while3A_274 : i32
        %while3A_276 = arith.muli %while3A_275, %while3A_274 : i32
        %while3A_277 = arith.addi %while3A_271, %while3A_276 : i32
        %while3A_278 = arith.constant 1 : i32
        scf.for %while3A_394 = %while3A_271 to %while3A_277 step %while3A_278  : i32 {
          %get3A_395 = arith.index_cast %add3A_265 : i32 to index
          %get3A_396 = tpu.vector_load %arg6[%get3A_395] {strides = array<i32>} : memref<10000xi32, #tpu.memory_space<vmem>>, vector<16xi32>,
          %mul3A_397 = vector.broadcast %scan3A_32 : i32 to vector<16xi32>
          %mul3A_398 = arith.muli %get3A_396, %mul3A_397 : vector<16xi32>
          %shift_right_logical3A_399 = arith.constant 26 : i32
          %shift_right_logical3A_400 = vector.broadcast %shift_right_logical3A_399 : i32 to vector<16xi32>
          %shift_right_logical3A_401 = arith.shrui %mul3A_398, %shift_right_logical3A_400 : vector<16xi32>
          %mul3A_402 = vector.broadcast %scan3A_33 : i32 to vector<16xi32>
          %mul3A_403 = arith.muli %shift_right_logical3A_401, %mul3A_402 : vector<16xi32>
          %sub3A_404 = arith.subi %get3A_396, %mul3A_403 : vector<16xi32>
          %eq3A_405 = arith.constant 0 : i32
          %eq3A_406 = vector.broadcast %eq3A_405 : i32 to vector<16xi32>
          %eq3A_407 = arith.cmpi eq, %sub3A_404, %eq3A_406 : vector<16xi32>
          %get3A_408 = arith.index_cast %add3A_265 : i32 to index
          %get3A_409 = tpu.vector_load %arg5[%get3A_408] {strides = array<i32>} : memref<10000xi32, #tpu.memory_space<vmem>>, vector<16xi32>,
          %convert_element_type3A = arith.extui %eq3A_407 : vector<16xi1> to vector<16xi32>
          %broadcast_in_dim3A_410 = arith.constant true
          %broadcast_in_dim3A_411 = vector.broadcast %broadcast_in_dim3A_410 : i1 to vector<16xi1>
          %masked_cumsum3A = tpu.scan <sum>, %convert_element_type3A masked %broadcast_in_dim3A_411 : vector<16xi32>, vector<16xi1> -> vector<16xi32>
          %mul3A_412 = arith.constant 16 : i32
          %mul3A_413 = vector.broadcast %mul3A_412 : i32 to vector<16xi32>
          %mul3A_414 = arith.muli %get3A_409, %mul3A_413 : vector<16xi32>
          %add3A_415 = arith.addi %mul3A_414, %shift_right_logical3A_401 : vector<16xi32>
          %get3A_416 = arith.constant 0 : i32
          %get3A_417 = arith.index_cast %get3A_416 : i32 to index
          %get3A_418 = memref.load %arg12[%get3A_417] : memref<1xi32, #tpu.memory_space<smem>>
          %sub3A_419 = arith.subi %masked_cumsum3A, %convert_element_type3A : vector<16xi32>
          %add3A_420 = vector.broadcast %get3A_418 : i32 to vector<16xi32>
          %add3A_421 = arith.addi %add3A_420, %sub3A_419 : vector<16xi32>
          tpu.vector_store_idx %arg7[%add3A_421], %add3A_415 masked %eq3A_407 : memref<10016xi32, #tpu.memory_space<vmem>>[vector<16xi32>], vector<16xi32>, vector<16xi1>
          %slice3A_422 = vector.extract_strided_slice %masked_cumsum3A {offsets = [15], sizes = [1], strides = [1]} : vector<16xi32> to vector<1xi32>
          %squeeze3A_423 = vector.extract %slice3A_422[0] : i32 from vector<1xi32>
          %add3A_424 = arith.addi %get3A_418, %squeeze3A_423 : i32
          %swap3A_425 = arith.constant 0 : i32
          %swap3A_426 = arith.index_cast %swap3A_425 : i32 to index
          %swap3A_427 = memref.load %arg12[%swap3A_426] : memref<1xi32, #tpu.memory_space<smem>>
          memref.store %add3A_424, %arg12[%swap3A_426] : memref<1xi32, #tpu.memory_space<smem>>
        }
        %while3A_279 = arith.constant 1 : i32
        scf.for %while3A_394 = %while3A_277 to %while3A_273 step %while3A_279  : i32 {
          %get3A_395 = arith.index_cast %add3A_265 : i32 to index
          %get3A_396 = tpu.vector_load %arg6[%get3A_395] {strides = array<i32>} : memref<10000xi32, #tpu.memory_space<vmem>>, vector<16xi32>,
          %mul3A_397 = vector.broadcast %scan3A_32 : i32 to vector<16xi32>
          %mul3A_398 = arith.muli %get3A_396, %mul3A_397 : vector<16xi32>
          %shift_right_logical3A_399 = arith.constant 26 : i32
          %shift_right_logical3A_400 = vector.broadcast %shift_right_logical3A_399 : i32 to vector<16xi32>
          %shift_right_logical3A_401 = arith.shrui %mul3A_398, %shift_right_logical3A_400 : vector<16xi32>
          %mul3A_402 = vector.broadcast %scan3A_33 : i32 to vector<16xi32>
          %mul3A_403 = arith.muli %shift_right_logical3A_401, %mul3A_402 : vector<16xi32>
          %sub3A_404 = arith.subi %get3A_396, %mul3A_403 : vector<16xi32>
          %eq3A_405 = arith.constant 0 : i32
          %eq3A_406 = vector.broadcast %eq3A_405 : i32 to vector<16xi32>
          %eq3A_407 = arith.cmpi eq, %sub3A_404, %eq3A_406 : vector<16xi32>
          %get3A_408 = arith.index_cast %add3A_265 : i32 to index
          %get3A_409 = tpu.vector_load %arg5[%get3A_408] {strides = array<i32>} : memref<10000xi32, #tpu.memory_space<vmem>>, vector<16xi32>,
          %convert_element_type3A = arith.extui %eq3A_407 : vector<16xi1> to vector<16xi32>
          %broadcast_in_dim3A_410 = arith.constant true
          %broadcast_in_dim3A_411 = vector.broadcast %broadcast_in_dim3A_410 : i1 to vector<16xi1>
          %masked_cumsum3A = tpu.scan <sum>, %convert_element_type3A masked %broadcast_in_dim3A_411 : vector<16xi32>, vector<16xi1> -> vector<16xi32>
          %mul3A_412 = arith.constant 16 : i32
          %mul3A_413 = vector.broadcast %mul3A_412 : i32 to vector<16xi32>
          %mul3A_414 = arith.muli %get3A_409, %mul3A_413 : vector<16xi32>
          %add3A_415 = arith.addi %mul3A_414, %shift_right_logical3A_401 : vector<16xi32>
          %get3A_416 = arith.constant 0 : i32
          %get3A_417 = arith.index_cast %get3A_416 : i32 to index
          %get3A_418 = memref.load %arg12[%get3A_417] : memref<1xi32, #tpu.memory_space<smem>>
          %sub3A_419 = arith.subi %masked_cumsum3A, %convert_element_type3A : vector<16xi32>
          %add3A_420 = vector.broadcast %get3A_418 : i32 to vector<16xi32>
          %add3A_421 = arith.addi %add3A_420, %sub3A_419 : vector<16xi32>
          tpu.vector_store_idx %arg7[%add3A_421], %add3A_415 masked %eq3A_407 : memref<10016xi32, #tpu.memory_space<vmem>>[vector<16xi32>], vector<16xi32>, vector<16xi1>
          %slice3A_422 = vector.extract_strided_slice %masked_cumsum3A {offsets = [15], sizes = [1], strides = [1]} : vector<16xi32> to vector<1xi32>
          %squeeze3A_423 = vector.extract %slice3A_422[0] : i32 from vector<1xi32>
          %add3A_424 = arith.addi %get3A_418, %squeeze3A_423 : i32
          %swap3A_425 = arith.constant 0 : i32
          %swap3A_426 = arith.index_cast %swap3A_425 : i32 to index
          %swap3A_427 = memref.load %arg12[%swap3A_426] : memref<1xi32, #tpu.memory_space<smem>>
          memref.store %add3A_424, %arg12[%swap3A_426] : memref<1xi32, #tpu.memory_space<smem>>
        }
        %all_reduce_population_count3A_280 = tpu.all_reduce %eq3A_142 {dim = 0 : i64, kind = #tpu.reduction_kind<sum>} : vector<16xi1> -> vector<16xi32>
        %slice3A_281 = vector.extract_strided_slice %all_reduce_population_count3A_280 {offsets = [0], sizes = [1], strides = [1]} : vector<16xi32> to vector<1xi32>
        %squeeze3A_282 = vector.extract %slice3A_281[0] : i32 from vector<1xi32>
        %add3A_283 = arith.constant 32 : i32
        %add3A_284 = arith.addi %mul3A_97, %add3A_283 : i32
        %add3A_285 = arith.constant 15 : i32
        %add3A_286 = arith.addi %squeeze3A_282, %add3A_285 : i32
        %shift_right_arithmetic3A_287 = arith.constant 4 : i32
        %shift_right_arithmetic3A_288 = arith.shrsi %add3A_286, %shift_right_arithmetic3A_287 : i32
        %while3A_289 = arith.constant 0 : i32
        %while3A_290 = arith.constant 0 : i32
        %while3A_291 = arith.subi %shift_right_arithmetic3A_288, %while3A_290 : i32
        %while3A_292 = arith.addi %while3A_290, %while3A_291 : i32
        %while3A_293 = arith.constant 1 : i32
        %while3A_294 = arith.divsi %while3A_291, %while3A_293 : i32
        %while3A_295 = arith.muli %while3A_294, %while3A_293 : i32
        %while3A_296 = arith.addi %while3A_290, %while3A_295 : i32
        %while3A_297 = arith.constant 1 : i32
        scf.for %while3A_394 = %while3A_290 to %while3A_296 step %while3A_297  : i32 {
          %get3A_395 = arith.index_cast %add3A_284 : i32 to index
          %get3A_396 = tpu.vector_load %arg6[%get3A_395] {strides = array<i32>} : memref<10000xi32, #tpu.memory_space<vmem>>, vector<16xi32>,
          %mul3A_397 = vector.broadcast %scan3A_32 : i32 to vector<16xi32>
          %mul3A_398 = arith.muli %get3A_396, %mul3A_397 : vector<16xi32>
          %shift_right_logical3A_399 = arith.constant 26 : i32
          %shift_right_logical3A_400 = vector.broadcast %shift_right_logical3A_399 : i32 to vector<16xi32>
          %shift_right_logical3A_401 = arith.shrui %mul3A_398, %shift_right_logical3A_400 : vector<16xi32>
          %mul3A_402 = vector.broadcast %scan3A_33 : i32 to vector<16xi32>
          %mul3A_403 = arith.muli %shift_right_logical3A_401, %mul3A_402 : vector<16xi32>
          %sub3A_404 = arith.subi %get3A_396, %mul3A_403 : vector<16xi32>
          %eq3A_405 = arith.constant 0 : i32
          %eq3A_406 = vector.broadcast %eq3A_405 : i32 to vector<16xi32>
          %eq3A_407 = arith.cmpi eq, %sub3A_404, %eq3A_406 : vector<16xi32>
          %get3A_408 = arith.index_cast %add3A_284 : i32 to index
          %get3A_409 = tpu.vector_load %arg5[%get3A_408] {strides = array<i32>} : memref<10000xi32, #tpu.memory_space<vmem>>, vector<16xi32>,
          %convert_element_type3A = arith.extui %eq3A_407 : vector<16xi1> to vector<16xi32>
          %broadcast_in_dim3A_410 = arith.constant true
          %broadcast_in_dim3A_411 = vector.broadcast %broadcast_in_dim3A_410 : i1 to vector<16xi1>
          %masked_cumsum3A = tpu.scan <sum>, %convert_element_type3A masked %broadcast_in_dim3A_411 : vector<16xi32>, vector<16xi1> -> vector<16xi32>
          %mul3A_412 = arith.constant 16 : i32
          %mul3A_413 = vector.broadcast %mul3A_412 : i32 to vector<16xi32>
          %mul3A_414 = arith.muli %get3A_409, %mul3A_413 : vector<16xi32>
          %add3A_415 = arith.addi %mul3A_414, %shift_right_logical3A_401 : vector<16xi32>
          %get3A_416 = arith.constant 0 : i32
          %get3A_417 = arith.index_cast %get3A_416 : i32 to index
          %get3A_418 = memref.load %arg12[%get3A_417] : memref<1xi32, #tpu.memory_space<smem>>
          %sub3A_419 = arith.subi %masked_cumsum3A, %convert_element_type3A : vector<16xi32>
          %add3A_420 = vector.broadcast %get3A_418 : i32 to vector<16xi32>
          %add3A_421 = arith.addi %add3A_420, %sub3A_419 : vector<16xi32>
          tpu.vector_store_idx %arg7[%add3A_421], %add3A_415 masked %eq3A_407 : memref<10016xi32, #tpu.memory_space<vmem>>[vector<16xi32>], vector<16xi32>, vector<16xi1>
          %slice3A_422 = vector.extract_strided_slice %masked_cumsum3A {offsets = [15], sizes = [1], strides = [1]} : vector<16xi32> to vector<1xi32>
          %squeeze3A_423 = vector.extract %slice3A_422[0] : i32 from vector<1xi32>
          %add3A_424 = arith.addi %get3A_418, %squeeze3A_423 : i32
          %swap3A_425 = arith.constant 0 : i32
          %swap3A_426 = arith.index_cast %swap3A_425 : i32 to index
          %swap3A_427 = memref.load %arg12[%swap3A_426] : memref<1xi32, #tpu.memory_space<smem>>
          memref.store %add3A_424, %arg12[%swap3A_426] : memref<1xi32, #tpu.memory_space<smem>>
        }
        %while3A_298 = arith.constant 1 : i32
        scf.for %while3A_394 = %while3A_296 to %while3A_292 step %while3A_298  : i32 {
          %get3A_395 = arith.index_cast %add3A_284 : i32 to index
          %get3A_396 = tpu.vector_load %arg6[%get3A_395] {strides = array<i32>} : memref<10000xi32, #tpu.memory_space<vmem>>, vector<16xi32>,
          %mul3A_397 = vector.broadcast %scan3A_32 : i32 to vector<16xi32>
          %mul3A_398 = arith.muli %get3A_396, %mul3A_397 : vector<16xi32>
          %shift_right_logical3A_399 = arith.constant 26 : i32
          %shift_right_logical3A_400 = vector.broadcast %shift_right_logical3A_399 : i32 to vector<16xi32>
          %shift_right_logical3A_401 = arith.shrui %mul3A_398, %shift_right_logical3A_400 : vector<16xi32>
          %mul3A_402 = vector.broadcast %scan3A_33 : i32 to vector<16xi32>
          %mul3A_403 = arith.muli %shift_right_logical3A_401, %mul3A_402 : vector<16xi32>
          %sub3A_404 = arith.subi %get3A_396, %mul3A_403 : vector<16xi32>
          %eq3A_405 = arith.constant 0 : i32
          %eq3A_406 = vector.broadcast %eq3A_405 : i32 to vector<16xi32>
          %eq3A_407 = arith.cmpi eq, %sub3A_404, %eq3A_406 : vector<16xi32>
          %get3A_408 = arith.index_cast %add3A_284 : i32 to index
          %get3A_409 = tpu.vector_load %arg5[%get3A_408] {strides = array<i32>} : memref<10000xi32, #tpu.memory_space<vmem>>, vector<16xi32>,
          %convert_element_type3A = arith.extui %eq3A_407 : vector<16xi1> to vector<16xi32>
          %broadcast_in_dim3A_410 = arith.constant true
          %broadcast_in_dim3A_411 = vector.broadcast %broadcast_in_dim3A_410 : i1 to vector<16xi1>
          %masked_cumsum3A = tpu.scan <sum>, %convert_element_type3A masked %broadcast_in_dim3A_411 : vector<16xi32>, vector<16xi1> -> vector<16xi32>
          %mul3A_412 = arith.constant 16 : i32
          %mul3A_413 = vector.broadcast %mul3A_412 : i32 to vector<16xi32>
          %mul3A_414 = arith.muli %get3A_409, %mul3A_413 : vector<16xi32>
          %add3A_415 = arith.addi %mul3A_414, %shift_right_logical3A_401 : vector<16xi32>
          %get3A_416 = arith.constant 0 : i32
          %get3A_417 = arith.index_cast %get3A_416 : i32 to index
          %get3A_418 = memref.load %arg12[%get3A_417] : memref<1xi32, #tpu.memory_space<smem>>
          %sub3A_419 = arith.subi %masked_cumsum3A, %convert_element_type3A : vector<16xi32>
          %add3A_420 = vector.broadcast %get3A_418 : i32 to vector<16xi32>
          %add3A_421 = arith.addi %add3A_420, %sub3A_419 : vector<16xi32>
          tpu.vector_store_idx %arg7[%add3A_421], %add3A_415 masked %eq3A_407 : memref<10016xi32, #tpu.memory_space<vmem>>[vector<16xi32>], vector<16xi32>, vector<16xi1>
          %slice3A_422 = vector.extract_strided_slice %masked_cumsum3A {offsets = [15], sizes = [1], strides = [1]} : vector<16xi32> to vector<1xi32>
          %squeeze3A_423 = vector.extract %slice3A_422[0] : i32 from vector<1xi32>
          %add3A_424 = arith.addi %get3A_418, %squeeze3A_423 : i32
          %swap3A_425 = arith.constant 0 : i32
          %swap3A_426 = arith.index_cast %swap3A_425 : i32 to index
          %swap3A_427 = memref.load %arg12[%swap3A_426] : memref<1xi32, #tpu.memory_space<smem>>
          memref.store %add3A_424, %arg12[%swap3A_426] : memref<1xi32, #tpu.memory_space<smem>>
        }
        %all_reduce_population_count3A_299 = tpu.all_reduce %eq3A_157 {dim = 0 : i64, kind = #tpu.reduction_kind<sum>} : vector<16xi1> -> vector<16xi32>
        %slice3A_300 = vector.extract_strided_slice %all_reduce_population_count3A_299 {offsets = [0], sizes = [1], strides = [1]} : vector<16xi32> to vector<1xi32>
        %squeeze3A_301 = vector.extract %slice3A_300[0] : i32 from vector<1xi32>
        %add3A_302 = arith.constant 48 : i32
        %add3A_303 = arith.addi %mul3A_97, %add3A_302 : i32
        %add3A_304 = arith.constant 15 : i32
        %add3A_305 = arith.addi %squeeze3A_301, %add3A_304 : i32
        %shift_right_arithmetic3A_306 = arith.constant 4 : i32
        %shift_right_arithmetic3A_307 = arith.shrsi %add3A_305, %shift_right_arithmetic3A_306 : i32
        %while3A_308 = arith.constant 0 : i32
        %while3A_309 = arith.constant 0 : i32
        %while3A_310 = arith.subi %shift_right_arithmetic3A_307, %while3A_309 : i32
        %while3A_311 = arith.addi %while3A_309, %while3A_310 : i32
        %while3A_312 = arith.constant 1 : i32
        %while3A_313 = arith.divsi %while3A_310, %while3A_312 : i32
        %while3A_314 = arith.muli %while3A_313, %while3A_312 : i32
        %while3A_315 = arith.addi %while3A_309, %while3A_314 : i32
        %while3A_316 = arith.constant 1 : i32
        scf.for %while3A_394 = %while3A_309 to %while3A_315 step %while3A_316  : i32 {
          %get3A_395 = arith.index_cast %add3A_303 : i32 to index
          %get3A_396 = tpu.vector_load %arg6[%get3A_395] {strides = array<i32>} : memref<10000xi32, #tpu.memory_space<vmem>>, vector<16xi32>,
          %mul3A_397 = vector.broadcast %scan3A_32 : i32 to vector<16xi32>
          %mul3A_398 = arith.muli %get3A_396, %mul3A_397 : vector<16xi32>
          %shift_right_logical3A_399 = arith.constant 26 : i32
          %shift_right_logical3A_400 = vector.broadcast %shift_right_logical3A_399 : i32 to vector<16xi32>
          %shift_right_logical3A_401 = arith.shrui %mul3A_398, %shift_right_logical3A_400 : vector<16xi32>
          %mul3A_402 = vector.broadcast %scan3A_33 : i32 to vector<16xi32>
          %mul3A_403 = arith.muli %shift_right_logical3A_401, %mul3A_402 : vector<16xi32>
          %sub3A_404 = arith.subi %get3A_396, %mul3A_403 : vector<16xi32>
          %eq3A_405 = arith.constant 0 : i32
          %eq3A_406 = vector.broadcast %eq3A_405 : i32 to vector<16xi32>
          %eq3A_407 = arith.cmpi eq, %sub3A_404, %eq3A_406 : vector<16xi32>
          %get3A_408 = arith.index_cast %add3A_303 : i32 to index
          %get3A_409 = tpu.vector_load %arg5[%get3A_408] {strides = array<i32>} : memref<10000xi32, #tpu.memory_space<vmem>>, vector<16xi32>,
          %convert_element_type3A = arith.extui %eq3A_407 : vector<16xi1> to vector<16xi32>
          %broadcast_in_dim3A_410 = arith.constant true
          %broadcast_in_dim3A_411 = vector.broadcast %broadcast_in_dim3A_410 : i1 to vector<16xi1>
          %masked_cumsum3A = tpu.scan <sum>, %convert_element_type3A masked %broadcast_in_dim3A_411 : vector<16xi32>, vector<16xi1> -> vector<16xi32>
          %mul3A_412 = arith.constant 16 : i32
          %mul3A_413 = vector.broadcast %mul3A_412 : i32 to vector<16xi32>
          %mul3A_414 = arith.muli %get3A_409, %mul3A_413 : vector<16xi32>
          %add3A_415 = arith.addi %mul3A_414, %shift_right_logical3A_401 : vector<16xi32>
          %get3A_416 = arith.constant 0 : i32
          %get3A_417 = arith.index_cast %get3A_416 : i32 to index
          %get3A_418 = memref.load %arg12[%get3A_417] : memref<1xi32, #tpu.memory_space<smem>>
          %sub3A_419 = arith.subi %masked_cumsum3A, %convert_element_type3A : vector<16xi32>
          %add3A_420 = vector.broadcast %get3A_418 : i32 to vector<16xi32>
          %add3A_421 = arith.addi %add3A_420, %sub3A_419 : vector<16xi32>
          tpu.vector_store_idx %arg7[%add3A_421], %add3A_415 masked %eq3A_407 : memref<10016xi32, #tpu.memory_space<vmem>>[vector<16xi32>], vector<16xi32>, vector<16xi1>
          %slice3A_422 = vector.extract_strided_slice %masked_cumsum3A {offsets = [15], sizes = [1], strides = [1]} : vector<16xi32> to vector<1xi32>
          %squeeze3A_423 = vector.extract %slice3A_422[0] : i32 from vector<1xi32>
          %add3A_424 = arith.addi %get3A_418, %squeeze3A_423 : i32
          %swap3A_425 = arith.constant 0 : i32
          %swap3A_426 = arith.index_cast %swap3A_425 : i32 to index
          %swap3A_427 = memref.load %arg12[%swap3A_426] : memref<1xi32, #tpu.memory_space<smem>>
          memref.store %add3A_424, %arg12[%swap3A_426] : memref<1xi32, #tpu.memory_space<smem>>
        }
        %while3A_317 = arith.constant 1 : i32
        scf.for %while3A_394 = %while3A_315 to %while3A_311 step %while3A_317  : i32 {
          %get3A_395 = arith.index_cast %add3A_303 : i32 to index
          %get3A_396 = tpu.vector_load %arg6[%get3A_395] {strides = array<i32>} : memref<10000xi32, #tpu.memory_space<vmem>>, vector<16xi32>,
          %mul3A_397 = vector.broadcast %scan3A_32 : i32 to vector<16xi32>
          %mul3A_398 = arith.muli %get3A_396, %mul3A_397 : vector<16xi32>
          %shift_right_logical3A_399 = arith.constant 26 : i32
          %shift_right_logical3A_400 = vector.broadcast %shift_right_logical3A_399 : i32 to vector<16xi32>
          %shift_right_logical3A_401 = arith.shrui %mul3A_398, %shift_right_logical3A_400 : vector<16xi32>
          %mul3A_402 = vector.broadcast %scan3A_33 : i32 to vector<16xi32>
          %mul3A_403 = arith.muli %shift_right_logical3A_401, %mul3A_402 : vector<16xi32>
          %sub3A_404 = arith.subi %get3A_396, %mul3A_403 : vector<16xi32>
          %eq3A_405 = arith.constant 0 : i32
          %eq3A_406 = vector.broadcast %eq3A_405 : i32 to vector<16xi32>
          %eq3A_407 = arith.cmpi eq, %sub3A_404, %eq3A_406 : vector<16xi32>
          %get3A_408 = arith.index_cast %add3A_303 : i32 to index
          %get3A_409 = tpu.vector_load %arg5[%get3A_408] {strides = array<i32>} : memref<10000xi32, #tpu.memory_space<vmem>>, vector<16xi32>,
          %convert_element_type3A = arith.extui %eq3A_407 : vector<16xi1> to vector<16xi32>
          %broadcast_in_dim3A_410 = arith.constant true
          %broadcast_in_dim3A_411 = vector.broadcast %broadcast_in_dim3A_410 : i1 to vector<16xi1>
          %masked_cumsum3A = tpu.scan <sum>, %convert_element_type3A masked %broadcast_in_dim3A_411 : vector<16xi32>, vector<16xi1> -> vector<16xi32>
          %mul3A_412 = arith.constant 16 : i32
          %mul3A_413 = vector.broadcast %mul3A_412 : i32 to vector<16xi32>
          %mul3A_414 = arith.muli %get3A_409, %mul3A_413 : vector<16xi32>
          %add3A_415 = arith.addi %mul3A_414, %shift_right_logical3A_401 : vector<16xi32>
          %get3A_416 = arith.constant 0 : i32
          %get3A_417 = arith.index_cast %get3A_416 : i32 to index
          %get3A_418 = memref.load %arg12[%get3A_417] : memref<1xi32, #tpu.memory_space<smem>>
          %sub3A_419 = arith.subi %masked_cumsum3A, %convert_element_type3A : vector<16xi32>
          %add3A_420 = vector.broadcast %get3A_418 : i32 to vector<16xi32>
          %add3A_421 = arith.addi %add3A_420, %sub3A_419 : vector<16xi32>
          tpu.vector_store_idx %arg7[%add3A_421], %add3A_415 masked %eq3A_407 : memref<10016xi32, #tpu.memory_space<vmem>>[vector<16xi32>], vector<16xi32>, vector<16xi1>
          %slice3A_422 = vector.extract_strided_slice %masked_cumsum3A {offsets = [15], sizes = [1], strides = [1]} : vector<16xi32> to vector<1xi32>
          %squeeze3A_423 = vector.extract %slice3A_422[0] : i32 from vector<1xi32>
          %add3A_424 = arith.addi %get3A_418, %squeeze3A_423 : i32
          %swap3A_425 = arith.constant 0 : i32
          %swap3A_426 = arith.index_cast %swap3A_425 : i32 to index
          %swap3A_427 = memref.load %arg12[%swap3A_426] : memref<1xi32, #tpu.memory_space<smem>>
          memref.store %add3A_424, %arg12[%swap3A_426] : memref<1xi32, #tpu.memory_space<smem>>
        }
        %all_reduce_population_count3A_318 = tpu.all_reduce %eq3A_172 {dim = 0 : i64, kind = #tpu.reduction_kind<sum>} : vector<16xi1> -> vector<16xi32>
        %slice3A_319 = vector.extract_strided_slice %all_reduce_population_count3A_318 {offsets = [0], sizes = [1], strides = [1]} : vector<16xi32> to vector<1xi32>
        %squeeze3A_320 = vector.extract %slice3A_319[0] : i32 from vector<1xi32>
        %add3A_321 = arith.constant 64 : i32
        %add3A_322 = arith.addi %mul3A_97, %add3A_321 : i32
        %add3A_323 = arith.constant 15 : i32
        %add3A_324 = arith.addi %squeeze3A_320, %add3A_323 : i32
        %shift_right_arithmetic3A_325 = arith.constant 4 : i32
        %shift_right_arithmetic3A_326 = arith.shrsi %add3A_324, %shift_right_arithmetic3A_325 : i32
        %while3A_327 = arith.constant 0 : i32
        %while3A_328 = arith.constant 0 : i32
        %while3A_329 = arith.subi %shift_right_arithmetic3A_326, %while3A_328 : i32
        %while3A_330 = arith.addi %while3A_328, %while3A_329 : i32
        %while3A_331 = arith.constant 1 : i32
        %while3A_332 = arith.divsi %while3A_329, %while3A_331 : i32
        %while3A_333 = arith.muli %while3A_332, %while3A_331 : i32
        %while3A_334 = arith.addi %while3A_328, %while3A_333 : i32
        %while3A_335 = arith.constant 1 : i32
        scf.for %while3A_394 = %while3A_328 to %while3A_334 step %while3A_335  : i32 {
          %get3A_395 = arith.index_cast %add3A_322 : i32 to index
          %get3A_396 = tpu.vector_load %arg6[%get3A_395] {strides = array<i32>} : memref<10000xi32, #tpu.memory_space<vmem>>, vector<16xi32>,
          %mul3A_397 = vector.broadcast %scan3A_32 : i32 to vector<16xi32>
          %mul3A_398 = arith.muli %get3A_396, %mul3A_397 : vector<16xi32>
          %shift_right_logical3A_399 = arith.constant 26 : i32
          %shift_right_logical3A_400 = vector.broadcast %shift_right_logical3A_399 : i32 to vector<16xi32>
          %shift_right_logical3A_401 = arith.shrui %mul3A_398, %shift_right_logical3A_400 : vector<16xi32>
          %mul3A_402 = vector.broadcast %scan3A_33 : i32 to vector<16xi32>
          %mul3A_403 = arith.muli %shift_right_logical3A_401, %mul3A_402 : vector<16xi32>
          %sub3A_404 = arith.subi %get3A_396, %mul3A_403 : vector<16xi32>
          %eq3A_405 = arith.constant 0 : i32
          %eq3A_406 = vector.broadcast %eq3A_405 : i32 to vector<16xi32>
          %eq3A_407 = arith.cmpi eq, %sub3A_404, %eq3A_406 : vector<16xi32>
          %get3A_408 = arith.index_cast %add3A_322 : i32 to index
          %get3A_409 = tpu.vector_load %arg5[%get3A_408] {strides = array<i32>} : memref<10000xi32, #tpu.memory_space<vmem>>, vector<16xi32>,
          %convert_element_type3A = arith.extui %eq3A_407 : vector<16xi1> to vector<16xi32>
          %broadcast_in_dim3A_410 = arith.constant true
          %broadcast_in_dim3A_411 = vector.broadcast %broadcast_in_dim3A_410 : i1 to vector<16xi1>
          %masked_cumsum3A = tpu.scan <sum>, %convert_element_type3A masked %broadcast_in_dim3A_411 : vector<16xi32>, vector<16xi1> -> vector<16xi32>
          %mul3A_412 = arith.constant 16 : i32
          %mul3A_413 = vector.broadcast %mul3A_412 : i32 to vector<16xi32>
          %mul3A_414 = arith.muli %get3A_409, %mul3A_413 : vector<16xi32>
          %add3A_415 = arith.addi %mul3A_414, %shift_right_logical3A_401 : vector<16xi32>
          %get3A_416 = arith.constant 0 : i32
          %get3A_417 = arith.index_cast %get3A_416 : i32 to index
          %get3A_418 = memref.load %arg12[%get3A_417] : memref<1xi32, #tpu.memory_space<smem>>
          %sub3A_419 = arith.subi %masked_cumsum3A, %convert_element_type3A : vector<16xi32>
          %add3A_420 = vector.broadcast %get3A_418 : i32 to vector<16xi32>
          %add3A_421 = arith.addi %add3A_420, %sub3A_419 : vector<16xi32>
          tpu.vector_store_idx %arg7[%add3A_421], %add3A_415 masked %eq3A_407 : memref<10016xi32, #tpu.memory_space<vmem>>[vector<16xi32>], vector<16xi32>, vector<16xi1>
          %slice3A_422 = vector.extract_strided_slice %masked_cumsum3A {offsets = [15], sizes = [1], strides = [1]} : vector<16xi32> to vector<1xi32>
          %squeeze3A_423 = vector.extract %slice3A_422[0] : i32 from vector<1xi32>
          %add3A_424 = arith.addi %get3A_418, %squeeze3A_423 : i32
          %swap3A_425 = arith.constant 0 : i32
          %swap3A_426 = arith.index_cast %swap3A_425 : i32 to index
          %swap3A_427 = memref.load %arg12[%swap3A_426] : memref<1xi32, #tpu.memory_space<smem>>
          memref.store %add3A_424, %arg12[%swap3A_426] : memref<1xi32, #tpu.memory_space<smem>>
        }
        %while3A_336 = arith.constant 1 : i32
        scf.for %while3A_394 = %while3A_334 to %while3A_330 step %while3A_336  : i32 {
          %get3A_395 = arith.index_cast %add3A_322 : i32 to index
          %get3A_396 = tpu.vector_load %arg6[%get3A_395] {strides = array<i32>} : memref<10000xi32, #tpu.memory_space<vmem>>, vector<16xi32>,
          %mul3A_397 = vector.broadcast %scan3A_32 : i32 to vector<16xi32>
          %mul3A_398 = arith.muli %get3A_396, %mul3A_397 : vector<16xi32>
          %shift_right_logical3A_399 = arith.constant 26 : i32
          %shift_right_logical3A_400 = vector.broadcast %shift_right_logical3A_399 : i32 to vector<16xi32>
          %shift_right_logical3A_401 = arith.shrui %mul3A_398, %shift_right_logical3A_400 : vector<16xi32>
          %mul3A_402 = vector.broadcast %scan3A_33 : i32 to vector<16xi32>
          %mul3A_403 = arith.muli %shift_right_logical3A_401, %mul3A_402 : vector<16xi32>
          %sub3A_404 = arith.subi %get3A_396, %mul3A_403 : vector<16xi32>
          %eq3A_405 = arith.constant 0 : i32
          %eq3A_406 = vector.broadcast %eq3A_405 : i32 to vector<16xi32>
          %eq3A_407 = arith.cmpi eq, %sub3A_404, %eq3A_406 : vector<16xi32>
          %get3A_408 = arith.index_cast %add3A_322 : i32 to index
          %get3A_409 = tpu.vector_load %arg5[%get3A_408] {strides = array<i32>} : memref<10000xi32, #tpu.memory_space<vmem>>, vector<16xi32>,
          %convert_element_type3A = arith.extui %eq3A_407 : vector<16xi1> to vector<16xi32>
          %broadcast_in_dim3A_410 = arith.constant true
          %broadcast_in_dim3A_411 = vector.broadcast %broadcast_in_dim3A_410 : i1 to vector<16xi1>
          %masked_cumsum3A = tpu.scan <sum>, %convert_element_type3A masked %broadcast_in_dim3A_411 : vector<16xi32>, vector<16xi1> -> vector<16xi32>
          %mul3A_412 = arith.constant 16 : i32
          %mul3A_413 = vector.broadcast %mul3A_412 : i32 to vector<16xi32>
          %mul3A_414 = arith.muli %get3A_409, %mul3A_413 : vector<16xi32>
          %add3A_415 = arith.addi %mul3A_414, %shift_right_logical3A_401 : vector<16xi32>
          %get3A_416 = arith.constant 0 : i32
          %get3A_417 = arith.index_cast %get3A_416 : i32 to index
          %get3A_418 = memref.load %arg12[%get3A_417] : memref<1xi32, #tpu.memory_space<smem>>
          %sub3A_419 = arith.subi %masked_cumsum3A, %convert_element_type3A : vector<16xi32>
          %add3A_420 = vector.broadcast %get3A_418 : i32 to vector<16xi32>
          %add3A_421 = arith.addi %add3A_420, %sub3A_419 : vector<16xi32>
          tpu.vector_store_idx %arg7[%add3A_421], %add3A_415 masked %eq3A_407 : memref<10016xi32, #tpu.memory_space<vmem>>[vector<16xi32>], vector<16xi32>, vector<16xi1>
          %slice3A_422 = vector.extract_strided_slice %masked_cumsum3A {offsets = [15], sizes = [1], strides = [1]} : vector<16xi32> to vector<1xi32>
          %squeeze3A_423 = vector.extract %slice3A_422[0] : i32 from vector<1xi32>
          %add3A_424 = arith.addi %get3A_418, %squeeze3A_423 : i32
          %swap3A_425 = arith.constant 0 : i32
          %swap3A_426 = arith.index_cast %swap3A_425 : i32 to index
          %swap3A_427 = memref.load %arg12[%swap3A_426] : memref<1xi32, #tpu.memory_space<smem>>
          memref.store %add3A_424, %arg12[%swap3A_426] : memref<1xi32, #tpu.memory_space<smem>>
        }
        %all_reduce_population_count3A_337 = tpu.all_reduce %eq3A_187 {dim = 0 : i64, kind = #tpu.reduction_kind<sum>} : vector<16xi1> -> vector<16xi32>
        %slice3A_338 = vector.extract_strided_slice %all_reduce_population_count3A_337 {offsets = [0], sizes = [1], strides = [1]} : vector<16xi32> to vector<1xi32>
        %squeeze3A_339 = vector.extract %slice3A_338[0] : i32 from vector<1xi32>
        %add3A_340 = arith.constant 80 : i32
        %add3A_341 = arith.addi %mul3A_97, %add3A_340 : i32
        %add3A_342 = arith.constant 15 : i32
        %add3A_343 = arith.addi %squeeze3A_339, %add3A_342 : i32
        %shift_right_arithmetic3A_344 = arith.constant 4 : i32
        %shift_right_arithmetic3A_345 = arith.shrsi %add3A_343, %shift_right_arithmetic3A_344 : i32
        %while3A_346 = arith.constant 0 : i32
        %while3A_347 = arith.constant 0 : i32
        %while3A_348 = arith.subi %shift_right_arithmetic3A_345, %while3A_347 : i32
        %while3A_349 = arith.addi %while3A_347, %while3A_348 : i32
        %while3A_350 = arith.constant 1 : i32
        %while3A_351 = arith.divsi %while3A_348, %while3A_350 : i32
        %while3A_352 = arith.muli %while3A_351, %while3A_350 : i32
        %while3A_353 = arith.addi %while3A_347, %while3A_352 : i32
        %while3A_354 = arith.constant 1 : i32
        scf.for %while3A_394 = %while3A_347 to %while3A_353 step %while3A_354  : i32 {
          %get3A_395 = arith.index_cast %add3A_341 : i32 to index
          %get3A_396 = tpu.vector_load %arg6[%get3A_395] {strides = array<i32>} : memref<10000xi32, #tpu.memory_space<vmem>>, vector<16xi32>,
          %mul3A_397 = vector.broadcast %scan3A_32 : i32 to vector<16xi32>
          %mul3A_398 = arith.muli %get3A_396, %mul3A_397 : vector<16xi32>
          %shift_right_logical3A_399 = arith.constant 26 : i32
          %shift_right_logical3A_400 = vector.broadcast %shift_right_logical3A_399 : i32 to vector<16xi32>
          %shift_right_logical3A_401 = arith.shrui %mul3A_398, %shift_right_logical3A_400 : vector<16xi32>
          %mul3A_402 = vector.broadcast %scan3A_33 : i32 to vector<16xi32>
          %mul3A_403 = arith.muli %shift_right_logical3A_401, %mul3A_402 : vector<16xi32>
          %sub3A_404 = arith.subi %get3A_396, %mul3A_403 : vector<16xi32>
          %eq3A_405 = arith.constant 0 : i32
          %eq3A_406 = vector.broadcast %eq3A_405 : i32 to vector<16xi32>
          %eq3A_407 = arith.cmpi eq, %sub3A_404, %eq3A_406 : vector<16xi32>
          %get3A_408 = arith.index_cast %add3A_341 : i32 to index
          %get3A_409 = tpu.vector_load %arg5[%get3A_408] {strides = array<i32>} : memref<10000xi32, #tpu.memory_space<vmem>>, vector<16xi32>,
          %convert_element_type3A = arith.extui %eq3A_407 : vector<16xi1> to vector<16xi32>
          %broadcast_in_dim3A_410 = arith.constant true
          %broadcast_in_dim3A_411 = vector.broadcast %broadcast_in_dim3A_410 : i1 to vector<16xi1>
          %masked_cumsum3A = tpu.scan <sum>, %convert_element_type3A masked %broadcast_in_dim3A_411 : vector<16xi32>, vector<16xi1> -> vector<16xi32>
          %mul3A_412 = arith.constant 16 : i32
          %mul3A_413 = vector.broadcast %mul3A_412 : i32 to vector<16xi32>
          %mul3A_414 = arith.muli %get3A_409, %mul3A_413 : vector<16xi32>
          %add3A_415 = arith.addi %mul3A_414, %shift_right_logical3A_401 : vector<16xi32>
          %get3A_416 = arith.constant 0 : i32
          %get3A_417 = arith.index_cast %get3A_416 : i32 to index
          %get3A_418 = memref.load %arg12[%get3A_417] : memref<1xi32, #tpu.memory_space<smem>>
          %sub3A_419 = arith.subi %masked_cumsum3A, %convert_element_type3A : vector<16xi32>
          %add3A_420 = vector.broadcast %get3A_418 : i32 to vector<16xi32>
          %add3A_421 = arith.addi %add3A_420, %sub3A_419 : vector<16xi32>
          tpu.vector_store_idx %arg7[%add3A_421], %add3A_415 masked %eq3A_407 : memref<10016xi32, #tpu.memory_space<vmem>>[vector<16xi32>], vector<16xi32>, vector<16xi1>
          %slice3A_422 = vector.extract_strided_slice %masked_cumsum3A {offsets = [15], sizes = [1], strides = [1]} : vector<16xi32> to vector<1xi32>
          %squeeze3A_423 = vector.extract %slice3A_422[0] : i32 from vector<1xi32>
          %add3A_424 = arith.addi %get3A_418, %squeeze3A_423 : i32
          %swap3A_425 = arith.constant 0 : i32
          %swap3A_426 = arith.index_cast %swap3A_425 : i32 to index
          %swap3A_427 = memref.load %arg12[%swap3A_426] : memref<1xi32, #tpu.memory_space<smem>>
          memref.store %add3A_424, %arg12[%swap3A_426] : memref<1xi32, #tpu.memory_space<smem>>
        }
        %while3A_355 = arith.constant 1 : i32
        scf.for %while3A_394 = %while3A_353 to %while3A_349 step %while3A_355  : i32 {
          %get3A_395 = arith.index_cast %add3A_341 : i32 to index
          %get3A_396 = tpu.vector_load %arg6[%get3A_395] {strides = array<i32>} : memref<10000xi32, #tpu.memory_space<vmem>>, vector<16xi32>,
          %mul3A_397 = vector.broadcast %scan3A_32 : i32 to vector<16xi32>
          %mul3A_398 = arith.muli %get3A_396, %mul3A_397 : vector<16xi32>
          %shift_right_logical3A_399 = arith.constant 26 : i32
          %shift_right_logical3A_400 = vector.broadcast %shift_right_logical3A_399 : i32 to vector<16xi32>
          %shift_right_logical3A_401 = arith.shrui %mul3A_398, %shift_right_logical3A_400 : vector<16xi32>
          %mul3A_402 = vector.broadcast %scan3A_33 : i32 to vector<16xi32>
          %mul3A_403 = arith.muli %shift_right_logical3A_401, %mul3A_402 : vector<16xi32>
          %sub3A_404 = arith.subi %get3A_396, %mul3A_403 : vector<16xi32>
          %eq3A_405 = arith.constant 0 : i32
          %eq3A_406 = vector.broadcast %eq3A_405 : i32 to vector<16xi32>
          %eq3A_407 = arith.cmpi eq, %sub3A_404, %eq3A_406 : vector<16xi32>
          %get3A_408 = arith.index_cast %add3A_341 : i32 to index
          %get3A_409 = tpu.vector_load %arg5[%get3A_408] {strides = array<i32>} : memref<10000xi32, #tpu.memory_space<vmem>>, vector<16xi32>,
          %convert_element_type3A = arith.extui %eq3A_407 : vector<16xi1> to vector<16xi32>
          %broadcast_in_dim3A_410 = arith.constant true
          %broadcast_in_dim3A_411 = vector.broadcast %broadcast_in_dim3A_410 : i1 to vector<16xi1>
          %masked_cumsum3A = tpu.scan <sum>, %convert_element_type3A masked %broadcast_in_dim3A_411 : vector<16xi32>, vector<16xi1> -> vector<16xi32>
          %mul3A_412 = arith.constant 16 : i32
          %mul3A_413 = vector.broadcast %mul3A_412 : i32 to vector<16xi32>
          %mul3A_414 = arith.muli %get3A_409, %mul3A_413 : vector<16xi32>
          %add3A_415 = arith.addi %mul3A_414, %shift_right_logical3A_401 : vector<16xi32>
          %get3A_416 = arith.constant 0 : i32
          %get3A_417 = arith.index_cast %get3A_416 : i32 to index
          %get3A_418 = memref.load %arg12[%get3A_417] : memref<1xi32, #tpu.memory_space<smem>>
          %sub3A_419 = arith.subi %masked_cumsum3A, %convert_element_type3A : vector<16xi32>
          %add3A_420 = vector.broadcast %get3A_418 : i32 to vector<16xi32>
          %add3A_421 = arith.addi %add3A_420, %sub3A_419 : vector<16xi32>
          tpu.vector_store_idx %arg7[%add3A_421], %add3A_415 masked %eq3A_407 : memref<10016xi32, #tpu.memory_space<vmem>>[vector<16xi32>], vector<16xi32>, vector<16xi1>
          %slice3A_422 = vector.extract_strided_slice %masked_cumsum3A {offsets = [15], sizes = [1], strides = [1]} : vector<16xi32> to vector<1xi32>
          %squeeze3A_423 = vector.extract %slice3A_422[0] : i32 from vector<1xi32>
          %add3A_424 = arith.addi %get3A_418, %squeeze3A_423 : i32
          %swap3A_425 = arith.constant 0 : i32
          %swap3A_426 = arith.index_cast %swap3A_425 : i32 to index
          %swap3A_427 = memref.load %arg12[%swap3A_426] : memref<1xi32, #tpu.memory_space<smem>>
          memref.store %add3A_424, %arg12[%swap3A_426] : memref<1xi32, #tpu.memory_space<smem>>
        }
        %all_reduce_population_count3A_356 = tpu.all_reduce %eq3A_202 {dim = 0 : i64, kind = #tpu.reduction_kind<sum>} : vector<16xi1> -> vector<16xi32>
        %slice3A_357 = vector.extract_strided_slice %all_reduce_population_count3A_356 {offsets = [0], sizes = [1], strides = [1]} : vector<16xi32> to vector<1xi32>
        %squeeze3A_358 = vector.extract %slice3A_357[0] : i32 from vector<1xi32>
        %add3A_359 = arith.constant 96 : i32
        %add3A_360 = arith.addi %mul3A_97, %add3A_359 : i32
        %add3A_361 = arith.constant 15 : i32
        %add3A_362 = arith.addi %squeeze3A_358, %add3A_361 : i32
        %shift_right_arithmetic3A_363 = arith.constant 4 : i32
        %shift_right_arithmetic3A_364 = arith.shrsi %add3A_362, %shift_right_arithmetic3A_363 : i32
        %while3A_365 = arith.constant 0 : i32
        %while3A_366 = arith.constant 0 : i32
        %while3A_367 = arith.subi %shift_right_arithmetic3A_364, %while3A_366 : i32
        %while3A_368 = arith.addi %while3A_366, %while3A_367 : i32
        %while3A_369 = arith.constant 1 : i32
        %while3A_370 = arith.divsi %while3A_367, %while3A_369 : i32
        %while3A_371 = arith.muli %while3A_370, %while3A_369 : i32
        %while3A_372 = arith.addi %while3A_366, %while3A_371 : i32
        %while3A_373 = arith.constant 1 : i32
        scf.for %while3A_394 = %while3A_366 to %while3A_372 step %while3A_373  : i32 {
          %get3A_395 = arith.index_cast %add3A_360 : i32 to index
          %get3A_396 = tpu.vector_load %arg6[%get3A_395] {strides = array<i32>} : memref<10000xi32, #tpu.memory_space<vmem>>, vector<16xi32>,
          %mul3A_397 = vector.broadcast %scan3A_32 : i32 to vector<16xi32>
          %mul3A_398 = arith.muli %get3A_396, %mul3A_397 : vector<16xi32>
          %shift_right_logical3A_399 = arith.constant 26 : i32
          %shift_right_logical3A_400 = vector.broadcast %shift_right_logical3A_399 : i32 to vector<16xi32>
          %shift_right_logical3A_401 = arith.shrui %mul3A_398, %shift_right_logical3A_400 : vector<16xi32>
          %mul3A_402 = vector.broadcast %scan3A_33 : i32 to vector<16xi32>
          %mul3A_403 = arith.muli %shift_right_logical3A_401, %mul3A_402 : vector<16xi32>
          %sub3A_404 = arith.subi %get3A_396, %mul3A_403 : vector<16xi32>
          %eq3A_405 = arith.constant 0 : i32
          %eq3A_406 = vector.broadcast %eq3A_405 : i32 to vector<16xi32>
          %eq3A_407 = arith.cmpi eq, %sub3A_404, %eq3A_406 : vector<16xi32>
          %get3A_408 = arith.index_cast %add3A_360 : i32 to index
          %get3A_409 = tpu.vector_load %arg5[%get3A_408] {strides = array<i32>} : memref<10000xi32, #tpu.memory_space<vmem>>, vector<16xi32>,
          %convert_element_type3A = arith.extui %eq3A_407 : vector<16xi1> to vector<16xi32>
          %broadcast_in_dim3A_410 = arith.constant true
          %broadcast_in_dim3A_411 = vector.broadcast %broadcast_in_dim3A_410 : i1 to vector<16xi1>
          %masked_cumsum3A = tpu.scan <sum>, %convert_element_type3A masked %broadcast_in_dim3A_411 : vector<16xi32>, vector<16xi1> -> vector<16xi32>
          %mul3A_412 = arith.constant 16 : i32
          %mul3A_413 = vector.broadcast %mul3A_412 : i32 to vector<16xi32>
          %mul3A_414 = arith.muli %get3A_409, %mul3A_413 : vector<16xi32>
          %add3A_415 = arith.addi %mul3A_414, %shift_right_logical3A_401 : vector<16xi32>
          %get3A_416 = arith.constant 0 : i32
          %get3A_417 = arith.index_cast %get3A_416 : i32 to index
          %get3A_418 = memref.load %arg12[%get3A_417] : memref<1xi32, #tpu.memory_space<smem>>
          %sub3A_419 = arith.subi %masked_cumsum3A, %convert_element_type3A : vector<16xi32>
          %add3A_420 = vector.broadcast %get3A_418 : i32 to vector<16xi32>
          %add3A_421 = arith.addi %add3A_420, %sub3A_419 : vector<16xi32>
          tpu.vector_store_idx %arg7[%add3A_421], %add3A_415 masked %eq3A_407 : memref<10016xi32, #tpu.memory_space<vmem>>[vector<16xi32>], vector<16xi32>, vector<16xi1>
          %slice3A_422 = vector.extract_strided_slice %masked_cumsum3A {offsets = [15], sizes = [1], strides = [1]} : vector<16xi32> to vector<1xi32>
          %squeeze3A_423 = vector.extract %slice3A_422[0] : i32 from vector<1xi32>
          %add3A_424 = arith.addi %get3A_418, %squeeze3A_423 : i32
          %swap3A_425 = arith.constant 0 : i32
          %swap3A_426 = arith.index_cast %swap3A_425 : i32 to index
          %swap3A_427 = memref.load %arg12[%swap3A_426] : memref<1xi32, #tpu.memory_space<smem>>
          memref.store %add3A_424, %arg12[%swap3A_426] : memref<1xi32, #tpu.memory_space<smem>>
        }
        %while3A_374 = arith.constant 1 : i32
        scf.for %while3A_394 = %while3A_372 to %while3A_368 step %while3A_374  : i32 {
          %get3A_395 = arith.index_cast %add3A_360 : i32 to index
          %get3A_396 = tpu.vector_load %arg6[%get3A_395] {strides = array<i32>} : memref<10000xi32, #tpu.memory_space<vmem>>, vector<16xi32>,
          %mul3A_397 = vector.broadcast %scan3A_32 : i32 to vector<16xi32>
          %mul3A_398 = arith.muli %get3A_396, %mul3A_397 : vector<16xi32>
          %shift_right_logical3A_399 = arith.constant 26 : i32
          %shift_right_logical3A_400 = vector.broadcast %shift_right_logical3A_399 : i32 to vector<16xi32>
          %shift_right_logical3A_401 = arith.shrui %mul3A_398, %shift_right_logical3A_400 : vector<16xi32>
          %mul3A_402 = vector.broadcast %scan3A_33 : i32 to vector<16xi32>
          %mul3A_403 = arith.muli %shift_right_logical3A_401, %mul3A_402 : vector<16xi32>
          %sub3A_404 = arith.subi %get3A_396, %mul3A_403 : vector<16xi32>
          %eq3A_405 = arith.constant 0 : i32
          %eq3A_406 = vector.broadcast %eq3A_405 : i32 to vector<16xi32>
          %eq3A_407 = arith.cmpi eq, %sub3A_404, %eq3A_406 : vector<16xi32>
          %get3A_408 = arith.index_cast %add3A_360 : i32 to index
          %get3A_409 = tpu.vector_load %arg5[%get3A_408] {strides = array<i32>} : memref<10000xi32, #tpu.memory_space<vmem>>, vector<16xi32>,
          %convert_element_type3A = arith.extui %eq3A_407 : vector<16xi1> to vector<16xi32>
          %broadcast_in_dim3A_410 = arith.constant true
          %broadcast_in_dim3A_411 = vector.broadcast %broadcast_in_dim3A_410 : i1 to vector<16xi1>
          %masked_cumsum3A = tpu.scan <sum>, %convert_element_type3A masked %broadcast_in_dim3A_411 : vector<16xi32>, vector<16xi1> -> vector<16xi32>
          %mul3A_412 = arith.constant 16 : i32
          %mul3A_413 = vector.broadcast %mul3A_412 : i32 to vector<16xi32>
          %mul3A_414 = arith.muli %get3A_409, %mul3A_413 : vector<16xi32>
          %add3A_415 = arith.addi %mul3A_414, %shift_right_logical3A_401 : vector<16xi32>
          %get3A_416 = arith.constant 0 : i32
          %get3A_417 = arith.index_cast %get3A_416 : i32 to index
          %get3A_418 = memref.load %arg12[%get3A_417] : memref<1xi32, #tpu.memory_space<smem>>
          %sub3A_419 = arith.subi %masked_cumsum3A, %convert_element_type3A : vector<16xi32>
          %add3A_420 = vector.broadcast %get3A_418 : i32 to vector<16xi32>
          %add3A_421 = arith.addi %add3A_420, %sub3A_419 : vector<16xi32>
          tpu.vector_store_idx %arg7[%add3A_421], %add3A_415 masked %eq3A_407 : memref<10016xi32, #tpu.memory_space<vmem>>[vector<16xi32>], vector<16xi32>, vector<16xi1>
          %slice3A_422 = vector.extract_strided_slice %masked_cumsum3A {offsets = [15], sizes = [1], strides = [1]} : vector<16xi32> to vector<1xi32>
          %squeeze3A_423 = vector.extract %slice3A_422[0] : i32 from vector<1xi32>
          %add3A_424 = arith.addi %get3A_418, %squeeze3A_423 : i32
          %swap3A_425 = arith.constant 0 : i32
          %swap3A_426 = arith.index_cast %swap3A_425 : i32 to index
          %swap3A_427 = memref.load %arg12[%swap3A_426] : memref<1xi32, #tpu.memory_space<smem>>
          memref.store %add3A_424, %arg12[%swap3A_426] : memref<1xi32, #tpu.memory_space<smem>>
        }
        %all_reduce_population_count3A_375 = tpu.all_reduce %eq3A_217 {dim = 0 : i64, kind = #tpu.reduction_kind<sum>} : vector<16xi1> -> vector<16xi32>
        %slice3A_376 = vector.extract_strided_slice %all_reduce_population_count3A_375 {offsets = [0], sizes = [1], strides = [1]} : vector<16xi32> to vector<1xi32>
        %squeeze3A_377 = vector.extract %slice3A_376[0] : i32 from vector<1xi32>
        %add3A_378 = arith.constant 112 : i32
        %add3A_379 = arith.addi %mul3A_97, %add3A_378 : i32
        %add3A_380 = arith.constant 15 : i32
        %add3A_381 = arith.addi %squeeze3A_377, %add3A_380 : i32
        %shift_right_arithmetic3A_382 = arith.constant 4 : i32
        %shift_right_arithmetic3A_383 = arith.shrsi %add3A_381, %shift_right_arithmetic3A_382 : i32
        %while3A_384 = arith.constant 0 : i32
        %while3A_385 = arith.constant 0 : i32
        %while3A_386 = arith.subi %shift_right_arithmetic3A_383, %while3A_385 : i32
        %while3A_387 = arith.addi %while3A_385, %while3A_386 : i32
        %while3A_388 = arith.constant 1 : i32
        %while3A_389 = arith.divsi %while3A_386, %while3A_388 : i32
        %while3A_390 = arith.muli %while3A_389, %while3A_388 : i32
        %while3A_391 = arith.addi %while3A_385, %while3A_390 : i32
        %while3A_392 = arith.constant 1 : i32
        scf.for %while3A_394 = %while3A_385 to %while3A_391 step %while3A_392  : i32 {
          %get3A_395 = arith.index_cast %add3A_379 : i32 to index
          %get3A_396 = tpu.vector_load %arg6[%get3A_395] {strides = array<i32>} : memref<10000xi32, #tpu.memory_space<vmem>>, vector<16xi32>,
          %mul3A_397 = vector.broadcast %scan3A_32 : i32 to vector<16xi32>
          %mul3A_398 = arith.muli %get3A_396, %mul3A_397 : vector<16xi32>
          %shift_right_logical3A_399 = arith.constant 26 : i32
          %shift_right_logical3A_400 = vector.broadcast %shift_right_logical3A_399 : i32 to vector<16xi32>
          %shift_right_logical3A_401 = arith.shrui %mul3A_398, %shift_right_logical3A_400 : vector<16xi32>
          %mul3A_402 = vector.broadcast %scan3A_33 : i32 to vector<16xi32>
          %mul3A_403 = arith.muli %shift_right_logical3A_401, %mul3A_402 : vector<16xi32>
          %sub3A_404 = arith.subi %get3A_396, %mul3A_403 : vector<16xi32>
          %eq3A_405 = arith.constant 0 : i32
          %eq3A_406 = vector.broadcast %eq3A_405 : i32 to vector<16xi32>
          %eq3A_407 = arith.cmpi eq, %sub3A_404, %eq3A_406 : vector<16xi32>
          %get3A_408 = arith.index_cast %add3A_379 : i32 to index
          %get3A_409 = tpu.vector_load %arg5[%get3A_408] {strides = array<i32>} : memref<10000xi32, #tpu.memory_space<vmem>>, vector<16xi32>,
          %convert_element_type3A = arith.extui %eq3A_407 : vector<16xi1> to vector<16xi32>
          %broadcast_in_dim3A_410 = arith.constant true
          %broadcast_in_dim3A_411 = vector.broadcast %broadcast_in_dim3A_410 : i1 to vector<16xi1>
          %masked_cumsum3A = tpu.scan <sum>, %convert_element_type3A masked %broadcast_in_dim3A_411 : vector<16xi32>, vector<16xi1> -> vector<16xi32>
          %mul3A_412 = arith.constant 16 : i32
          %mul3A_413 = vector.broadcast %mul3A_412 : i32 to vector<16xi32>
          %mul3A_414 = arith.muli %get3A_409, %mul3A_413 : vector<16xi32>
          %add3A_415 = arith.addi %mul3A_414, %shift_right_logical3A_401 : vector<16xi32>
          %get3A_416 = arith.constant 0 : i32
          %get3A_417 = arith.index_cast %get3A_416 : i32 to index
          %get3A_418 = memref.load %arg12[%get3A_417] : memref<1xi32, #tpu.memory_space<smem>>
          %sub3A_419 = arith.subi %masked_cumsum3A, %convert_element_type3A : vector<16xi32>
          %add3A_420 = vector.broadcast %get3A_418 : i32 to vector<16xi32>
          %add3A_421 = arith.addi %add3A_420, %sub3A_419 : vector<16xi32>
          tpu.vector_store_idx %arg7[%add3A_421], %add3A_415 masked %eq3A_407 : memref<10016xi32, #tpu.memory_space<vmem>>[vector<16xi32>], vector<16xi32>, vector<16xi1>
          %slice3A_422 = vector.extract_strided_slice %masked_cumsum3A {offsets = [15], sizes = [1], strides = [1]} : vector<16xi32> to vector<1xi32>
          %squeeze3A_423 = vector.extract %slice3A_422[0] : i32 from vector<1xi32>
          %add3A_424 = arith.addi %get3A_418, %squeeze3A_423 : i32
          %swap3A_425 = arith.constant 0 : i32
          %swap3A_426 = arith.index_cast %swap3A_425 : i32 to index
          %swap3A_427 = memref.load %arg12[%swap3A_426] : memref<1xi32, #tpu.memory_space<smem>>
          memref.store %add3A_424, %arg12[%swap3A_426] : memref<1xi32, #tpu.memory_space<smem>>
        }
        %while3A_393 = arith.constant 1 : i32
        scf.for %while3A_394 = %while3A_391 to %while3A_387 step %while3A_393  : i32 {
          %get3A_395 = arith.index_cast %add3A_379 : i32 to index
          %get3A_396 = tpu.vector_load %arg6[%get3A_395] {strides = array<i32>} : memref<10000xi32, #tpu.memory_space<vmem>>, vector<16xi32>,
          %mul3A_397 = vector.broadcast %scan3A_32 : i32 to vector<16xi32>
          %mul3A_398 = arith.muli %get3A_396, %mul3A_397 : vector<16xi32>
          %shift_right_logical3A_399 = arith.constant 26 : i32
          %shift_right_logical3A_400 = vector.broadcast %shift_right_logical3A_399 : i32 to vector<16xi32>
          %shift_right_logical3A_401 = arith.shrui %mul3A_398, %shift_right_logical3A_400 : vector<16xi32>
          %mul3A_402 = vector.broadcast %scan3A_33 : i32 to vector<16xi32>
          %mul3A_403 = arith.muli %shift_right_logical3A_401, %mul3A_402 : vector<16xi32>
          %sub3A_404 = arith.subi %get3A_396, %mul3A_403 : vector<16xi32>
          %eq3A_405 = arith.constant 0 : i32
          %eq3A_406 = vector.broadcast %eq3A_405 : i32 to vector<16xi32>
          %eq3A_407 = arith.cmpi eq, %sub3A_404, %eq3A_406 : vector<16xi32>
          %get3A_408 = arith.index_cast %add3A_379 : i32 to index
          %get3A_409 = tpu.vector_load %arg5[%get3A_408] {strides = array<i32>} : memref<10000xi32, #tpu.memory_space<vmem>>, vector<16xi32>,
          %convert_element_type3A = arith.extui %eq3A_407 : vector<16xi1> to vector<16xi32>
          %broadcast_in_dim3A_410 = arith.constant true
          %broadcast_in_dim3A_411 = vector.broadcast %broadcast_in_dim3A_410 : i1 to vector<16xi1>
          %masked_cumsum3A = tpu.scan <sum>, %convert_element_type3A masked %broadcast_in_dim3A_411 : vector<16xi32>, vector<16xi1> -> vector<16xi32>
          %mul3A_412 = arith.constant 16 : i32
          %mul3A_413 = vector.broadcast %mul3A_412 : i32 to vector<16xi32>
          %mul3A_414 = arith.muli %get3A_409, %mul3A_413 : vector<16xi32>
          %add3A_415 = arith.addi %mul3A_414, %shift_right_logical3A_401 : vector<16xi32>
          %get3A_416 = arith.constant 0 : i32
          %get3A_417 = arith.index_cast %get3A_416 : i32 to index
          %get3A_418 = memref.load %arg12[%get3A_417] : memref<1xi32, #tpu.memory_space<smem>>
          %sub3A_419 = arith.subi %masked_cumsum3A, %convert_element_type3A : vector<16xi32>
          %add3A_420 = vector.broadcast %get3A_418 : i32 to vector<16xi32>
          %add3A_421 = arith.addi %add3A_420, %sub3A_419 : vector<16xi32>
          tpu.vector_store_idx %arg7[%add3A_421], %add3A_415 masked %eq3A_407 : memref<10016xi32, #tpu.memory_space<vmem>>[vector<16xi32>], vector<16xi32>, vector<16xi1>
          %slice3A_422 = vector.extract_strided_slice %masked_cumsum3A {offsets = [15], sizes = [1], strides = [1]} : vector<16xi32> to vector<1xi32>
          %squeeze3A_423 = vector.extract %slice3A_422[0] : i32 from vector<1xi32>
          %add3A_424 = arith.addi %get3A_418, %squeeze3A_423 : i32
          %swap3A_425 = arith.constant 0 : i32
          %swap3A_426 = arith.index_cast %swap3A_425 : i32 to index
          %swap3A_427 = memref.load %arg12[%swap3A_426] : memref<1xi32, #tpu.memory_space<smem>>
          memref.store %add3A_424, %arg12[%swap3A_426] : memref<1xi32, #tpu.memory_space<smem>>
        }
      }
      %while3A_240 = arith.constant 1 : i32
      scf.for %while3A_241 = %while3A_238 to %while3A_234 step %while3A_240  : i32 {
        %all_reduce_population_count3A_242 = tpu.all_reduce %eq3A_112 {dim = 0 : i64, kind = #tpu.reduction_kind<sum>} : vector<16xi1> -> vector<16xi32>
        %slice3A_243 = vector.extract_strided_slice %all_reduce_population_count3A_242 {offsets = [0], sizes = [1], strides = [1]} : vector<16xi32> to vector<1xi32>
        %squeeze3A_244 = vector.extract %slice3A_243[0] : i32 from vector<1xi32>
        %add3A_245 = arith.constant 0 : i32
        %add3A_246 = arith.addi %mul3A_97, %add3A_245 : i32
        %add3A_247 = arith.constant 15 : i32
        %add3A_248 = arith.addi %squeeze3A_244, %add3A_247 : i32
        %shift_right_arithmetic3A_249 = arith.constant 4 : i32
        %shift_right_arithmetic3A_250 = arith.shrsi %add3A_248, %shift_right_arithmetic3A_249 : i32
        %while3A_251 = arith.constant 0 : i32
        %while3A_252 = arith.constant 0 : i32
        %while3A_253 = arith.subi %shift_right_arithmetic3A_250, %while3A_252 : i32
        %while3A_254 = arith.addi %while3A_252, %while3A_253 : i32
        %while3A_255 = arith.constant 1 : i32
        %while3A_256 = arith.divsi %while3A_253, %while3A_255 : i32
        %while3A_257 = arith.muli %while3A_256, %while3A_255 : i32
        %while3A_258 = arith.addi %while3A_252, %while3A_257 : i32
        %while3A_259 = arith.constant 1 : i32
        scf.for %while3A_394 = %while3A_252 to %while3A_258 step %while3A_259  : i32 {
          %get3A_395 = arith.index_cast %add3A_246 : i32 to index
          %get3A_396 = tpu.vector_load %arg6[%get3A_395] {strides = array<i32>} : memref<10000xi32, #tpu.memory_space<vmem>>, vector<16xi32>,
          %mul3A_397 = vector.broadcast %scan3A_32 : i32 to vector<16xi32>
          %mul3A_398 = arith.muli %get3A_396, %mul3A_397 : vector<16xi32>
          %shift_right_logical3A_399 = arith.constant 26 : i32
          %shift_right_logical3A_400 = vector.broadcast %shift_right_logical3A_399 : i32 to vector<16xi32>
          %shift_right_logical3A_401 = arith.shrui %mul3A_398, %shift_right_logical3A_400 : vector<16xi32>
          %mul3A_402 = vector.broadcast %scan3A_33 : i32 to vector<16xi32>
          %mul3A_403 = arith.muli %shift_right_logical3A_401, %mul3A_402 : vector<16xi32>
          %sub3A_404 = arith.subi %get3A_396, %mul3A_403 : vector<16xi32>
          %eq3A_405 = arith.constant 0 : i32
          %eq3A_406 = vector.broadcast %eq3A_405 : i32 to vector<16xi32>
          %eq3A_407 = arith.cmpi eq, %sub3A_404, %eq3A_406 : vector<16xi32>
          %get3A_408 = arith.index_cast %add3A_246 : i32 to index
          %get3A_409 = tpu.vector_load %arg5[%get3A_408] {strides = array<i32>} : memref<10000xi32, #tpu.memory_space<vmem>>, vector<16xi32>,
          %convert_element_type3A = arith.extui %eq3A_407 : vector<16xi1> to vector<16xi32>
          %broadcast_in_dim3A_410 = arith.constant true
          %broadcast_in_dim3A_411 = vector.broadcast %broadcast_in_dim3A_410 : i1 to vector<16xi1>
          %masked_cumsum3A = tpu.scan <sum>, %convert_element_type3A masked %broadcast_in_dim3A_411 : vector<16xi32>, vector<16xi1> -> vector<16xi32>
          %mul3A_412 = arith.constant 16 : i32
          %mul3A_413 = vector.broadcast %mul3A_412 : i32 to vector<16xi32>
          %mul3A_414 = arith.muli %get3A_409, %mul3A_413 : vector<16xi32>
          %add3A_415 = arith.addi %mul3A_414, %shift_right_logical3A_401 : vector<16xi32>
          %get3A_416 = arith.constant 0 : i32
          %get3A_417 = arith.index_cast %get3A_416 : i32 to index
          %get3A_418 = memref.load %arg12[%get3A_417] : memref<1xi32, #tpu.memory_space<smem>>
          %sub3A_419 = arith.subi %masked_cumsum3A, %convert_element_type3A : vector<16xi32>
          %add3A_420 = vector.broadcast %get3A_418 : i32 to vector<16xi32>
          %add3A_421 = arith.addi %add3A_420, %sub3A_419 : vector<16xi32>
          tpu.vector_store_idx %arg7[%add3A_421], %add3A_415 masked %eq3A_407 : memref<10016xi32, #tpu.memory_space<vmem>>[vector<16xi32>], vector<16xi32>, vector<16xi1>
          %slice3A_422 = vector.extract_strided_slice %masked_cumsum3A {offsets = [15], sizes = [1], strides = [1]} : vector<16xi32> to vector<1xi32>
          %squeeze3A_423 = vector.extract %slice3A_422[0] : i32 from vector<1xi32>
          %add3A_424 = arith.addi %get3A_418, %squeeze3A_423 : i32
          %swap3A_425 = arith.constant 0 : i32
          %swap3A_426 = arith.index_cast %swap3A_425 : i32 to index
          %swap3A_427 = memref.load %arg12[%swap3A_426] : memref<1xi32, #tpu.memory_space<smem>>
          memref.store %add3A_424, %arg12[%swap3A_426] : memref<1xi32, #tpu.memory_space<smem>>
        }
        %while3A_260 = arith.constant 1 : i32
        scf.for %while3A_394 = %while3A_258 to %while3A_254 step %while3A_260  : i32 {
          %get3A_395 = arith.index_cast %add3A_246 : i32 to index
          %get3A_396 = tpu.vector_load %arg6[%get3A_395] {strides = array<i32>} : memref<10000xi32, #tpu.memory_space<vmem>>, vector<16xi32>,
          %mul3A_397 = vector.broadcast %scan3A_32 : i32 to vector<16xi32>
          %mul3A_398 = arith.muli %get3A_396, %mul3A_397 : vector<16xi32>
          %shift_right_logical3A_399 = arith.constant 26 : i32
          %shift_right_logical3A_400 = vector.broadcast %shift_right_logical3A_399 : i32 to vector<16xi32>
          %shift_right_logical3A_401 = arith.shrui %mul3A_398, %shift_right_logical3A_400 : vector<16xi32>
          %mul3A_402 = vector.broadcast %scan3A_33 : i32 to vector<16xi32>
          %mul3A_403 = arith.muli %shift_right_logical3A_401, %mul3A_402 : vector<16xi32>
          %sub3A_404 = arith.subi %get3A_396, %mul3A_403 : vector<16xi32>
          %eq3A_405 = arith.constant 0 : i32
          %eq3A_406 = vector.broadcast %eq3A_405 : i32 to vector<16xi32>
          %eq3A_407 = arith.cmpi eq, %sub3A_404, %eq3A_406 : vector<16xi32>
          %get3A_408 = arith.index_cast %add3A_246 : i32 to index
          %get3A_409 = tpu.vector_load %arg5[%get3A_408] {strides = array<i32>} : memref<10000xi32, #tpu.memory_space<vmem>>, vector<16xi32>,
          %convert_element_type3A = arith.extui %eq3A_407 : vector<16xi1> to vector<16xi32>
          %broadcast_in_dim3A_410 = arith.constant true
          %broadcast_in_dim3A_411 = vector.broadcast %broadcast_in_dim3A_410 : i1 to vector<16xi1>
          %masked_cumsum3A = tpu.scan <sum>, %convert_element_type3A masked %broadcast_in_dim3A_411 : vector<16xi32>, vector<16xi1> -> vector<16xi32>
          %mul3A_412 = arith.constant 16 : i32
          %mul3A_413 = vector.broadcast %mul3A_412 : i32 to vector<16xi32>
          %mul3A_414 = arith.muli %get3A_409, %mul3A_413 : vector<16xi32>
          %add3A_415 = arith.addi %mul3A_414, %shift_right_logical3A_401 : vector<16xi32>
          %get3A_416 = arith.constant 0 : i32
          %get3A_417 = arith.index_cast %get3A_416 : i32 to index
          %get3A_418 = memref.load %arg12[%get3A_417] : memref<1xi32, #tpu.memory_space<smem>>
          %sub3A_419 = arith.subi %masked_cumsum3A, %convert_element_type3A : vector<16xi32>
          %add3A_420 = vector.broadcast %get3A_418 : i32 to vector<16xi32>
          %add3A_421 = arith.addi %add3A_420, %sub3A_419 : vector<16xi32>
          tpu.vector_store_idx %arg7[%add3A_421], %add3A_415 masked %eq3A_407 : memref<10016xi32, #tpu.memory_space<vmem>>[vector<16xi32>], vector<16xi32>, vector<16xi1>
          %slice3A_422 = vector.extract_strided_slice %masked_cumsum3A {offsets = [15], sizes = [1], strides = [1]} : vector<16xi32> to vector<1xi32>
          %squeeze3A_423 = vector.extract %slice3A_422[0] : i32 from vector<1xi32>
          %add3A_424 = arith.addi %get3A_418, %squeeze3A_423 : i32
          %swap3A_425 = arith.constant 0 : i32
          %swap3A_426 = arith.index_cast %swap3A_425 : i32 to index
          %swap3A_427 = memref.load %arg12[%swap3A_426] : memref<1xi32, #tpu.memory_space<smem>>
          memref.store %add3A_424, %arg12[%swap3A_426] : memref<1xi32, #tpu.memory_space<smem>>
        }
        %all_reduce_population_count3A_261 = tpu.all_reduce %eq3A_127 {dim = 0 : i64, kind = #tpu.reduction_kind<sum>} : vector<16xi1> -> vector<16xi32>
        %slice3A_262 = vector.extract_strided_slice %all_reduce_population_count3A_261 {offsets = [0], sizes = [1], strides = [1]} : vector<16xi32> to vector<1xi32>
        %squeeze3A_263 = vector.extract %slice3A_262[0] : i32 from vector<1xi32>
        %add3A_264 = arith.constant 16 : i32
        %add3A_265 = arith.addi %mul3A_97, %add3A_264 : i32
        %add3A_266 = arith.constant 15 : i32
        %add3A_267 = arith.addi %squeeze3A_263, %add3A_266 : i32
        %shift_right_arithmetic3A_268 = arith.constant 4 : i32
        %shift_right_arithmetic3A_269 = arith.shrsi %add3A_267, %shift_right_arithmetic3A_268 : i32
        %while3A_270 = arith.constant 0 : i32
        %while3A_271 = arith.constant 0 : i32
        %while3A_272 = arith.subi %shift_right_arithmetic3A_269, %while3A_271 : i32
        %while3A_273 = arith.addi %while3A_271, %while3A_272 : i32
        %while3A_274 = arith.constant 1 : i32
        %while3A_275 = arith.divsi %while3A_272, %while3A_274 : i32
        %while3A_276 = arith.muli %while3A_275, %while3A_274 : i32
        %while3A_277 = arith.addi %while3A_271, %while3A_276 : i32
        %while3A_278 = arith.constant 1 : i32
        scf.for %while3A_394 = %while3A_271 to %while3A_277 step %while3A_278  : i32 {
          %get3A_395 = arith.index_cast %add3A_265 : i32 to index
          %get3A_396 = tpu.vector_load %arg6[%get3A_395] {strides = array<i32>} : memref<10000xi32, #tpu.memory_space<vmem>>, vector<16xi32>,
          %mul3A_397 = vector.broadcast %scan3A_32 : i32 to vector<16xi32>
          %mul3A_398 = arith.muli %get3A_396, %mul3A_397 : vector<16xi32>
          %shift_right_logical3A_399 = arith.constant 26 : i32
          %shift_right_logical3A_400 = vector.broadcast %shift_right_logical3A_399 : i32 to vector<16xi32>
          %shift_right_logical3A_401 = arith.shrui %mul3A_398, %shift_right_logical3A_400 : vector<16xi32>
          %mul3A_402 = vector.broadcast %scan3A_33 : i32 to vector<16xi32>
          %mul3A_403 = arith.muli %shift_right_logical3A_401, %mul3A_402 : vector<16xi32>
          %sub3A_404 = arith.subi %get3A_396, %mul3A_403 : vector<16xi32>
          %eq3A_405 = arith.constant 0 : i32
          %eq3A_406 = vector.broadcast %eq3A_405 : i32 to vector<16xi32>
          %eq3A_407 = arith.cmpi eq, %sub3A_404, %eq3A_406 : vector<16xi32>
          %get3A_408 = arith.index_cast %add3A_265 : i32 to index
          %get3A_409 = tpu.vector_load %arg5[%get3A_408] {strides = array<i32>} : memref<10000xi32, #tpu.memory_space<vmem>>, vector<16xi32>,
          %convert_element_type3A = arith.extui %eq3A_407 : vector<16xi1> to vector<16xi32>
          %broadcast_in_dim3A_410 = arith.constant true
          %broadcast_in_dim3A_411 = vector.broadcast %broadcast_in_dim3A_410 : i1 to vector<16xi1>
          %masked_cumsum3A = tpu.scan <sum>, %convert_element_type3A masked %broadcast_in_dim3A_411 : vector<16xi32>, vector<16xi1> -> vector<16xi32>
          %mul3A_412 = arith.constant 16 : i32
          %mul3A_413 = vector.broadcast %mul3A_412 : i32 to vector<16xi32>
          %mul3A_414 = arith.muli %get3A_409, %mul3A_413 : vector<16xi32>
          %add3A_415 = arith.addi %mul3A_414, %shift_right_logical3A_401 : vector<16xi32>
          %get3A_416 = arith.constant 0 : i32
          %get3A_417 = arith.index_cast %get3A_416 : i32 to index
          %get3A_418 = memref.load %arg12[%get3A_417] : memref<1xi32, #tpu.memory_space<smem>>
          %sub3A_419 = arith.subi %masked_cumsum3A, %convert_element_type3A : vector<16xi32>
          %add3A_420 = vector.broadcast %get3A_418 : i32 to vector<16xi32>
          %add3A_421 = arith.addi %add3A_420, %sub3A_419 : vector<16xi32>
          tpu.vector_store_idx %arg7[%add3A_421], %add3A_415 masked %eq3A_407 : memref<10016xi32, #tpu.memory_space<vmem>>[vector<16xi32>], vector<16xi32>, vector<16xi1>
          %slice3A_422 = vector.extract_strided_slice %masked_cumsum3A {offsets = [15], sizes = [1], strides = [1]} : vector<16xi32> to vector<1xi32>
          %squeeze3A_423 = vector.extract %slice3A_422[0] : i32 from vector<1xi32>
          %add3A_424 = arith.addi %get3A_418, %squeeze3A_423 : i32
          %swap3A_425 = arith.constant 0 : i32
          %swap3A_426 = arith.index_cast %swap3A_425 : i32 to index
          %swap3A_427 = memref.load %arg12[%swap3A_426] : memref<1xi32, #tpu.memory_space<smem>>
          memref.store %add3A_424, %arg12[%swap3A_426] : memref<1xi32, #tpu.memory_space<smem>>
        }
        %while3A_279 = arith.constant 1 : i32
        scf.for %while3A_394 = %while3A_277 to %while3A_273 step %while3A_279  : i32 {
          %get3A_395 = arith.index_cast %add3A_265 : i32 to index
          %get3A_396 = tpu.vector_load %arg6[%get3A_395] {strides = array<i32>} : memref<10000xi32, #tpu.memory_space<vmem>>, vector<16xi32>,
          %mul3A_397 = vector.broadcast %scan3A_32 : i32 to vector<16xi32>
          %mul3A_398 = arith.muli %get3A_396, %mul3A_397 : vector<16xi32>
          %shift_right_logical3A_399 = arith.constant 26 : i32
          %shift_right_logical3A_400 = vector.broadcast %shift_right_logical3A_399 : i32 to vector<16xi32>
          %shift_right_logical3A_401 = arith.shrui %mul3A_398, %shift_right_logical3A_400 : vector<16xi32>
          %mul3A_402 = vector.broadcast %scan3A_33 : i32 to vector<16xi32>
          %mul3A_403 = arith.muli %shift_right_logical3A_401, %mul3A_402 : vector<16xi32>
          %sub3A_404 = arith.subi %get3A_396, %mul3A_403 : vector<16xi32>
          %eq3A_405 = arith.constant 0 : i32
          %eq3A_406 = vector.broadcast %eq3A_405 : i32 to vector<16xi32>
          %eq3A_407 = arith.cmpi eq, %sub3A_404, %eq3A_406 : vector<16xi32>
          %get3A_408 = arith.index_cast %add3A_265 : i32 to index
          %get3A_409 = tpu.vector_load %arg5[%get3A_408] {strides = array<i32>} : memref<10000xi32, #tpu.memory_space<vmem>>, vector<16xi32>,
          %convert_element_type3A = arith.extui %eq3A_407 : vector<16xi1> to vector<16xi32>
          %broadcast_in_dim3A_410 = arith.constant true
          %broadcast_in_dim3A_411 = vector.broadcast %broadcast_in_dim3A_410 : i1 to vector<16xi1>
          %masked_cumsum3A = tpu.scan <sum>, %convert_element_type3A masked %broadcast_in_dim3A_411 : vector<16xi32>, vector<16xi1> -> vector<16xi32>
          %mul3A_412 = arith.constant 16 : i32
          %mul3A_413 = vector.broadcast %mul3A_412 : i32 to vector<16xi32>
          %mul3A_414 = arith.muli %get3A_409, %mul3A_413 : vector<16xi32>
          %add3A_415 = arith.addi %mul3A_414, %shift_right_logical3A_401 : vector<16xi32>
          %get3A_416 = arith.constant 0 : i32
          %get3A_417 = arith.index_cast %get3A_416 : i32 to index
          %get3A_418 = memref.load %arg12[%get3A_417] : memref<1xi32, #tpu.memory_space<smem>>
          %sub3A_419 = arith.subi %masked_cumsum3A, %convert_element_type3A : vector<16xi32>
          %add3A_420 = vector.broadcast %get3A_418 : i32 to vector<16xi32>
          %add3A_421 = arith.addi %add3A_420, %sub3A_419 : vector<16xi32>
          tpu.vector_store_idx %arg7[%add3A_421], %add3A_415 masked %eq3A_407 : memref<10016xi32, #tpu.memory_space<vmem>>[vector<16xi32>], vector<16xi32>, vector<16xi1>
          %slice3A_422 = vector.extract_strided_slice %masked_cumsum3A {offsets = [15], sizes = [1], strides = [1]} : vector<16xi32> to vector<1xi32>
          %squeeze3A_423 = vector.extract %slice3A_422[0] : i32 from vector<1xi32>
          %add3A_424 = arith.addi %get3A_418, %squeeze3A_423 : i32
          %swap3A_425 = arith.constant 0 : i32
          %swap3A_426 = arith.index_cast %swap3A_425 : i32 to index
          %swap3A_427 = memref.load %arg12[%swap3A_426] : memref<1xi32, #tpu.memory_space<smem>>
          memref.store %add3A_424, %arg12[%swap3A_426] : memref<1xi32, #tpu.memory_space<smem>>
        }
        %all_reduce_population_count3A_280 = tpu.all_reduce %eq3A_142 {dim = 0 : i64, kind = #tpu.reduction_kind<sum>} : vector<16xi1> -> vector<16xi32>
        %slice3A_281 = vector.extract_strided_slice %all_reduce_population_count3A_280 {offsets = [0], sizes = [1], strides = [1]} : vector<16xi32> to vector<1xi32>
        %squeeze3A_282 = vector.extract %slice3A_281[0] : i32 from vector<1xi32>
        %add3A_283 = arith.constant 32 : i32
        %add3A_284 = arith.addi %mul3A_97, %add3A_283 : i32
        %add3A_285 = arith.constant 15 : i32
        %add3A_286 = arith.addi %squeeze3A_282, %add3A_285 : i32
        %shift_right_arithmetic3A_287 = arith.constant 4 : i32
        %shift_right_arithmetic3A_288 = arith.shrsi %add3A_286, %shift_right_arithmetic3A_287 : i32
        %while3A_289 = arith.constant 0 : i32
        %while3A_290 = arith.constant 0 : i32
        %while3A_291 = arith.subi %shift_right_arithmetic3A_288, %while3A_290 : i32
        %while3A_292 = arith.addi %while3A_290, %while3A_291 : i32
        %while3A_293 = arith.constant 1 : i32
        %while3A_294 = arith.divsi %while3A_291, %while3A_293 : i32
        %while3A_295 = arith.muli %while3A_294, %while3A_293 : i32
        %while3A_296 = arith.addi %while3A_290, %while3A_295 : i32
        %while3A_297 = arith.constant 1 : i32
        scf.for %while3A_394 = %while3A_290 to %while3A_296 step %while3A_297  : i32 {
          %get3A_395 = arith.index_cast %add3A_284 : i32 to index
          %get3A_396 = tpu.vector_load %arg6[%get3A_395] {strides = array<i32>} : memref<10000xi32, #tpu.memory_space<vmem>>, vector<16xi32>,
          %mul3A_397 = vector.broadcast %scan3A_32 : i32 to vector<16xi32>
          %mul3A_398 = arith.muli %get3A_396, %mul3A_397 : vector<16xi32>
          %shift_right_logical3A_399 = arith.constant 26 : i32
          %shift_right_logical3A_400 = vector.broadcast %shift_right_logical3A_399 : i32 to vector<16xi32>
          %shift_right_logical3A_401 = arith.shrui %mul3A_398, %shift_right_logical3A_400 : vector<16xi32>
          %mul3A_402 = vector.broadcast %scan3A_33 : i32 to vector<16xi32>
          %mul3A_403 = arith.muli %shift_right_logical3A_401, %mul3A_402 : vector<16xi32>
          %sub3A_404 = arith.subi %get3A_396, %mul3A_403 : vector<16xi32>
          %eq3A_405 = arith.constant 0 : i32
          %eq3A_406 = vector.broadcast %eq3A_405 : i32 to vector<16xi32>
          %eq3A_407 = arith.cmpi eq, %sub3A_404, %eq3A_406 : vector<16xi32>
          %get3A_408 = arith.index_cast %add3A_284 : i32 to index
          %get3A_409 = tpu.vector_load %arg5[%get3A_408] {strides = array<i32>} : memref<10000xi32, #tpu.memory_space<vmem>>, vector<16xi32>,
          %convert_element_type3A = arith.extui %eq3A_407 : vector<16xi1> to vector<16xi32>
          %broadcast_in_dim3A_410 = arith.constant true
          %broadcast_in_dim3A_411 = vector.broadcast %broadcast_in_dim3A_410 : i1 to vector<16xi1>
          %masked_cumsum3A = tpu.scan <sum>, %convert_element_type3A masked %broadcast_in_dim3A_411 : vector<16xi32>, vector<16xi1> -> vector<16xi32>
          %mul3A_412 = arith.constant 16 : i32
          %mul3A_413 = vector.broadcast %mul3A_412 : i32 to vector<16xi32>
          %mul3A_414 = arith.muli %get3A_409, %mul3A_413 : vector<16xi32>
          %add3A_415 = arith.addi %mul3A_414, %shift_right_logical3A_401 : vector<16xi32>
          %get3A_416 = arith.constant 0 : i32
          %get3A_417 = arith.index_cast %get3A_416 : i32 to index
          %get3A_418 = memref.load %arg12[%get3A_417] : memref<1xi32, #tpu.memory_space<smem>>
          %sub3A_419 = arith.subi %masked_cumsum3A, %convert_element_type3A : vector<16xi32>
          %add3A_420 = vector.broadcast %get3A_418 : i32 to vector<16xi32>
          %add3A_421 = arith.addi %add3A_420, %sub3A_419 : vector<16xi32>
          tpu.vector_store_idx %arg7[%add3A_421], %add3A_415 masked %eq3A_407 : memref<10016xi32, #tpu.memory_space<vmem>>[vector<16xi32>], vector<16xi32>, vector<16xi1>
          %slice3A_422 = vector.extract_strided_slice %masked_cumsum3A {offsets = [15], sizes = [1], strides = [1]} : vector<16xi32> to vector<1xi32>
          %squeeze3A_423 = vector.extract %slice3A_422[0] : i32 from vector<1xi32>
          %add3A_424 = arith.addi %get3A_418, %squeeze3A_423 : i32
          %swap3A_425 = arith.constant 0 : i32
          %swap3A_426 = arith.index_cast %swap3A_425 : i32 to index
          %swap3A_427 = memref.load %arg12[%swap3A_426] : memref<1xi32, #tpu.memory_space<smem>>
          memref.store %add3A_424, %arg12[%swap3A_426] : memref<1xi32, #tpu.memory_space<smem>>
        }
        %while3A_298 = arith.constant 1 : i32
        scf.for %while3A_394 = %while3A_296 to %while3A_292 step %while3A_298  : i32 {
          %get3A_395 = arith.index_cast %add3A_284 : i32 to index
          %get3A_396 = tpu.vector_load %arg6[%get3A_395] {strides = array<i32>} : memref<10000xi32, #tpu.memory_space<vmem>>, vector<16xi32>,
          %mul3A_397 = vector.broadcast %scan3A_32 : i32 to vector<16xi32>
          %mul3A_398 = arith.muli %get3A_396, %mul3A_397 : vector<16xi32>
          %shift_right_logical3A_399 = arith.constant 26 : i32
          %shift_right_logical3A_400 = vector.broadcast %shift_right_logical3A_399 : i32 to vector<16xi32>
          %shift_right_logical3A_401 = arith.shrui %mul3A_398, %shift_right_logical3A_400 : vector<16xi32>
          %mul3A_402 = vector.broadcast %scan3A_33 : i32 to vector<16xi32>
          %mul3A_403 = arith.muli %shift_right_logical3A_401, %mul3A_402 : vector<16xi32>
          %sub3A_404 = arith.subi %get3A_396, %mul3A_403 : vector<16xi32>
          %eq3A_405 = arith.constant 0 : i32
          %eq3A_406 = vector.broadcast %eq3A_405 : i32 to vector<16xi32>
          %eq3A_407 = arith.cmpi eq, %sub3A_404, %eq3A_406 : vector<16xi32>
          %get3A_408 = arith.index_cast %add3A_284 : i32 to index
          %get3A_409 = tpu.vector_load %arg5[%get3A_408] {strides = array<i32>} : memref<10000xi32, #tpu.memory_space<vmem>>, vector<16xi32>,
          %convert_element_type3A = arith.extui %eq3A_407 : vector<16xi1> to vector<16xi32>
          %broadcast_in_dim3A_410 = arith.constant true
          %broadcast_in_dim3A_411 = vector.broadcast %broadcast_in_dim3A_410 : i1 to vector<16xi1>
          %masked_cumsum3A = tpu.scan <sum>, %convert_element_type3A masked %broadcast_in_dim3A_411 : vector<16xi32>, vector<16xi1> -> vector<16xi32>
          %mul3A_412 = arith.constant 16 : i32
          %mul3A_413 = vector.broadcast %mul3A_412 : i32 to vector<16xi32>
          %mul3A_414 = arith.muli %get3A_409, %mul3A_413 : vector<16xi32>
          %add3A_415 = arith.addi %mul3A_414, %shift_right_logical3A_401 : vector<16xi32>
          %get3A_416 = arith.constant 0 : i32
          %get3A_417 = arith.index_cast %get3A_416 : i32 to index
          %get3A_418 = memref.load %arg12[%get3A_417] : memref<1xi32, #tpu.memory_space<smem>>
          %sub3A_419 = arith.subi %masked_cumsum3A, %convert_element_type3A : vector<16xi32>
          %add3A_420 = vector.broadcast %get3A_418 : i32 to vector<16xi32>
          %add3A_421 = arith.addi %add3A_420, %sub3A_419 : vector<16xi32>
          tpu.vector_store_idx %arg7[%add3A_421], %add3A_415 masked %eq3A_407 : memref<10016xi32, #tpu.memory_space<vmem>>[vector<16xi32>], vector<16xi32>, vector<16xi1>
          %slice3A_422 = vector.extract_strided_slice %masked_cumsum3A {offsets = [15], sizes = [1], strides = [1]} : vector<16xi32> to vector<1xi32>
          %squeeze3A_423 = vector.extract %slice3A_422[0] : i32 from vector<1xi32>
          %add3A_424 = arith.addi %get3A_418, %squeeze3A_423 : i32
          %swap3A_425 = arith.constant 0 : i32
          %swap3A_426 = arith.index_cast %swap3A_425 : i32 to index
          %swap3A_427 = memref.load %arg12[%swap3A_426] : memref<1xi32, #tpu.memory_space<smem>>
          memref.store %add3A_424, %arg12[%swap3A_426] : memref<1xi32, #tpu.memory_space<smem>>
        }
        %all_reduce_population_count3A_299 = tpu.all_reduce %eq3A_157 {dim = 0 : i64, kind = #tpu.reduction_kind<sum>} : vector<16xi1> -> vector<16xi32>
        %slice3A_300 = vector.extract_strided_slice %all_reduce_population_count3A_299 {offsets = [0], sizes = [1], strides = [1]} : vector<16xi32> to vector<1xi32>
        %squeeze3A_301 = vector.extract %slice3A_300[0] : i32 from vector<1xi32>
        %add3A_302 = arith.constant 48 : i32
        %add3A_303 = arith.addi %mul3A_97, %add3A_302 : i32
        %add3A_304 = arith.constant 15 : i32
        %add3A_305 = arith.addi %squeeze3A_301, %add3A_304 : i32
        %shift_right_arithmetic3A_306 = arith.constant 4 : i32
        %shift_right_arithmetic3A_307 = arith.shrsi %add3A_305, %shift_right_arithmetic3A_306 : i32
        %while3A_308 = arith.constant 0 : i32
        %while3A_309 = arith.constant 0 : i32
        %while3A_310 = arith.subi %shift_right_arithmetic3A_307, %while3A_309 : i32
        %while3A_311 = arith.addi %while3A_309, %while3A_310 : i32
        %while3A_312 = arith.constant 1 : i32
        %while3A_313 = arith.divsi %while3A_310, %while3A_312 : i32
        %while3A_314 = arith.muli %while3A_313, %while3A_312 : i32
        %while3A_315 = arith.addi %while3A_309, %while3A_314 : i32
        %while3A_316 = arith.constant 1 : i32
        scf.for %while3A_394 = %while3A_309 to %while3A_315 step %while3A_316  : i32 {
          %get3A_395 = arith.index_cast %add3A_303 : i32 to index
          %get3A_396 = tpu.vector_load %arg6[%get3A_395] {strides = array<i32>} : memref<10000xi32, #tpu.memory_space<vmem>>, vector<16xi32>,
          %mul3A_397 = vector.broadcast %scan3A_32 : i32 to vector<16xi32>
          %mul3A_398 = arith.muli %get3A_396, %mul3A_397 : vector<16xi32>
          %shift_right_logical3A_399 = arith.constant 26 : i32
          %shift_right_logical3A_400 = vector.broadcast %shift_right_logical3A_399 : i32 to vector<16xi32>
          %shift_right_logical3A_401 = arith.shrui %mul3A_398, %shift_right_logical3A_400 : vector<16xi32>
          %mul3A_402 = vector.broadcast %scan3A_33 : i32 to vector<16xi32>
          %mul3A_403 = arith.muli %shift_right_logical3A_401, %mul3A_402 : vector<16xi32>
          %sub3A_404 = arith.subi %get3A_396, %mul3A_403 : vector<16xi32>
          %eq3A_405 = arith.constant 0 : i32
          %eq3A_406 = vector.broadcast %eq3A_405 : i32 to vector<16xi32>
          %eq3A_407 = arith.cmpi eq, %sub3A_404, %eq3A_406 : vector<16xi32>
          %get3A_408 = arith.index_cast %add3A_303 : i32 to index
          %get3A_409 = tpu.vector_load %arg5[%get3A_408] {strides = array<i32>} : memref<10000xi32, #tpu.memory_space<vmem>>, vector<16xi32>,
          %convert_element_type3A = arith.extui %eq3A_407 : vector<16xi1> to vector<16xi32>
          %broadcast_in_dim3A_410 = arith.constant true
          %broadcast_in_dim3A_411 = vector.broadcast %broadcast_in_dim3A_410 : i1 to vector<16xi1>
          %masked_cumsum3A = tpu.scan <sum>, %convert_element_type3A masked %broadcast_in_dim3A_411 : vector<16xi32>, vector<16xi1> -> vector<16xi32>
          %mul3A_412 = arith.constant 16 : i32
          %mul3A_413 = vector.broadcast %mul3A_412 : i32 to vector<16xi32>
          %mul3A_414 = arith.muli %get3A_409, %mul3A_413 : vector<16xi32>
          %add3A_415 = arith.addi %mul3A_414, %shift_right_logical3A_401 : vector<16xi32>
          %get3A_416 = arith.constant 0 : i32
          %get3A_417 = arith.index_cast %get3A_416 : i32 to index
          %get3A_418 = memref.load %arg12[%get3A_417] : memref<1xi32, #tpu.memory_space<smem>>
          %sub3A_419 = arith.subi %masked_cumsum3A, %convert_element_type3A : vector<16xi32>
          %add3A_420 = vector.broadcast %get3A_418 : i32 to vector<16xi32>
          %add3A_421 = arith.addi %add3A_420, %sub3A_419 : vector<16xi32>
          tpu.vector_store_idx %arg7[%add3A_421], %add3A_415 masked %eq3A_407 : memref<10016xi32, #tpu.memory_space<vmem>>[vector<16xi32>], vector<16xi32>, vector<16xi1>
          %slice3A_422 = vector.extract_strided_slice %masked_cumsum3A {offsets = [15], sizes = [1], strides = [1]} : vector<16xi32> to vector<1xi32>
          %squeeze3A_423 = vector.extract %slice3A_422[0] : i32 from vector<1xi32>
          %add3A_424 = arith.addi %get3A_418, %squeeze3A_423 : i32
          %swap3A_425 = arith.constant 0 : i32
          %swap3A_426 = arith.index_cast %swap3A_425 : i32 to index
          %swap3A_427 = memref.load %arg12[%swap3A_426] : memref<1xi32, #tpu.memory_space<smem>>
          memref.store %add3A_424, %arg12[%swap3A_426] : memref<1xi32, #tpu.memory_space<smem>>
        }
        %while3A_317 = arith.constant 1 : i32
        scf.for %while3A_394 = %while3A_315 to %while3A_311 step %while3A_317  : i32 {
          %get3A_395 = arith.index_cast %add3A_303 : i32 to index
          %get3A_396 = tpu.vector_load %arg6[%get3A_395] {strides = array<i32>} : memref<10000xi32, #tpu.memory_space<vmem>>, vector<16xi32>,
          %mul3A_397 = vector.broadcast %scan3A_32 : i32 to vector<16xi32>
          %mul3A_398 = arith.muli %get3A_396, %mul3A_397 : vector<16xi32>
          %shift_right_logical3A_399 = arith.constant 26 : i32
          %shift_right_logical3A_400 = vector.broadcast %shift_right_logical3A_399 : i32 to vector<16xi32>
          %shift_right_logical3A_401 = arith.shrui %mul3A_398, %shift_right_logical3A_400 : vector<16xi32>
          %mul3A_402 = vector.broadcast %scan3A_33 : i32 to vector<16xi32>
          %mul3A_403 = arith.muli %shift_right_logical3A_401, %mul3A_402 : vector<16xi32>
          %sub3A_404 = arith.subi %get3A_396, %mul3A_403 : vector<16xi32>
          %eq3A_405 = arith.constant 0 : i32
          %eq3A_406 = vector.broadcast %eq3A_405 : i32 to vector<16xi32>
          %eq3A_407 = arith.cmpi eq, %sub3A_404, %eq3A_406 : vector<16xi32>
          %get3A_408 = arith.index_cast %add3A_303 : i32 to index
          %get3A_409 = tpu.vector_load %arg5[%get3A_408] {strides = array<i32>} : memref<10000xi32, #tpu.memory_space<vmem>>, vector<16xi32>,
          %convert_element_type3A = arith.extui %eq3A_407 : vector<16xi1> to vector<16xi32>
          %broadcast_in_dim3A_410 = arith.constant true
          %broadcast_in_dim3A_411 = vector.broadcast %broadcast_in_dim3A_410 : i1 to vector<16xi1>
          %masked_cumsum3A = tpu.scan <sum>, %convert_element_type3A masked %broadcast_in_dim3A_411 : vector<16xi32>, vector<16xi1> -> vector<16xi32>
          %mul3A_412 = arith.constant 16 : i32
          %mul3A_413 = vector.broadcast %mul3A_412 : i32 to vector<16xi32>
          %mul3A_414 = arith.muli %get3A_409, %mul3A_413 : vector<16xi32>
          %add3A_415 = arith.addi %mul3A_414, %shift_right_logical3A_401 : vector<16xi32>
          %get3A_416 = arith.constant 0 : i32
          %get3A_417 = arith.index_cast %get3A_416 : i32 to index
          %get3A_418 = memref.load %arg12[%get3A_417] : memref<1xi32, #tpu.memory_space<smem>>
          %sub3A_419 = arith.subi %masked_cumsum3A, %convert_element_type3A : vector<16xi32>
          %add3A_420 = vector.broadcast %get3A_418 : i32 to vector<16xi32>
          %add3A_421 = arith.addi %add3A_420, %sub3A_419 : vector<16xi32>
          tpu.vector_store_idx %arg7[%add3A_421], %add3A_415 masked %eq3A_407 : memref<10016xi32, #tpu.memory_space<vmem>>[vector<16xi32>], vector<16xi32>, vector<16xi1>
          %slice3A_422 = vector.extract_strided_slice %masked_cumsum3A {offsets = [15], sizes = [1], strides = [1]} : vector<16xi32> to vector<1xi32>
          %squeeze3A_423 = vector.extract %slice3A_422[0] : i32 from vector<1xi32>
          %add3A_424 = arith.addi %get3A_418, %squeeze3A_423 : i32
          %swap3A_425 = arith.constant 0 : i32
          %swap3A_426 = arith.index_cast %swap3A_425 : i32 to index
          %swap3A_427 = memref.load %arg12[%swap3A_426] : memref<1xi32, #tpu.memory_space<smem>>
          memref.store %add3A_424, %arg12[%swap3A_426] : memref<1xi32, #tpu.memory_space<smem>>
        }
        %all_reduce_population_count3A_318 = tpu.all_reduce %eq3A_172 {dim = 0 : i64, kind = #tpu.reduction_kind<sum>} : vector<16xi1> -> vector<16xi32>
        %slice3A_319 = vector.extract_strided_slice %all_reduce_population_count3A_318 {offsets = [0], sizes = [1], strides = [1]} : vector<16xi32> to vector<1xi32>
        %squeeze3A_320 = vector.extract %slice3A_319[0] : i32 from vector<1xi32>
        %add3A_321 = arith.constant 64 : i32
        %add3A_322 = arith.addi %mul3A_97, %add3A_321 : i32
        %add3A_323 = arith.constant 15 : i32
        %add3A_324 = arith.addi %squeeze3A_320, %add3A_323 : i32
        %shift_right_arithmetic3A_325 = arith.constant 4 : i32
        %shift_right_arithmetic3A_326 = arith.shrsi %add3A_324, %shift_right_arithmetic3A_325 : i32
        %while3A_327 = arith.constant 0 : i32
        %while3A_328 = arith.constant 0 : i32
        %while3A_329 = arith.subi %shift_right_arithmetic3A_326, %while3A_328 : i32
        %while3A_330 = arith.addi %while3A_328, %while3A_329 : i32
        %while3A_331 = arith.constant 1 : i32
        %while3A_332 = arith.divsi %while3A_329, %while3A_331 : i32
        %while3A_333 = arith.muli %while3A_332, %while3A_331 : i32
        %while3A_334 = arith.addi %while3A_328, %while3A_333 : i32
        %while3A_335 = arith.constant 1 : i32
        scf.for %while3A_394 = %while3A_328 to %while3A_334 step %while3A_335  : i32 {
          %get3A_395 = arith.index_cast %add3A_322 : i32 to index
          %get3A_396 = tpu.vector_load %arg6[%get3A_395] {strides = array<i32>} : memref<10000xi32, #tpu.memory_space<vmem>>, vector<16xi32>,
          %mul3A_397 = vector.broadcast %scan3A_32 : i32 to vector<16xi32>
          %mul3A_398 = arith.muli %get3A_396, %mul3A_397 : vector<16xi32>
          %shift_right_logical3A_399 = arith.constant 26 : i32
          %shift_right_logical3A_400 = vector.broadcast %shift_right_logical3A_399 : i32 to vector<16xi32>
          %shift_right_logical3A_401 = arith.shrui %mul3A_398, %shift_right_logical3A_400 : vector<16xi32>
          %mul3A_402 = vector.broadcast %scan3A_33 : i32 to vector<16xi32>
          %mul3A_403 = arith.muli %shift_right_logical3A_401, %mul3A_402 : vector<16xi32>
          %sub3A_404 = arith.subi %get3A_396, %mul3A_403 : vector<16xi32>
          %eq3A_405 = arith.constant 0 : i32
          %eq3A_406 = vector.broadcast %eq3A_405 : i32 to vector<16xi32>
          %eq3A_407 = arith.cmpi eq, %sub3A_404, %eq3A_406 : vector<16xi32>
          %get3A_408 = arith.index_cast %add3A_322 : i32 to index
          %get3A_409 = tpu.vector_load %arg5[%get3A_408] {strides = array<i32>} : memref<10000xi32, #tpu.memory_space<vmem>>, vector<16xi32>,
          %convert_element_type3A = arith.extui %eq3A_407 : vector<16xi1> to vector<16xi32>
          %broadcast_in_dim3A_410 = arith.constant true
          %broadcast_in_dim3A_411 = vector.broadcast %broadcast_in_dim3A_410 : i1 to vector<16xi1>
          %masked_cumsum3A = tpu.scan <sum>, %convert_element_type3A masked %broadcast_in_dim3A_411 : vector<16xi32>, vector<16xi1> -> vector<16xi32>
          %mul3A_412 = arith.constant 16 : i32
          %mul3A_413 = vector.broadcast %mul3A_412 : i32 to vector<16xi32>
          %mul3A_414 = arith.muli %get3A_409, %mul3A_413 : vector<16xi32>
          %add3A_415 = arith.addi %mul3A_414, %shift_right_logical3A_401 : vector<16xi32>
          %get3A_416 = arith.constant 0 : i32
          %get3A_417 = arith.index_cast %get3A_416 : i32 to index
          %get3A_418 = memref.load %arg12[%get3A_417] : memref<1xi32, #tpu.memory_space<smem>>
          %sub3A_419 = arith.subi %masked_cumsum3A, %convert_element_type3A : vector<16xi32>
          %add3A_420 = vector.broadcast %get3A_418 : i32 to vector<16xi32>
          %add3A_421 = arith.addi %add3A_420, %sub3A_419 : vector<16xi32>
          tpu.vector_store_idx %arg7[%add3A_421], %add3A_415 masked %eq3A_407 : memref<10016xi32, #tpu.memory_space<vmem>>[vector<16xi32>], vector<16xi32>, vector<16xi1>
          %slice3A_422 = vector.extract_strided_slice %masked_cumsum3A {offsets = [15], sizes = [1], strides = [1]} : vector<16xi32> to vector<1xi32>
          %squeeze3A_423 = vector.extract %slice3A_422[0] : i32 from vector<1xi32>
          %add3A_424 = arith.addi %get3A_418, %squeeze3A_423 : i32
          %swap3A_425 = arith.constant 0 : i32
          %swap3A_426 = arith.index_cast %swap3A_425 : i32 to index
          %swap3A_427 = memref.load %arg12[%swap3A_426] : memref<1xi32, #tpu.memory_space<smem>>
          memref.store %add3A_424, %arg12[%swap3A_426] : memref<1xi32, #tpu.memory_space<smem>>
        }
        %while3A_336 = arith.constant 1 : i32
        scf.for %while3A_394 = %while3A_334 to %while3A_330 step %while3A_336  : i32 {
          %get3A_395 = arith.index_cast %add3A_322 : i32 to index
          %get3A_396 = tpu.vector_load %arg6[%get3A_395] {strides = array<i32>} : memref<10000xi32, #tpu.memory_space<vmem>>, vector<16xi32>,
          %mul3A_397 = vector.broadcast %scan3A_32 : i32 to vector<16xi32>
          %mul3A_398 = arith.muli %get3A_396, %mul3A_397 : vector<16xi32>
          %shift_right_logical3A_399 = arith.constant 26 : i32
          %shift_right_logical3A_400 = vector.broadcast %shift_right_logical3A_399 : i32 to vector<16xi32>
          %shift_right_logical3A_401 = arith.shrui %mul3A_398, %shift_right_logical3A_400 : vector<16xi32>
          %mul3A_402 = vector.broadcast %scan3A_33 : i32 to vector<16xi32>
          %mul3A_403 = arith.muli %shift_right_logical3A_401, %mul3A_402 : vector<16xi32>
          %sub3A_404 = arith.subi %get3A_396, %mul3A_403 : vector<16xi32>
          %eq3A_405 = arith.constant 0 : i32
          %eq3A_406 = vector.broadcast %eq3A_405 : i32 to vector<16xi32>
          %eq3A_407 = arith.cmpi eq, %sub3A_404, %eq3A_406 : vector<16xi32>
          %get3A_408 = arith.index_cast %add3A_322 : i32 to index
          %get3A_409 = tpu.vector_load %arg5[%get3A_408] {strides = array<i32>} : memref<10000xi32, #tpu.memory_space<vmem>>, vector<16xi32>,
          %convert_element_type3A = arith.extui %eq3A_407 : vector<16xi1> to vector<16xi32>
          %broadcast_in_dim3A_410 = arith.constant true
          %broadcast_in_dim3A_411 = vector.broadcast %broadcast_in_dim3A_410 : i1 to vector<16xi1>
          %masked_cumsum3A = tpu.scan <sum>, %convert_element_type3A masked %broadcast_in_dim3A_411 : vector<16xi32>, vector<16xi1> -> vector<16xi32>
          %mul3A_412 = arith.constant 16 : i32
          %mul3A_413 = vector.broadcast %mul3A_412 : i32 to vector<16xi32>
          %mul3A_414 = arith.muli %get3A_409, %mul3A_413 : vector<16xi32>
          %add3A_415 = arith.addi %mul3A_414, %shift_right_logical3A_401 : vector<16xi32>
          %get3A_416 = arith.constant 0 : i32
          %get3A_417 = arith.index_cast %get3A_416 : i32 to index
          %get3A_418 = memref.load %arg12[%get3A_417] : memref<1xi32, #tpu.memory_space<smem>>
          %sub3A_419 = arith.subi %masked_cumsum3A, %convert_element_type3A : vector<16xi32>
          %add3A_420 = vector.broadcast %get3A_418 : i32 to vector<16xi32>
          %add3A_421 = arith.addi %add3A_420, %sub3A_419 : vector<16xi32>
          tpu.vector_store_idx %arg7[%add3A_421], %add3A_415 masked %eq3A_407 : memref<10016xi32, #tpu.memory_space<vmem>>[vector<16xi32>], vector<16xi32>, vector<16xi1>
          %slice3A_422 = vector.extract_strided_slice %masked_cumsum3A {offsets = [15], sizes = [1], strides = [1]} : vector<16xi32> to vector<1xi32>
          %squeeze3A_423 = vector.extract %slice3A_422[0] : i32 from vector<1xi32>
          %add3A_424 = arith.addi %get3A_418, %squeeze3A_423 : i32
          %swap3A_425 = arith.constant 0 : i32
          %swap3A_426 = arith.index_cast %swap3A_425 : i32 to index
          %swap3A_427 = memref.load %arg12[%swap3A_426] : memref<1xi32, #tpu.memory_space<smem>>
          memref.store %add3A_424, %arg12[%swap3A_426] : memref<1xi32, #tpu.memory_space<smem>>
        }
        %all_reduce_population_count3A_337 = tpu.all_reduce %eq3A_187 {dim = 0 : i64, kind = #tpu.reduction_kind<sum>} : vector<16xi1> -> vector<16xi32>
        %slice3A_338 = vector.extract_strided_slice %all_reduce_population_count3A_337 {offsets = [0], sizes = [1], strides = [1]} : vector<16xi32> to vector<1xi32>
        %squeeze3A_339 = vector.extract %slice3A_338[0] : i32 from vector<1xi32>
        %add3A_340 = arith.constant 80 : i32
        %add3A_341 = arith.addi %mul3A_97, %add3A_340 : i32
        %add3A_342 = arith.constant 15 : i32
        %add3A_343 = arith.addi %squeeze3A_339, %add3A_342 : i32
        %shift_right_arithmetic3A_344 = arith.constant 4 : i32
        %shift_right_arithmetic3A_345 = arith.shrsi %add3A_343, %shift_right_arithmetic3A_344 : i32
        %while3A_346 = arith.constant 0 : i32
        %while3A_347 = arith.constant 0 : i32
        %while3A_348 = arith.subi %shift_right_arithmetic3A_345, %while3A_347 : i32
        %while3A_349 = arith.addi %while3A_347, %while3A_348 : i32
        %while3A_350 = arith.constant 1 : i32
        %while3A_351 = arith.divsi %while3A_348, %while3A_350 : i32
        %while3A_352 = arith.muli %while3A_351, %while3A_350 : i32
        %while3A_353 = arith.addi %while3A_347, %while3A_352 : i32
        %while3A_354 = arith.constant 1 : i32
        scf.for %while3A_394 = %while3A_347 to %while3A_353 step %while3A_354  : i32 {
          %get3A_395 = arith.index_cast %add3A_341 : i32 to index
          %get3A_396 = tpu.vector_load %arg6[%get3A_395] {strides = array<i32>} : memref<10000xi32, #tpu.memory_space<vmem>>, vector<16xi32>,
          %mul3A_397 = vector.broadcast %scan3A_32 : i32 to vector<16xi32>
          %mul3A_398 = arith.muli %get3A_396, %mul3A_397 : vector<16xi32>
          %shift_right_logical3A_399 = arith.constant 26 : i32
          %shift_right_logical3A_400 = vector.broadcast %shift_right_logical3A_399 : i32 to vector<16xi32>
          %shift_right_logical3A_401 = arith.shrui %mul3A_398, %shift_right_logical3A_400 : vector<16xi32>
          %mul3A_402 = vector.broadcast %scan3A_33 : i32 to vector<16xi32>
          %mul3A_403 = arith.muli %shift_right_logical3A_401, %mul3A_402 : vector<16xi32>
          %sub3A_404 = arith.subi %get3A_396, %mul3A_403 : vector<16xi32>
          %eq3A_405 = arith.constant 0 : i32
          %eq3A_406 = vector.broadcast %eq3A_405 : i32 to vector<16xi32>
          %eq3A_407 = arith.cmpi eq, %sub3A_404, %eq3A_406 : vector<16xi32>
          %get3A_408 = arith.index_cast %add3A_341 : i32 to index
          %get3A_409 = tpu.vector_load %arg5[%get3A_408] {strides = array<i32>} : memref<10000xi32, #tpu.memory_space<vmem>>, vector<16xi32>,
          %convert_element_type3A = arith.extui %eq3A_407 : vector<16xi1> to vector<16xi32>
          %broadcast_in_dim3A_410 = arith.constant true
          %broadcast_in_dim3A_411 = vector.broadcast %broadcast_in_dim3A_410 : i1 to vector<16xi1>
          %masked_cumsum3A = tpu.scan <sum>, %convert_element_type3A masked %broadcast_in_dim3A_411 : vector<16xi32>, vector<16xi1> -> vector<16xi32>
          %mul3A_412 = arith.constant 16 : i32
          %mul3A_413 = vector.broadcast %mul3A_412 : i32 to vector<16xi32>
          %mul3A_414 = arith.muli %get3A_409, %mul3A_413 : vector<16xi32>
          %add3A_415 = arith.addi %mul3A_414, %shift_right_logical3A_401 : vector<16xi32>
          %get3A_416 = arith.constant 0 : i32
          %get3A_417 = arith.index_cast %get3A_416 : i32 to index
          %get3A_418 = memref.load %arg12[%get3A_417] : memref<1xi32, #tpu.memory_space<smem>>
          %sub3A_419 = arith.subi %masked_cumsum3A, %convert_element_type3A : vector<16xi32>
          %add3A_420 = vector.broadcast %get3A_418 : i32 to vector<16xi32>
          %add3A_421 = arith.addi %add3A_420, %sub3A_419 : vector<16xi32>
          tpu.vector_store_idx %arg7[%add3A_421], %add3A_415 masked %eq3A_407 : memref<10016xi32, #tpu.memory_space<vmem>>[vector<16xi32>], vector<16xi32>, vector<16xi1>
          %slice3A_422 = vector.extract_strided_slice %masked_cumsum3A {offsets = [15], sizes = [1], strides = [1]} : vector<16xi32> to vector<1xi32>
          %squeeze3A_423 = vector.extract %slice3A_422[0] : i32 from vector<1xi32>
          %add3A_424 = arith.addi %get3A_418, %squeeze3A_423 : i32
          %swap3A_425 = arith.constant 0 : i32
          %swap3A_426 = arith.index_cast %swap3A_425 : i32 to index
          %swap3A_427 = memref.load %arg12[%swap3A_426] : memref<1xi32, #tpu.memory_space<smem>>
          memref.store %add3A_424, %arg12[%swap3A_426] : memref<1xi32, #tpu.memory_space<smem>>
        }
        %while3A_355 = arith.constant 1 : i32
        scf.for %while3A_394 = %while3A_353 to %while3A_349 step %while3A_355  : i32 {
          %get3A_395 = arith.index_cast %add3A_341 : i32 to index
          %get3A_396 = tpu.vector_load %arg6[%get3A_395] {strides = array<i32>} : memref<10000xi32, #tpu.memory_space<vmem>>, vector<16xi32>,
          %mul3A_397 = vector.broadcast %scan3A_32 : i32 to vector<16xi32>
          %mul3A_398 = arith.muli %get3A_396, %mul3A_397 : vector<16xi32>
          %shift_right_logical3A_399 = arith.constant 26 : i32
          %shift_right_logical3A_400 = vector.broadcast %shift_right_logical3A_399 : i32 to vector<16xi32>
          %shift_right_logical3A_401 = arith.shrui %mul3A_398, %shift_right_logical3A_400 : vector<16xi32>
          %mul3A_402 = vector.broadcast %scan3A_33 : i32 to vector<16xi32>
          %mul3A_403 = arith.muli %shift_right_logical3A_401, %mul3A_402 : vector<16xi32>
          %sub3A_404 = arith.subi %get3A_396, %mul3A_403 : vector<16xi32>
          %eq3A_405 = arith.constant 0 : i32
          %eq3A_406 = vector.broadcast %eq3A_405 : i32 to vector<16xi32>
          %eq3A_407 = arith.cmpi eq, %sub3A_404, %eq3A_406 : vector<16xi32>
          %get3A_408 = arith.index_cast %add3A_341 : i32 to index
          %get3A_409 = tpu.vector_load %arg5[%get3A_408] {strides = array<i32>} : memref<10000xi32, #tpu.memory_space<vmem>>, vector<16xi32>,
          %convert_element_type3A = arith.extui %eq3A_407 : vector<16xi1> to vector<16xi32>
          %broadcast_in_dim3A_410 = arith.constant true
          %broadcast_in_dim3A_411 = vector.broadcast %broadcast_in_dim3A_410 : i1 to vector<16xi1>
          %masked_cumsum3A = tpu.scan <sum>, %convert_element_type3A masked %broadcast_in_dim3A_411 : vector<16xi32>, vector<16xi1> -> vector<16xi32>
          %mul3A_412 = arith.constant 16 : i32
          %mul3A_413 = vector.broadcast %mul3A_412 : i32 to vector<16xi32>
          %mul3A_414 = arith.muli %get3A_409, %mul3A_413 : vector<16xi32>
          %add3A_415 = arith.addi %mul3A_414, %shift_right_logical3A_401 : vector<16xi32>
          %get3A_416 = arith.constant 0 : i32
          %get3A_417 = arith.index_cast %get3A_416 : i32 to index
          %get3A_418 = memref.load %arg12[%get3A_417] : memref<1xi32, #tpu.memory_space<smem>>
          %sub3A_419 = arith.subi %masked_cumsum3A, %convert_element_type3A : vector<16xi32>
          %add3A_420 = vector.broadcast %get3A_418 : i32 to vector<16xi32>
          %add3A_421 = arith.addi %add3A_420, %sub3A_419 : vector<16xi32>
          tpu.vector_store_idx %arg7[%add3A_421], %add3A_415 masked %eq3A_407 : memref<10016xi32, #tpu.memory_space<vmem>>[vector<16xi32>], vector<16xi32>, vector<16xi1>
          %slice3A_422 = vector.extract_strided_slice %masked_cumsum3A {offsets = [15], sizes = [1], strides = [1]} : vector<16xi32> to vector<1xi32>
          %squeeze3A_423 = vector.extract %slice3A_422[0] : i32 from vector<1xi32>
          %add3A_424 = arith.addi %get3A_418, %squeeze3A_423 : i32
          %swap3A_425 = arith.constant 0 : i32
          %swap3A_426 = arith.index_cast %swap3A_425 : i32 to index
          %swap3A_427 = memref.load %arg12[%swap3A_426] : memref<1xi32, #tpu.memory_space<smem>>
          memref.store %add3A_424, %arg12[%swap3A_426] : memref<1xi32, #tpu.memory_space<smem>>
        }
        %all_reduce_population_count3A_356 = tpu.all_reduce %eq3A_202 {dim = 0 : i64, kind = #tpu.reduction_kind<sum>} : vector<16xi1> -> vector<16xi32>
        %slice3A_357 = vector.extract_strided_slice %all_reduce_population_count3A_356 {offsets = [0], sizes = [1], strides = [1]} : vector<16xi32> to vector<1xi32>
        %squeeze3A_358 = vector.extract %slice3A_357[0] : i32 from vector<1xi32>
        %add3A_359 = arith.constant 96 : i32
        %add3A_360 = arith.addi %mul3A_97, %add3A_359 : i32
        %add3A_361 = arith.constant 15 : i32
        %add3A_362 = arith.addi %squeeze3A_358, %add3A_361 : i32
        %shift_right_arithmetic3A_363 = arith.constant 4 : i32
        %shift_right_arithmetic3A_364 = arith.shrsi %add3A_362, %shift_right_arithmetic3A_363 : i32
        %while3A_365 = arith.constant 0 : i32
        %while3A_366 = arith.constant 0 : i32
        %while3A_367 = arith.subi %shift_right_arithmetic3A_364, %while3A_366 : i32
        %while3A_368 = arith.addi %while3A_366, %while3A_367 : i32
        %while3A_369 = arith.constant 1 : i32
        %while3A_370 = arith.divsi %while3A_367, %while3A_369 : i32
        %while3A_371 = arith.muli %while3A_370, %while3A_369 : i32
        %while3A_372 = arith.addi %while3A_366, %while3A_371 : i32
        %while3A_373 = arith.constant 1 : i32
        scf.for %while3A_394 = %while3A_366 to %while3A_372 step %while3A_373  : i32 {
          %get3A_395 = arith.index_cast %add3A_360 : i32 to index
          %get3A_396 = tpu.vector_load %arg6[%get3A_395] {strides = array<i32>} : memref<10000xi32, #tpu.memory_space<vmem>>, vector<16xi32>,
          %mul3A_397 = vector.broadcast %scan3A_32 : i32 to vector<16xi32>
          %mul3A_398 = arith.muli %get3A_396, %mul3A_397 : vector<16xi32>
          %shift_right_logical3A_399 = arith.constant 26 : i32
          %shift_right_logical3A_400 = vector.broadcast %shift_right_logical3A_399 : i32 to vector<16xi32>
          %shift_right_logical3A_401 = arith.shrui %mul3A_398, %shift_right_logical3A_400 : vector<16xi32>
          %mul3A_402 = vector.broadcast %scan3A_33 : i32 to vector<16xi32>
          %mul3A_403 = arith.muli %shift_right_logical3A_401, %mul3A_402 : vector<16xi32>
          %sub3A_404 = arith.subi %get3A_396, %mul3A_403 : vector<16xi32>
          %eq3A_405 = arith.constant 0 : i32
          %eq3A_406 = vector.broadcast %eq3A_405 : i32 to vector<16xi32>
          %eq3A_407 = arith.cmpi eq, %sub3A_404, %eq3A_406 : vector<16xi32>
          %get3A_408 = arith.index_cast %add3A_360 : i32 to index
          %get3A_409 = tpu.vector_load %arg5[%get3A_408] {strides = array<i32>} : memref<10000xi32, #tpu.memory_space<vmem>>, vector<16xi32>,
          %convert_element_type3A = arith.extui %eq3A_407 : vector<16xi1> to vector<16xi32>
          %broadcast_in_dim3A_410 = arith.constant true
          %broadcast_in_dim3A_411 = vector.broadcast %broadcast_in_dim3A_410 : i1 to vector<16xi1>
          %masked_cumsum3A = tpu.scan <sum>, %convert_element_type3A masked %broadcast_in_dim3A_411 : vector<16xi32>, vector<16xi1> -> vector<16xi32>
          %mul3A_412 = arith.constant 16 : i32
          %mul3A_413 = vector.broadcast %mul3A_412 : i32 to vector<16xi32>
          %mul3A_414 = arith.muli %get3A_409, %mul3A_413 : vector<16xi32>
          %add3A_415 = arith.addi %mul3A_414, %shift_right_logical3A_401 : vector<16xi32>
          %get3A_416 = arith.constant 0 : i32
          %get3A_417 = arith.index_cast %get3A_416 : i32 to index
          %get3A_418 = memref.load %arg12[%get3A_417] : memref<1xi32, #tpu.memory_space<smem>>
          %sub3A_419 = arith.subi %masked_cumsum3A, %convert_element_type3A : vector<16xi32>
          %add3A_420 = vector.broadcast %get3A_418 : i32 to vector<16xi32>
          %add3A_421 = arith.addi %add3A_420, %sub3A_419 : vector<16xi32>
          tpu.vector_store_idx %arg7[%add3A_421], %add3A_415 masked %eq3A_407 : memref<10016xi32, #tpu.memory_space<vmem>>[vector<16xi32>], vector<16xi32>, vector<16xi1>
          %slice3A_422 = vector.extract_strided_slice %masked_cumsum3A {offsets = [15], sizes = [1], strides = [1]} : vector<16xi32> to vector<1xi32>
          %squeeze3A_423 = vector.extract %slice3A_422[0] : i32 from vector<1xi32>
          %add3A_424 = arith.addi %get3A_418, %squeeze3A_423 : i32
          %swap3A_425 = arith.constant 0 : i32
          %swap3A_426 = arith.index_cast %swap3A_425 : i32 to index
          %swap3A_427 = memref.load %arg12[%swap3A_426] : memref<1xi32, #tpu.memory_space<smem>>
          memref.store %add3A_424, %arg12[%swap3A_426] : memref<1xi32, #tpu.memory_space<smem>>
        }
        %while3A_374 = arith.constant 1 : i32
        scf.for %while3A_394 = %while3A_372 to %while3A_368 step %while3A_374  : i32 {
          %get3A_395 = arith.index_cast %add3A_360 : i32 to index
          %get3A_396 = tpu.vector_load %arg6[%get3A_395] {strides = array<i32>} : memref<10000xi32, #tpu.memory_space<vmem>>, vector<16xi32>,
          %mul3A_397 = vector.broadcast %scan3A_32 : i32 to vector<16xi32>
          %mul3A_398 = arith.muli %get3A_396, %mul3A_397 : vector<16xi32>
          %shift_right_logical3A_399 = arith.constant 26 : i32
          %shift_right_logical3A_400 = vector.broadcast %shift_right_logical3A_399 : i32 to vector<16xi32>
          %shift_right_logical3A_401 = arith.shrui %mul3A_398, %shift_right_logical3A_400 : vector<16xi32>
          %mul3A_402 = vector.broadcast %scan3A_33 : i32 to vector<16xi32>
          %mul3A_403 = arith.muli %shift_right_logical3A_401, %mul3A_402 : vector<16xi32>
          %sub3A_404 = arith.subi %get3A_396, %mul3A_403 : vector<16xi32>
          %eq3A_405 = arith.constant 0 : i32
          %eq3A_406 = vector.broadcast %eq3A_405 : i32 to vector<16xi32>
          %eq3A_407 = arith.cmpi eq, %sub3A_404, %eq3A_406 : vector<16xi32>
          %get3A_408 = arith.index_cast %add3A_360 : i32 to index
          %get3A_409 = tpu.vector_load %arg5[%get3A_408] {strides = array<i32>} : memref<10000xi32, #tpu.memory_space<vmem>>, vector<16xi32>,
          %convert_element_type3A = arith.extui %eq3A_407 : vector<16xi1> to vector<16xi32>
          %broadcast_in_dim3A_410 = arith.constant true
          %broadcast_in_dim3A_411 = vector.broadcast %broadcast_in_dim3A_410 : i1 to vector<16xi1>
          %masked_cumsum3A = tpu.scan <sum>, %convert_element_type3A masked %broadcast_in_dim3A_411 : vector<16xi32>, vector<16xi1> -> vector<16xi32>
          %mul3A_412 = arith.constant 16 : i32
          %mul3A_413 = vector.broadcast %mul3A_412 : i32 to vector<16xi32>
          %mul3A_414 = arith.muli %get3A_409, %mul3A_413 : vector<16xi32>
          %add3A_415 = arith.addi %mul3A_414, %shift_right_logical3A_401 : vector<16xi32>
          %get3A_416 = arith.constant 0 : i32
          %get3A_417 = arith.index_cast %get3A_416 : i32 to index
          %get3A_418 = memref.load %arg12[%get3A_417] : memref<1xi32, #tpu.memory_space<smem>>
          %sub3A_419 = arith.subi %masked_cumsum3A, %convert_element_type3A : vector<16xi32>
          %add3A_420 = vector.broadcast %get3A_418 : i32 to vector<16xi32>
          %add3A_421 = arith.addi %add3A_420, %sub3A_419 : vector<16xi32>
          tpu.vector_store_idx %arg7[%add3A_421], %add3A_415 masked %eq3A_407 : memref<10016xi32, #tpu.memory_space<vmem>>[vector<16xi32>], vector<16xi32>, vector<16xi1>
          %slice3A_422 = vector.extract_strided_slice %masked_cumsum3A {offsets = [15], sizes = [1], strides = [1]} : vector<16xi32> to vector<1xi32>
          %squeeze3A_423 = vector.extract %slice3A_422[0] : i32 from vector<1xi32>
          %add3A_424 = arith.addi %get3A_418, %squeeze3A_423 : i32
          %swap3A_425 = arith.constant 0 : i32
          %swap3A_426 = arith.index_cast %swap3A_425 : i32 to index
          %swap3A_427 = memref.load %arg12[%swap3A_426] : memref<1xi32, #tpu.memory_space<smem>>
          memref.store %add3A_424, %arg12[%swap3A_426] : memref<1xi32, #tpu.memory_space<smem>>
        }
        %all_reduce_population_count3A_375 = tpu.all_reduce %eq3A_217 {dim = 0 : i64, kind = #tpu.reduction_kind<sum>} : vector<16xi1> -> vector<16xi32>
        %slice3A_376 = vector.extract_strided_slice %all_reduce_population_count3A_375 {offsets = [0], sizes = [1], strides = [1]} : vector<16xi32> to vector<1xi32>
        %squeeze3A_377 = vector.extract %slice3A_376[0] : i32 from vector<1xi32>
        %add3A_378 = arith.constant 112 : i32
        %add3A_379 = arith.addi %mul3A_97, %add3A_378 : i32
        %add3A_380 = arith.constant 15 : i32
        %add3A_381 = arith.addi %squeeze3A_377, %add3A_380 : i32
        %shift_right_arithmetic3A_382 = arith.constant 4 : i32
        %shift_right_arithmetic3A_383 = arith.shrsi %add3A_381, %shift_right_arithmetic3A_382 : i32
        %while3A_384 = arith.constant 0 : i32
        %while3A_385 = arith.constant 0 : i32
        %while3A_386 = arith.subi %shift_right_arithmetic3A_383, %while3A_385 : i32
        %while3A_387 = arith.addi %while3A_385, %while3A_386 : i32
        %while3A_388 = arith.constant 1 : i32
        %while3A_389 = arith.divsi %while3A_386, %while3A_388 : i32
        %while3A_390 = arith.muli %while3A_389, %while3A_388 : i32
        %while3A_391 = arith.addi %while3A_385, %while3A_390 : i32
        %while3A_392 = arith.constant 1 : i32
        scf.for %while3A_394 = %while3A_385 to %while3A_391 step %while3A_392  : i32 {
          %get3A_395 = arith.index_cast %add3A_379 : i32 to index
          %get3A_396 = tpu.vector_load %arg6[%get3A_395] {strides = array<i32>} : memref<10000xi32, #tpu.memory_space<vmem>>, vector<16xi32>,
          %mul3A_397 = vector.broadcast %scan3A_32 : i32 to vector<16xi32>
          %mul3A_398 = arith.muli %get3A_396, %mul3A_397 : vector<16xi32>
          %shift_right_logical3A_399 = arith.constant 26 : i32
          %shift_right_logical3A_400 = vector.broadcast %shift_right_logical3A_399 : i32 to vector<16xi32>
          %shift_right_logical3A_401 = arith.shrui %mul3A_398, %shift_right_logical3A_400 : vector<16xi32>
          %mul3A_402 = vector.broadcast %scan3A_33 : i32 to vector<16xi32>
          %mul3A_403 = arith.muli %shift_right_logical3A_401, %mul3A_402 : vector<16xi32>
          %sub3A_404 = arith.subi %get3A_396, %mul3A_403 : vector<16xi32>
          %eq3A_405 = arith.constant 0 : i32
          %eq3A_406 = vector.broadcast %eq3A_405 : i32 to vector<16xi32>
          %eq3A_407 = arith.cmpi eq, %sub3A_404, %eq3A_406 : vector<16xi32>
          %get3A_408 = arith.index_cast %add3A_379 : i32 to index
          %get3A_409 = tpu.vector_load %arg5[%get3A_408] {strides = array<i32>} : memref<10000xi32, #tpu.memory_space<vmem>>, vector<16xi32>,
          %convert_element_type3A = arith.extui %eq3A_407 : vector<16xi1> to vector<16xi32>
          %broadcast_in_dim3A_410 = arith.constant true
          %broadcast_in_dim3A_411 = vector.broadcast %broadcast_in_dim3A_410 : i1 to vector<16xi1>
          %masked_cumsum3A = tpu.scan <sum>, %convert_element_type3A masked %broadcast_in_dim3A_411 : vector<16xi32>, vector<16xi1> -> vector<16xi32>
          %mul3A_412 = arith.constant 16 : i32
          %mul3A_413 = vector.broadcast %mul3A_412 : i32 to vector<16xi32>
          %mul3A_414 = arith.muli %get3A_409, %mul3A_413 : vector<16xi32>
          %add3A_415 = arith.addi %mul3A_414, %shift_right_logical3A_401 : vector<16xi32>
          %get3A_416 = arith.constant 0 : i32
          %get3A_417 = arith.index_cast %get3A_416 : i32 to index
          %get3A_418 = memref.load %arg12[%get3A_417] : memref<1xi32, #tpu.memory_space<smem>>
          %sub3A_419 = arith.subi %masked_cumsum3A, %convert_element_type3A : vector<16xi32>
          %add3A_420 = vector.broadcast %get3A_418 : i32 to vector<16xi32>
          %add3A_421 = arith.addi %add3A_420, %sub3A_419 : vector<16xi32>
          tpu.vector_store_idx %arg7[%add3A_421], %add3A_415 masked %eq3A_407 : memref<10016xi32, #tpu.memory_space<vmem>>[vector<16xi32>], vector<16xi32>, vector<16xi1>
          %slice3A_422 = vector.extract_strided_slice %masked_cumsum3A {offsets = [15], sizes = [1], strides = [1]} : vector<16xi32> to vector<1xi32>
          %squeeze3A_423 = vector.extract %slice3A_422[0] : i32 from vector<1xi32>
          %add3A_424 = arith.addi %get3A_418, %squeeze3A_423 : i32
          %swap3A_425 = arith.constant 0 : i32
          %swap3A_426 = arith.index_cast %swap3A_425 : i32 to index
          %swap3A_427 = memref.load %arg12[%swap3A_426] : memref<1xi32, #tpu.memory_space<smem>>
          memref.store %add3A_424, %arg12[%swap3A_426] : memref<1xi32, #tpu.memory_space<smem>>
        }
        %while3A_393 = arith.constant 1 : i32
        scf.for %while3A_394 = %while3A_391 to %while3A_387 step %while3A_393  : i32 {
          %get3A_395 = arith.index_cast %add3A_379 : i32 to index
          %get3A_396 = tpu.vector_load %arg6[%get3A_395] {strides = array<i32>} : memref<10000xi32, #tpu.memory_space<vmem>>, vector<16xi32>,
          %mul3A_397 = vector.broadcast %scan3A_32 : i32 to vector<16xi32>
          %mul3A_398 = arith.muli %get3A_396, %mul3A_397 : vector<16xi32>
          %shift_right_logical3A_399 = arith.constant 26 : i32
          %shift_right_logical3A_400 = vector.broadcast %shift_right_logical3A_399 : i32 to vector<16xi32>
          %shift_right_logical3A_401 = arith.shrui %mul3A_398, %shift_right_logical3A_400 : vector<16xi32>
          %mul3A_402 = vector.broadcast %scan3A_33 : i32 to vector<16xi32>
          %mul3A_403 = arith.muli %shift_right_logical3A_401, %mul3A_402 : vector<16xi32>
          %sub3A_404 = arith.subi %get3A_396, %mul3A_403 : vector<16xi32>
          %eq3A_405 = arith.constant 0 : i32
          %eq3A_406 = vector.broadcast %eq3A_405 : i32 to vector<16xi32>
          %eq3A_407 = arith.cmpi eq, %sub3A_404, %eq3A_406 : vector<16xi32>
          %get3A_408 = arith.index_cast %add3A_379 : i32 to index
          %get3A_409 = tpu.vector_load %arg5[%get3A_408] {strides = array<i32>} : memref<10000xi32, #tpu.memory_space<vmem>>, vector<16xi32>,
          %convert_element_type3A = arith.extui %eq3A_407 : vector<16xi1> to vector<16xi32>
          %broadcast_in_dim3A_410 = arith.constant true
          %broadcast_in_dim3A_411 = vector.broadcast %broadcast_in_dim3A_410 : i1 to vector<16xi1>
          %masked_cumsum3A = tpu.scan <sum>, %convert_element_type3A masked %broadcast_in_dim3A_411 : vector<16xi32>, vector<16xi1> -> vector<16xi32>
          %mul3A_412 = arith.constant 16 : i32
          %mul3A_413 = vector.broadcast %mul3A_412 : i32 to vector<16xi32>
          %mul3A_414 = arith.muli %get3A_409, %mul3A_413 : vector<16xi32>
          %add3A_415 = arith.addi %mul3A_414, %shift_right_logical3A_401 : vector<16xi32>
          %get3A_416 = arith.constant 0 : i32
          %get3A_417 = arith.index_cast %get3A_416 : i32 to index
          %get3A_418 = memref.load %arg12[%get3A_417] : memref<1xi32, #tpu.memory_space<smem>>
          %sub3A_419 = arith.subi %masked_cumsum3A, %convert_element_type3A : vector<16xi32>
          %add3A_420 = vector.broadcast %get3A_418 : i32 to vector<16xi32>
          %add3A_421 = arith.addi %add3A_420, %sub3A_419 : vector<16xi32>
          tpu.vector_store_idx %arg7[%add3A_421], %add3A_415 masked %eq3A_407 : memref<10016xi32, #tpu.memory_space<vmem>>[vector<16xi32>], vector<16xi32>, vector<16xi1>
          %slice3A_422 = vector.extract_strided_slice %masked_cumsum3A {offsets = [15], sizes = [1], strides = [1]} : vector<16xi32> to vector<1xi32>
          %squeeze3A_423 = vector.extract %slice3A_422[0] : i32 from vector<1xi32>
          %add3A_424 = arith.addi %get3A_418, %squeeze3A_423 : i32
          %swap3A_425 = arith.constant 0 : i32
          %swap3A_426 = arith.index_cast %swap3A_425 : i32 to index
          %swap3A_427 = memref.load %arg12[%swap3A_426] : memref<1xi32, #tpu.memory_space<smem>>
          memref.store %add3A_424, %arg12[%swap3A_426] : memref<1xi32, #tpu.memory_space<smem>>
        }
      }
    }
    %scan3A_38 = arith.constant 78 : i32
    %get3A = arith.constant 9984 : index
    %get3A_39 = tpu.vector_load %arg6[%get3A] {strides = array<i32>} : memref<10000xi32, #tpu.memory_space<vmem>>, vector<16xi32>,
    %mul3A_40 = arith.constant 100765 : i32
    %mul3A_41 = vector.broadcast %mul3A_40 : i32 to vector<16xi32>
    %mul3A_42 = arith.muli %get3A_39, %mul3A_41 : vector<16xi32>
    %shift_right_logical3A = arith.constant 26 : i32
    %shift_right_logical3A_43 = vector.broadcast %shift_right_logical3A : i32 to vector<16xi32>
    %shift_right_logical3A_44 = arith.shrui %mul3A_42, %shift_right_logical3A_43 : vector<16xi32>
    %mul3A_45 = arith.constant 666 : i32
    %mul3A_46 = vector.broadcast %mul3A_45 : i32 to vector<16xi32>
    %mul3A_47 = arith.muli %shift_right_logical3A_44, %mul3A_46 : vector<16xi32>
    %sub3A = arith.subi %get3A_39, %mul3A_47 : vector<16xi32>
    %eq3A_48 = arith.constant 0 : i32
    %eq3A_49 = vector.broadcast %eq3A_48 : i32 to vector<16xi32>
    %eq3A_50 = arith.cmpi eq, %sub3A, %eq3A_49 : vector<16xi32>
    %all_reduce_population_count3A = tpu.all_reduce %eq3A_50 {dim = 0 : i64, kind = #tpu.reduction_kind<sum>} : vector<16xi1> -> vector<16xi32>
    %slice3A = vector.extract_strided_slice %all_reduce_population_count3A {offsets = [0], sizes = [1], strides = [1]} : vector<16xi32> to vector<1xi32>
    %squeeze3A = vector.extract %slice3A[0] : i32 from vector<1xi32>
    %add3A_51 = arith.constant 15 : i32
    %add3A_52 = arith.addi %squeeze3A, %add3A_51 : i32
    %shift_right_arithmetic3A = arith.constant 4 : i32
    %shift_right_arithmetic3A_53 = arith.shrsi %add3A_52, %shift_right_arithmetic3A : i32
    %while3A_54 = arith.constant 0 : i32
    %while3A_55 = arith.constant 100765 : i32
    %while3A_56 = arith.constant 666 : i32
    %while3A_57 = arith.constant 0 : i32
    %while3A_58 = arith.subi %shift_right_arithmetic3A_53, %while3A_57 : i32
    %while3A_59 = arith.addi %while3A_57, %while3A_58 : i32
    %while3A_60 = arith.constant 1 : i32
    %while3A_61 = arith.divsi %while3A_58, %while3A_60 : i32
    %while3A_62 = arith.muli %while3A_61, %while3A_60 : i32
    %while3A_63 = arith.addi %while3A_57, %while3A_62 : i32
    %while3A_64 = arith.constant 1 : i32
    scf.for %while3A_95 = %while3A_57 to %while3A_63 step %while3A_64  : i32 {
      %get3A_96 = arith.constant 9984 : index
      %get3A_97 = tpu.vector_load %arg6[%get3A_96] {strides = array<i32>} : memref<10000xi32, #tpu.memory_space<vmem>>, vector<16xi32>,
      %mul3A_98 = vector.broadcast %while3A_55 : i32 to vector<16xi32>
      %mul3A_99 = arith.muli %get3A_97, %mul3A_98 : vector<16xi32>
      %shift_right_logical3A_100 = arith.constant 26 : i32
      %shift_right_logical3A_101 = vector.broadcast %shift_right_logical3A_100 : i32 to vector<16xi32>
      %shift_right_logical3A_102 = arith.shrui %mul3A_99, %shift_right_logical3A_101 : vector<16xi32>
      %mul3A_103 = vector.broadcast %while3A_56 : i32 to vector<16xi32>
      %mul3A_104 = arith.muli %shift_right_logical3A_102, %mul3A_103 : vector<16xi32>
      %sub3A_105 = arith.subi %get3A_97, %mul3A_104 : vector<16xi32>
      %eq3A_106 = arith.constant 0 : i32
      %eq3A_107 = vector.broadcast %eq3A_106 : i32 to vector<16xi32>
      %eq3A_108 = arith.cmpi eq, %sub3A_105, %eq3A_107 : vector<16xi32>
      %get3A_109 = arith.constant 9984 : index
      %get3A_110 = tpu.vector_load %arg5[%get3A_109] {strides = array<i32>} : memref<10000xi32, #tpu.memory_space<vmem>>, vector<16xi32>,
      %convert_element_type3A = arith.extui %eq3A_108 : vector<16xi1> to vector<16xi32>
      %broadcast_in_dim3A_111 = arith.constant true
      %broadcast_in_dim3A_112 = vector.broadcast %broadcast_in_dim3A_111 : i1 to vector<16xi1>
      %masked_cumsum3A = tpu.scan <sum>, %convert_element_type3A masked %broadcast_in_dim3A_112 : vector<16xi32>, vector<16xi1> -> vector<16xi32>
      %mul3A_113 = arith.constant 16 : i32
      %mul3A_114 = vector.broadcast %mul3A_113 : i32 to vector<16xi32>
      %mul3A_115 = arith.muli %get3A_110, %mul3A_114 : vector<16xi32>
      %add3A_116 = arith.addi %mul3A_115, %shift_right_logical3A_102 : vector<16xi32>
      %get3A_117 = arith.constant 0 : i32
      %get3A_118 = arith.index_cast %get3A_117 : i32 to index
      %get3A_119 = memref.load %arg12[%get3A_118] : memref<1xi32, #tpu.memory_space<smem>>
      %sub3A_120 = arith.subi %masked_cumsum3A, %convert_element_type3A : vector<16xi32>
      %add3A_121 = vector.broadcast %get3A_119 : i32 to vector<16xi32>
      %add3A_122 = arith.addi %add3A_121, %sub3A_120 : vector<16xi32>
      tpu.vector_store_idx %arg7[%add3A_122], %add3A_116 masked %eq3A_108 : memref<10016xi32, #tpu.memory_space<vmem>>[vector<16xi32>], vector<16xi32>, vector<16xi1>
      %slice3A_123 = vector.extract_strided_slice %masked_cumsum3A {offsets = [15], sizes = [1], strides = [1]} : vector<16xi32> to vector<1xi32>
      %squeeze3A_124 = vector.extract %slice3A_123[0] : i32 from vector<1xi32>
      %add3A_125 = arith.addi %get3A_119, %squeeze3A_124 : i32
      %swap3A_126 = arith.constant 0 : i32
      %swap3A_127 = arith.index_cast %swap3A_126 : i32 to index
      %swap3A_128 = memref.load %arg12[%swap3A_127] : memref<1xi32, #tpu.memory_space<smem>>
      memref.store %add3A_125, %arg12[%swap3A_127] : memref<1xi32, #tpu.memory_space<smem>>
    }
    %while3A_65 = arith.constant 1 : i32
    scf.for %while3A_95 = %while3A_63 to %while3A_59 step %while3A_65  : i32 {
      %get3A_96 = arith.constant 9984 : index
      %get3A_97 = tpu.vector_load %arg6[%get3A_96] {strides = array<i32>} : memref<10000xi32, #tpu.memory_space<vmem>>, vector<16xi32>,
      %mul3A_98 = vector.broadcast %while3A_55 : i32 to vector<16xi32>
      %mul3A_99 = arith.muli %get3A_97, %mul3A_98 : vector<16xi32>
      %shift_right_logical3A_100 = arith.constant 26 : i32
      %shift_right_logical3A_101 = vector.broadcast %shift_right_logical3A_100 : i32 to vector<16xi32>
      %shift_right_logical3A_102 = arith.shrui %mul3A_99, %shift_right_logical3A_101 : vector<16xi32>
      %mul3A_103 = vector.broadcast %while3A_56 : i32 to vector<16xi32>
      %mul3A_104 = arith.muli %shift_right_logical3A_102, %mul3A_103 : vector<16xi32>
      %sub3A_105 = arith.subi %get3A_97, %mul3A_104 : vector<16xi32>
      %eq3A_106 = arith.constant 0 : i32
      %eq3A_107 = vector.broadcast %eq3A_106 : i32 to vector<16xi32>
      %eq3A_108 = arith.cmpi eq, %sub3A_105, %eq3A_107 : vector<16xi32>
      %get3A_109 = arith.constant 9984 : index
      %get3A_110 = tpu.vector_load %arg5[%get3A_109] {strides = array<i32>} : memref<10000xi32, #tpu.memory_space<vmem>>, vector<16xi32>,
      %convert_element_type3A = arith.extui %eq3A_108 : vector<16xi1> to vector<16xi32>
      %broadcast_in_dim3A_111 = arith.constant true
      %broadcast_in_dim3A_112 = vector.broadcast %broadcast_in_dim3A_111 : i1 to vector<16xi1>
      %masked_cumsum3A = tpu.scan <sum>, %convert_element_type3A masked %broadcast_in_dim3A_112 : vector<16xi32>, vector<16xi1> -> vector<16xi32>
      %mul3A_113 = arith.constant 16 : i32
      %mul3A_114 = vector.broadcast %mul3A_113 : i32 to vector<16xi32>
      %mul3A_115 = arith.muli %get3A_110, %mul3A_114 : vector<16xi32>
      %add3A_116 = arith.addi %mul3A_115, %shift_right_logical3A_102 : vector<16xi32>
      %get3A_117 = arith.constant 0 : i32
      %get3A_118 = arith.index_cast %get3A_117 : i32 to index
      %get3A_119 = memref.load %arg12[%get3A_118] : memref<1xi32, #tpu.memory_space<smem>>
      %sub3A_120 = arith.subi %masked_cumsum3A, %convert_element_type3A : vector<16xi32>
      %add3A_121 = vector.broadcast %get3A_119 : i32 to vector<16xi32>
      %add3A_122 = arith.addi %add3A_121, %sub3A_120 : vector<16xi32>
      tpu.vector_store_idx %arg7[%add3A_122], %add3A_116 masked %eq3A_108 : memref<10016xi32, #tpu.memory_space<vmem>>[vector<16xi32>], vector<16xi32>, vector<16xi1>
      %slice3A_123 = vector.extract_strided_slice %masked_cumsum3A {offsets = [15], sizes = [1], strides = [1]} : vector<16xi32> to vector<1xi32>
      %squeeze3A_124 = vector.extract %slice3A_123[0] : i32 from vector<1xi32>
      %add3A_125 = arith.addi %get3A_119, %squeeze3A_124 : i32
      %swap3A_126 = arith.constant 0 : i32
      %swap3A_127 = arith.index_cast %swap3A_126 : i32 to index
      %swap3A_128 = memref.load %arg12[%swap3A_127] : memref<1xi32, #tpu.memory_space<smem>>
      memref.store %add3A_125, %arg12[%swap3A_127] : memref<1xi32, #tpu.memory_space<smem>>
    }
    %get3A_66 = arith.constant 0 : i32
    %get3A_67 = arith.index_cast %get3A_66 : i32 to index
    %get3A_68 = memref.load %arg12[%get3A_67] : memref<1xi32, #tpu.memory_space<smem>>
    %while3A_69 = arith.constant 0 : i32
    %while3A_70 = arith.constant 0 : i32
    %while3A_71 = arith.subi %select_n3A, %while3A_70 : i32
    %while3A_72 = arith.addi %while3A_70, %while3A_71 : i32
    %while3A_73 = arith.constant 1 : i32
    %while3A_74 = arith.divsi %while3A_71, %while3A_73 : i32
    %while3A_75 = arith.muli %while3A_74, %while3A_73 : i32
    %while3A_76 = arith.addi %while3A_70, %while3A_75 : i32
    %while3A_77 = arith.constant 1 : i32
    scf.for %while3A_95 = %while3A_70 to %while3A_76 step %while3A_77  : i32 {
      tpu.wait_dma2 semaphore(%arg14 : memref<!tpu.dma_semaphore, #tpu.memory_space<semaphore_mem>>) src(%arg2 : memref<10000x128xf32, #tpu.memory_space<hbm>>) dst(%arg11 : memref<10000x128xf32, #tpu.memory_space<vmem_shared>>)
    }
    %while3A_78 = arith.constant 1 : i32
    scf.for %while3A_95 = %while3A_76 to %while3A_72 step %while3A_78  : i32 {
      tpu.wait_dma2 semaphore(%arg14 : memref<!tpu.dma_semaphore, #tpu.memory_space<semaphore_mem>>) src(%arg2 : memref<10000x128xf32, #tpu.memory_space<hbm>>) dst(%arg11 : memref<10000x128xf32, #tpu.memory_space<vmem_shared>>)
    }
    %barrier3A = arith.constant 0 : index
    tpu.barrier barrier_id(%barrier3A)
    %iota3A = tpu.iota {dimensions = array<i32: 0>} : vector<16xi32>
    %broadcast_in_dim3A_79 = arith.constant 16 : i32
    %broadcast_in_dim3A_80 = vector.broadcast %broadcast_in_dim3A_79 : i32 to vector<16xi32>
    %add3A_81 = arith.constant 15 : i32
    %add3A_82 = arith.addi %get3A_68, %add3A_81 : i32
    %shift_right_arithmetic3A_83 = arith.constant 4 : i32
    %shift_right_arithmetic3A_84 = arith.shrsi %add3A_82, %shift_right_arithmetic3A_83 : i32
    %while3A_85 = arith.constant 0 : i32
    %while3A_86 = arith.constant 0 : i32
    %while3A_87 = arith.subi %shift_right_arithmetic3A_84, %while3A_86 : i32
    %while3A_88 = arith.addi %while3A_86, %while3A_87 : i32
    %while3A_89 = arith.constant 1 : i32
    %while3A_90 = arith.divsi %while3A_87, %while3A_89 : i32
    %while3A_91 = arith.muli %while3A_90, %while3A_89 : i32
    %while3A_92 = arith.addi %while3A_86, %while3A_91 : i32
    %while3A_93 = arith.constant 1 : i32
    scf.for %while3A_95 = %while3A_86 to %while3A_92 step %while3A_93  : i32 {
      %mul3A_96 = arith.constant 16 : i32
      %mul3A_97 = arith.muli %while3A_95, %mul3A_96 : i32
      %get3A_98 = arith.index_cast %mul3A_97 : i32 to index
      %get3A_99 = tpu.vector_load %arg7[%get3A_98] {strides = array<i32>} : memref<10016xi32, #tpu.memory_space<vmem>>, vector<16xi32>,
      %mul3A_100 = arith.constant 16 : i32
      %mul3A_101 = arith.muli %while3A_95, %mul3A_100 : i32
      %add3A_102 = vector.broadcast %mul3A_101 : i32 to vector<16xi32>
      %add3A_103 = arith.addi %iota3A, %add3A_102 : vector<16xi32>
      %lt3A = vector.broadcast %get3A_68 : i32 to vector<16xi32>
      %lt3A_104 = arith.cmpi slt, %add3A_103, %lt3A : vector<16xi32>
      %and3A = arith.constant 15 : i32
      %and3A_105 = vector.broadcast %and3A : i32 to vector<16xi32>
      %and3A_106 = arith.andi %get3A_99, %and3A_105 : vector<16xi32>
      %select_n3A_107 = arith.select %lt3A_104, %and3A_106, %broadcast_in_dim3A_80 : vector<16xi1>, vector<16xi32>
      %shift_right_logical3A_108 = arith.constant 4 : i32
      %shift_right_logical3A_109 = vector.broadcast %shift_right_logical3A_108 : i32 to vector<16xi32>
      %shift_right_logical3A_110 = arith.shrui %get3A_99, %shift_right_logical3A_109 : vector<16xi32>
      %jit3A_111 = arith.constant 0 : i32
      %broadcast_in_dim3A_112 = vector.broadcast %jit3A_111 : i32 to vector<16xi32>
      %select_n3A_113 = arith.select %lt3A_104, %shift_right_logical3A_110, %broadcast_in_dim3A_112 : vector<16xi1>, vector<16xi32>
      %swap3A_114 = arith.constant 0 : index
      %swap3A_115 = tpu.vector_load %arg8[%swap3A_114] {strides = array<i32>} : memref<16xi32, #tpu.memory_space<vmem>>, vector<16xi32>,
      tpu.vector_store %arg8[%swap3A_114], %select_n3A_113 {strides = array<i32>} : memref<16xi32, #tpu.memory_space<vmem>>, vector<16xi32>,
      %dma_start3A_116 = arith.constant 0 : i32
      %dma_start3A_117 = arith.constant 0 : i32
      %dma_start3A_118 = tpu.memref_slice %arg11[%dma_start3A_116, %dma_start3A_117] : memref<10000x128xf32, #tpu.memory_space<vmem_shared>> -> memref<10000x128xf32, #tpu.memory_space<vmem_shared>>
      tpu.enqueue_indirect_dma source(%dma_start3A_118 : memref<10000x128xf32, #tpu.memory_space<vmem_shared>>) target(%arg9 : memref<16x128xf32, #tpu.memory_space<vmem>>) offsets(%arg8 : memref<16xi32, #tpu.memory_space<vmem>>) semaphore(%arg13 : memref<!tpu.dma_semaphore, #tpu.memory_space<semaphore_mem>>)
      %dma_wait3A_119 = arith.constant 0 : i32
      %dma_wait3A_120 = arith.constant 0 : i32
      %dma_wait3A_121 = tpu.memref_slice %arg11[%dma_wait3A_119, %dma_wait3A_120] : memref<10000x128xf32, #tpu.memory_space<vmem_shared>> -> memref<10000x128xf32, #tpu.memory_space<vmem_shared>>
      tpu.wait_indirect_dma semaphore(%arg13 : memref<!tpu.dma_semaphore, #tpu.memory_space<semaphore_mem>>) src(%dma_wait3A_121 : memref<10000x128xf32, #tpu.memory_space<vmem_shared>>) dst(%arg9 : memref<16x128xf32, #tpu.memory_space<vmem>>)
      %slice3A_122 = vector.extract_strided_slice %select_n3A_107 {offsets = [0], sizes = [1], strides = [1]} : vector<16xi32> to vector<1xi32>
      %squeeze3A_123 = vector.extract %slice3A_122[0] : i32 from vector<1xi32>
      %mul3A_124 = arith.constant 128 : i32
      %mul3A_125 = arith.muli %squeeze3A_123, %mul3A_124 : i32
      %add3A_126 = arith.constant 0 : i32
      %add3A_127 = arith.addi %mul3A_125, %add3A_126 : i32
      %get3A_128 = arith.index_cast %add3A_127 : i32 to index
      %get3A_129 = tpu.vector_load %arg10[%get3A_128] {strides = array<i32>} : memref<2176xf32, #tpu.memory_space<vmem>>, vector<16xf32>,
      %get3A_130 = arith.constant 0 : i32
      %get3A_131 = arith.index_cast %get3A_130 : i32 to index
      %get3A_132 = arith.constant 0 : index
      %get3A_133 = tpu.vector_load %arg9[%get3A_131, %get3A_132] {strides = array<i32>} : memref<16x128xf32, #tpu.memory_space<vmem>>, vector<16xf32>,
      %max3A = arith.maximumf %get3A_129, %get3A_133 : vector<16xf32>
      %add3A_134 = arith.constant 0 : i32
      %add3A_135 = arith.addi %mul3A_125, %add3A_134 : i32
      %swap3A_136 = arith.index_cast %add3A_135 : i32 to index
      %swap3A_137 = tpu.vector_load %arg10[%swap3A_136] {strides = array<i32>} : memref<2176xf32, #tpu.memory_space<vmem>>, vector<16xf32>,
      tpu.vector_store %arg10[%swap3A_136], %max3A {strides = array<i32>} : memref<2176xf32, #tpu.memory_space<vmem>>, vector<16xf32>,
      %add3A_138 = arith.constant 16 : i32
      %add3A_139 = arith.addi %mul3A_125, %add3A_138 : i32
      %get3A_140 = arith.index_cast %add3A_139 : i32 to index
      %get3A_141 = tpu.vector_load %arg10[%get3A_140] {strides = array<i32>} : memref<2176xf32, #tpu.memory_space<vmem>>, vector<16xf32>,
      %get3A_142 = arith.constant 0 : i32
      %get3A_143 = arith.index_cast %get3A_142 : i32 to index
      %get3A_144 = arith.constant 16 : index
      %get3A_145 = tpu.vector_load %arg9[%get3A_143, %get3A_144] {strides = array<i32>} : memref<16x128xf32, #tpu.memory_space<vmem>>, vector<16xf32>,
      %max3A_146 = arith.maximumf %get3A_141, %get3A_145 : vector<16xf32>
      %add3A_147 = arith.constant 16 : i32
      %add3A_148 = arith.addi %mul3A_125, %add3A_147 : i32
      %swap3A_149 = arith.index_cast %add3A_148 : i32 to index
      %swap3A_150 = tpu.vector_load %arg10[%swap3A_149] {strides = array<i32>} : memref<2176xf32, #tpu.memory_space<vmem>>, vector<16xf32>,
      tpu.vector_store %arg10[%swap3A_149], %max3A_146 {strides = array<i32>} : memref<2176xf32, #tpu.memory_space<vmem>>, vector<16xf32>,
      %add3A_151 = arith.constant 32 : i32
      %add3A_152 = arith.addi %mul3A_125, %add3A_151 : i32
      %get3A_153 = arith.index_cast %add3A_152 : i32 to index
      %get3A_154 = tpu.vector_load %arg10[%get3A_153] {strides = array<i32>} : memref<2176xf32, #tpu.memory_space<vmem>>, vector<16xf32>,
      %get3A_155 = arith.constant 0 : i32
      %get3A_156 = arith.index_cast %get3A_155 : i32 to index
      %get3A_157 = arith.constant 32 : index
      %get3A_158 = tpu.vector_load %arg9[%get3A_156, %get3A_157] {strides = array<i32>} : memref<16x128xf32, #tpu.memory_space<vmem>>, vector<16xf32>,
      %max3A_159 = arith.maximumf %get3A_154, %get3A_158 : vector<16xf32>
      %add3A_160 = arith.constant 32 : i32
      %add3A_161 = arith.addi %mul3A_125, %add3A_160 : i32
      %swap3A_162 = arith.index_cast %add3A_161 : i32 to index
      %swap3A_163 = tpu.vector_load %arg10[%swap3A_162] {strides = array<i32>} : memref<2176xf32, #tpu.memory_space<vmem>>, vector<16xf32>,
      tpu.vector_store %arg10[%swap3A_162], %max3A_159 {strides = array<i32>} : memref<2176xf32, #tpu.memory_space<vmem>>, vector<16xf32>,
      %add3A_164 = arith.constant 48 : i32
      %add3A_165 = arith.addi %mul3A_125, %add3A_164 : i32
      %get3A_166 = arith.index_cast %add3A_165 : i32 to index
      %get3A_167 = tpu.vector_load %arg10[%get3A_166] {strides = array<i32>} : memref<2176xf32, #tpu.memory_space<vmem>>, vector<16xf32>,
      %get3A_168 = arith.constant 0 : i32
      %get3A_169 = arith.index_cast %get3A_168 : i32 to index
      %get3A_170 = arith.constant 48 : index
      %get3A_171 = tpu.vector_load %arg9[%get3A_169, %get3A_170] {strides = array<i32>} : memref<16x128xf32, #tpu.memory_space<vmem>>, vector<16xf32>,
      %max3A_172 = arith.maximumf %get3A_167, %get3A_171 : vector<16xf32>
      %add3A_173 = arith.constant 48 : i32
      %add3A_174 = arith.addi %mul3A_125, %add3A_173 : i32
      %swap3A_175 = arith.index_cast %add3A_174 : i32 to index
      %swap3A_176 = tpu.vector_load %arg10[%swap3A_175] {strides = array<i32>} : memref<2176xf32, #tpu.memory_space<vmem>>, vector<16xf32>,
      tpu.vector_store %arg10[%swap3A_175], %max3A_172 {strides = array<i32>} : memref<2176xf32, #tpu.memory_space<vmem>>, vector<16xf32>,
      %add3A_177 = arith.constant 64 : i32
      %add3A_178 = arith.addi %mul3A_125, %add3A_177 : i32
      %get3A_179 = arith.index_cast %add3A_178 : i32 to index
      %get3A_180 = tpu.vector_load %arg10[%get3A_179] {strides = array<i32>} : memref<2176xf32, #tpu.memory_space<vmem>>, vector<16xf32>,
      %get3A_181 = arith.constant 0 : i32
      %get3A_182 = arith.index_cast %get3A_181 : i32 to index
      %get3A_183 = arith.constant 64 : index
      %get3A_184 = tpu.vector_load %arg9[%get3A_182, %get3A_183] {strides = array<i32>} : memref<16x128xf32, #tpu.memory_space<vmem>>, vector<16xf32>,
      %max3A_185 = arith.maximumf %get3A_180, %get3A_184 : vector<16xf32>
      %add3A_186 = arith.constant 64 : i32
      %add3A_187 = arith.addi %mul3A_125, %add3A_186 : i32
      %swap3A_188 = arith.index_cast %add3A_187 : i32 to index
      %swap3A_189 = tpu.vector_load %arg10[%swap3A_188] {strides = array<i32>} : memref<2176xf32, #tpu.memory_space<vmem>>, vector<16xf32>,
      tpu.vector_store %arg10[%swap3A_188], %max3A_185 {strides = array<i32>} : memref<2176xf32, #tpu.memory_space<vmem>>, vector<16xf32>,
      %add3A_190 = arith.constant 80 : i32
      %add3A_191 = arith.addi %mul3A_125, %add3A_190 : i32
      %get3A_192 = arith.index_cast %add3A_191 : i32 to index
      %get3A_193 = tpu.vector_load %arg10[%get3A_192] {strides = array<i32>} : memref<2176xf32, #tpu.memory_space<vmem>>, vector<16xf32>,
      %get3A_194 = arith.constant 0 : i32
      %get3A_195 = arith.index_cast %get3A_194 : i32 to index
      %get3A_196 = arith.constant 80 : index
      %get3A_197 = tpu.vector_load %arg9[%get3A_195, %get3A_196] {strides = array<i32>} : memref<16x128xf32, #tpu.memory_space<vmem>>, vector<16xf32>,
      %max3A_198 = arith.maximumf %get3A_193, %get3A_197 : vector<16xf32>
      %add3A_199 = arith.constant 80 : i32
      %add3A_200 = arith.addi %mul3A_125, %add3A_199 : i32
      %swap3A_201 = arith.index_cast %add3A_200 : i32 to index
      %swap3A_202 = tpu.vector_load %arg10[%swap3A_201] {strides = array<i32>} : memref<2176xf32, #tpu.memory_space<vmem>>, vector<16xf32>,
      tpu.vector_store %arg10[%swap3A_201], %max3A_198 {strides = array<i32>} : memref<2176xf32, #tpu.memory_space<vmem>>, vector<16xf32>,
      %add3A_203 = arith.constant 96 : i32
      %add3A_204 = arith.addi %mul3A_125, %add3A_203 : i32
      %get3A_205 = arith.index_cast %add3A_204 : i32 to index
      %get3A_206 = tpu.vector_load %arg10[%get3A_205] {strides = array<i32>} : memref<2176xf32, #tpu.memory_space<vmem>>, vector<16xf32>,
      %get3A_207 = arith.constant 0 : i32
      %get3A_208 = arith.index_cast %get3A_207 : i32 to index
      %get3A_209 = arith.constant 96 : index
      %get3A_210 = tpu.vector_load %arg9[%get3A_208, %get3A_209] {strides = array<i32>} : memref<16x128xf32, #tpu.memory_space<vmem>>, vector<16xf32>,
      %max3A_211 = arith.maximumf %get3A_206, %get3A_210 : vector<16xf32>
      %add3A_212 = arith.constant 96 : i32
      %add3A_213 = arith.addi %mul3A_125, %add3A_212 : i32
      %swap3A_214 = arith.index_cast %add3A_213 : i32 to index
      %swap3A_215 = tpu.vector_load %arg10[%swap3A_214] {strides = array<i32>} : memref<2176xf32, #tpu.memory_space<vmem>>, vector<16xf32>,
      tpu.vector_store %arg10[%swap3A_214], %max3A_211 {strides = array<i32>} : memref<2176xf32, #tpu.memory_space<vmem>>, vector<16xf32>,
      %add3A_216 = arith.constant 112 : i32
      %add3A_217 = arith.addi %mul3A_125, %add3A_216 : i32
      %get3A_218 = arith.index_cast %add3A_217 : i32 to index
      %get3A_219 = tpu.vector_load %arg10[%get3A_218] {strides = array<i32>} : memref<2176xf32, #tpu.memory_space<vmem>>, vector<16xf32>,
      %get3A_220 = arith.constant 0 : i32
      %get3A_221 = arith.index_cast %get3A_220 : i32 to index
      %get3A_222 = arith.constant 112 : index
      %get3A_223 = tpu.vector_load %arg9[%get3A_221, %get3A_222] {strides = array<i32>} : memref<16x128xf32, #tpu.memory_space<vmem>>, vector<16xf32>,
      %max3A_224 = arith.maximumf %get3A_219, %get3A_223 : vector<16xf32>
      %add3A_225 = arith.constant 112 : i32
      %add3A_226 = arith.addi %mul3A_125, %add3A_225 : i32
      %swap3A_227 = arith.index_cast %add3A_226 : i32 to index
      %swap3A_228 = tpu.vector_load %arg10[%swap3A_227] {strides = array<i32>} : memref<2176xf32, #tpu.memory_space<vmem>>, vector<16xf32>,
      tpu.vector_store %arg10[%swap3A_227], %max3A_224 {strides = array<i32>} : memref<2176xf32, #tpu.memory_space<vmem>>, vector<16xf32>,
      %slice3A_229 = vector.extract_strided_slice %select_n3A_107 {offsets = [1], sizes = [1], strides = [1]} : vector<16xi32> to vector<1xi32>
      %squeeze3A_230 = vector.extract %slice3A_229[0] : i32 from vector<1xi32>
      %mul3A_231 = arith.constant 128 : i32
      %mul3A_232 = arith.muli %squeeze3A_230, %mul3A_231 : i32
      %add3A_233 = arith.constant 0 : i32
      %add3A_234 = arith.addi %mul3A_232, %add3A_233 : i32
      %get3A_235 = arith.index_cast %add3A_234 : i32 to index
      %get3A_236 = tpu.vector_load %arg10[%get3A_235] {strides = array<i32>} : memref<2176xf32, #tpu.memory_space<vmem>>, vector<16xf32>,
      %get3A_237 = arith.constant 1 : i32
      %get3A_238 = arith.index_cast %get3A_237 : i32 to index
      %get3A_239 = arith.constant 0 : index
      %get3A_240 = tpu.vector_load %arg9[%get3A_238, %get3A_239] {strides = array<i32>} : memref<16x128xf32, #tpu.memory_space<vmem>>, vector<16xf32>,
      %max3A_241 = arith.maximumf %get3A_236, %get3A_240 : vector<16xf32>
      %add3A_242 = arith.constant 0 : i32
      %add3A_243 = arith.addi %mul3A_232, %add3A_242 : i32
      %swap3A_244 = arith.index_cast %add3A_243 : i32 to index
      %swap3A_245 = tpu.vector_load %arg10[%swap3A_244] {strides = array<i32>} : memref<2176xf32, #tpu.memory_space<vmem>>, vector<16xf32>,
      tpu.vector_store %arg10[%swap3A_244], %max3A_241 {strides = array<i32>} : memref<2176xf32, #tpu.memory_space<vmem>>, vector<16xf32>,
      %add3A_246 = arith.constant 16 : i32
      %add3A_247 = arith.addi %mul3A_232, %add3A_246 : i32
      %get3A_248 = arith.index_cast %add3A_247 : i32 to index
      %get3A_249 = tpu.vector_load %arg10[%get3A_248] {strides = array<i32>} : memref<2176xf32, #tpu.memory_space<vmem>>, vector<16xf32>,
      %get3A_250 = arith.constant 1 : i32
      %get3A_251 = arith.index_cast %get3A_250 : i32 to index
      %get3A_252 = arith.constant 16 : index
      %get3A_253 = tpu.vector_load %arg9[%get3A_251, %get3A_252] {strides = array<i32>} : memref<16x128xf32, #tpu.memory_space<vmem>>, vector<16xf32>,
      %max3A_254 = arith.maximumf %get3A_249, %get3A_253 : vector<16xf32>
      %add3A_255 = arith.constant 16 : i32
      %add3A_256 = arith.addi %mul3A_232, %add3A_255 : i32
      %swap3A_257 = arith.index_cast %add3A_256 : i32 to index
      %swap3A_258 = tpu.vector_load %arg10[%swap3A_257] {strides = array<i32>} : memref<2176xf32, #tpu.memory_space<vmem>>, vector<16xf32>,
      tpu.vector_store %arg10[%swap3A_257], %max3A_254 {strides = array<i32>} : memref<2176xf32, #tpu.memory_space<vmem>>, vector<16xf32>,
      %add3A_259 = arith.constant 32 : i32
      %add3A_260 = arith.addi %mul3A_232, %add3A_259 : i32
      %get3A_261 = arith.index_cast %add3A_260 : i32 to index
      %get3A_262 = tpu.vector_load %arg10[%get3A_261] {strides = array<i32>} : memref<2176xf32, #tpu.memory_space<vmem>>, vector<16xf32>,
      %get3A_263 = arith.constant 1 : i32
      %get3A_264 = arith.index_cast %get3A_263 : i32 to index
      %get3A_265 = arith.constant 32 : index
      %get3A_266 = tpu.vector_load %arg9[%get3A_264, %get3A_265] {strides = array<i32>} : memref<16x128xf32, #tpu.memory_space<vmem>>, vector<16xf32>,
      %max3A_267 = arith.maximumf %get3A_262, %get3A_266 : vector<16xf32>
      %add3A_268 = arith.constant 32 : i32
      %add3A_269 = arith.addi %mul3A_232, %add3A_268 : i32
      %swap3A_270 = arith.index_cast %add3A_269 : i32 to index
      %swap3A_271 = tpu.vector_load %arg10[%swap3A_270] {strides = array<i32>} : memref<2176xf32, #tpu.memory_space<vmem>>, vector<16xf32>,
      tpu.vector_store %arg10[%swap3A_270], %max3A_267 {strides = array<i32>} : memref<2176xf32, #tpu.memory_space<vmem>>, vector<16xf32>,
      %add3A_272 = arith.constant 48 : i32
      %add3A_273 = arith.addi %mul3A_232, %add3A_272 : i32
      %get3A_274 = arith.index_cast %add3A_273 : i32 to index
      %get3A_275 = tpu.vector_load %arg10[%get3A_274] {strides = array<i32>} : memref<2176xf32, #tpu.memory_space<vmem>>, vector<16xf32>,
      %get3A_276 = arith.constant 1 : i32
      %get3A_277 = arith.index_cast %get3A_276 : i32 to index
      %get3A_278 = arith.constant 48 : index
      %get3A_279 = tpu.vector_load %arg9[%get3A_277, %get3A_278] {strides = array<i32>} : memref<16x128xf32, #tpu.memory_space<vmem>>, vector<16xf32>,
      %max3A_280 = arith.maximumf %get3A_275, %get3A_279 : vector<16xf32>
      %add3A_281 = arith.constant 48 : i32
      %add3A_282 = arith.addi %mul3A_232, %add3A_281 : i32
      %swap3A_283 = arith.index_cast %add3A_282 : i32 to index
      %swap3A_284 = tpu.vector_load %arg10[%swap3A_283] {strides = array<i32>} : memref<2176xf32, #tpu.memory_space<vmem>>, vector<16xf32>,
      tpu.vector_store %arg10[%swap3A_283], %max3A_280 {strides = array<i32>} : memref<2176xf32, #tpu.memory_space<vmem>>, vector<16xf32>,
      %add3A_285 = arith.constant 64 : i32
      %add3A_286 = arith.addi %mul3A_232, %add3A_285 : i32
      %get3A_287 = arith.index_cast %add3A_286 : i32 to index
      %get3A_288 = tpu.vector_load %arg10[%get3A_287] {strides = array<i32>} : memref<2176xf32, #tpu.memory_space<vmem>>, vector<16xf32>,
      %get3A_289 = arith.constant 1 : i32
      %get3A_290 = arith.index_cast %get3A_289 : i32 to index
      %get3A_291 = arith.constant 64 : index
      %get3A_292 = tpu.vector_load %arg9[%get3A_290, %get3A_291] {strides = array<i32>} : memref<16x128xf32, #tpu.memory_space<vmem>>, vector<16xf32>,
      %max3A_293 = arith.maximumf %get3A_288, %get3A_292 : vector<16xf32>
      %add3A_294 = arith.constant 64 : i32
      %add3A_295 = arith.addi %mul3A_232, %add3A_294 : i32
      %swap3A_296 = arith.index_cast %add3A_295 : i32 to index
      %swap3A_297 = tpu.vector_load %arg10[%swap3A_296] {strides = array<i32>} : memref<2176xf32, #tpu.memory_space<vmem>>, vector<16xf32>,
      tpu.vector_store %arg10[%swap3A_296], %max3A_293 {strides = array<i32>} : memref<2176xf32, #tpu.memory_space<vmem>>, vector<16xf32>,
      %add3A_298 = arith.constant 80 : i32
      %add3A_299 = arith.addi %mul3A_232, %add3A_298 : i32
      %get3A_300 = arith.index_cast %add3A_299 : i32 to index
      %get3A_301 = tpu.vector_load %arg10[%get3A_300] {strides = array<i32>} : memref<2176xf32, #tpu.memory_space<vmem>>, vector<16xf32>,
      %get3A_302 = arith.constant 1 : i32
      %get3A_303 = arith.index_cast %get3A_302 : i32 to index
      %get3A_304 = arith.constant 80 : index
      %get3A_305 = tpu.vector_load %arg9[%get3A_303, %get3A_304] {strides = array<i32>} : memref<16x128xf32, #tpu.memory_space<vmem>>, vector<16xf32>,
      %max3A_306 = arith.maximumf %get3A_301, %get3A_305 : vector<16xf32>
      %add3A_307 = arith.constant 80 : i32
      %add3A_308 = arith.addi %mul3A_232, %add3A_307 : i32
      %swap3A_309 = arith.index_cast %add3A_308 : i32 to index
      %swap3A_310 = tpu.vector_load %arg10[%swap3A_309] {strides = array<i32>} : memref<2176xf32, #tpu.memory_space<vmem>>, vector<16xf32>,
      tpu.vector_store %arg10[%swap3A_309], %max3A_306 {strides = array<i32>} : memref<2176xf32, #tpu.memory_space<vmem>>, vector<16xf32>,
      %add3A_311 = arith.constant 96 : i32
      %add3A_312 = arith.addi %mul3A_232, %add3A_311 : i32
      %get3A_313 = arith.index_cast %add3A_312 : i32 to index
      %get3A_314 = tpu.vector_load %arg10[%get3A_313] {strides = array<i32>} : memref<2176xf32, #tpu.memory_space<vmem>>, vector<16xf32>,
      %get3A_315 = arith.constant 1 : i32
      %get3A_316 = arith.index_cast %get3A_315 : i32 to index
      %get3A_317 = arith.constant 96 : index
      %get3A_318 = tpu.vector_load %arg9[%get3A_316, %get3A_317] {strides = array<i32>} : memref<16x128xf32, #tpu.memory_space<vmem>>, vector<16xf32>,
      %max3A_319 = arith.maximumf %get3A_314, %get3A_318 : vector<16xf32>
      %add3A_320 = arith.constant 96 : i32
      %add3A_321 = arith.addi %mul3A_232, %add3A_320 : i32
      %swap3A_322 = arith.index_cast %add3A_321 : i32 to index
      %swap3A_323 = tpu.vector_load %arg10[%swap3A_322] {strides = array<i32>} : memref<2176xf32, #tpu.memory_space<vmem>>, vector<16xf32>,
      tpu.vector_store %arg10[%swap3A_322], %max3A_319 {strides = array<i32>} : memref<2176xf32, #tpu.memory_space<vmem>>, vector<16xf32>,
      %add3A_324 = arith.constant 112 : i32
      %add3A_325 = arith.addi %mul3A_232, %add3A_324 : i32
      %get3A_326 = arith.index_cast %add3A_325 : i32 to index
      %get3A_327 = tpu.vector_load %arg10[%get3A_326] {strides = array<i32>} : memref<2176xf32, #tpu.memory_space<vmem>>, vector<16xf32>,
      %get3A_328 = arith.constant 1 : i32
      %get3A_329 = arith.index_cast %get3A_328 : i32 to index
      %get3A_330 = arith.constant 112 : index
      %get3A_331 = tpu.vector_load %arg9[%get3A_329, %get3A_330] {strides = array<i32>} : memref<16x128xf32, #tpu.memory_space<vmem>>, vector<16xf32>,
      %max3A_332 = arith.maximumf %get3A_327, %get3A_331 : vector<16xf32>
      %add3A_333 = arith.constant 112 : i32
      %add3A_334 = arith.addi %mul3A_232, %add3A_333 : i32
      %swap3A_335 = arith.index_cast %add3A_334 : i32 to index
      %swap3A_336 = tpu.vector_load %arg10[%swap3A_335] {strides = array<i32>} : memref<2176xf32, #tpu.memory_space<vmem>>, vector<16xf32>,
      tpu.vector_store %arg10[%swap3A_335], %max3A_332 {strides = array<i32>} : memref<2176xf32, #tpu.memory_space<vmem>>, vector<16xf32>,
      %slice3A_337 = vector.extract_strided_slice %select_n3A_107 {offsets = [2], sizes = [1], strides = [1]} : vector<16xi32> to vector<1xi32>
      %squeeze3A_338 = vector.extract %slice3A_337[0] : i32 from vector<1xi32>
      %mul3A_339 = arith.constant 128 : i32
      %mul3A_340 = arith.muli %squeeze3A_338, %mul3A_339 : i32
      %add3A_341 = arith.constant 0 : i32
      %add3A_342 = arith.addi %mul3A_340, %add3A_341 : i32
      %get3A_343 = arith.index_cast %add3A_342 : i32 to index
      %get3A_344 = tpu.vector_load %arg10[%get3A_343] {strides = array<i32>} : memref<2176xf32, #tpu.memory_space<vmem>>, vector<16xf32>,
      %get3A_345 = arith.constant 2 : i32
      %get3A_346 = arith.index_cast %get3A_345 : i32 to index
      %get3A_347 = arith.constant 0 : index
      %get3A_348 = tpu.vector_load %arg9[%get3A_346, %get3A_347] {strides = array<i32>} : memref<16x128xf32, #tpu.memory_space<vmem>>, vector<16xf32>,
      %max3A_349 = arith.maximumf %get3A_344, %get3A_348 : vector<16xf32>
      %add3A_350 = arith.constant 0 : i32
      %add3A_351 = arith.addi %mul3A_340, %add3A_350 : i32
      %swap3A_352 = arith.index_cast %add3A_351 : i32 to index
      %swap3A_353 = tpu.vector_load %arg10[%swap3A_352] {strides = array<i32>} : memref<2176xf32, #tpu.memory_space<vmem>>, vector<16xf32>,
      tpu.vector_store %arg10[%swap3A_352], %max3A_349 {strides = array<i32>} : memref<2176xf32, #tpu.memory_space<vmem>>, vector<16xf32>,
      %add3A_354 = arith.constant 16 : i32
      %add3A_355 = arith.addi %mul3A_340, %add3A_354 : i32
      %get3A_356 = arith.index_cast %add3A_355 : i32 to index
      %get3A_357 = tpu.vector_load %arg10[%get3A_356] {strides = array<i32>} : memref<2176xf32, #tpu.memory_space<vmem>>, vector<16xf32>,
      %get3A_358 = arith.constant 2 : i32
      %get3A_359 = arith.index_cast %get3A_358 : i32 to index
      %get3A_360 = arith.constant 16 : index
      %get3A_361 = tpu.vector_load %arg9[%get3A_359, %get3A_360] {strides = array<i32>} : memref<16x128xf32, #tpu.memory_space<vmem>>, vector<16xf32>,
      %max3A_362 = arith.maximumf %get3A_357, %get3A_361 : vector<16xf32>
      %add3A_363 = arith.constant 16 : i32
      %add3A_364 = arith.addi %mul3A_340, %add3A_363 : i32
      %swap3A_365 = arith.index_cast %add3A_364 : i32 to index
      %swap3A_366 = tpu.vector_load %arg10[%swap3A_365] {strides = array<i32>} : memref<2176xf32, #tpu.memory_space<vmem>>, vector<16xf32>,
      tpu.vector_store %arg10[%swap3A_365], %max3A_362 {strides = array<i32>} : memref<2176xf32, #tpu.memory_space<vmem>>, vector<16xf32>,
      %add3A_367 = arith.constant 32 : i32
      %add3A_368 = arith.addi %mul3A_340, %add3A_367 : i32
      %get3A_369 = arith.index_cast %add3A_368 : i32 to index
      %get3A_370 = tpu.vector_load %arg10[%get3A_369] {strides = array<i32>} : memref<2176xf32, #tpu.memory_space<vmem>>, vector<16xf32>,
      %get3A_371 = arith.constant 2 : i32
      %get3A_372 = arith.index_cast %get3A_371 : i32 to index
      %get3A_373 = arith.constant 32 : index
      %get3A_374 = tpu.vector_load %arg9[%get3A_372, %get3A_373] {strides = array<i32>} : memref<16x128xf32, #tpu.memory_space<vmem>>, vector<16xf32>,
      %max3A_375 = arith.maximumf %get3A_370, %get3A_374 : vector<16xf32>
      %add3A_376 = arith.constant 32 : i32
      %add3A_377 = arith.addi %mul3A_340, %add3A_376 : i32
      %swap3A_378 = arith.index_cast %add3A_377 : i32 to index
      %swap3A_379 = tpu.vector_load %arg10[%swap3A_378] {strides = array<i32>} : memref<2176xf32, #tpu.memory_space<vmem>>, vector<16xf32>,
      tpu.vector_store %arg10[%swap3A_378], %max3A_375 {strides = array<i32>} : memref<2176xf32, #tpu.memory_space<vmem>>, vector<16xf32>,
      %add3A_380 = arith.constant 48 : i32
      %add3A_381 = arith.addi %mul3A_340, %add3A_380 : i32
      %get3A_382 = arith.index_cast %add3A_381 : i32 to index
      %get3A_383 = tpu.vector_load %arg10[%get3A_382] {strides = array<i32>} : memref<2176xf32, #tpu.memory_space<vmem>>, vector<16xf32>,
      %get3A_384 = arith.constant 2 : i32
      %get3A_385 = arith.index_cast %get3A_384 : i32 to index
      %get3A_386 = arith.constant 48 : index
      %get3A_387 = tpu.vector_load %arg9[%get3A_385, %get3A_386] {strides = array<i32>} : memref<16x128xf32, #tpu.memory_space<vmem>>, vector<16xf32>,
      %max3A_388 = arith.maximumf %get3A_383, %get3A_387 : vector<16xf32>
      %add3A_389 = arith.constant 48 : i32
      %add3A_390 = arith.addi %mul3A_340, %add3A_389 : i32
      %swap3A_391 = arith.index_cast %add3A_390 : i32 to index
      %swap3A_392 = tpu.vector_load %arg10[%swap3A_391] {strides = array<i32>} : memref<2176xf32, #tpu.memory_space<vmem>>, vector<16xf32>,
      tpu.vector_store %arg10[%swap3A_391], %max3A_388 {strides = array<i32>} : memref<2176xf32, #tpu.memory_space<vmem>>, vector<16xf32>,
      %add3A_393 = arith.constant 64 : i32
      %add3A_394 = arith.addi %mul3A_340, %add3A_393 : i32
      %get3A_395 = arith.index_cast %add3A_394 : i32 to index
      %get3A_396 = tpu.vector_load %arg10[%get3A_395] {strides = array<i32>} : memref<2176xf32, #tpu.memory_space<vmem>>, vector<16xf32>,
      %get3A_397 = arith.constant 2 : i32
      %get3A_398 = arith.index_cast %get3A_397 : i32 to index
      %get3A_399 = arith.constant 64 : index
      %get3A_400 = tpu.vector_load %arg9[%get3A_398, %get3A_399] {strides = array<i32>} : memref<16x128xf32, #tpu.memory_space<vmem>>, vector<16xf32>,
      %max3A_401 = arith.maximumf %get3A_396, %get3A_400 : vector<16xf32>
      %add3A_402 = arith.constant 64 : i32
      %add3A_403 = arith.addi %mul3A_340, %add3A_402 : i32
      %swap3A_404 = arith.index_cast %add3A_403 : i32 to index
      %swap3A_405 = tpu.vector_load %arg10[%swap3A_404] {strides = array<i32>} : memref<2176xf32, #tpu.memory_space<vmem>>, vector<16xf32>,
      tpu.vector_store %arg10[%swap3A_404], %max3A_401 {strides = array<i32>} : memref<2176xf32, #tpu.memory_space<vmem>>, vector<16xf32>,
      %add3A_406 = arith.constant 80 : i32
      %add3A_407 = arith.addi %mul3A_340, %add3A_406 : i32
      %get3A_408 = arith.index_cast %add3A_407 : i32 to index
      %get3A_409 = tpu.vector_load %arg10[%get3A_408] {strides = array<i32>} : memref<2176xf32, #tpu.memory_space<vmem>>, vector<16xf32>,
      %get3A_410 = arith.constant 2 : i32
      %get3A_411 = arith.index_cast %get3A_410 : i32 to index
      %get3A_412 = arith.constant 80 : index
      %get3A_413 = tpu.vector_load %arg9[%get3A_411, %get3A_412] {strides = array<i32>} : memref<16x128xf32, #tpu.memory_space<vmem>>, vector<16xf32>,
      %max3A_414 = arith.maximumf %get3A_409, %get3A_413 : vector<16xf32>
      %add3A_415 = arith.constant 80 : i32
      %add3A_416 = arith.addi %mul3A_340, %add3A_415 : i32
      %swap3A_417 = arith.index_cast %add3A_416 : i32 to index
      %swap3A_418 = tpu.vector_load %arg10[%swap3A_417] {strides = array<i32>} : memref<2176xf32, #tpu.memory_space<vmem>>, vector<16xf32>,
      tpu.vector_store %arg10[%swap3A_417], %max3A_414 {strides = array<i32>} : memref<2176xf32, #tpu.memory_space<vmem>>, vector<16xf32>,
      %add3A_419 = arith.constant 96 : i32
      %add3A_420 = arith.addi %mul3A_340, %add3A_419 : i32
      %get3A_421 = arith.index_cast %add3A_420 : i32 to index
      %get3A_422 = tpu.vector_load %arg10[%get3A_421] {strides = array<i32>} : memref<2176xf32, #tpu.memory_space<vmem>>, vector<16xf32>,
      %get3A_423 = arith.constant 2 : i32
      %get3A_424 = arith.index_cast %get3A_423 : i32 to index
      %get3A_425 = arith.constant 96 : index
      %get3A_426 = tpu.vector_load %arg9[%get3A_424, %get3A_425] {strides = array<i32>} : memref<16x128xf32, #tpu.memory_space<vmem>>, vector<16xf32>,
      %max3A_427 = arith.maximumf %get3A_422, %get3A_426 : vector<16xf32>
      %add3A_428 = arith.constant 96 : i32
      %add3A_429 = arith.addi %mul3A_340, %add3A_428 : i32
      %swap3A_430 = arith.index_cast %add3A_429 : i32 to index
      %swap3A_431 = tpu.vector_load %arg10[%swap3A_430] {strides = array<i32>} : memref<2176xf32, #tpu.memory_space<vmem>>, vector<16xf32>,
      tpu.vector_store %arg10[%swap3A_430], %max3A_427 {strides = array<i32>} : memref<2176xf32, #tpu.memory_space<vmem>>, vector<16xf32>,
      %add3A_432 = arith.constant 112 : i32
      %add3A_433 = arith.addi %mul3A_340, %add3A_432 : i32
      %get3A_434 = arith.index_cast %add3A_433 : i32 to index
      %get3A_435 = tpu.vector_load %arg10[%get3A_434] {strides = array<i32>} : memref<2176xf32, #tpu.memory_space<vmem>>, vector<16xf32>,
      %get3A_436 = arith.constant 2 : i32
      %get3A_437 = arith.index_cast %get3A_436 : i32 to index
      %get3A_438 = arith.constant 112 : index
      %get3A_439 = tpu.vector_load %arg9[%get3A_437, %get3A_438] {strides = array<i32>} : memref<16x128xf32, #tpu.memory_space<vmem>>, vector<16xf32>,
      %max3A_440 = arith.maximumf %get3A_435, %get3A_439 : vector<16xf32>
      %add3A_441 = arith.constant 112 : i32
      %add3A_442 = arith.addi %mul3A_340, %add3A_441 : i32
      %swap3A_443 = arith.index_cast %add3A_442 : i32 to index
      %swap3A_444 = tpu.vector_load %arg10[%swap3A_443] {strides = array<i32>} : memref<2176xf32, #tpu.memory_space<vmem>>, vector<16xf32>,
      tpu.vector_store %arg10[%swap3A_443], %max3A_440 {strides = array<i32>} : memref<2176xf32, #tpu.memory_space<vmem>>, vector<16xf32>,
      %slice3A_445 = vector.extract_strided_slice %select_n3A_107 {offsets = [3], sizes = [1], strides = [1]} : vector<16xi32> to vector<1xi32>
      %squeeze3A_446 = vector.extract %slice3A_445[0] : i32 from vector<1xi32>
      %mul3A_447 = arith.constant 128 : i32
      %mul3A_448 = arith.muli %squeeze3A_446, %mul3A_447 : i32
      %add3A_449 = arith.constant 0 : i32
      %add3A_450 = arith.addi %mul3A_448, %add3A_449 : i32
      %get3A_451 = arith.index_cast %add3A_450 : i32 to index
      %get3A_452 = tpu.vector_load %arg10[%get3A_451] {strides = array<i32>} : memref<2176xf32, #tpu.memory_space<vmem>>, vector<16xf32>,
      %get3A_453 = arith.constant 3 : i32
      %get3A_454 = arith.index_cast %get3A_453 : i32 to index
      %get3A_455 = arith.constant 0 : index
      %get3A_456 = tpu.vector_load %arg9[%get3A_454, %get3A_455] {strides = array<i32>} : memref<16x128xf32, #tpu.memory_space<vmem>>, vector<16xf32>,
      %max3A_457 = arith.maximumf %get3A_452, %get3A_456 : vector<16xf32>
      %add3A_458 = arith.constant 0 : i32
      %add3A_459 = arith.addi %mul3A_448, %add3A_458 : i32
      %swap3A_460 = arith.index_cast %add3A_459 : i32 to index
      %swap3A_461 = tpu.vector_load %arg10[%swap3A_460] {strides = array<i32>} : memref<2176xf32, #tpu.memory_space<vmem>>, vector<16xf32>,
      tpu.vector_store %arg10[%swap3A_460], %max3A_457 {strides = array<i32>} : memref<2176xf32, #tpu.memory_space<vmem>>, vector<16xf32>,
      %add3A_462 = arith.constant 16 : i32
      %add3A_463 = arith.addi %mul3A_448, %add3A_462 : i32
      %get3A_464 = arith.index_cast %add3A_463 : i32 to index
      %get3A_465 = tpu.vector_load %arg10[%get3A_464] {strides = array<i32>} : memref<2176xf32, #tpu.memory_space<vmem>>, vector<16xf32>,
      %get3A_466 = arith.constant 3 : i32
      %get3A_467 = arith.index_cast %get3A_466 : i32 to index
      %get3A_468 = arith.constant 16 : index
      %get3A_469 = tpu.vector_load %arg9[%get3A_467, %get3A_468] {strides = array<i32>} : memref<16x128xf32, #tpu.memory_space<vmem>>, vector<16xf32>,
      %max3A_470 = arith.maximumf %get3A_465, %get3A_469 : vector<16xf32>
      %add3A_471 = arith.constant 16 : i32
      %add3A_472 = arith.addi %mul3A_448, %add3A_471 : i32
      %swap3A_473 = arith.index_cast %add3A_472 : i32 to index
      %swap3A_474 = tpu.vector_load %arg10[%swap3A_473] {strides = array<i32>} : memref<2176xf32, #tpu.memory_space<vmem>>, vector<16xf32>,
      tpu.vector_store %arg10[%swap3A_473], %max3A_470 {strides = array<i32>} : memref<2176xf32, #tpu.memory_space<vmem>>, vector<16xf32>,
      %add3A_475 = arith.constant 32 : i32
      %add3A_476 = arith.addi %mul3A_448, %add3A_475 : i32
      %get3A_477 = arith.index_cast %add3A_476 : i32 to index
      %get3A_478 = tpu.vector_load %arg10[%get3A_477] {strides = array<i32>} : memref<2176xf32, #tpu.memory_space<vmem>>, vector<16xf32>,
      %get3A_479 = arith.constant 3 : i32
      %get3A_480 = arith.index_cast %get3A_479 : i32 to index
      %get3A_481 = arith.constant 32 : index
      %get3A_482 = tpu.vector_load %arg9[%get3A_480, %get3A_481] {strides = array<i32>} : memref<16x128xf32, #tpu.memory_space<vmem>>, vector<16xf32>,
      %max3A_483 = arith.maximumf %get3A_478, %get3A_482 : vector<16xf32>
      %add3A_484 = arith.constant 32 : i32
      %add3A_485 = arith.addi %mul3A_448, %add3A_484 : i32
      %swap3A_486 = arith.index_cast %add3A_485 : i32 to index
      %swap3A_487 = tpu.vector_load %arg10[%swap3A_486] {strides = array<i32>} : memref<2176xf32, #tpu.memory_space<vmem>>, vector<16xf32>,
      tpu.vector_store %arg10[%swap3A_486], %max3A_483 {strides = array<i32>} : memref<2176xf32, #tpu.memory_space<vmem>>, vector<16xf32>,
      %add3A_488 = arith.constant 48 : i32
      %add3A_489 = arith.addi %mul3A_448, %add3A_488 : i32
      %get3A_490 = arith.index_cast %add3A_489 : i32 to index
      %get3A_491 = tpu.vector_load %arg10[%get3A_490] {strides = array<i32>} : memref<2176xf32, #tpu.memory_space<vmem>>, vector<16xf32>,
      %get3A_492 = arith.constant 3 : i32
      %get3A_493 = arith.index_cast %get3A_492 : i32 to index
      %get3A_494 = arith.constant 48 : index
      %get3A_495 = tpu.vector_load %arg9[%get3A_493, %get3A_494] {strides = array<i32>} : memref<16x128xf32, #tpu.memory_space<vmem>>, vector<16xf32>,
      %max3A_496 = arith.maximumf %get3A_491, %get3A_495 : vector<16xf32>
      %add3A_497 = arith.constant 48 : i32
      %add3A_498 = arith.addi %mul3A_448, %add3A_497 : i32
      %swap3A_499 = arith.index_cast %add3A_498 : i32 to index
      %swap3A_500 = tpu.vector_load %arg10[%swap3A_499] {strides = array<i32>} : memref<2176xf32, #tpu.memory_space<vmem>>, vector<16xf32>,
      tpu.vector_store %arg10[%swap3A_499], %max3A_496 {strides = array<i32>} : memref<2176xf32, #tpu.memory_space<vmem>>, vector<16xf32>,
      %add3A_501 = arith.constant 64 : i32
      %add3A_502 = arith.addi %mul3A_448, %add3A_501 : i32
      %get3A_503 = arith.index_cast %add3A_502 : i32 to index
      %get3A_504 = tpu.vector_load %arg10[%get3A_503] {strides = array<i32>} : memref<2176xf32, #tpu.memory_space<vmem>>, vector<16xf32>,
      %get3A_505 = arith.constant 3 : i32
      %get3A_506 = arith.index_cast %get3A_505 : i32 to index
      %get3A_507 = arith.constant 64 : index
      %get3A_508 = tpu.vector_load %arg9[%get3A_506, %get3A_507] {strides = array<i32>} : memref<16x128xf32, #tpu.memory_space<vmem>>, vector<16xf32>,
      %max3A_509 = arith.maximumf %get3A_504, %get3A_508 : vector<16xf32>
      %add3A_510 = arith.constant 64 : i32
      %add3A_511 = arith.addi %mul3A_448, %add3A_510 : i32
      %swap3A_512 = arith.index_cast %add3A_511 : i32 to index
      %swap3A_513 = tpu.vector_load %arg10[%swap3A_512] {strides = array<i32>} : memref<2176xf32, #tpu.memory_space<vmem>>, vector<16xf32>,
      tpu.vector_store %arg10[%swap3A_512], %max3A_509 {strides = array<i32>} : memref<2176xf32, #tpu.memory_space<vmem>>, vector<16xf32>,
      %add3A_514 = arith.constant 80 : i32
      %add3A_515 = arith.addi %mul3A_448, %add3A_514 : i32
      %get3A_516 = arith.index_cast %add3A_515 : i32 to index
      %get3A_517 = tpu.vector_load %arg10[%get3A_516] {strides = array<i32>} : memref<2176xf32, #tpu.memory_space<vmem>>, vector<16xf32>,
      %get3A_518 = arith.constant 3 : i32
      %get3A_519 = arith.index_cast %get3A_518 : i32 to index
      %get3A_520 = arith.constant 80 : index
      %get3A_521 = tpu.vector_load %arg9[%get3A_519, %get3A_520] {strides = array<i32>} : memref<16x128xf32, #tpu.memory_space<vmem>>, vector<16xf32>,
      %max3A_522 = arith.maximumf %get3A_517, %get3A_521 : vector<16xf32>
      %add3A_523 = arith.constant 80 : i32
      %add3A_524 = arith.addi %mul3A_448, %add3A_523 : i32
      %swap3A_525 = arith.index_cast %add3A_524 : i32 to index
      %swap3A_526 = tpu.vector_load %arg10[%swap3A_525] {strides = array<i32>} : memref<2176xf32, #tpu.memory_space<vmem>>, vector<16xf32>,
      tpu.vector_store %arg10[%swap3A_525], %max3A_522 {strides = array<i32>} : memref<2176xf32, #tpu.memory_space<vmem>>, vector<16xf32>,
      %add3A_527 = arith.constant 96 : i32
      %add3A_528 = arith.addi %mul3A_448, %add3A_527 : i32
      %get3A_529 = arith.index_cast %add3A_528 : i32 to index
      %get3A_530 = tpu.vector_load %arg10[%get3A_529] {strides = array<i32>} : memref<2176xf32, #tpu.memory_space<vmem>>, vector<16xf32>,
      %get3A_531 = arith.constant 3 : i32
      %get3A_532 = arith.index_cast %get3A_531 : i32 to index
      %get3A_533 = arith.constant 96 : index
      %get3A_534 = tpu.vector_load %arg9[%get3A_532, %get3A_533] {strides = array<i32>} : memref<16x128xf32, #tpu.memory_space<vmem>>, vector<16xf32>,
      %max3A_535 = arith.maximumf %get3A_530, %get3A_534 : vector<16xf32>
      %add3A_536 = arith.constant 96 : i32
      %add3A_537 = arith.addi %mul3A_448, %add3A_536 : i32
      %swap3A_538 = arith.index_cast %add3A_537 : i32 to index
      %swap3A_539 = tpu.vector_load %arg10[%swap3A_538] {strides = array<i32>} : memref<2176xf32, #tpu.memory_space<vmem>>, vector<16xf32>,
      tpu.vector_store %arg10[%swap3A_538], %max3A_535 {strides = array<i32>} : memref<2176xf32, #tpu.memory_space<vmem>>, vector<16xf32>,
      %add3A_540 = arith.constant 112 : i32
      %add3A_541 = arith.addi %mul3A_448, %add3A_540 : i32
      %get3A_542 = arith.index_cast %add3A_541 : i32 to index
      %get3A_543 = tpu.vector_load %arg10[%get3A_542] {strides = array<i32>} : memref<2176xf32, #tpu.memory_space<vmem>>, vector<16xf32>,
      %get3A_544 = arith.constant 3 : i32
      %get3A_545 = arith.index_cast %get3A_544 : i32 to index
      %get3A_546 = arith.constant 112 : index
      %get3A_547 = tpu.vector_load %arg9[%get3A_545, %get3A_546] {strides = array<i32>} : memref<16x128xf32, #tpu.memory_space<vmem>>, vector<16xf32>,
      %max3A_548 = arith.maximumf %get3A_543, %get3A_547 : vector<16xf32>
      %add3A_549 = arith.constant 112 : i32
      %add3A_550 = arith.addi %mul3A_448, %add3A_549 : i32
      %swap3A_551 = arith.index_cast %add3A_550 : i32 to index
      %swap3A_552 = tpu.vector_load %arg10[%swap3A_551] {strides = array<i32>} : memref<2176xf32, #tpu.memory_space<vmem>>, vector<16xf32>,
      tpu.vector_store %arg10[%swap3A_551], %max3A_548 {strides = array<i32>} : memref<2176xf32, #tpu.memory_space<vmem>>, vector<16xf32>,
      %slice3A_553 = vector.extract_strided_slice %select_n3A_107 {offsets = [4], sizes = [1], strides = [1]} : vector<16xi32> to vector<1xi32>
      %squeeze3A_554 = vector.extract %slice3A_553[0] : i32 from vector<1xi32>
      %mul3A_555 = arith.constant 128 : i32
      %mul3A_556 = arith.muli %squeeze3A_554, %mul3A_555 : i32
      %add3A_557 = arith.constant 0 : i32
      %add3A_558 = arith.addi %mul3A_556, %add3A_557 : i32
      %get3A_559 = arith.index_cast %add3A_558 : i32 to index
      %get3A_560 = tpu.vector_load %arg10[%get3A_559] {strides = array<i32>} : memref<2176xf32, #tpu.memory_space<vmem>>, vector<16xf32>,
      %get3A_561 = arith.constant 4 : i32
      %get3A_562 = arith.index_cast %get3A_561 : i32 to index
      %get3A_563 = arith.constant 0 : index
      %get3A_564 = tpu.vector_load %arg9[%get3A_562, %get3A_563] {strides = array<i32>} : memref<16x128xf32, #tpu.memory_space<vmem>>, vector<16xf32>,
      %max3A_565 = arith.maximumf %get3A_560, %get3A_564 : vector<16xf32>
      %add3A_566 = arith.constant 0 : i32
      %add3A_567 = arith.addi %mul3A_556, %add3A_566 : i32
      %swap3A_568 = arith.index_cast %add3A_567 : i32 to index
      %swap3A_569 = tpu.vector_load %arg10[%swap3A_568] {strides = array<i32>} : memref<2176xf32, #tpu.memory_space<vmem>>, vector<16xf32>,
      tpu.vector_store %arg10[%swap3A_568], %max3A_565 {strides = array<i32>} : memref<2176xf32, #tpu.memory_space<vmem>>, vector<16xf32>,
      %add3A_570 = arith.constant 16 : i32
      %add3A_571 = arith.addi %mul3A_556, %add3A_570 : i32
      %get3A_572 = arith.index_cast %add3A_571 : i32 to index
      %get3A_573 = tpu.vector_load %arg10[%get3A_572] {strides = array<i32>} : memref<2176xf32, #tpu.memory_space<vmem>>, vector<16xf32>,
      %get3A_574 = arith.constant 4 : i32
      %get3A_575 = arith.index_cast %get3A_574 : i32 to index
      %get3A_576 = arith.constant 16 : index
      %get3A_577 = tpu.vector_load %arg9[%get3A_575, %get3A_576] {strides = array<i32>} : memref<16x128xf32, #tpu.memory_space<vmem>>, vector<16xf32>,
      %max3A_578 = arith.maximumf %get3A_573, %get3A_577 : vector<16xf32>
      %add3A_579 = arith.constant 16 : i32
      %add3A_580 = arith.addi %mul3A_556, %add3A_579 : i32
      %swap3A_581 = arith.index_cast %add3A_580 : i32 to index
      %swap3A_582 = tpu.vector_load %arg10[%swap3A_581] {strides = array<i32>} : memref<2176xf32, #tpu.memory_space<vmem>>, vector<16xf32>,
      tpu.vector_store %arg10[%swap3A_581], %max3A_578 {strides = array<i32>} : memref<2176xf32, #tpu.memory_space<vmem>>, vector<16xf32>,
      %add3A_583 = arith.constant 32 : i32
      %add3A_584 = arith.addi %mul3A_556, %add3A_583 : i32
      %get3A_585 = arith.index_cast %add3A_584 : i32 to index
      %get3A_586 = tpu.vector_load %arg10[%get3A_585] {strides = array<i32>} : memref<2176xf32, #tpu.memory_space<vmem>>, vector<16xf32>,
      %get3A_587 = arith.constant 4 : i32
      %get3A_588 = arith.index_cast %get3A_587 : i32 to index
      %get3A_589 = arith.constant 32 : index
      %get3A_590 = tpu.vector_load %arg9[%get3A_588, %get3A_589] {strides = array<i32>} : memref<16x128xf32, #tpu.memory_space<vmem>>, vector<16xf32>,
      %max3A_591 = arith.maximumf %get3A_586, %get3A_590 : vector<16xf32>
      %add3A_592 = arith.constant 32 : i32
      %add3A_593 = arith.addi %mul3A_556, %add3A_592 : i32
      %swap3A_594 = arith.index_cast %add3A_593 : i32 to index
      %swap3A_595 = tpu.vector_load %arg10[%swap3A_594] {strides = array<i32>} : memref<2176xf32, #tpu.memory_space<vmem>>, vector<16xf32>,
      tpu.vector_store %arg10[%swap3A_594], %max3A_591 {strides = array<i32>} : memref<2176xf32, #tpu.memory_space<vmem>>, vector<16xf32>,
      %add3A_596 = arith.constant 48 : i32
      %add3A_597 = arith.addi %mul3A_556, %add3A_596 : i32
      %get3A_598 = arith.index_cast %add3A_597 : i32 to index
      %get3A_599 = tpu.vector_load %arg10[%get3A_598] {strides = array<i32>} : memref<2176xf32, #tpu.memory_space<vmem>>, vector<16xf32>,
      %get3A_600 = arith.constant 4 : i32
      %get3A_601 = arith.index_cast %get3A_600 : i32 to index
      %get3A_602 = arith.constant 48 : index
      %get3A_603 = tpu.vector_load %arg9[%get3A_601, %get3A_602] {strides = array<i32>} : memref<16x128xf32, #tpu.memory_space<vmem>>, vector<16xf32>,
      %max3A_604 = arith.maximumf %get3A_599, %get3A_603 : vector<16xf32>
      %add3A_605 = arith.constant 48 : i32
      %add3A_606 = arith.addi %mul3A_556, %add3A_605 : i32
      %swap3A_607 = arith.index_cast %add3A_606 : i32 to index
      %swap3A_608 = tpu.vector_load %arg10[%swap3A_607] {strides = array<i32>} : memref<2176xf32, #tpu.memory_space<vmem>>, vector<16xf32>,
      tpu.vector_store %arg10[%swap3A_607], %max3A_604 {strides = array<i32>} : memref<2176xf32, #tpu.memory_space<vmem>>, vector<16xf32>,
      %add3A_609 = arith.constant 64 : i32
      %add3A_610 = arith.addi %mul3A_556, %add3A_609 : i32
      %get3A_611 = arith.index_cast %add3A_610 : i32 to index
      %get3A_612 = tpu.vector_load %arg10[%get3A_611] {strides = array<i32>} : memref<2176xf32, #tpu.memory_space<vmem>>, vector<16xf32>,
      %get3A_613 = arith.constant 4 : i32
      %get3A_614 = arith.index_cast %get3A_613 : i32 to index
      %get3A_615 = arith.constant 64 : index
      %get3A_616 = tpu.vector_load %arg9[%get3A_614, %get3A_615] {strides = array<i32>} : memref<16x128xf32, #tpu.memory_space<vmem>>, vector<16xf32>,
      %max3A_617 = arith.maximumf %get3A_612, %get3A_616 : vector<16xf32>
      %add3A_618 = arith.constant 64 : i32
      %add3A_619 = arith.addi %mul3A_556, %add3A_618 : i32
      %swap3A_620 = arith.index_cast %add3A_619 : i32 to index
      %swap3A_621 = tpu.vector_load %arg10[%swap3A_620] {strides = array<i32>} : memref<2176xf32, #tpu.memory_space<vmem>>, vector<16xf32>,
      tpu.vector_store %arg10[%swap3A_620], %max3A_617 {strides = array<i32>} : memref<2176xf32, #tpu.memory_space<vmem>>, vector<16xf32>,
      %add3A_622 = arith.constant 80 : i32
      %add3A_623 = arith.addi %mul3A_556, %add3A_622 : i32
      %get3A_624 = arith.index_cast %add3A_623 : i32 to index
      %get3A_625 = tpu.vector_load %arg10[%get3A_624] {strides = array<i32>} : memref<2176xf32, #tpu.memory_space<vmem>>, vector<16xf32>,
      %get3A_626 = arith.constant 4 : i32
      %get3A_627 = arith.index_cast %get3A_626 : i32 to index
      %get3A_628 = arith.constant 80 : index
      %get3A_629 = tpu.vector_load %arg9[%get3A_627, %get3A_628] {strides = array<i32>} : memref<16x128xf32, #tpu.memory_space<vmem>>, vector<16xf32>,
      %max3A_630 = arith.maximumf %get3A_625, %get3A_629 : vector<16xf32>
      %add3A_631 = arith.constant 80 : i32
      %add3A_632 = arith.addi %mul3A_556, %add3A_631 : i32
      %swap3A_633 = arith.index_cast %add3A_632 : i32 to index
      %swap3A_634 = tpu.vector_load %arg10[%swap3A_633] {strides = array<i32>} : memref<2176xf32, #tpu.memory_space<vmem>>, vector<16xf32>,
      tpu.vector_store %arg10[%swap3A_633], %max3A_630 {strides = array<i32>} : memref<2176xf32, #tpu.memory_space<vmem>>, vector<16xf32>,
      %add3A_635 = arith.constant 96 : i32
      %add3A_636 = arith.addi %mul3A_556, %add3A_635 : i32
      %get3A_637 = arith.index_cast %add3A_636 : i32 to index
      %get3A_638 = tpu.vector_load %arg10[%get3A_637] {strides = array<i32>} : memref<2176xf32, #tpu.memory_space<vmem>>, vector<16xf32>,
      %get3A_639 = arith.constant 4 : i32
      %get3A_640 = arith.index_cast %get3A_639 : i32 to index
      %get3A_641 = arith.constant 96 : index
      %get3A_642 = tpu.vector_load %arg9[%get3A_640, %get3A_641] {strides = array<i32>} : memref<16x128xf32, #tpu.memory_space<vmem>>, vector<16xf32>,
      %max3A_643 = arith.maximumf %get3A_638, %get3A_642 : vector<16xf32>
      %add3A_644 = arith.constant 96 : i32
      %add3A_645 = arith.addi %mul3A_556, %add3A_644 : i32
      %swap3A_646 = arith.index_cast %add3A_645 : i32 to index
      %swap3A_647 = tpu.vector_load %arg10[%swap3A_646] {strides = array<i32>} : memref<2176xf32, #tpu.memory_space<vmem>>, vector<16xf32>,
      tpu.vector_store %arg10[%swap3A_646], %max3A_643 {strides = array<i32>} : memref<2176xf32, #tpu.memory_space<vmem>>, vector<16xf32>,
      %add3A_648 = arith.constant 112 : i32
      %add3A_649 = arith.addi %mul3A_556, %add3A_648 : i32
      %get3A_650 = arith.index_cast %add3A_649 : i32 to index
      %get3A_651 = tpu.vector_load %arg10[%get3A_650] {strides = array<i32>} : memref<2176xf32, #tpu.memory_space<vmem>>, vector<16xf32>,
      %get3A_652 = arith.constant 4 : i32
      %get3A_653 = arith.index_cast %get3A_652 : i32 to index
      %get3A_654 = arith.constant 112 : index
      %get3A_655 = tpu.vector_load %arg9[%get3A_653, %get3A_654] {strides = array<i32>} : memref<16x128xf32, #tpu.memory_space<vmem>>, vector<16xf32>,
      %max3A_656 = arith.maximumf %get3A_651, %get3A_655 : vector<16xf32>
      %add3A_657 = arith.constant 112 : i32
      %add3A_658 = arith.addi %mul3A_556, %add3A_657 : i32
      %swap3A_659 = arith.index_cast %add3A_658 : i32 to index
      %swap3A_660 = tpu.vector_load %arg10[%swap3A_659] {strides = array<i32>} : memref<2176xf32, #tpu.memory_space<vmem>>, vector<16xf32>,
      tpu.vector_store %arg10[%swap3A_659], %max3A_656 {strides = array<i32>} : memref<2176xf32, #tpu.memory_space<vmem>>, vector<16xf32>,
      %slice3A_661 = vector.extract_strided_slice %select_n3A_107 {offsets = [5], sizes = [1], strides = [1]} : vector<16xi32> to vector<1xi32>
      %squeeze3A_662 = vector.extract %slice3A_661[0] : i32 from vector<1xi32>
      %mul3A_663 = arith.constant 128 : i32
      %mul3A_664 = arith.muli %squeeze3A_662, %mul3A_663 : i32
      %add3A_665 = arith.constant 0 : i32
      %add3A_666 = arith.addi %mul3A_664, %add3A_665 : i32
      %get3A_667 = arith.index_cast %add3A_666 : i32 to index
      %get3A_668 = tpu.vector_load %arg10[%get3A_667] {strides = array<i32>} : memref<2176xf32, #tpu.memory_space<vmem>>, vector<16xf32>,
      %get3A_669 = arith.constant 5 : i32
      %get3A_670 = arith.index_cast %get3A_669 : i32 to index
      %get3A_671 = arith.constant 0 : index
      %get3A_672 = tpu.vector_load %arg9[%get3A_670, %get3A_671] {strides = array<i32>} : memref<16x128xf32, #tpu.memory_space<vmem>>, vector<16xf32>,
      %max3A_673 = arith.maximumf %get3A_668, %get3A_672 : vector<16xf32>
      %add3A_674 = arith.constant 0 : i32
      %add3A_675 = arith.addi %mul3A_664, %add3A_674 : i32
      %swap3A_676 = arith.index_cast %add3A_675 : i32 to index
      %swap3A_677 = tpu.vector_load %arg10[%swap3A_676] {strides = array<i32>} : memref<2176xf32, #tpu.memory_space<vmem>>, vector<16xf32>,
      tpu.vector_store %arg10[%swap3A_676], %max3A_673 {strides = array<i32>} : memref<2176xf32, #tpu.memory_space<vmem>>, vector<16xf32>,
      %add3A_678 = arith.constant 16 : i32
      %add3A_679 = arith.addi %mul3A_664, %add3A_678 : i32
      %get3A_680 = arith.index_cast %add3A_679 : i32 to index
      %get3A_681 = tpu.vector_load %arg10[%get3A_680] {strides = array<i32>} : memref<2176xf32, #tpu.memory_space<vmem>>, vector<16xf32>,
      %get3A_682 = arith.constant 5 : i32
      %get3A_683 = arith.index_cast %get3A_682 : i32 to index
      %get3A_684 = arith.constant 16 : index
      %get3A_685 = tpu.vector_load %arg9[%get3A_683, %get3A_684] {strides = array<i32>} : memref<16x128xf32, #tpu.memory_space<vmem>>, vector<16xf32>,
      %max3A_686 = arith.maximumf %get3A_681, %get3A_685 : vector<16xf32>
      %add3A_687 = arith.constant 16 : i32
      %add3A_688 = arith.addi %mul3A_664, %add3A_687 : i32
      %swap3A_689 = arith.index_cast %add3A_688 : i32 to index
      %swap3A_690 = tpu.vector_load %arg10[%swap3A_689] {strides = array<i32>} : memref<2176xf32, #tpu.memory_space<vmem>>, vector<16xf32>,
      tpu.vector_store %arg10[%swap3A_689], %max3A_686 {strides = array<i32>} : memref<2176xf32, #tpu.memory_space<vmem>>, vector<16xf32>,
      %add3A_691 = arith.constant 32 : i32
      %add3A_692 = arith.addi %mul3A_664, %add3A_691 : i32
      %get3A_693 = arith.index_cast %add3A_692 : i32 to index
      %get3A_694 = tpu.vector_load %arg10[%get3A_693] {strides = array<i32>} : memref<2176xf32, #tpu.memory_space<vmem>>, vector<16xf32>,
      %get3A_695 = arith.constant 5 : i32
      %get3A_696 = arith.index_cast %get3A_695 : i32 to index
      %get3A_697 = arith.constant 32 : index
      %get3A_698 = tpu.vector_load %arg9[%get3A_696, %get3A_697] {strides = array<i32>} : memref<16x128xf32, #tpu.memory_space<vmem>>, vector<16xf32>,
      %max3A_699 = arith.maximumf %get3A_694, %get3A_698 : vector<16xf32>
      %add3A_700 = arith.constant 32 : i32
      %add3A_701 = arith.addi %mul3A_664, %add3A_700 : i32
      %swap3A_702 = arith.index_cast %add3A_701 : i32 to index
      %swap3A_703 = tpu.vector_load %arg10[%swap3A_702] {strides = array<i32>} : memref<2176xf32, #tpu.memory_space<vmem>>, vector<16xf32>,
      tpu.vector_store %arg10[%swap3A_702], %max3A_699 {strides = array<i32>} : memref<2176xf32, #tpu.memory_space<vmem>>, vector<16xf32>,
      %add3A_704 = arith.constant 48 : i32
      %add3A_705 = arith.addi %mul3A_664, %add3A_704 : i32
      %get3A_706 = arith.index_cast %add3A_705 : i32 to index
      %get3A_707 = tpu.vector_load %arg10[%get3A_706] {strides = array<i32>} : memref<2176xf32, #tpu.memory_space<vmem>>, vector<16xf32>,
      %get3A_708 = arith.constant 5 : i32
      %get3A_709 = arith.index_cast %get3A_708 : i32 to index
      %get3A_710 = arith.constant 48 : index
      %get3A_711 = tpu.vector_load %arg9[%get3A_709, %get3A_710] {strides = array<i32>} : memref<16x128xf32, #tpu.memory_space<vmem>>, vector<16xf32>,
      %max3A_712 = arith.maximumf %get3A_707, %get3A_711 : vector<16xf32>
      %add3A_713 = arith.constant 48 : i32
      %add3A_714 = arith.addi %mul3A_664, %add3A_713 : i32
      %swap3A_715 = arith.index_cast %add3A_714 : i32 to index
      %swap3A_716 = tpu.vector_load %arg10[%swap3A_715] {strides = array<i32>} : memref<2176xf32, #tpu.memory_space<vmem>>, vector<16xf32>,
      tpu.vector_store %arg10[%swap3A_715], %max3A_712 {strides = array<i32>} : memref<2176xf32, #tpu.memory_space<vmem>>, vector<16xf32>,
      %add3A_717 = arith.constant 64 : i32
      %add3A_718 = arith.addi %mul3A_664, %add3A_717 : i32
      %get3A_719 = arith.index_cast %add3A_718 : i32 to index
      %get3A_720 = tpu.vector_load %arg10[%get3A_719] {strides = array<i32>} : memref<2176xf32, #tpu.memory_space<vmem>>, vector<16xf32>,
      %get3A_721 = arith.constant 5 : i32
      %get3A_722 = arith.index_cast %get3A_721 : i32 to index
      %get3A_723 = arith.constant 64 : index
      %get3A_724 = tpu.vector_load %arg9[%get3A_722, %get3A_723] {strides = array<i32>} : memref<16x128xf32, #tpu.memory_space<vmem>>, vector<16xf32>,
      %max3A_725 = arith.maximumf %get3A_720, %get3A_724 : vector<16xf32>
      %add3A_726 = arith.constant 64 : i32
      %add3A_727 = arith.addi %mul3A_664, %add3A_726 : i32
      %swap3A_728 = arith.index_cast %add3A_727 : i32 to index
      %swap3A_729 = tpu.vector_load %arg10[%swap3A_728] {strides = array<i32>} : memref<2176xf32, #tpu.memory_space<vmem>>, vector<16xf32>,
      tpu.vector_store %arg10[%swap3A_728], %max3A_725 {strides = array<i32>} : memref<2176xf32, #tpu.memory_space<vmem>>, vector<16xf32>,
      %add3A_730 = arith.constant 80 : i32
      %add3A_731 = arith.addi %mul3A_664, %add3A_730 : i32
      %get3A_732 = arith.index_cast %add3A_731 : i32 to index
      %get3A_733 = tpu.vector_load %arg10[%get3A_732] {strides = array<i32>} : memref<2176xf32, #tpu.memory_space<vmem>>, vector<16xf32>,
      %get3A_734 = arith.constant 5 : i32
      %get3A_735 = arith.index_cast %get3A_734 : i32 to index
      %get3A_736 = arith.constant 80 : index
      %get3A_737 = tpu.vector_load %arg9[%get3A_735, %get3A_736] {strides = array<i32>} : memref<16x128xf32, #tpu.memory_space<vmem>>, vector<16xf32>,
      %max3A_738 = arith.maximumf %get3A_733, %get3A_737 : vector<16xf32>
      %add3A_739 = arith.constant 80 : i32
      %add3A_740 = arith.addi %mul3A_664, %add3A_739 : i32
      %swap3A_741 = arith.index_cast %add3A_740 : i32 to index
      %swap3A_742 = tpu.vector_load %arg10[%swap3A_741] {strides = array<i32>} : memref<2176xf32, #tpu.memory_space<vmem>>, vector<16xf32>,
      tpu.vector_store %arg10[%swap3A_741], %max3A_738 {strides = array<i32>} : memref<2176xf32, #tpu.memory_space<vmem>>, vector<16xf32>,
      %add3A_743 = arith.constant 96 : i32
      %add3A_744 = arith.addi %mul3A_664, %add3A_743 : i32
      %get3A_745 = arith.index_cast %add3A_744 : i32 to index
      %get3A_746 = tpu.vector_load %arg10[%get3A_745] {strides = array<i32>} : memref<2176xf32, #tpu.memory_space<vmem>>, vector<16xf32>,
      %get3A_747 = arith.constant 5 : i32
      %get3A_748 = arith.index_cast %get3A_747 : i32 to index
      %get3A_749 = arith.constant 96 : index
      %get3A_750 = tpu.vector_load %arg9[%get3A_748, %get3A_749] {strides = array<i32>} : memref<16x128xf32, #tpu.memory_space<vmem>>, vector<16xf32>,
      %max3A_751 = arith.maximumf %get3A_746, %get3A_750 : vector<16xf32>
      %add3A_752 = arith.constant 96 : i32
      %add3A_753 = arith.addi %mul3A_664, %add3A_752 : i32
      %swap3A_754 = arith.index_cast %add3A_753 : i32 to index
      %swap3A_755 = tpu.vector_load %arg10[%swap3A_754] {strides = array<i32>} : memref<2176xf32, #tpu.memory_space<vmem>>, vector<16xf32>,
      tpu.vector_store %arg10[%swap3A_754], %max3A_751 {strides = array<i32>} : memref<2176xf32, #tpu.memory_space<vmem>>, vector<16xf32>,
      %add3A_756 = arith.constant 112 : i32
      %add3A_757 = arith.addi %mul3A_664, %add3A_756 : i32
      %get3A_758 = arith.index_cast %add3A_757 : i32 to index
      %get3A_759 = tpu.vector_load %arg10[%get3A_758] {strides = array<i32>} : memref<2176xf32, #tpu.memory_space<vmem>>, vector<16xf32>,
      %get3A_760 = arith.constant 5 : i32
      %get3A_761 = arith.index_cast %get3A_760 : i32 to index
      %get3A_762 = arith.constant 112 : index
      %get3A_763 = tpu.vector_load %arg9[%get3A_761, %get3A_762] {strides = array<i32>} : memref<16x128xf32, #tpu.memory_space<vmem>>, vector<16xf32>,
      %max3A_764 = arith.maximumf %get3A_759, %get3A_763 : vector<16xf32>
      %add3A_765 = arith.constant 112 : i32
      %add3A_766 = arith.addi %mul3A_664, %add3A_765 : i32
      %swap3A_767 = arith.index_cast %add3A_766 : i32 to index
      %swap3A_768 = tpu.vector_load %arg10[%swap3A_767] {strides = array<i32>} : memref<2176xf32, #tpu.memory_space<vmem>>, vector<16xf32>,
      tpu.vector_store %arg10[%swap3A_767], %max3A_764 {strides = array<i32>} : memref<2176xf32, #tpu.memory_space<vmem>>, vector<16xf32>,
      %slice3A_769 = vector.extract_strided_slice %select_n3A_107 {offsets = [6], sizes = [1], strides = [1]} : vector<16xi32> to vector<1xi32>
      %squeeze3A_770 = vector.extract %slice3A_769[0] : i32 from vector<1xi32>
      %mul3A_771 = arith.constant 128 : i32
      %mul3A_772 = arith.muli %squeeze3A_770, %mul3A_771 : i32
      %add3A_773 = arith.constant 0 : i32
      %add3A_774 = arith.addi %mul3A_772, %add3A_773 : i32
      %get3A_775 = arith.index_cast %add3A_774 : i32 to index
      %get3A_776 = tpu.vector_load %arg10[%get3A_775] {strides = array<i32>} : memref<2176xf32, #tpu.memory_space<vmem>>, vector<16xf32>,
      %get3A_777 = arith.constant 6 : i32
      %get3A_778 = arith.index_cast %get3A_777 : i32 to index
      %get3A_779 = arith.constant 0 : index
      %get3A_780 = tpu.vector_load %arg9[%get3A_778, %get3A_779] {strides = array<i32>} : memref<16x128xf32, #tpu.memory_space<vmem>>, vector<16xf32>,
      %max3A_781 = arith.maximumf %get3A_776, %get3A_780 : vector<16xf32>
      %add3A_782 = arith.constant 0 : i32
      %add3A_783 = arith.addi %mul3A_772, %add3A_782 : i32
      %swap3A_784 = arith.index_cast %add3A_783 : i32 to index
      %swap3A_785 = tpu.vector_load %arg10[%swap3A_784] {strides = array<i32>} : memref<2176xf32, #tpu.memory_space<vmem>>, vector<16xf32>,
      tpu.vector_store %arg10[%swap3A_784], %max3A_781 {strides = array<i32>} : memref<2176xf32, #tpu.memory_space<vmem>>, vector<16xf32>,
      %add3A_786 = arith.constant 16 : i32
      %add3A_787 = arith.addi %mul3A_772, %add3A_786 : i32
      %get3A_788 = arith.index_cast %add3A_787 : i32 to index
      %get3A_789 = tpu.vector_load %arg10[%get3A_788] {strides = array<i32>} : memref<2176xf32, #tpu.memory_space<vmem>>, vector<16xf32>,
      %get3A_790 = arith.constant 6 : i32
      %get3A_791 = arith.index_cast %get3A_790 : i32 to index
      %get3A_792 = arith.constant 16 : index
      %get3A_793 = tpu.vector_load %arg9[%get3A_791, %get3A_792] {strides = array<i32>} : memref<16x128xf32, #tpu.memory_space<vmem>>, vector<16xf32>,
      %max3A_794 = arith.maximumf %get3A_789, %get3A_793 : vector<16xf32>
      %add3A_795 = arith.constant 16 : i32
      %add3A_796 = arith.addi %mul3A_772, %add3A_795 : i32
      %swap3A_797 = arith.index_cast %add3A_796 : i32 to index
      %swap3A_798 = tpu.vector_load %arg10[%swap3A_797] {strides = array<i32>} : memref<2176xf32, #tpu.memory_space<vmem>>, vector<16xf32>,
      tpu.vector_store %arg10[%swap3A_797], %max3A_794 {strides = array<i32>} : memref<2176xf32, #tpu.memory_space<vmem>>, vector<16xf32>,
      %add3A_799 = arith.constant 32 : i32
      %add3A_800 = arith.addi %mul3A_772, %add3A_799 : i32
      %get3A_801 = arith.index_cast %add3A_800 : i32 to index
      %get3A_802 = tpu.vector_load %arg10[%get3A_801] {strides = array<i32>} : memref<2176xf32, #tpu.memory_space<vmem>>, vector<16xf32>,
      %get3A_803 = arith.constant 6 : i32
      %get3A_804 = arith.index_cast %get3A_803 : i32 to index
      %get3A_805 = arith.constant 32 : index
      %get3A_806 = tpu.vector_load %arg9[%get3A_804, %get3A_805] {strides = array<i32>} : memref<16x128xf32, #tpu.memory_space<vmem>>, vector<16xf32>,
      %max3A_807 = arith.maximumf %get3A_802, %get3A_806 : vector<16xf32>
      %add3A_808 = arith.constant 32 : i32
      %add3A_809 = arith.addi %mul3A_772, %add3A_808 : i32
      %swap3A_810 = arith.index_cast %add3A_809 : i32 to index
      %swap3A_811 = tpu.vector_load %arg10[%swap3A_810] {strides = array<i32>} : memref<2176xf32, #tpu.memory_space<vmem>>, vector<16xf32>,
      tpu.vector_store %arg10[%swap3A_810], %max3A_807 {strides = array<i32>} : memref<2176xf32, #tpu.memory_space<vmem>>, vector<16xf32>,
      %add3A_812 = arith.constant 48 : i32
      %add3A_813 = arith.addi %mul3A_772, %add3A_812 : i32
      %get3A_814 = arith.index_cast %add3A_813 : i32 to index
      %get3A_815 = tpu.vector_load %arg10[%get3A_814] {strides = array<i32>} : memref<2176xf32, #tpu.memory_space<vmem>>, vector<16xf32>,
      %get3A_816 = arith.constant 6 : i32
      %get3A_817 = arith.index_cast %get3A_816 : i32 to index
      %get3A_818 = arith.constant 48 : index
      %get3A_819 = tpu.vector_load %arg9[%get3A_817, %get3A_818] {strides = array<i32>} : memref<16x128xf32, #tpu.memory_space<vmem>>, vector<16xf32>,
      %max3A_820 = arith.maximumf %get3A_815, %get3A_819 : vector<16xf32>
      %add3A_821 = arith.constant 48 : i32
      %add3A_822 = arith.addi %mul3A_772, %add3A_821 : i32
      %swap3A_823 = arith.index_cast %add3A_822 : i32 to index
      %swap3A_824 = tpu.vector_load %arg10[%swap3A_823] {strides = array<i32>} : memref<2176xf32, #tpu.memory_space<vmem>>, vector<16xf32>,
      tpu.vector_store %arg10[%swap3A_823], %max3A_820 {strides = array<i32>} : memref<2176xf32, #tpu.memory_space<vmem>>, vector<16xf32>,
      %add3A_825 = arith.constant 64 : i32
      %add3A_826 = arith.addi %mul3A_772, %add3A_825 : i32
      %get3A_827 = arith.index_cast %add3A_826 : i32 to index
      %get3A_828 = tpu.vector_load %arg10[%get3A_827] {strides = array<i32>} : memref<2176xf32, #tpu.memory_space<vmem>>, vector<16xf32>,
      %get3A_829 = arith.constant 6 : i32
      %get3A_830 = arith.index_cast %get3A_829 : i32 to index
      %get3A_831 = arith.constant 64 : index
      %get3A_832 = tpu.vector_load %arg9[%get3A_830, %get3A_831] {strides = array<i32>} : memref<16x128xf32, #tpu.memory_space<vmem>>, vector<16xf32>,
      %max3A_833 = arith.maximumf %get3A_828, %get3A_832 : vector<16xf32>
      %add3A_834 = arith.constant 64 : i32
      %add3A_835 = arith.addi %mul3A_772, %add3A_834 : i32
      %swap3A_836 = arith.index_cast %add3A_835 : i32 to index
      %swap3A_837 = tpu.vector_load %arg10[%swap3A_836] {strides = array<i32>} : memref<2176xf32, #tpu.memory_space<vmem>>, vector<16xf32>,
      tpu.vector_store %arg10[%swap3A_836], %max3A_833 {strides = array<i32>} : memref<2176xf32, #tpu.memory_space<vmem>>, vector<16xf32>,
      %add3A_838 = arith.constant 80 : i32
      %add3A_839 = arith.addi %mul3A_772, %add3A_838 : i32
      %get3A_840 = arith.index_cast %add3A_839 : i32 to index
      %get3A_841 = tpu.vector_load %arg10[%get3A_840] {strides = array<i32>} : memref<2176xf32, #tpu.memory_space<vmem>>, vector<16xf32>,
      %get3A_842 = arith.constant 6 : i32
      %get3A_843 = arith.index_cast %get3A_842 : i32 to index
      %get3A_844 = arith.constant 80 : index
      %get3A_845 = tpu.vector_load %arg9[%get3A_843, %get3A_844] {strides = array<i32>} : memref<16x128xf32, #tpu.memory_space<vmem>>, vector<16xf32>,
      %max3A_846 = arith.maximumf %get3A_841, %get3A_845 : vector<16xf32>
      %add3A_847 = arith.constant 80 : i32
      %add3A_848 = arith.addi %mul3A_772, %add3A_847 : i32
      %swap3A_849 = arith.index_cast %add3A_848 : i32 to index
      %swap3A_850 = tpu.vector_load %arg10[%swap3A_849] {strides = array<i32>} : memref<2176xf32, #tpu.memory_space<vmem>>, vector<16xf32>,
      tpu.vector_store %arg10[%swap3A_849], %max3A_846 {strides = array<i32>} : memref<2176xf32, #tpu.memory_space<vmem>>, vector<16xf32>,
      %add3A_851 = arith.constant 96 : i32
      %add3A_852 = arith.addi %mul3A_772, %add3A_851 : i32
      %get3A_853 = arith.index_cast %add3A_852 : i32 to index
      %get3A_854 = tpu.vector_load %arg10[%get3A_853] {strides = array<i32>} : memref<2176xf32, #tpu.memory_space<vmem>>, vector<16xf32>,
      %get3A_855 = arith.constant 6 : i32
      %get3A_856 = arith.index_cast %get3A_855 : i32 to index
      %get3A_857 = arith.constant 96 : index
      %get3A_858 = tpu.vector_load %arg9[%get3A_856, %get3A_857] {strides = array<i32>} : memref<16x128xf32, #tpu.memory_space<vmem>>, vector<16xf32>,
      %max3A_859 = arith.maximumf %get3A_854, %get3A_858 : vector<16xf32>
      %add3A_860 = arith.constant 96 : i32
      %add3A_861 = arith.addi %mul3A_772, %add3A_860 : i32
      %swap3A_862 = arith.index_cast %add3A_861 : i32 to index
      %swap3A_863 = tpu.vector_load %arg10[%swap3A_862] {strides = array<i32>} : memref<2176xf32, #tpu.memory_space<vmem>>, vector<16xf32>,
      tpu.vector_store %arg10[%swap3A_862], %max3A_859 {strides = array<i32>} : memref<2176xf32, #tpu.memory_space<vmem>>, vector<16xf32>,
      %add3A_864 = arith.constant 112 : i32
      %add3A_865 = arith.addi %mul3A_772, %add3A_864 : i32
      %get3A_866 = arith.index_cast %add3A_865 : i32 to index
      %get3A_867 = tpu.vector_load %arg10[%get3A_866] {strides = array<i32>} : memref<2176xf32, #tpu.memory_space<vmem>>, vector<16xf32>,
      %get3A_868 = arith.constant 6 : i32
      %get3A_869 = arith.index_cast %get3A_868 : i32 to index
      %get3A_870 = arith.constant 112 : index
      %get3A_871 = tpu.vector_load %arg9[%get3A_869, %get3A_870] {strides = array<i32>} : memref<16x128xf32, #tpu.memory_space<vmem>>, vector<16xf32>,
      %max3A_872 = arith.maximumf %get3A_867, %get3A_871 : vector<16xf32>
      %add3A_873 = arith.constant 112 : i32
      %add3A_874 = arith.addi %mul3A_772, %add3A_873 : i32
      %swap3A_875 = arith.index_cast %add3A_874 : i32 to index
      %swap3A_876 = tpu.vector_load %arg10[%swap3A_875] {strides = array<i32>} : memref<2176xf32, #tpu.memory_space<vmem>>, vector<16xf32>,
      tpu.vector_store %arg10[%swap3A_875], %max3A_872 {strides = array<i32>} : memref<2176xf32, #tpu.memory_space<vmem>>, vector<16xf32>,
      %slice3A_877 = vector.extract_strided_slice %select_n3A_107 {offsets = [7], sizes = [1], strides = [1]} : vector<16xi32> to vector<1xi32>
      %squeeze3A_878 = vector.extract %slice3A_877[0] : i32 from vector<1xi32>
      %mul3A_879 = arith.constant 128 : i32
      %mul3A_880 = arith.muli %squeeze3A_878, %mul3A_879 : i32
      %add3A_881 = arith.constant 0 : i32
      %add3A_882 = arith.addi %mul3A_880, %add3A_881 : i32
      %get3A_883 = arith.index_cast %add3A_882 : i32 to index
      %get3A_884 = tpu.vector_load %arg10[%get3A_883] {strides = array<i32>} : memref<2176xf32, #tpu.memory_space<vmem>>, vector<16xf32>,
      %get3A_885 = arith.constant 7 : i32
      %get3A_886 = arith.index_cast %get3A_885 : i32 to index
      %get3A_887 = arith.constant 0 : index
      %get3A_888 = tpu.vector_load %arg9[%get3A_886, %get3A_887] {strides = array<i32>} : memref<16x128xf32, #tpu.memory_space<vmem>>, vector<16xf32>,
      %max3A_889 = arith.maximumf %get3A_884, %get3A_888 : vector<16xf32>
      %add3A_890 = arith.constant 0 : i32
      %add3A_891 = arith.addi %mul3A_880, %add3A_890 : i32
      %swap3A_892 = arith.index_cast %add3A_891 : i32 to index
      %swap3A_893 = tpu.vector_load %arg10[%swap3A_892] {strides = array<i32>} : memref<2176xf32, #tpu.memory_space<vmem>>, vector<16xf32>,
      tpu.vector_store %arg10[%swap3A_892], %max3A_889 {strides = array<i32>} : memref<2176xf32, #tpu.memory_space<vmem>>, vector<16xf32>,
      %add3A_894 = arith.constant 16 : i32
      %add3A_895 = arith.addi %mul3A_880, %add3A_894 : i32
      %get3A_896 = arith.index_cast %add3A_895 : i32 to index
      %get3A_897 = tpu.vector_load %arg10[%get3A_896] {strides = array<i32>} : memref<2176xf32, #tpu.memory_space<vmem>>, vector<16xf32>,
      %get3A_898 = arith.constant 7 : i32
      %get3A_899 = arith.index_cast %get3A_898 : i32 to index
      %get3A_900 = arith.constant 16 : index
      %get3A_901 = tpu.vector_load %arg9[%get3A_899, %get3A_900] {strides = array<i32>} : memref<16x128xf32, #tpu.memory_space<vmem>>, vector<16xf32>,
      %max3A_902 = arith.maximumf %get3A_897, %get3A_901 : vector<16xf32>
      %add3A_903 = arith.constant 16 : i32
      %add3A_904 = arith.addi %mul3A_880, %add3A_903 : i32
      %swap3A_905 = arith.index_cast %add3A_904 : i32 to index
      %swap3A_906 = tpu.vector_load %arg10[%swap3A_905] {strides = array<i32>} : memref<2176xf32, #tpu.memory_space<vmem>>, vector<16xf32>,
      tpu.vector_store %arg10[%swap3A_905], %max3A_902 {strides = array<i32>} : memref<2176xf32, #tpu.memory_space<vmem>>, vector<16xf32>,
      %add3A_907 = arith.constant 32 : i32
      %add3A_908 = arith.addi %mul3A_880, %add3A_907 : i32
      %get3A_909 = arith.index_cast %add3A_908 : i32 to index
      %get3A_910 = tpu.vector_load %arg10[%get3A_909] {strides = array<i32>} : memref<2176xf32, #tpu.memory_space<vmem>>, vector<16xf32>,
      %get3A_911 = arith.constant 7 : i32
      %get3A_912 = arith.index_cast %get3A_911 : i32 to index
      %get3A_913 = arith.constant 32 : index
      %get3A_914 = tpu.vector_load %arg9[%get3A_912, %get3A_913] {strides = array<i32>} : memref<16x128xf32, #tpu.memory_space<vmem>>, vector<16xf32>,
      %max3A_915 = arith.maximumf %get3A_910, %get3A_914 : vector<16xf32>
      %add3A_916 = arith.constant 32 : i32
      %add3A_917 = arith.addi %mul3A_880, %add3A_916 : i32
      %swap3A_918 = arith.index_cast %add3A_917 : i32 to index
      %swap3A_919 = tpu.vector_load %arg10[%swap3A_918] {strides = array<i32>} : memref<2176xf32, #tpu.memory_space<vmem>>, vector<16xf32>,
      tpu.vector_store %arg10[%swap3A_918], %max3A_915 {strides = array<i32>} : memref<2176xf32, #tpu.memory_space<vmem>>, vector<16xf32>,
      %add3A_920 = arith.constant 48 : i32
      %add3A_921 = arith.addi %mul3A_880, %add3A_920 : i32
      %get3A_922 = arith.index_cast %add3A_921 : i32 to index
      %get3A_923 = tpu.vector_load %arg10[%get3A_922] {strides = array<i32>} : memref<2176xf32, #tpu.memory_space<vmem>>, vector<16xf32>,
      %get3A_924 = arith.constant 7 : i32
      %get3A_925 = arith.index_cast %get3A_924 : i32 to index
      %get3A_926 = arith.constant 48 : index
      %get3A_927 = tpu.vector_load %arg9[%get3A_925, %get3A_926] {strides = array<i32>} : memref<16x128xf32, #tpu.memory_space<vmem>>, vector<16xf32>,
      %max3A_928 = arith.maximumf %get3A_923, %get3A_927 : vector<16xf32>
      %add3A_929 = arith.constant 48 : i32
      %add3A_930 = arith.addi %mul3A_880, %add3A_929 : i32
      %swap3A_931 = arith.index_cast %add3A_930 : i32 to index
      %swap3A_932 = tpu.vector_load %arg10[%swap3A_931] {strides = array<i32>} : memref<2176xf32, #tpu.memory_space<vmem>>, vector<16xf32>,
      tpu.vector_store %arg10[%swap3A_931], %max3A_928 {strides = array<i32>} : memref<2176xf32, #tpu.memory_space<vmem>>, vector<16xf32>,
      %add3A_933 = arith.constant 64 : i32
      %add3A_934 = arith.addi %mul3A_880, %add3A_933 : i32
      %get3A_935 = arith.index_cast %add3A_934 : i32 to index
      %get3A_936 = tpu.vector_load %arg10[%get3A_935] {strides = array<i32>} : memref<2176xf32, #tpu.memory_space<vmem>>, vector<16xf32>,
      %get3A_937 = arith.constant 7 : i32
      %get3A_938 = arith.index_cast %get3A_937 : i32 to index
      %get3A_939 = arith.constant 64 : index
      %get3A_940 = tpu.vector_load %arg9[%get3A_938, %get3A_939] {strides = array<i32>} : memref<16x128xf32, #tpu.memory_space<vmem>>, vector<16xf32>,
      %max3A_941 = arith.maximumf %get3A_936, %get3A_940 : vector<16xf32>
      %add3A_942 = arith.constant 64 : i32
      %add3A_943 = arith.addi %mul3A_880, %add3A_942 : i32
      %swap3A_944 = arith.index_cast %add3A_943 : i32 to index
      %swap3A_945 = tpu.vector_load %arg10[%swap3A_944] {strides = array<i32>} : memref<2176xf32, #tpu.memory_space<vmem>>, vector<16xf32>,
      tpu.vector_store %arg10[%swap3A_944], %max3A_941 {strides = array<i32>} : memref<2176xf32, #tpu.memory_space<vmem>>, vector<16xf32>,
      %add3A_946 = arith.constant 80 : i32
      %add3A_947 = arith.addi %mul3A_880, %add3A_946 : i32
      %get3A_948 = arith.index_cast %add3A_947 : i32 to index
      %get3A_949 = tpu.vector_load %arg10[%get3A_948] {strides = array<i32>} : memref<2176xf32, #tpu.memory_space<vmem>>, vector<16xf32>,
      %get3A_950 = arith.constant 7 : i32
      %get3A_951 = arith.index_cast %get3A_950 : i32 to index
      %get3A_952 = arith.constant 80 : index
      %get3A_953 = tpu.vector_load %arg9[%get3A_951, %get3A_952] {strides = array<i32>} : memref<16x128xf32, #tpu.memory_space<vmem>>, vector<16xf32>,
      %max3A_954 = arith.maximumf %get3A_949, %get3A_953 : vector<16xf32>
      %add3A_955 = arith.constant 80 : i32
      %add3A_956 = arith.addi %mul3A_880, %add3A_955 : i32
      %swap3A_957 = arith.index_cast %add3A_956 : i32 to index
      %swap3A_958 = tpu.vector_load %arg10[%swap3A_957] {strides = array<i32>} : memref<2176xf32, #tpu.memory_space<vmem>>, vector<16xf32>,
      tpu.vector_store %arg10[%swap3A_957], %max3A_954 {strides = array<i32>} : memref<2176xf32, #tpu.memory_space<vmem>>, vector<16xf32>,
      %add3A_959 = arith.constant 96 : i32
      %add3A_960 = arith.addi %mul3A_880, %add3A_959 : i32
      %get3A_961 = arith.index_cast %add3A_960 : i32 to index
      %get3A_962 = tpu.vector_load %arg10[%get3A_961] {strides = array<i32>} : memref<2176xf32, #tpu.memory_space<vmem>>, vector<16xf32>,
      %get3A_963 = arith.constant 7 : i32
      %get3A_964 = arith.index_cast %get3A_963 : i32 to index
      %get3A_965 = arith.constant 96 : index
      %get3A_966 = tpu.vector_load %arg9[%get3A_964, %get3A_965] {strides = array<i32>} : memref<16x128xf32, #tpu.memory_space<vmem>>, vector<16xf32>,
      %max3A_967 = arith.maximumf %get3A_962, %get3A_966 : vector<16xf32>
      %add3A_968 = arith.constant 96 : i32
      %add3A_969 = arith.addi %mul3A_880, %add3A_968 : i32
      %swap3A_970 = arith.index_cast %add3A_969 : i32 to index
      %swap3A_971 = tpu.vector_load %arg10[%swap3A_970] {strides = array<i32>} : memref<2176xf32, #tpu.memory_space<vmem>>, vector<16xf32>,
      tpu.vector_store %arg10[%swap3A_970], %max3A_967 {strides = array<i32>} : memref<2176xf32, #tpu.memory_space<vmem>>, vector<16xf32>,
      %add3A_972 = arith.constant 112 : i32
      %add3A_973 = arith.addi %mul3A_880, %add3A_972 : i32
      %get3A_974 = arith.index_cast %add3A_973 : i32 to index
      %get3A_975 = tpu.vector_load %arg10[%get3A_974] {strides = array<i32>} : memref<2176xf32, #tpu.memory_space<vmem>>, vector<16xf32>,
      %get3A_976 = arith.constant 7 : i32
      %get3A_977 = arith.index_cast %get3A_976 : i32 to index
      %get3A_978 = arith.constant 112 : index
      %get3A_979 = tpu.vector_load %arg9[%get3A_977, %get3A_978] {strides = array<i32>} : memref<16x128xf32, #tpu.memory_space<vmem>>, vector<16xf32>,
      %max3A_980 = arith.maximumf %get3A_975, %get3A_979 : vector<16xf32>
      %add3A_981 = arith.constant 112 : i32
      %add3A_982 = arith.addi %mul3A_880, %add3A_981 : i32
      %swap3A_983 = arith.index_cast %add3A_982 : i32 to index
      %swap3A_984 = tpu.vector_load %arg10[%swap3A_983] {strides = array<i32>} : memref<2176xf32, #tpu.memory_space<vmem>>, vector<16xf32>,
      tpu.vector_store %arg10[%swap3A_983], %max3A_980 {strides = array<i32>} : memref<2176xf32, #tpu.memory_space<vmem>>, vector<16xf32>,
      %slice3A_985 = vector.extract_strided_slice %select_n3A_107 {offsets = [8], sizes = [1], strides = [1]} : vector<16xi32> to vector<1xi32>
      %squeeze3A_986 = vector.extract %slice3A_985[0] : i32 from vector<1xi32>
      %mul3A_987 = arith.constant 128 : i32
      %mul3A_988 = arith.muli %squeeze3A_986, %mul3A_987 : i32
      %add3A_989 = arith.constant 0 : i32
      %add3A_990 = arith.addi %mul3A_988, %add3A_989 : i32
      %get3A_991 = arith.index_cast %add3A_990 : i32 to index
      %get3A_992 = tpu.vector_load %arg10[%get3A_991] {strides = array<i32>} : memref<2176xf32, #tpu.memory_space<vmem>>, vector<16xf32>,
      %get3A_993 = arith.constant 8 : i32
      %get3A_994 = arith.index_cast %get3A_993 : i32 to index
      %get3A_995 = arith.constant 0 : index
      %get3A_996 = tpu.vector_load %arg9[%get3A_994, %get3A_995] {strides = array<i32>} : memref<16x128xf32, #tpu.memory_space<vmem>>, vector<16xf32>,
      %max3A_997 = arith.maximumf %get3A_992, %get3A_996 : vector<16xf32>
      %add3A_998 = arith.constant 0 : i32
      %add3A_999 = arith.addi %mul3A_988, %add3A_998 : i32
      %swap3A_1000 = arith.index_cast %add3A_999 : i32 to index
      %swap3A_1001 = tpu.vector_load %arg10[%swap3A_1000] {strides = array<i32>} : memref<2176xf32, #tpu.memory_space<vmem>>, vector<16xf32>,
      tpu.vector_store %arg10[%swap3A_1000], %max3A_997 {strides = array<i32>} : memref<2176xf32, #tpu.memory_space<vmem>>, vector<16xf32>,
      %add3A_1002 = arith.constant 16 : i32
      %add3A_1003 = arith.addi %mul3A_988, %add3A_1002 : i32
      %get3A_1004 = arith.index_cast %add3A_1003 : i32 to index
      %get3A_1005 = tpu.vector_load %arg10[%get3A_1004] {strides = array<i32>} : memref<2176xf32, #tpu.memory_space<vmem>>, vector<16xf32>,
      %get3A_1006 = arith.constant 8 : i32
      %get3A_1007 = arith.index_cast %get3A_1006 : i32 to index
      %get3A_1008 = arith.constant 16 : index
      %get3A_1009 = tpu.vector_load %arg9[%get3A_1007, %get3A_1008] {strides = array<i32>} : memref<16x128xf32, #tpu.memory_space<vmem>>, vector<16xf32>,
      %max3A_1010 = arith.maximumf %get3A_1005, %get3A_1009 : vector<16xf32>
      %add3A_1011 = arith.constant 16 : i32
      %add3A_1012 = arith.addi %mul3A_988, %add3A_1011 : i32
      %swap3A_1013 = arith.index_cast %add3A_1012 : i32 to index
      %swap3A_1014 = tpu.vector_load %arg10[%swap3A_1013] {strides = array<i32>} : memref<2176xf32, #tpu.memory_space<vmem>>, vector<16xf32>,
      tpu.vector_store %arg10[%swap3A_1013], %max3A_1010 {strides = array<i32>} : memref<2176xf32, #tpu.memory_space<vmem>>, vector<16xf32>,
      %add3A_1015 = arith.constant 32 : i32
      %add3A_1016 = arith.addi %mul3A_988, %add3A_1015 : i32
      %get3A_1017 = arith.index_cast %add3A_1016 : i32 to index
      %get3A_1018 = tpu.vector_load %arg10[%get3A_1017] {strides = array<i32>} : memref<2176xf32, #tpu.memory_space<vmem>>, vector<16xf32>,
      %get3A_1019 = arith.constant 8 : i32
      %get3A_1020 = arith.index_cast %get3A_1019 : i32 to index
      %get3A_1021 = arith.constant 32 : index
      %get3A_1022 = tpu.vector_load %arg9[%get3A_1020, %get3A_1021] {strides = array<i32>} : memref<16x128xf32, #tpu.memory_space<vmem>>, vector<16xf32>,
      %max3A_1023 = arith.maximumf %get3A_1018, %get3A_1022 : vector<16xf32>
      %add3A_1024 = arith.constant 32 : i32
      %add3A_1025 = arith.addi %mul3A_988, %add3A_1024 : i32
      %swap3A_1026 = arith.index_cast %add3A_1025 : i32 to index
      %swap3A_1027 = tpu.vector_load %arg10[%swap3A_1026] {strides = array<i32>} : memref<2176xf32, #tpu.memory_space<vmem>>, vector<16xf32>,
      tpu.vector_store %arg10[%swap3A_1026], %max3A_1023 {strides = array<i32>} : memref<2176xf32, #tpu.memory_space<vmem>>, vector<16xf32>,
      %add3A_1028 = arith.constant 48 : i32
      %add3A_1029 = arith.addi %mul3A_988, %add3A_1028 : i32
      %get3A_1030 = arith.index_cast %add3A_1029 : i32 to index
      %get3A_1031 = tpu.vector_load %arg10[%get3A_1030] {strides = array<i32>} : memref<2176xf32, #tpu.memory_space<vmem>>, vector<16xf32>,
      %get3A_1032 = arith.constant 8 : i32
      %get3A_1033 = arith.index_cast %get3A_1032 : i32 to index
      %get3A_1034 = arith.constant 48 : index
      %get3A_1035 = tpu.vector_load %arg9[%get3A_1033, %get3A_1034] {strides = array<i32>} : memref<16x128xf32, #tpu.memory_space<vmem>>, vector<16xf32>,
      %max3A_1036 = arith.maximumf %get3A_1031, %get3A_1035 : vector<16xf32>
      %add3A_1037 = arith.constant 48 : i32
      %add3A_1038 = arith.addi %mul3A_988, %add3A_1037 : i32
      %swap3A_1039 = arith.index_cast %add3A_1038 : i32 to index
      %swap3A_1040 = tpu.vector_load %arg10[%swap3A_1039] {strides = array<i32>} : memref<2176xf32, #tpu.memory_space<vmem>>, vector<16xf32>,
      tpu.vector_store %arg10[%swap3A_1039], %max3A_1036 {strides = array<i32>} : memref<2176xf32, #tpu.memory_space<vmem>>, vector<16xf32>,
      %add3A_1041 = arith.constant 64 : i32
      %add3A_1042 = arith.addi %mul3A_988, %add3A_1041 : i32
      %get3A_1043 = arith.index_cast %add3A_1042 : i32 to index
      %get3A_1044 = tpu.vector_load %arg10[%get3A_1043] {strides = array<i32>} : memref<2176xf32, #tpu.memory_space<vmem>>, vector<16xf32>,
      %get3A_1045 = arith.constant 8 : i32
      %get3A_1046 = arith.index_cast %get3A_1045 : i32 to index
      %get3A_1047 = arith.constant 64 : index
      %get3A_1048 = tpu.vector_load %arg9[%get3A_1046, %get3A_1047] {strides = array<i32>} : memref<16x128xf32, #tpu.memory_space<vmem>>, vector<16xf32>,
      %max3A_1049 = arith.maximumf %get3A_1044, %get3A_1048 : vector<16xf32>
      %add3A_1050 = arith.constant 64 : i32
      %add3A_1051 = arith.addi %mul3A_988, %add3A_1050 : i32
      %swap3A_1052 = arith.index_cast %add3A_1051 : i32 to index
      %swap3A_1053 = tpu.vector_load %arg10[%swap3A_1052] {strides = array<i32>} : memref<2176xf32, #tpu.memory_space<vmem>>, vector<16xf32>,
      tpu.vector_store %arg10[%swap3A_1052], %max3A_1049 {strides = array<i32>} : memref<2176xf32, #tpu.memory_space<vmem>>, vector<16xf32>,
      %add3A_1054 = arith.constant 80 : i32
      %add3A_1055 = arith.addi %mul3A_988, %add3A_1054 : i32
      %get3A_1056 = arith.index_cast %add3A_1055 : i32 to index
      %get3A_1057 = tpu.vector_load %arg10[%get3A_1056] {strides = array<i32>} : memref<2176xf32, #tpu.memory_space<vmem>>, vector<16xf32>,
      %get3A_1058 = arith.constant 8 : i32
      %get3A_1059 = arith.index_cast %get3A_1058 : i32 to index
      %get3A_1060 = arith.constant 80 : index
      %get3A_1061 = tpu.vector_load %arg9[%get3A_1059, %get3A_1060] {strides = array<i32>} : memref<16x128xf32, #tpu.memory_space<vmem>>, vector<16xf32>,
      %max3A_1062 = arith.maximumf %get3A_1057, %get3A_1061 : vector<16xf32>
      %add3A_1063 = arith.constant 80 : i32
      %add3A_1064 = arith.addi %mul3A_988, %add3A_1063 : i32
      %swap3A_1065 = arith.index_cast %add3A_1064 : i32 to index
      %swap3A_1066 = tpu.vector_load %arg10[%swap3A_1065] {strides = array<i32>} : memref<2176xf32, #tpu.memory_space<vmem>>, vector<16xf32>,
      tpu.vector_store %arg10[%swap3A_1065], %max3A_1062 {strides = array<i32>} : memref<2176xf32, #tpu.memory_space<vmem>>, vector<16xf32>,
      %add3A_1067 = arith.constant 96 : i32
      %add3A_1068 = arith.addi %mul3A_988, %add3A_1067 : i32
      %get3A_1069 = arith.index_cast %add3A_1068 : i32 to index
      %get3A_1070 = tpu.vector_load %arg10[%get3A_1069] {strides = array<i32>} : memref<2176xf32, #tpu.memory_space<vmem>>, vector<16xf32>,
      %get3A_1071 = arith.constant 8 : i32
      %get3A_1072 = arith.index_cast %get3A_1071 : i32 to index
      %get3A_1073 = arith.constant 96 : index
      %get3A_1074 = tpu.vector_load %arg9[%get3A_1072, %get3A_1073] {strides = array<i32>} : memref<16x128xf32, #tpu.memory_space<vmem>>, vector<16xf32>,
      %max3A_1075 = arith.maximumf %get3A_1070, %get3A_1074 : vector<16xf32>
      %add3A_1076 = arith.constant 96 : i32
      %add3A_1077 = arith.addi %mul3A_988, %add3A_1076 : i32
      %swap3A_1078 = arith.index_cast %add3A_1077 : i32 to index
      %swap3A_1079 = tpu.vector_load %arg10[%swap3A_1078] {strides = array<i32>} : memref<2176xf32, #tpu.memory_space<vmem>>, vector<16xf32>,
      tpu.vector_store %arg10[%swap3A_1078], %max3A_1075 {strides = array<i32>} : memref<2176xf32, #tpu.memory_space<vmem>>, vector<16xf32>,
      %add3A_1080 = arith.constant 112 : i32
      %add3A_1081 = arith.addi %mul3A_988, %add3A_1080 : i32
      %get3A_1082 = arith.index_cast %add3A_1081 : i32 to index
      %get3A_1083 = tpu.vector_load %arg10[%get3A_1082] {strides = array<i32>} : memref<2176xf32, #tpu.memory_space<vmem>>, vector<16xf32>,
      %get3A_1084 = arith.constant 8 : i32
      %get3A_1085 = arith.index_cast %get3A_1084 : i32 to index
      %get3A_1086 = arith.constant 112 : index
      %get3A_1087 = tpu.vector_load %arg9[%get3A_1085, %get3A_1086] {strides = array<i32>} : memref<16x128xf32, #tpu.memory_space<vmem>>, vector<16xf32>,
      %max3A_1088 = arith.maximumf %get3A_1083, %get3A_1087 : vector<16xf32>
      %add3A_1089 = arith.constant 112 : i32
      %add3A_1090 = arith.addi %mul3A_988, %add3A_1089 : i32
      %swap3A_1091 = arith.index_cast %add3A_1090 : i32 to index
      %swap3A_1092 = tpu.vector_load %arg10[%swap3A_1091] {strides = array<i32>} : memref<2176xf32, #tpu.memory_space<vmem>>, vector<16xf32>,
      tpu.vector_store %arg10[%swap3A_1091], %max3A_1088 {strides = array<i32>} : memref<2176xf32, #tpu.memory_space<vmem>>, vector<16xf32>,
      %slice3A_1093 = vector.extract_strided_slice %select_n3A_107 {offsets = [9], sizes = [1], strides = [1]} : vector<16xi32> to vector<1xi32>
      %squeeze3A_1094 = vector.extract %slice3A_1093[0] : i32 from vector<1xi32>
      %mul3A_1095 = arith.constant 128 : i32
      %mul3A_1096 = arith.muli %squeeze3A_1094, %mul3A_1095 : i32
      %add3A_1097 = arith.constant 0 : i32
      %add3A_1098 = arith.addi %mul3A_1096, %add3A_1097 : i32
      %get3A_1099 = arith.index_cast %add3A_1098 : i32 to index
      %get3A_1100 = tpu.vector_load %arg10[%get3A_1099] {strides = array<i32>} : memref<2176xf32, #tpu.memory_space<vmem>>, vector<16xf32>,
      %get3A_1101 = arith.constant 9 : i32
      %get3A_1102 = arith.index_cast %get3A_1101 : i32 to index
      %get3A_1103 = arith.constant 0 : index
      %get3A_1104 = tpu.vector_load %arg9[%get3A_1102, %get3A_1103] {strides = array<i32>} : memref<16x128xf32, #tpu.memory_space<vmem>>, vector<16xf32>,
      %max3A_1105 = arith.maximumf %get3A_1100, %get3A_1104 : vector<16xf32>
      %add3A_1106 = arith.constant 0 : i32
      %add3A_1107 = arith.addi %mul3A_1096, %add3A_1106 : i32
      %swap3A_1108 = arith.index_cast %add3A_1107 : i32 to index
      %swap3A_1109 = tpu.vector_load %arg10[%swap3A_1108] {strides = array<i32>} : memref<2176xf32, #tpu.memory_space<vmem>>, vector<16xf32>,
      tpu.vector_store %arg10[%swap3A_1108], %max3A_1105 {strides = array<i32>} : memref<2176xf32, #tpu.memory_space<vmem>>, vector<16xf32>,
      %add3A_1110 = arith.constant 16 : i32
      %add3A_1111 = arith.addi %mul3A_1096, %add3A_1110 : i32
      %get3A_1112 = arith.index_cast %add3A_1111 : i32 to index
      %get3A_1113 = tpu.vector_load %arg10[%get3A_1112] {strides = array<i32>} : memref<2176xf32, #tpu.memory_space<vmem>>, vector<16xf32>,
      %get3A_1114 = arith.constant 9 : i32
      %get3A_1115 = arith.index_cast %get3A_1114 : i32 to index
      %get3A_1116 = arith.constant 16 : index
      %get3A_1117 = tpu.vector_load %arg9[%get3A_1115, %get3A_1116] {strides = array<i32>} : memref<16x128xf32, #tpu.memory_space<vmem>>, vector<16xf32>,
      %max3A_1118 = arith.maximumf %get3A_1113, %get3A_1117 : vector<16xf32>
      %add3A_1119 = arith.constant 16 : i32
      %add3A_1120 = arith.addi %mul3A_1096, %add3A_1119 : i32
      %swap3A_1121 = arith.index_cast %add3A_1120 : i32 to index
      %swap3A_1122 = tpu.vector_load %arg10[%swap3A_1121] {strides = array<i32>} : memref<2176xf32, #tpu.memory_space<vmem>>, vector<16xf32>,
      tpu.vector_store %arg10[%swap3A_1121], %max3A_1118 {strides = array<i32>} : memref<2176xf32, #tpu.memory_space<vmem>>, vector<16xf32>,
      %add3A_1123 = arith.constant 32 : i32
      %add3A_1124 = arith.addi %mul3A_1096, %add3A_1123 : i32
      %get3A_1125 = arith.index_cast %add3A_1124 : i32 to index
      %get3A_1126 = tpu.vector_load %arg10[%get3A_1125] {strides = array<i32>} : memref<2176xf32, #tpu.memory_space<vmem>>, vector<16xf32>,
      %get3A_1127 = arith.constant 9 : i32
      %get3A_1128 = arith.index_cast %get3A_1127 : i32 to index
      %get3A_1129 = arith.constant 32 : index
      %get3A_1130 = tpu.vector_load %arg9[%get3A_1128, %get3A_1129] {strides = array<i32>} : memref<16x128xf32, #tpu.memory_space<vmem>>, vector<16xf32>,
      %max3A_1131 = arith.maximumf %get3A_1126, %get3A_1130 : vector<16xf32>
      %add3A_1132 = arith.constant 32 : i32
      %add3A_1133 = arith.addi %mul3A_1096, %add3A_1132 : i32
      %swap3A_1134 = arith.index_cast %add3A_1133 : i32 to index
      %swap3A_1135 = tpu.vector_load %arg10[%swap3A_1134] {strides = array<i32>} : memref<2176xf32, #tpu.memory_space<vmem>>, vector<16xf32>,
      tpu.vector_store %arg10[%swap3A_1134], %max3A_1131 {strides = array<i32>} : memref<2176xf32, #tpu.memory_space<vmem>>, vector<16xf32>,
      %add3A_1136 = arith.constant 48 : i32
      %add3A_1137 = arith.addi %mul3A_1096, %add3A_1136 : i32
      %get3A_1138 = arith.index_cast %add3A_1137 : i32 to index
      %get3A_1139 = tpu.vector_load %arg10[%get3A_1138] {strides = array<i32>} : memref<2176xf32, #tpu.memory_space<vmem>>, vector<16xf32>,
      %get3A_1140 = arith.constant 9 : i32
      %get3A_1141 = arith.index_cast %get3A_1140 : i32 to index
      %get3A_1142 = arith.constant 48 : index
      %get3A_1143 = tpu.vector_load %arg9[%get3A_1141, %get3A_1142] {strides = array<i32>} : memref<16x128xf32, #tpu.memory_space<vmem>>, vector<16xf32>,
      %max3A_1144 = arith.maximumf %get3A_1139, %get3A_1143 : vector<16xf32>
      %add3A_1145 = arith.constant 48 : i32
      %add3A_1146 = arith.addi %mul3A_1096, %add3A_1145 : i32
      %swap3A_1147 = arith.index_cast %add3A_1146 : i32 to index
      %swap3A_1148 = tpu.vector_load %arg10[%swap3A_1147] {strides = array<i32>} : memref<2176xf32, #tpu.memory_space<vmem>>, vector<16xf32>,
      tpu.vector_store %arg10[%swap3A_1147], %max3A_1144 {strides = array<i32>} : memref<2176xf32, #tpu.memory_space<vmem>>, vector<16xf32>,
      %add3A_1149 = arith.constant 64 : i32
      %add3A_1150 = arith.addi %mul3A_1096, %add3A_1149 : i32
      %get3A_1151 = arith.index_cast %add3A_1150 : i32 to index
      %get3A_1152 = tpu.vector_load %arg10[%get3A_1151] {strides = array<i32>} : memref<2176xf32, #tpu.memory_space<vmem>>, vector<16xf32>,
      %get3A_1153 = arith.constant 9 : i32
      %get3A_1154 = arith.index_cast %get3A_1153 : i32 to index
      %get3A_1155 = arith.constant 64 : index
      %get3A_1156 = tpu.vector_load %arg9[%get3A_1154, %get3A_1155] {strides = array<i32>} : memref<16x128xf32, #tpu.memory_space<vmem>>, vector<16xf32>,
      %max3A_1157 = arith.maximumf %get3A_1152, %get3A_1156 : vector<16xf32>
      %add3A_1158 = arith.constant 64 : i32
      %add3A_1159 = arith.addi %mul3A_1096, %add3A_1158 : i32
      %swap3A_1160 = arith.index_cast %add3A_1159 : i32 to index
      %swap3A_1161 = tpu.vector_load %arg10[%swap3A_1160] {strides = array<i32>} : memref<2176xf32, #tpu.memory_space<vmem>>, vector<16xf32>,
      tpu.vector_store %arg10[%swap3A_1160], %max3A_1157 {strides = array<i32>} : memref<2176xf32, #tpu.memory_space<vmem>>, vector<16xf32>,
      %add3A_1162 = arith.constant 80 : i32
      %add3A_1163 = arith.addi %mul3A_1096, %add3A_1162 : i32
      %get3A_1164 = arith.index_cast %add3A_1163 : i32 to index
      %get3A_1165 = tpu.vector_load %arg10[%get3A_1164] {strides = array<i32>} : memref<2176xf32, #tpu.memory_space<vmem>>, vector<16xf32>,
      %get3A_1166 = arith.constant 9 : i32
      %get3A_1167 = arith.index_cast %get3A_1166 : i32 to index
      %get3A_1168 = arith.constant 80 : index
      %get3A_1169 = tpu.vector_load %arg9[%get3A_1167, %get3A_1168] {strides = array<i32>} : memref<16x128xf32, #tpu.memory_space<vmem>>, vector<16xf32>,
      %max3A_1170 = arith.maximumf %get3A_1165, %get3A_1169 : vector<16xf32>
      %add3A_1171 = arith.constant 80 : i32
      %add3A_1172 = arith.addi %mul3A_1096, %add3A_1171 : i32
      %swap3A_1173 = arith.index_cast %add3A_1172 : i32 to index
      %swap3A_1174 = tpu.vector_load %arg10[%swap3A_1173] {strides = array<i32>} : memref<2176xf32, #tpu.memory_space<vmem>>, vector<16xf32>,
      tpu.vector_store %arg10[%swap3A_1173], %max3A_1170 {strides = array<i32>} : memref<2176xf32, #tpu.memory_space<vmem>>, vector<16xf32>,
      %add3A_1175 = arith.constant 96 : i32
      %add3A_1176 = arith.addi %mul3A_1096, %add3A_1175 : i32
      %get3A_1177 = arith.index_cast %add3A_1176 : i32 to index
      %get3A_1178 = tpu.vector_load %arg10[%get3A_1177] {strides = array<i32>} : memref<2176xf32, #tpu.memory_space<vmem>>, vector<16xf32>,
      %get3A_1179 = arith.constant 9 : i32
      %get3A_1180 = arith.index_cast %get3A_1179 : i32 to index
      %get3A_1181 = arith.constant 96 : index
      %get3A_1182 = tpu.vector_load %arg9[%get3A_1180, %get3A_1181] {strides = array<i32>} : memref<16x128xf32, #tpu.memory_space<vmem>>, vector<16xf32>,
      %max3A_1183 = arith.maximumf %get3A_1178, %get3A_1182 : vector<16xf32>
      %add3A_1184 = arith.constant 96 : i32
      %add3A_1185 = arith.addi %mul3A_1096, %add3A_1184 : i32
      %swap3A_1186 = arith.index_cast %add3A_1185 : i32 to index
      %swap3A_1187 = tpu.vector_load %arg10[%swap3A_1186] {strides = array<i32>} : memref<2176xf32, #tpu.memory_space<vmem>>, vector<16xf32>,
      tpu.vector_store %arg10[%swap3A_1186], %max3A_1183 {strides = array<i32>} : memref<2176xf32, #tpu.memory_space<vmem>>, vector<16xf32>,
      %add3A_1188 = arith.constant 112 : i32
      %add3A_1189 = arith.addi %mul3A_1096, %add3A_1188 : i32
      %get3A_1190 = arith.index_cast %add3A_1189 : i32 to index
      %get3A_1191 = tpu.vector_load %arg10[%get3A_1190] {strides = array<i32>} : memref<2176xf32, #tpu.memory_space<vmem>>, vector<16xf32>,
      %get3A_1192 = arith.constant 9 : i32
      %get3A_1193 = arith.index_cast %get3A_1192 : i32 to index
      %get3A_1194 = arith.constant 112 : index
      %get3A_1195 = tpu.vector_load %arg9[%get3A_1193, %get3A_1194] {strides = array<i32>} : memref<16x128xf32, #tpu.memory_space<vmem>>, vector<16xf32>,
      %max3A_1196 = arith.maximumf %get3A_1191, %get3A_1195 : vector<16xf32>
      %add3A_1197 = arith.constant 112 : i32
      %add3A_1198 = arith.addi %mul3A_1096, %add3A_1197 : i32
      %swap3A_1199 = arith.index_cast %add3A_1198 : i32 to index
      %swap3A_1200 = tpu.vector_load %arg10[%swap3A_1199] {strides = array<i32>} : memref<2176xf32, #tpu.memory_space<vmem>>, vector<16xf32>,
      tpu.vector_store %arg10[%swap3A_1199], %max3A_1196 {strides = array<i32>} : memref<2176xf32, #tpu.memory_space<vmem>>, vector<16xf32>,
      %slice3A_1201 = vector.extract_strided_slice %select_n3A_107 {offsets = [10], sizes = [1], strides = [1]} : vector<16xi32> to vector<1xi32>
      %squeeze3A_1202 = vector.extract %slice3A_1201[0] : i32 from vector<1xi32>
      %mul3A_1203 = arith.constant 128 : i32
      %mul3A_1204 = arith.muli %squeeze3A_1202, %mul3A_1203 : i32
      %add3A_1205 = arith.constant 0 : i32
      %add3A_1206 = arith.addi %mul3A_1204, %add3A_1205 : i32
      %get3A_1207 = arith.index_cast %add3A_1206 : i32 to index
      %get3A_1208 = tpu.vector_load %arg10[%get3A_1207] {strides = array<i32>} : memref<2176xf32, #tpu.memory_space<vmem>>, vector<16xf32>,
      %get3A_1209 = arith.constant 10 : i32
      %get3A_1210 = arith.index_cast %get3A_1209 : i32 to index
      %get3A_1211 = arith.constant 0 : index
      %get3A_1212 = tpu.vector_load %arg9[%get3A_1210, %get3A_1211] {strides = array<i32>} : memref<16x128xf32, #tpu.memory_space<vmem>>, vector<16xf32>,
      %max3A_1213 = arith.maximumf %get3A_1208, %get3A_1212 : vector<16xf32>
      %add3A_1214 = arith.constant 0 : i32
      %add3A_1215 = arith.addi %mul3A_1204, %add3A_1214 : i32
      %swap3A_1216 = arith.index_cast %add3A_1215 : i32 to index
      %swap3A_1217 = tpu.vector_load %arg10[%swap3A_1216] {strides = array<i32>} : memref<2176xf32, #tpu.memory_space<vmem>>, vector<16xf32>,
      tpu.vector_store %arg10[%swap3A_1216], %max3A_1213 {strides = array<i32>} : memref<2176xf32, #tpu.memory_space<vmem>>, vector<16xf32>,
      %add3A_1218 = arith.constant 16 : i32
      %add3A_1219 = arith.addi %mul3A_1204, %add3A_1218 : i32
      %get3A_1220 = arith.index_cast %add3A_1219 : i32 to index
      %get3A_1221 = tpu.vector_load %arg10[%get3A_1220] {strides = array<i32>} : memref<2176xf32, #tpu.memory_space<vmem>>, vector<16xf32>,
      %get3A_1222 = arith.constant 10 : i32
      %get3A_1223 = arith.index_cast %get3A_1222 : i32 to index
      %get3A_1224 = arith.constant 16 : index
      %get3A_1225 = tpu.vector_load %arg9[%get3A_1223, %get3A_1224] {strides = array<i32>} : memref<16x128xf32, #tpu.memory_space<vmem>>, vector<16xf32>,
      %max3A_1226 = arith.maximumf %get3A_1221, %get3A_1225 : vector<16xf32>
      %add3A_1227 = arith.constant 16 : i32
      %add3A_1228 = arith.addi %mul3A_1204, %add3A_1227 : i32
      %swap3A_1229 = arith.index_cast %add3A_1228 : i32 to index
      %swap3A_1230 = tpu.vector_load %arg10[%swap3A_1229] {strides = array<i32>} : memref<2176xf32, #tpu.memory_space<vmem>>, vector<16xf32>,
      tpu.vector_store %arg10[%swap3A_1229], %max3A_1226 {strides = array<i32>} : memref<2176xf32, #tpu.memory_space<vmem>>, vector<16xf32>,
      %add3A_1231 = arith.constant 32 : i32
      %add3A_1232 = arith.addi %mul3A_1204, %add3A_1231 : i32
      %get3A_1233 = arith.index_cast %add3A_1232 : i32 to index
      %get3A_1234 = tpu.vector_load %arg10[%get3A_1233] {strides = array<i32>} : memref<2176xf32, #tpu.memory_space<vmem>>, vector<16xf32>,
      %get3A_1235 = arith.constant 10 : i32
      %get3A_1236 = arith.index_cast %get3A_1235 : i32 to index
      %get3A_1237 = arith.constant 32 : index
      %get3A_1238 = tpu.vector_load %arg9[%get3A_1236, %get3A_1237] {strides = array<i32>} : memref<16x128xf32, #tpu.memory_space<vmem>>, vector<16xf32>,
      %max3A_1239 = arith.maximumf %get3A_1234, %get3A_1238 : vector<16xf32>
      %add3A_1240 = arith.constant 32 : i32
      %add3A_1241 = arith.addi %mul3A_1204, %add3A_1240 : i32
      %swap3A_1242 = arith.index_cast %add3A_1241 : i32 to index
      %swap3A_1243 = tpu.vector_load %arg10[%swap3A_1242] {strides = array<i32>} : memref<2176xf32, #tpu.memory_space<vmem>>, vector<16xf32>,
      tpu.vector_store %arg10[%swap3A_1242], %max3A_1239 {strides = array<i32>} : memref<2176xf32, #tpu.memory_space<vmem>>, vector<16xf32>,
      %add3A_1244 = arith.constant 48 : i32
      %add3A_1245 = arith.addi %mul3A_1204, %add3A_1244 : i32
      %get3A_1246 = arith.index_cast %add3A_1245 : i32 to index
      %get3A_1247 = tpu.vector_load %arg10[%get3A_1246] {strides = array<i32>} : memref<2176xf32, #tpu.memory_space<vmem>>, vector<16xf32>,
      %get3A_1248 = arith.constant 10 : i32
      %get3A_1249 = arith.index_cast %get3A_1248 : i32 to index
      %get3A_1250 = arith.constant 48 : index
      %get3A_1251 = tpu.vector_load %arg9[%get3A_1249, %get3A_1250] {strides = array<i32>} : memref<16x128xf32, #tpu.memory_space<vmem>>, vector<16xf32>,
      %max3A_1252 = arith.maximumf %get3A_1247, %get3A_1251 : vector<16xf32>
      %add3A_1253 = arith.constant 48 : i32
      %add3A_1254 = arith.addi %mul3A_1204, %add3A_1253 : i32
      %swap3A_1255 = arith.index_cast %add3A_1254 : i32 to index
      %swap3A_1256 = tpu.vector_load %arg10[%swap3A_1255] {strides = array<i32>} : memref<2176xf32, #tpu.memory_space<vmem>>, vector<16xf32>,
      tpu.vector_store %arg10[%swap3A_1255], %max3A_1252 {strides = array<i32>} : memref<2176xf32, #tpu.memory_space<vmem>>, vector<16xf32>,
      %add3A_1257 = arith.constant 64 : i32
      %add3A_1258 = arith.addi %mul3A_1204, %add3A_1257 : i32
      %get3A_1259 = arith.index_cast %add3A_1258 : i32 to index
      %get3A_1260 = tpu.vector_load %arg10[%get3A_1259] {strides = array<i32>} : memref<2176xf32, #tpu.memory_space<vmem>>, vector<16xf32>,
      %get3A_1261 = arith.constant 10 : i32
      %get3A_1262 = arith.index_cast %get3A_1261 : i32 to index
      %get3A_1263 = arith.constant 64 : index
      %get3A_1264 = tpu.vector_load %arg9[%get3A_1262, %get3A_1263] {strides = array<i32>} : memref<16x128xf32, #tpu.memory_space<vmem>>, vector<16xf32>,
      %max3A_1265 = arith.maximumf %get3A_1260, %get3A_1264 : vector<16xf32>
      %add3A_1266 = arith.constant 64 : i32
      %add3A_1267 = arith.addi %mul3A_1204, %add3A_1266 : i32
      %swap3A_1268 = arith.index_cast %add3A_1267 : i32 to index
      %swap3A_1269 = tpu.vector_load %arg10[%swap3A_1268] {strides = array<i32>} : memref<2176xf32, #tpu.memory_space<vmem>>, vector<16xf32>,
      tpu.vector_store %arg10[%swap3A_1268], %max3A_1265 {strides = array<i32>} : memref<2176xf32, #tpu.memory_space<vmem>>, vector<16xf32>,
      %add3A_1270 = arith.constant 80 : i32
      %add3A_1271 = arith.addi %mul3A_1204, %add3A_1270 : i32
      %get3A_1272 = arith.index_cast %add3A_1271 : i32 to index
      %get3A_1273 = tpu.vector_load %arg10[%get3A_1272] {strides = array<i32>} : memref<2176xf32, #tpu.memory_space<vmem>>, vector<16xf32>,
      %get3A_1274 = arith.constant 10 : i32
      %get3A_1275 = arith.index_cast %get3A_1274 : i32 to index
      %get3A_1276 = arith.constant 80 : index
      %get3A_1277 = tpu.vector_load %arg9[%get3A_1275, %get3A_1276] {strides = array<i32>} : memref<16x128xf32, #tpu.memory_space<vmem>>, vector<16xf32>,
      %max3A_1278 = arith.maximumf %get3A_1273, %get3A_1277 : vector<16xf32>
      %add3A_1279 = arith.constant 80 : i32
      %add3A_1280 = arith.addi %mul3A_1204, %add3A_1279 : i32
      %swap3A_1281 = arith.index_cast %add3A_1280 : i32 to index
      %swap3A_1282 = tpu.vector_load %arg10[%swap3A_1281] {strides = array<i32>} : memref<2176xf32, #tpu.memory_space<vmem>>, vector<16xf32>,
      tpu.vector_store %arg10[%swap3A_1281], %max3A_1278 {strides = array<i32>} : memref<2176xf32, #tpu.memory_space<vmem>>, vector<16xf32>,
      %add3A_1283 = arith.constant 96 : i32
      %add3A_1284 = arith.addi %mul3A_1204, %add3A_1283 : i32
      %get3A_1285 = arith.index_cast %add3A_1284 : i32 to index
      %get3A_1286 = tpu.vector_load %arg10[%get3A_1285] {strides = array<i32>} : memref<2176xf32, #tpu.memory_space<vmem>>, vector<16xf32>,
      %get3A_1287 = arith.constant 10 : i32
      %get3A_1288 = arith.index_cast %get3A_1287 : i32 to index
      %get3A_1289 = arith.constant 96 : index
      %get3A_1290 = tpu.vector_load %arg9[%get3A_1288, %get3A_1289] {strides = array<i32>} : memref<16x128xf32, #tpu.memory_space<vmem>>, vector<16xf32>,
      %max3A_1291 = arith.maximumf %get3A_1286, %get3A_1290 : vector<16xf32>
      %add3A_1292 = arith.constant 96 : i32
      %add3A_1293 = arith.addi %mul3A_1204, %add3A_1292 : i32
      %swap3A_1294 = arith.index_cast %add3A_1293 : i32 to index
      %swap3A_1295 = tpu.vector_load %arg10[%swap3A_1294] {strides = array<i32>} : memref<2176xf32, #tpu.memory_space<vmem>>, vector<16xf32>,
      tpu.vector_store %arg10[%swap3A_1294], %max3A_1291 {strides = array<i32>} : memref<2176xf32, #tpu.memory_space<vmem>>, vector<16xf32>,
      %add3A_1296 = arith.constant 112 : i32
      %add3A_1297 = arith.addi %mul3A_1204, %add3A_1296 : i32
      %get3A_1298 = arith.index_cast %add3A_1297 : i32 to index
      %get3A_1299 = tpu.vector_load %arg10[%get3A_1298] {strides = array<i32>} : memref<2176xf32, #tpu.memory_space<vmem>>, vector<16xf32>,
      %get3A_1300 = arith.constant 10 : i32
      %get3A_1301 = arith.index_cast %get3A_1300 : i32 to index
      %get3A_1302 = arith.constant 112 : index
      %get3A_1303 = tpu.vector_load %arg9[%get3A_1301, %get3A_1302] {strides = array<i32>} : memref<16x128xf32, #tpu.memory_space<vmem>>, vector<16xf32>,
      %max3A_1304 = arith.maximumf %get3A_1299, %get3A_1303 : vector<16xf32>
      %add3A_1305 = arith.constant 112 : i32
      %add3A_1306 = arith.addi %mul3A_1204, %add3A_1305 : i32
      %swap3A_1307 = arith.index_cast %add3A_1306 : i32 to index
      %swap3A_1308 = tpu.vector_load %arg10[%swap3A_1307] {strides = array<i32>} : memref<2176xf32, #tpu.memory_space<vmem>>, vector<16xf32>,
      tpu.vector_store %arg10[%swap3A_1307], %max3A_1304 {strides = array<i32>} : memref<2176xf32, #tpu.memory_space<vmem>>, vector<16xf32>,
      %slice3A_1309 = vector.extract_strided_slice %select_n3A_107 {offsets = [11], sizes = [1], strides = [1]} : vector<16xi32> to vector<1xi32>
      %squeeze3A_1310 = vector.extract %slice3A_1309[0] : i32 from vector<1xi32>
      %mul3A_1311 = arith.constant 128 : i32
      %mul3A_1312 = arith.muli %squeeze3A_1310, %mul3A_1311 : i32
      %add3A_1313 = arith.constant 0 : i32
      %add3A_1314 = arith.addi %mul3A_1312, %add3A_1313 : i32
      %get3A_1315 = arith.index_cast %add3A_1314 : i32 to index
      %get3A_1316 = tpu.vector_load %arg10[%get3A_1315] {strides = array<i32>} : memref<2176xf32, #tpu.memory_space<vmem>>, vector<16xf32>,
      %get3A_1317 = arith.constant 11 : i32
      %get3A_1318 = arith.index_cast %get3A_1317 : i32 to index
      %get3A_1319 = arith.constant 0 : index
      %get3A_1320 = tpu.vector_load %arg9[%get3A_1318, %get3A_1319] {strides = array<i32>} : memref<16x128xf32, #tpu.memory_space<vmem>>, vector<16xf32>,
      %max3A_1321 = arith.maximumf %get3A_1316, %get3A_1320 : vector<16xf32>
      %add3A_1322 = arith.constant 0 : i32
      %add3A_1323 = arith.addi %mul3A_1312, %add3A_1322 : i32
      %swap3A_1324 = arith.index_cast %add3A_1323 : i32 to index
      %swap3A_1325 = tpu.vector_load %arg10[%swap3A_1324] {strides = array<i32>} : memref<2176xf32, #tpu.memory_space<vmem>>, vector<16xf32>,
      tpu.vector_store %arg10[%swap3A_1324], %max3A_1321 {strides = array<i32>} : memref<2176xf32, #tpu.memory_space<vmem>>, vector<16xf32>,
      %add3A_1326 = arith.constant 16 : i32
      %add3A_1327 = arith.addi %mul3A_1312, %add3A_1326 : i32
      %get3A_1328 = arith.index_cast %add3A_1327 : i32 to index
      %get3A_1329 = tpu.vector_load %arg10[%get3A_1328] {strides = array<i32>} : memref<2176xf32, #tpu.memory_space<vmem>>, vector<16xf32>,
      %get3A_1330 = arith.constant 11 : i32
      %get3A_1331 = arith.index_cast %get3A_1330 : i32 to index
      %get3A_1332 = arith.constant 16 : index
      %get3A_1333 = tpu.vector_load %arg9[%get3A_1331, %get3A_1332] {strides = array<i32>} : memref<16x128xf32, #tpu.memory_space<vmem>>, vector<16xf32>,
      %max3A_1334 = arith.maximumf %get3A_1329, %get3A_1333 : vector<16xf32>
      %add3A_1335 = arith.constant 16 : i32
      %add3A_1336 = arith.addi %mul3A_1312, %add3A_1335 : i32
      %swap3A_1337 = arith.index_cast %add3A_1336 : i32 to index
      %swap3A_1338 = tpu.vector_load %arg10[%swap3A_1337] {strides = array<i32>} : memref<2176xf32, #tpu.memory_space<vmem>>, vector<16xf32>,
      tpu.vector_store %arg10[%swap3A_1337], %max3A_1334 {strides = array<i32>} : memref<2176xf32, #tpu.memory_space<vmem>>, vector<16xf32>,
      %add3A_1339 = arith.constant 32 : i32
      %add3A_1340 = arith.addi %mul3A_1312, %add3A_1339 : i32
      %get3A_1341 = arith.index_cast %add3A_1340 : i32 to index
      %get3A_1342 = tpu.vector_load %arg10[%get3A_1341] {strides = array<i32>} : memref<2176xf32, #tpu.memory_space<vmem>>, vector<16xf32>,
      %get3A_1343 = arith.constant 11 : i32
      %get3A_1344 = arith.index_cast %get3A_1343 : i32 to index
      %get3A_1345 = arith.constant 32 : index
      %get3A_1346 = tpu.vector_load %arg9[%get3A_1344, %get3A_1345] {strides = array<i32>} : memref<16x128xf32, #tpu.memory_space<vmem>>, vector<16xf32>,
      %max3A_1347 = arith.maximumf %get3A_1342, %get3A_1346 : vector<16xf32>
      %add3A_1348 = arith.constant 32 : i32
      %add3A_1349 = arith.addi %mul3A_1312, %add3A_1348 : i32
      %swap3A_1350 = arith.index_cast %add3A_1349 : i32 to index
      %swap3A_1351 = tpu.vector_load %arg10[%swap3A_1350] {strides = array<i32>} : memref<2176xf32, #tpu.memory_space<vmem>>, vector<16xf32>,
      tpu.vector_store %arg10[%swap3A_1350], %max3A_1347 {strides = array<i32>} : memref<2176xf32, #tpu.memory_space<vmem>>, vector<16xf32>,
      %add3A_1352 = arith.constant 48 : i32
      %add3A_1353 = arith.addi %mul3A_1312, %add3A_1352 : i32
      %get3A_1354 = arith.index_cast %add3A_1353 : i32 to index
      %get3A_1355 = tpu.vector_load %arg10[%get3A_1354] {strides = array<i32>} : memref<2176xf32, #tpu.memory_space<vmem>>, vector<16xf32>,
      %get3A_1356 = arith.constant 11 : i32
      %get3A_1357 = arith.index_cast %get3A_1356 : i32 to index
      %get3A_1358 = arith.constant 48 : index
      %get3A_1359 = tpu.vector_load %arg9[%get3A_1357, %get3A_1358] {strides = array<i32>} : memref<16x128xf32, #tpu.memory_space<vmem>>, vector<16xf32>,
      %max3A_1360 = arith.maximumf %get3A_1355, %get3A_1359 : vector<16xf32>
      %add3A_1361 = arith.constant 48 : i32
      %add3A_1362 = arith.addi %mul3A_1312, %add3A_1361 : i32
      %swap3A_1363 = arith.index_cast %add3A_1362 : i32 to index
      %swap3A_1364 = tpu.vector_load %arg10[%swap3A_1363] {strides = array<i32>} : memref<2176xf32, #tpu.memory_space<vmem>>, vector<16xf32>,
      tpu.vector_store %arg10[%swap3A_1363], %max3A_1360 {strides = array<i32>} : memref<2176xf32, #tpu.memory_space<vmem>>, vector<16xf32>,
      %add3A_1365 = arith.constant 64 : i32
      %add3A_1366 = arith.addi %mul3A_1312, %add3A_1365 : i32
      %get3A_1367 = arith.index_cast %add3A_1366 : i32 to index
      %get3A_1368 = tpu.vector_load %arg10[%get3A_1367] {strides = array<i32>} : memref<2176xf32, #tpu.memory_space<vmem>>, vector<16xf32>,
      %get3A_1369 = arith.constant 11 : i32
      %get3A_1370 = arith.index_cast %get3A_1369 : i32 to index
      %get3A_1371 = arith.constant 64 : index
      %get3A_1372 = tpu.vector_load %arg9[%get3A_1370, %get3A_1371] {strides = array<i32>} : memref<16x128xf32, #tpu.memory_space<vmem>>, vector<16xf32>,
      %max3A_1373 = arith.maximumf %get3A_1368, %get3A_1372 : vector<16xf32>
      %add3A_1374 = arith.constant 64 : i32
      %add3A_1375 = arith.addi %mul3A_1312, %add3A_1374 : i32
      %swap3A_1376 = arith.index_cast %add3A_1375 : i32 to index
      %swap3A_1377 = tpu.vector_load %arg10[%swap3A_1376] {strides = array<i32>} : memref<2176xf32, #tpu.memory_space<vmem>>, vector<16xf32>,
      tpu.vector_store %arg10[%swap3A_1376], %max3A_1373 {strides = array<i32>} : memref<2176xf32, #tpu.memory_space<vmem>>, vector<16xf32>,
      %add3A_1378 = arith.constant 80 : i32
      %add3A_1379 = arith.addi %mul3A_1312, %add3A_1378 : i32
      %get3A_1380 = arith.index_cast %add3A_1379 : i32 to index
      %get3A_1381 = tpu.vector_load %arg10[%get3A_1380] {strides = array<i32>} : memref<2176xf32, #tpu.memory_space<vmem>>, vector<16xf32>,
      %get3A_1382 = arith.constant 11 : i32
      %get3A_1383 = arith.index_cast %get3A_1382 : i32 to index
      %get3A_1384 = arith.constant 80 : index
      %get3A_1385 = tpu.vector_load %arg9[%get3A_1383, %get3A_1384] {strides = array<i32>} : memref<16x128xf32, #tpu.memory_space<vmem>>, vector<16xf32>,
      %max3A_1386 = arith.maximumf %get3A_1381, %get3A_1385 : vector<16xf32>
      %add3A_1387 = arith.constant 80 : i32
      %add3A_1388 = arith.addi %mul3A_1312, %add3A_1387 : i32
      %swap3A_1389 = arith.index_cast %add3A_1388 : i32 to index
      %swap3A_1390 = tpu.vector_load %arg10[%swap3A_1389] {strides = array<i32>} : memref<2176xf32, #tpu.memory_space<vmem>>, vector<16xf32>,
      tpu.vector_store %arg10[%swap3A_1389], %max3A_1386 {strides = array<i32>} : memref<2176xf32, #tpu.memory_space<vmem>>, vector<16xf32>,
      %add3A_1391 = arith.constant 96 : i32
      %add3A_1392 = arith.addi %mul3A_1312, %add3A_1391 : i32
      %get3A_1393 = arith.index_cast %add3A_1392 : i32 to index
      %get3A_1394 = tpu.vector_load %arg10[%get3A_1393] {strides = array<i32>} : memref<2176xf32, #tpu.memory_space<vmem>>, vector<16xf32>,
      %get3A_1395 = arith.constant 11 : i32
      %get3A_1396 = arith.index_cast %get3A_1395 : i32 to index
      %get3A_1397 = arith.constant 96 : index
      %get3A_1398 = tpu.vector_load %arg9[%get3A_1396, %get3A_1397] {strides = array<i32>} : memref<16x128xf32, #tpu.memory_space<vmem>>, vector<16xf32>,
      %max3A_1399 = arith.maximumf %get3A_1394, %get3A_1398 : vector<16xf32>
      %add3A_1400 = arith.constant 96 : i32
      %add3A_1401 = arith.addi %mul3A_1312, %add3A_1400 : i32
      %swap3A_1402 = arith.index_cast %add3A_1401 : i32 to index
      %swap3A_1403 = tpu.vector_load %arg10[%swap3A_1402] {strides = array<i32>} : memref<2176xf32, #tpu.memory_space<vmem>>, vector<16xf32>,
      tpu.vector_store %arg10[%swap3A_1402], %max3A_1399 {strides = array<i32>} : memref<2176xf32, #tpu.memory_space<vmem>>, vector<16xf32>,
      %add3A_1404 = arith.constant 112 : i32
      %add3A_1405 = arith.addi %mul3A_1312, %add3A_1404 : i32
      %get3A_1406 = arith.index_cast %add3A_1405 : i32 to index
      %get3A_1407 = tpu.vector_load %arg10[%get3A_1406] {strides = array<i32>} : memref<2176xf32, #tpu.memory_space<vmem>>, vector<16xf32>,
      %get3A_1408 = arith.constant 11 : i32
      %get3A_1409 = arith.index_cast %get3A_1408 : i32 to index
      %get3A_1410 = arith.constant 112 : index
      %get3A_1411 = tpu.vector_load %arg9[%get3A_1409, %get3A_1410] {strides = array<i32>} : memref<16x128xf32, #tpu.memory_space<vmem>>, vector<16xf32>,
      %max3A_1412 = arith.maximumf %get3A_1407, %get3A_1411 : vector<16xf32>
      %add3A_1413 = arith.constant 112 : i32
      %add3A_1414 = arith.addi %mul3A_1312, %add3A_1413 : i32
      %swap3A_1415 = arith.index_cast %add3A_1414 : i32 to index
      %swap3A_1416 = tpu.vector_load %arg10[%swap3A_1415] {strides = array<i32>} : memref<2176xf32, #tpu.memory_space<vmem>>, vector<16xf32>,
      tpu.vector_store %arg10[%swap3A_1415], %max3A_1412 {strides = array<i32>} : memref<2176xf32, #tpu.memory_space<vmem>>, vector<16xf32>,
      %slice3A_1417 = vector.extract_strided_slice %select_n3A_107 {offsets = [12], sizes = [1], strides = [1]} : vector<16xi32> to vector<1xi32>
      %squeeze3A_1418 = vector.extract %slice3A_1417[0] : i32 from vector<1xi32>
      %mul3A_1419 = arith.constant 128 : i32
      %mul3A_1420 = arith.muli %squeeze3A_1418, %mul3A_1419 : i32
      %add3A_1421 = arith.constant 0 : i32
      %add3A_1422 = arith.addi %mul3A_1420, %add3A_1421 : i32
      %get3A_1423 = arith.index_cast %add3A_1422 : i32 to index
      %get3A_1424 = tpu.vector_load %arg10[%get3A_1423] {strides = array<i32>} : memref<2176xf32, #tpu.memory_space<vmem>>, vector<16xf32>,
      %get3A_1425 = arith.constant 12 : i32
      %get3A_1426 = arith.index_cast %get3A_1425 : i32 to index
      %get3A_1427 = arith.constant 0 : index
      %get3A_1428 = tpu.vector_load %arg9[%get3A_1426, %get3A_1427] {strides = array<i32>} : memref<16x128xf32, #tpu.memory_space<vmem>>, vector<16xf32>,
      %max3A_1429 = arith.maximumf %get3A_1424, %get3A_1428 : vector<16xf32>
      %add3A_1430 = arith.constant 0 : i32
      %add3A_1431 = arith.addi %mul3A_1420, %add3A_1430 : i32
      %swap3A_1432 = arith.index_cast %add3A_1431 : i32 to index
      %swap3A_1433 = tpu.vector_load %arg10[%swap3A_1432] {strides = array<i32>} : memref<2176xf32, #tpu.memory_space<vmem>>, vector<16xf32>,
      tpu.vector_store %arg10[%swap3A_1432], %max3A_1429 {strides = array<i32>} : memref<2176xf32, #tpu.memory_space<vmem>>, vector<16xf32>,
      %add3A_1434 = arith.constant 16 : i32
      %add3A_1435 = arith.addi %mul3A_1420, %add3A_1434 : i32
      %get3A_1436 = arith.index_cast %add3A_1435 : i32 to index
      %get3A_1437 = tpu.vector_load %arg10[%get3A_1436] {strides = array<i32>} : memref<2176xf32, #tpu.memory_space<vmem>>, vector<16xf32>,
      %get3A_1438 = arith.constant 12 : i32
      %get3A_1439 = arith.index_cast %get3A_1438 : i32 to index
      %get3A_1440 = arith.constant 16 : index
      %get3A_1441 = tpu.vector_load %arg9[%get3A_1439, %get3A_1440] {strides = array<i32>} : memref<16x128xf32, #tpu.memory_space<vmem>>, vector<16xf32>,
      %max3A_1442 = arith.maximumf %get3A_1437, %get3A_1441 : vector<16xf32>
      %add3A_1443 = arith.constant 16 : i32
      %add3A_1444 = arith.addi %mul3A_1420, %add3A_1443 : i32
      %swap3A_1445 = arith.index_cast %add3A_1444 : i32 to index
      %swap3A_1446 = tpu.vector_load %arg10[%swap3A_1445] {strides = array<i32>} : memref<2176xf32, #tpu.memory_space<vmem>>, vector<16xf32>,
      tpu.vector_store %arg10[%swap3A_1445], %max3A_1442 {strides = array<i32>} : memref<2176xf32, #tpu.memory_space<vmem>>, vector<16xf32>,
      %add3A_1447 = arith.constant 32 : i32
      %add3A_1448 = arith.addi %mul3A_1420, %add3A_1447 : i32
      %get3A_1449 = arith.index_cast %add3A_1448 : i32 to index
      %get3A_1450 = tpu.vector_load %arg10[%get3A_1449] {strides = array<i32>} : memref<2176xf32, #tpu.memory_space<vmem>>, vector<16xf32>,
      %get3A_1451 = arith.constant 12 : i32
      %get3A_1452 = arith.index_cast %get3A_1451 : i32 to index
      %get3A_1453 = arith.constant 32 : index
      %get3A_1454 = tpu.vector_load %arg9[%get3A_1452, %get3A_1453] {strides = array<i32>} : memref<16x128xf32, #tpu.memory_space<vmem>>, vector<16xf32>,
      %max3A_1455 = arith.maximumf %get3A_1450, %get3A_1454 : vector<16xf32>
      %add3A_1456 = arith.constant 32 : i32
      %add3A_1457 = arith.addi %mul3A_1420, %add3A_1456 : i32
      %swap3A_1458 = arith.index_cast %add3A_1457 : i32 to index
      %swap3A_1459 = tpu.vector_load %arg10[%swap3A_1458] {strides = array<i32>} : memref<2176xf32, #tpu.memory_space<vmem>>, vector<16xf32>,
      tpu.vector_store %arg10[%swap3A_1458], %max3A_1455 {strides = array<i32>} : memref<2176xf32, #tpu.memory_space<vmem>>, vector<16xf32>,
      %add3A_1460 = arith.constant 48 : i32
      %add3A_1461 = arith.addi %mul3A_1420, %add3A_1460 : i32
      %get3A_1462 = arith.index_cast %add3A_1461 : i32 to index
      %get3A_1463 = tpu.vector_load %arg10[%get3A_1462] {strides = array<i32>} : memref<2176xf32, #tpu.memory_space<vmem>>, vector<16xf32>,
      %get3A_1464 = arith.constant 12 : i32
      %get3A_1465 = arith.index_cast %get3A_1464 : i32 to index
      %get3A_1466 = arith.constant 48 : index
      %get3A_1467 = tpu.vector_load %arg9[%get3A_1465, %get3A_1466] {strides = array<i32>} : memref<16x128xf32, #tpu.memory_space<vmem>>, vector<16xf32>,
      %max3A_1468 = arith.maximumf %get3A_1463, %get3A_1467 : vector<16xf32>
      %add3A_1469 = arith.constant 48 : i32
      %add3A_1470 = arith.addi %mul3A_1420, %add3A_1469 : i32
      %swap3A_1471 = arith.index_cast %add3A_1470 : i32 to index
      %swap3A_1472 = tpu.vector_load %arg10[%swap3A_1471] {strides = array<i32>} : memref<2176xf32, #tpu.memory_space<vmem>>, vector<16xf32>,
      tpu.vector_store %arg10[%swap3A_1471], %max3A_1468 {strides = array<i32>} : memref<2176xf32, #tpu.memory_space<vmem>>, vector<16xf32>,
      %add3A_1473 = arith.constant 64 : i32
      %add3A_1474 = arith.addi %mul3A_1420, %add3A_1473 : i32
      %get3A_1475 = arith.index_cast %add3A_1474 : i32 to index
      %get3A_1476 = tpu.vector_load %arg10[%get3A_1475] {strides = array<i32>} : memref<2176xf32, #tpu.memory_space<vmem>>, vector<16xf32>,
      %get3A_1477 = arith.constant 12 : i32
      %get3A_1478 = arith.index_cast %get3A_1477 : i32 to index
      %get3A_1479 = arith.constant 64 : index
      %get3A_1480 = tpu.vector_load %arg9[%get3A_1478, %get3A_1479] {strides = array<i32>} : memref<16x128xf32, #tpu.memory_space<vmem>>, vector<16xf32>,
      %max3A_1481 = arith.maximumf %get3A_1476, %get3A_1480 : vector<16xf32>
      %add3A_1482 = arith.constant 64 : i32
      %add3A_1483 = arith.addi %mul3A_1420, %add3A_1482 : i32
      %swap3A_1484 = arith.index_cast %add3A_1483 : i32 to index
      %swap3A_1485 = tpu.vector_load %arg10[%swap3A_1484] {strides = array<i32>} : memref<2176xf32, #tpu.memory_space<vmem>>, vector<16xf32>,
      tpu.vector_store %arg10[%swap3A_1484], %max3A_1481 {strides = array<i32>} : memref<2176xf32, #tpu.memory_space<vmem>>, vector<16xf32>,
      %add3A_1486 = arith.constant 80 : i32
      %add3A_1487 = arith.addi %mul3A_1420, %add3A_1486 : i32
      %get3A_1488 = arith.index_cast %add3A_1487 : i32 to index
      %get3A_1489 = tpu.vector_load %arg10[%get3A_1488] {strides = array<i32>} : memref<2176xf32, #tpu.memory_space<vmem>>, vector<16xf32>,
      %get3A_1490 = arith.constant 12 : i32
      %get3A_1491 = arith.index_cast %get3A_1490 : i32 to index
      %get3A_1492 = arith.constant 80 : index
      %get3A_1493 = tpu.vector_load %arg9[%get3A_1491, %get3A_1492] {strides = array<i32>} : memref<16x128xf32, #tpu.memory_space<vmem>>, vector<16xf32>,
      %max3A_1494 = arith.maximumf %get3A_1489, %get3A_1493 : vector<16xf32>
      %add3A_1495 = arith.constant 80 : i32
      %add3A_1496 = arith.addi %mul3A_1420, %add3A_1495 : i32
      %swap3A_1497 = arith.index_cast %add3A_1496 : i32 to index
      %swap3A_1498 = tpu.vector_load %arg10[%swap3A_1497] {strides = array<i32>} : memref<2176xf32, #tpu.memory_space<vmem>>, vector<16xf32>,
      tpu.vector_store %arg10[%swap3A_1497], %max3A_1494 {strides = array<i32>} : memref<2176xf32, #tpu.memory_space<vmem>>, vector<16xf32>,
      %add3A_1499 = arith.constant 96 : i32
      %add3A_1500 = arith.addi %mul3A_1420, %add3A_1499 : i32
      %get3A_1501 = arith.index_cast %add3A_1500 : i32 to index
      %get3A_1502 = tpu.vector_load %arg10[%get3A_1501] {strides = array<i32>} : memref<2176xf32, #tpu.memory_space<vmem>>, vector<16xf32>,
      %get3A_1503 = arith.constant 12 : i32
      %get3A_1504 = arith.index_cast %get3A_1503 : i32 to index
      %get3A_1505 = arith.constant 96 : index
      %get3A_1506 = tpu.vector_load %arg9[%get3A_1504, %get3A_1505] {strides = array<i32>} : memref<16x128xf32, #tpu.memory_space<vmem>>, vector<16xf32>,
      %max3A_1507 = arith.maximumf %get3A_1502, %get3A_1506 : vector<16xf32>
      %add3A_1508 = arith.constant 96 : i32
      %add3A_1509 = arith.addi %mul3A_1420, %add3A_1508 : i32
      %swap3A_1510 = arith.index_cast %add3A_1509 : i32 to index
      %swap3A_1511 = tpu.vector_load %arg10[%swap3A_1510] {strides = array<i32>} : memref<2176xf32, #tpu.memory_space<vmem>>, vector<16xf32>,
      tpu.vector_store %arg10[%swap3A_1510], %max3A_1507 {strides = array<i32>} : memref<2176xf32, #tpu.memory_space<vmem>>, vector<16xf32>,
      %add3A_1512 = arith.constant 112 : i32
      %add3A_1513 = arith.addi %mul3A_1420, %add3A_1512 : i32
      %get3A_1514 = arith.index_cast %add3A_1513 : i32 to index
      %get3A_1515 = tpu.vector_load %arg10[%get3A_1514] {strides = array<i32>} : memref<2176xf32, #tpu.memory_space<vmem>>, vector<16xf32>,
      %get3A_1516 = arith.constant 12 : i32
      %get3A_1517 = arith.index_cast %get3A_1516 : i32 to index
      %get3A_1518 = arith.constant 112 : index
      %get3A_1519 = tpu.vector_load %arg9[%get3A_1517, %get3A_1518] {strides = array<i32>} : memref<16x128xf32, #tpu.memory_space<vmem>>, vector<16xf32>,
      %max3A_1520 = arith.maximumf %get3A_1515, %get3A_1519 : vector<16xf32>
      %add3A_1521 = arith.constant 112 : i32
      %add3A_1522 = arith.addi %mul3A_1420, %add3A_1521 : i32
      %swap3A_1523 = arith.index_cast %add3A_1522 : i32 to index
      %swap3A_1524 = tpu.vector_load %arg10[%swap3A_1523] {strides = array<i32>} : memref<2176xf32, #tpu.memory_space<vmem>>, vector<16xf32>,
      tpu.vector_store %arg10[%swap3A_1523], %max3A_1520 {strides = array<i32>} : memref<2176xf32, #tpu.memory_space<vmem>>, vector<16xf32>,
      %slice3A_1525 = vector.extract_strided_slice %select_n3A_107 {offsets = [13], sizes = [1], strides = [1]} : vector<16xi32> to vector<1xi32>
      %squeeze3A_1526 = vector.extract %slice3A_1525[0] : i32 from vector<1xi32>
      %mul3A_1527 = arith.constant 128 : i32
      %mul3A_1528 = arith.muli %squeeze3A_1526, %mul3A_1527 : i32
      %add3A_1529 = arith.constant 0 : i32
      %add3A_1530 = arith.addi %mul3A_1528, %add3A_1529 : i32
      %get3A_1531 = arith.index_cast %add3A_1530 : i32 to index
      %get3A_1532 = tpu.vector_load %arg10[%get3A_1531] {strides = array<i32>} : memref<2176xf32, #tpu.memory_space<vmem>>, vector<16xf32>,
      %get3A_1533 = arith.constant 13 : i32
      %get3A_1534 = arith.index_cast %get3A_1533 : i32 to index
      %get3A_1535 = arith.constant 0 : index
      %get3A_1536 = tpu.vector_load %arg9[%get3A_1534, %get3A_1535] {strides = array<i32>} : memref<16x128xf32, #tpu.memory_space<vmem>>, vector<16xf32>,
      %max3A_1537 = arith.maximumf %get3A_1532, %get3A_1536 : vector<16xf32>
      %add3A_1538 = arith.constant 0 : i32
      %add3A_1539 = arith.addi %mul3A_1528, %add3A_1538 : i32
      %swap3A_1540 = arith.index_cast %add3A_1539 : i32 to index
      %swap3A_1541 = tpu.vector_load %arg10[%swap3A_1540] {strides = array<i32>} : memref<2176xf32, #tpu.memory_space<vmem>>, vector<16xf32>,
      tpu.vector_store %arg10[%swap3A_1540], %max3A_1537 {strides = array<i32>} : memref<2176xf32, #tpu.memory_space<vmem>>, vector<16xf32>,
      %add3A_1542 = arith.constant 16 : i32
      %add3A_1543 = arith.addi %mul3A_1528, %add3A_1542 : i32
      %get3A_1544 = arith.index_cast %add3A_1543 : i32 to index
      %get3A_1545 = tpu.vector_load %arg10[%get3A_1544] {strides = array<i32>} : memref<2176xf32, #tpu.memory_space<vmem>>, vector<16xf32>,
      %get3A_1546 = arith.constant 13 : i32
      %get3A_1547 = arith.index_cast %get3A_1546 : i32 to index
      %get3A_1548 = arith.constant 16 : index
      %get3A_1549 = tpu.vector_load %arg9[%get3A_1547, %get3A_1548] {strides = array<i32>} : memref<16x128xf32, #tpu.memory_space<vmem>>, vector<16xf32>,
      %max3A_1550 = arith.maximumf %get3A_1545, %get3A_1549 : vector<16xf32>
      %add3A_1551 = arith.constant 16 : i32
      %add3A_1552 = arith.addi %mul3A_1528, %add3A_1551 : i32
      %swap3A_1553 = arith.index_cast %add3A_1552 : i32 to index
      %swap3A_1554 = tpu.vector_load %arg10[%swap3A_1553] {strides = array<i32>} : memref<2176xf32, #tpu.memory_space<vmem>>, vector<16xf32>,
      tpu.vector_store %arg10[%swap3A_1553], %max3A_1550 {strides = array<i32>} : memref<2176xf32, #tpu.memory_space<vmem>>, vector<16xf32>,
      %add3A_1555 = arith.constant 32 : i32
      %add3A_1556 = arith.addi %mul3A_1528, %add3A_1555 : i32
      %get3A_1557 = arith.index_cast %add3A_1556 : i32 to index
      %get3A_1558 = tpu.vector_load %arg10[%get3A_1557] {strides = array<i32>} : memref<2176xf32, #tpu.memory_space<vmem>>, vector<16xf32>,
      %get3A_1559 = arith.constant 13 : i32
      %get3A_1560 = arith.index_cast %get3A_1559 : i32 to index
      %get3A_1561 = arith.constant 32 : index
      %get3A_1562 = tpu.vector_load %arg9[%get3A_1560, %get3A_1561] {strides = array<i32>} : memref<16x128xf32, #tpu.memory_space<vmem>>, vector<16xf32>,
      %max3A_1563 = arith.maximumf %get3A_1558, %get3A_1562 : vector<16xf32>
      %add3A_1564 = arith.constant 32 : i32
      %add3A_1565 = arith.addi %mul3A_1528, %add3A_1564 : i32
      %swap3A_1566 = arith.index_cast %add3A_1565 : i32 to index
      %swap3A_1567 = tpu.vector_load %arg10[%swap3A_1566] {strides = array<i32>} : memref<2176xf32, #tpu.memory_space<vmem>>, vector<16xf32>,
      tpu.vector_store %arg10[%swap3A_1566], %max3A_1563 {strides = array<i32>} : memref<2176xf32, #tpu.memory_space<vmem>>, vector<16xf32>,
      %add3A_1568 = arith.constant 48 : i32
      %add3A_1569 = arith.addi %mul3A_1528, %add3A_1568 : i32
      %get3A_1570 = arith.index_cast %add3A_1569 : i32 to index
      %get3A_1571 = tpu.vector_load %arg10[%get3A_1570] {strides = array<i32>} : memref<2176xf32, #tpu.memory_space<vmem>>, vector<16xf32>,
      %get3A_1572 = arith.constant 13 : i32
      %get3A_1573 = arith.index_cast %get3A_1572 : i32 to index
      %get3A_1574 = arith.constant 48 : index
      %get3A_1575 = tpu.vector_load %arg9[%get3A_1573, %get3A_1574] {strides = array<i32>} : memref<16x128xf32, #tpu.memory_space<vmem>>, vector<16xf32>,
      %max3A_1576 = arith.maximumf %get3A_1571, %get3A_1575 : vector<16xf32>
      %add3A_1577 = arith.constant 48 : i32
      %add3A_1578 = arith.addi %mul3A_1528, %add3A_1577 : i32
      %swap3A_1579 = arith.index_cast %add3A_1578 : i32 to index
      %swap3A_1580 = tpu.vector_load %arg10[%swap3A_1579] {strides = array<i32>} : memref<2176xf32, #tpu.memory_space<vmem>>, vector<16xf32>,
      tpu.vector_store %arg10[%swap3A_1579], %max3A_1576 {strides = array<i32>} : memref<2176xf32, #tpu.memory_space<vmem>>, vector<16xf32>,
      %add3A_1581 = arith.constant 64 : i32
      %add3A_1582 = arith.addi %mul3A_1528, %add3A_1581 : i32
      %get3A_1583 = arith.index_cast %add3A_1582 : i32 to index
      %get3A_1584 = tpu.vector_load %arg10[%get3A_1583] {strides = array<i32>} : memref<2176xf32, #tpu.memory_space<vmem>>, vector<16xf32>,
      %get3A_1585 = arith.constant 13 : i32
      %get3A_1586 = arith.index_cast %get3A_1585 : i32 to index
      %get3A_1587 = arith.constant 64 : index
      %get3A_1588 = tpu.vector_load %arg9[%get3A_1586, %get3A_1587] {strides = array<i32>} : memref<16x128xf32, #tpu.memory_space<vmem>>, vector<16xf32>,
      %max3A_1589 = arith.maximumf %get3A_1584, %get3A_1588 : vector<16xf32>
      %add3A_1590 = arith.constant 64 : i32
      %add3A_1591 = arith.addi %mul3A_1528, %add3A_1590 : i32
      %swap3A_1592 = arith.index_cast %add3A_1591 : i32 to index
      %swap3A_1593 = tpu.vector_load %arg10[%swap3A_1592] {strides = array<i32>} : memref<2176xf32, #tpu.memory_space<vmem>>, vector<16xf32>,
      tpu.vector_store %arg10[%swap3A_1592], %max3A_1589 {strides = array<i32>} : memref<2176xf32, #tpu.memory_space<vmem>>, vector<16xf32>,
      %add3A_1594 = arith.constant 80 : i32
      %add3A_1595 = arith.addi %mul3A_1528, %add3A_1594 : i32
      %get3A_1596 = arith.index_cast %add3A_1595 : i32 to index
      %get3A_1597 = tpu.vector_load %arg10[%get3A_1596] {strides = array<i32>} : memref<2176xf32, #tpu.memory_space<vmem>>, vector<16xf32>,
      %get3A_1598 = arith.constant 13 : i32
      %get3A_1599 = arith.index_cast %get3A_1598 : i32 to index
      %get3A_1600 = arith.constant 80 : index
      %get3A_1601 = tpu.vector_load %arg9[%get3A_1599, %get3A_1600] {strides = array<i32>} : memref<16x128xf32, #tpu.memory_space<vmem>>, vector<16xf32>,
      %max3A_1602 = arith.maximumf %get3A_1597, %get3A_1601 : vector<16xf32>
      %add3A_1603 = arith.constant 80 : i32
      %add3A_1604 = arith.addi %mul3A_1528, %add3A_1603 : i32
      %swap3A_1605 = arith.index_cast %add3A_1604 : i32 to index
      %swap3A_1606 = tpu.vector_load %arg10[%swap3A_1605] {strides = array<i32>} : memref<2176xf32, #tpu.memory_space<vmem>>, vector<16xf32>,
      tpu.vector_store %arg10[%swap3A_1605], %max3A_1602 {strides = array<i32>} : memref<2176xf32, #tpu.memory_space<vmem>>, vector<16xf32>,
      %add3A_1607 = arith.constant 96 : i32
      %add3A_1608 = arith.addi %mul3A_1528, %add3A_1607 : i32
      %get3A_1609 = arith.index_cast %add3A_1608 : i32 to index
      %get3A_1610 = tpu.vector_load %arg10[%get3A_1609] {strides = array<i32>} : memref<2176xf32, #tpu.memory_space<vmem>>, vector<16xf32>,
      %get3A_1611 = arith.constant 13 : i32
      %get3A_1612 = arith.index_cast %get3A_1611 : i32 to index
      %get3A_1613 = arith.constant 96 : index
      %get3A_1614 = tpu.vector_load %arg9[%get3A_1612, %get3A_1613] {strides = array<i32>} : memref<16x128xf32, #tpu.memory_space<vmem>>, vector<16xf32>,
      %max3A_1615 = arith.maximumf %get3A_1610, %get3A_1614 : vector<16xf32>
      %add3A_1616 = arith.constant 96 : i32
      %add3A_1617 = arith.addi %mul3A_1528, %add3A_1616 : i32
      %swap3A_1618 = arith.index_cast %add3A_1617 : i32 to index
      %swap3A_1619 = tpu.vector_load %arg10[%swap3A_1618] {strides = array<i32>} : memref<2176xf32, #tpu.memory_space<vmem>>, vector<16xf32>,
      tpu.vector_store %arg10[%swap3A_1618], %max3A_1615 {strides = array<i32>} : memref<2176xf32, #tpu.memory_space<vmem>>, vector<16xf32>,
      %add3A_1620 = arith.constant 112 : i32
      %add3A_1621 = arith.addi %mul3A_1528, %add3A_1620 : i32
      %get3A_1622 = arith.index_cast %add3A_1621 : i32 to index
      %get3A_1623 = tpu.vector_load %arg10[%get3A_1622] {strides = array<i32>} : memref<2176xf32, #tpu.memory_space<vmem>>, vector<16xf32>,
      %get3A_1624 = arith.constant 13 : i32
      %get3A_1625 = arith.index_cast %get3A_1624 : i32 to index
      %get3A_1626 = arith.constant 112 : index
      %get3A_1627 = tpu.vector_load %arg9[%get3A_1625, %get3A_1626] {strides = array<i32>} : memref<16x128xf32, #tpu.memory_space<vmem>>, vector<16xf32>,
      %max3A_1628 = arith.maximumf %get3A_1623, %get3A_1627 : vector<16xf32>
      %add3A_1629 = arith.constant 112 : i32
      %add3A_1630 = arith.addi %mul3A_1528, %add3A_1629 : i32
      %swap3A_1631 = arith.index_cast %add3A_1630 : i32 to index
      %swap3A_1632 = tpu.vector_load %arg10[%swap3A_1631] {strides = array<i32>} : memref<2176xf32, #tpu.memory_space<vmem>>, vector<16xf32>,
      tpu.vector_store %arg10[%swap3A_1631], %max3A_1628 {strides = array<i32>} : memref<2176xf32, #tpu.memory_space<vmem>>, vector<16xf32>,
      %slice3A_1633 = vector.extract_strided_slice %select_n3A_107 {offsets = [14], sizes = [1], strides = [1]} : vector<16xi32> to vector<1xi32>
      %squeeze3A_1634 = vector.extract %slice3A_1633[0] : i32 from vector<1xi32>
      %mul3A_1635 = arith.constant 128 : i32
      %mul3A_1636 = arith.muli %squeeze3A_1634, %mul3A_1635 : i32
      %add3A_1637 = arith.constant 0 : i32
      %add3A_1638 = arith.addi %mul3A_1636, %add3A_1637 : i32
      %get3A_1639 = arith.index_cast %add3A_1638 : i32 to index
      %get3A_1640 = tpu.vector_load %arg10[%get3A_1639] {strides = array<i32>} : memref<2176xf32, #tpu.memory_space<vmem>>, vector<16xf32>,
      %get3A_1641 = arith.constant 14 : i32
      %get3A_1642 = arith.index_cast %get3A_1641 : i32 to index
      %get3A_1643 = arith.constant 0 : index
      %get3A_1644 = tpu.vector_load %arg9[%get3A_1642, %get3A_1643] {strides = array<i32>} : memref<16x128xf32, #tpu.memory_space<vmem>>, vector<16xf32>,
      %max3A_1645 = arith.maximumf %get3A_1640, %get3A_1644 : vector<16xf32>
      %add3A_1646 = arith.constant 0 : i32
      %add3A_1647 = arith.addi %mul3A_1636, %add3A_1646 : i32
      %swap3A_1648 = arith.index_cast %add3A_1647 : i32 to index
      %swap3A_1649 = tpu.vector_load %arg10[%swap3A_1648] {strides = array<i32>} : memref<2176xf32, #tpu.memory_space<vmem>>, vector<16xf32>,
      tpu.vector_store %arg10[%swap3A_1648], %max3A_1645 {strides = array<i32>} : memref<2176xf32, #tpu.memory_space<vmem>>, vector<16xf32>,
      %add3A_1650 = arith.constant 16 : i32
      %add3A_1651 = arith.addi %mul3A_1636, %add3A_1650 : i32
      %get3A_1652 = arith.index_cast %add3A_1651 : i32 to index
      %get3A_1653 = tpu.vector_load %arg10[%get3A_1652] {strides = array<i32>} : memref<2176xf32, #tpu.memory_space<vmem>>, vector<16xf32>,
      %get3A_1654 = arith.constant 14 : i32
      %get3A_1655 = arith.index_cast %get3A_1654 : i32 to index
      %get3A_1656 = arith.constant 16 : index
      %get3A_1657 = tpu.vector_load %arg9[%get3A_1655, %get3A_1656] {strides = array<i32>} : memref<16x128xf32, #tpu.memory_space<vmem>>, vector<16xf32>,
      %max3A_1658 = arith.maximumf %get3A_1653, %get3A_1657 : vector<16xf32>
      %add3A_1659 = arith.constant 16 : i32
      %add3A_1660 = arith.addi %mul3A_1636, %add3A_1659 : i32
      %swap3A_1661 = arith.index_cast %add3A_1660 : i32 to index
      %swap3A_1662 = tpu.vector_load %arg10[%swap3A_1661] {strides = array<i32>} : memref<2176xf32, #tpu.memory_space<vmem>>, vector<16xf32>,
      tpu.vector_store %arg10[%swap3A_1661], %max3A_1658 {strides = array<i32>} : memref<2176xf32, #tpu.memory_space<vmem>>, vector<16xf32>,
      %add3A_1663 = arith.constant 32 : i32
      %add3A_1664 = arith.addi %mul3A_1636, %add3A_1663 : i32
      %get3A_1665 = arith.index_cast %add3A_1664 : i32 to index
      %get3A_1666 = tpu.vector_load %arg10[%get3A_1665] {strides = array<i32>} : memref<2176xf32, #tpu.memory_space<vmem>>, vector<16xf32>,
      %get3A_1667 = arith.constant 14 : i32
      %get3A_1668 = arith.index_cast %get3A_1667 : i32 to index
      %get3A_1669 = arith.constant 32 : index
      %get3A_1670 = tpu.vector_load %arg9[%get3A_1668, %get3A_1669] {strides = array<i32>} : memref<16x128xf32, #tpu.memory_space<vmem>>, vector<16xf32>,
      %max3A_1671 = arith.maximumf %get3A_1666, %get3A_1670 : vector<16xf32>
      %add3A_1672 = arith.constant 32 : i32
      %add3A_1673 = arith.addi %mul3A_1636, %add3A_1672 : i32
      %swap3A_1674 = arith.index_cast %add3A_1673 : i32 to index
      %swap3A_1675 = tpu.vector_load %arg10[%swap3A_1674] {strides = array<i32>} : memref<2176xf32, #tpu.memory_space<vmem>>, vector<16xf32>,
      tpu.vector_store %arg10[%swap3A_1674], %max3A_1671 {strides = array<i32>} : memref<2176xf32, #tpu.memory_space<vmem>>, vector<16xf32>,
      %add3A_1676 = arith.constant 48 : i32
      %add3A_1677 = arith.addi %mul3A_1636, %add3A_1676 : i32
      %get3A_1678 = arith.index_cast %add3A_1677 : i32 to index
      %get3A_1679 = tpu.vector_load %arg10[%get3A_1678] {strides = array<i32>} : memref<2176xf32, #tpu.memory_space<vmem>>, vector<16xf32>,
      %get3A_1680 = arith.constant 14 : i32
      %get3A_1681 = arith.index_cast %get3A_1680 : i32 to index
      %get3A_1682 = arith.constant 48 : index
      %get3A_1683 = tpu.vector_load %arg9[%get3A_1681, %get3A_1682] {strides = array<i32>} : memref<16x128xf32, #tpu.memory_space<vmem>>, vector<16xf32>,
      %max3A_1684 = arith.maximumf %get3A_1679, %get3A_1683 : vector<16xf32>
      %add3A_1685 = arith.constant 48 : i32
      %add3A_1686 = arith.addi %mul3A_1636, %add3A_1685 : i32
      %swap3A_1687 = arith.index_cast %add3A_1686 : i32 to index
      %swap3A_1688 = tpu.vector_load %arg10[%swap3A_1687] {strides = array<i32>} : memref<2176xf32, #tpu.memory_space<vmem>>, vector<16xf32>,
      tpu.vector_store %arg10[%swap3A_1687], %max3A_1684 {strides = array<i32>} : memref<2176xf32, #tpu.memory_space<vmem>>, vector<16xf32>,
      %add3A_1689 = arith.constant 64 : i32
      %add3A_1690 = arith.addi %mul3A_1636, %add3A_1689 : i32
      %get3A_1691 = arith.index_cast %add3A_1690 : i32 to index
      %get3A_1692 = tpu.vector_load %arg10[%get3A_1691] {strides = array<i32>} : memref<2176xf32, #tpu.memory_space<vmem>>, vector<16xf32>,
      %get3A_1693 = arith.constant 14 : i32
      %get3A_1694 = arith.index_cast %get3A_1693 : i32 to index
      %get3A_1695 = arith.constant 64 : index
      %get3A_1696 = tpu.vector_load %arg9[%get3A_1694, %get3A_1695] {strides = array<i32>} : memref<16x128xf32, #tpu.memory_space<vmem>>, vector<16xf32>,
      %max3A_1697 = arith.maximumf %get3A_1692, %get3A_1696 : vector<16xf32>
      %add3A_1698 = arith.constant 64 : i32
      %add3A_1699 = arith.addi %mul3A_1636, %add3A_1698 : i32
      %swap3A_1700 = arith.index_cast %add3A_1699 : i32 to index
      %swap3A_1701 = tpu.vector_load %arg10[%swap3A_1700] {strides = array<i32>} : memref<2176xf32, #tpu.memory_space<vmem>>, vector<16xf32>,
      tpu.vector_store %arg10[%swap3A_1700], %max3A_1697 {strides = array<i32>} : memref<2176xf32, #tpu.memory_space<vmem>>, vector<16xf32>,
      %add3A_1702 = arith.constant 80 : i32
      %add3A_1703 = arith.addi %mul3A_1636, %add3A_1702 : i32
      %get3A_1704 = arith.index_cast %add3A_1703 : i32 to index
      %get3A_1705 = tpu.vector_load %arg10[%get3A_1704] {strides = array<i32>} : memref<2176xf32, #tpu.memory_space<vmem>>, vector<16xf32>,
      %get3A_1706 = arith.constant 14 : i32
      %get3A_1707 = arith.index_cast %get3A_1706 : i32 to index
      %get3A_1708 = arith.constant 80 : index
      %get3A_1709 = tpu.vector_load %arg9[%get3A_1707, %get3A_1708] {strides = array<i32>} : memref<16x128xf32, #tpu.memory_space<vmem>>, vector<16xf32>,
      %max3A_1710 = arith.maximumf %get3A_1705, %get3A_1709 : vector<16xf32>
      %add3A_1711 = arith.constant 80 : i32
      %add3A_1712 = arith.addi %mul3A_1636, %add3A_1711 : i32
      %swap3A_1713 = arith.index_cast %add3A_1712 : i32 to index
      %swap3A_1714 = tpu.vector_load %arg10[%swap3A_1713] {strides = array<i32>} : memref<2176xf32, #tpu.memory_space<vmem>>, vector<16xf32>,
      tpu.vector_store %arg10[%swap3A_1713], %max3A_1710 {strides = array<i32>} : memref<2176xf32, #tpu.memory_space<vmem>>, vector<16xf32>,
      %add3A_1715 = arith.constant 96 : i32
      %add3A_1716 = arith.addi %mul3A_1636, %add3A_1715 : i32
      %get3A_1717 = arith.index_cast %add3A_1716 : i32 to index
      %get3A_1718 = tpu.vector_load %arg10[%get3A_1717] {strides = array<i32>} : memref<2176xf32, #tpu.memory_space<vmem>>, vector<16xf32>,
      %get3A_1719 = arith.constant 14 : i32
      %get3A_1720 = arith.index_cast %get3A_1719 : i32 to index
      %get3A_1721 = arith.constant 96 : index
      %get3A_1722 = tpu.vector_load %arg9[%get3A_1720, %get3A_1721] {strides = array<i32>} : memref<16x128xf32, #tpu.memory_space<vmem>>, vector<16xf32>,
      %max3A_1723 = arith.maximumf %get3A_1718, %get3A_1722 : vector<16xf32>
      %add3A_1724 = arith.constant 96 : i32
      %add3A_1725 = arith.addi %mul3A_1636, %add3A_1724 : i32
      %swap3A_1726 = arith.index_cast %add3A_1725 : i32 to index
      %swap3A_1727 = tpu.vector_load %arg10[%swap3A_1726] {strides = array<i32>} : memref<2176xf32, #tpu.memory_space<vmem>>, vector<16xf32>,
      tpu.vector_store %arg10[%swap3A_1726], %max3A_1723 {strides = array<i32>} : memref<2176xf32, #tpu.memory_space<vmem>>, vector<16xf32>,
      %add3A_1728 = arith.constant 112 : i32
      %add3A_1729 = arith.addi %mul3A_1636, %add3A_1728 : i32
      %get3A_1730 = arith.index_cast %add3A_1729 : i32 to index
      %get3A_1731 = tpu.vector_load %arg10[%get3A_1730] {strides = array<i32>} : memref<2176xf32, #tpu.memory_space<vmem>>, vector<16xf32>,
      %get3A_1732 = arith.constant 14 : i32
      %get3A_1733 = arith.index_cast %get3A_1732 : i32 to index
      %get3A_1734 = arith.constant 112 : index
      %get3A_1735 = tpu.vector_load %arg9[%get3A_1733, %get3A_1734] {strides = array<i32>} : memref<16x128xf32, #tpu.memory_space<vmem>>, vector<16xf32>,
      %max3A_1736 = arith.maximumf %get3A_1731, %get3A_1735 : vector<16xf32>
      %add3A_1737 = arith.constant 112 : i32
      %add3A_1738 = arith.addi %mul3A_1636, %add3A_1737 : i32
      %swap3A_1739 = arith.index_cast %add3A_1738 : i32 to index
      %swap3A_1740 = tpu.vector_load %arg10[%swap3A_1739] {strides = array<i32>} : memref<2176xf32, #tpu.memory_space<vmem>>, vector<16xf32>,
      tpu.vector_store %arg10[%swap3A_1739], %max3A_1736 {strides = array<i32>} : memref<2176xf32, #tpu.memory_space<vmem>>, vector<16xf32>,
      %slice3A_1741 = vector.extract_strided_slice %select_n3A_107 {offsets = [15], sizes = [1], strides = [1]} : vector<16xi32> to vector<1xi32>
      %squeeze3A_1742 = vector.extract %slice3A_1741[0] : i32 from vector<1xi32>
      %mul3A_1743 = arith.constant 128 : i32
      %mul3A_1744 = arith.muli %squeeze3A_1742, %mul3A_1743 : i32
      %add3A_1745 = arith.constant 0 : i32
      %add3A_1746 = arith.addi %mul3A_1744, %add3A_1745 : i32
      %get3A_1747 = arith.index_cast %add3A_1746 : i32 to index
      %get3A_1748 = tpu.vector_load %arg10[%get3A_1747] {strides = array<i32>} : memref<2176xf32, #tpu.memory_space<vmem>>, vector<16xf32>,
      %get3A_1749 = arith.constant 15 : i32
      %get3A_1750 = arith.index_cast %get3A_1749 : i32 to index
      %get3A_1751 = arith.constant 0 : index
      %get3A_1752 = tpu.vector_load %arg9[%get3A_1750, %get3A_1751] {strides = array<i32>} : memref<16x128xf32, #tpu.memory_space<vmem>>, vector<16xf32>,
      %max3A_1753 = arith.maximumf %get3A_1748, %get3A_1752 : vector<16xf32>
      %add3A_1754 = arith.constant 0 : i32
      %add3A_1755 = arith.addi %mul3A_1744, %add3A_1754 : i32
      %swap3A_1756 = arith.index_cast %add3A_1755 : i32 to index
      %swap3A_1757 = tpu.vector_load %arg10[%swap3A_1756] {strides = array<i32>} : memref<2176xf32, #tpu.memory_space<vmem>>, vector<16xf32>,
      tpu.vector_store %arg10[%swap3A_1756], %max3A_1753 {strides = array<i32>} : memref<2176xf32, #tpu.memory_space<vmem>>, vector<16xf32>,
      %add3A_1758 = arith.constant 16 : i32
      %add3A_1759 = arith.addi %mul3A_1744, %add3A_1758 : i32
      %get3A_1760 = arith.index_cast %add3A_1759 : i32 to index
      %get3A_1761 = tpu.vector_load %arg10[%get3A_1760] {strides = array<i32>} : memref<2176xf32, #tpu.memory_space<vmem>>, vector<16xf32>,
      %get3A_1762 = arith.constant 15 : i32
      %get3A_1763 = arith.index_cast %get3A_1762 : i32 to index
      %get3A_1764 = arith.constant 16 : index
      %get3A_1765 = tpu.vector_load %arg9[%get3A_1763, %get3A_1764] {strides = array<i32>} : memref<16x128xf32, #tpu.memory_space<vmem>>, vector<16xf32>,
      %max3A_1766 = arith.maximumf %get3A_1761, %get3A_1765 : vector<16xf32>
      %add3A_1767 = arith.constant 16 : i32
      %add3A_1768 = arith.addi %mul3A_1744, %add3A_1767 : i32
      %swap3A_1769 = arith.index_cast %add3A_1768 : i32 to index
      %swap3A_1770 = tpu.vector_load %arg10[%swap3A_1769] {strides = array<i32>} : memref<2176xf32, #tpu.memory_space<vmem>>, vector<16xf32>,
      tpu.vector_store %arg10[%swap3A_1769], %max3A_1766 {strides = array<i32>} : memref<2176xf32, #tpu.memory_space<vmem>>, vector<16xf32>,
      %add3A_1771 = arith.constant 32 : i32
      %add3A_1772 = arith.addi %mul3A_1744, %add3A_1771 : i32
      %get3A_1773 = arith.index_cast %add3A_1772 : i32 to index
      %get3A_1774 = tpu.vector_load %arg10[%get3A_1773] {strides = array<i32>} : memref<2176xf32, #tpu.memory_space<vmem>>, vector<16xf32>,
      %get3A_1775 = arith.constant 15 : i32
      %get3A_1776 = arith.index_cast %get3A_1775 : i32 to index
      %get3A_1777 = arith.constant 32 : index
      %get3A_1778 = tpu.vector_load %arg9[%get3A_1776, %get3A_1777] {strides = array<i32>} : memref<16x128xf32, #tpu.memory_space<vmem>>, vector<16xf32>,
      %max3A_1779 = arith.maximumf %get3A_1774, %get3A_1778 : vector<16xf32>
      %add3A_1780 = arith.constant 32 : i32
      %add3A_1781 = arith.addi %mul3A_1744, %add3A_1780 : i32
      %swap3A_1782 = arith.index_cast %add3A_1781 : i32 to index
      %swap3A_1783 = tpu.vector_load %arg10[%swap3A_1782] {strides = array<i32>} : memref<2176xf32, #tpu.memory_space<vmem>>, vector<16xf32>,
      tpu.vector_store %arg10[%swap3A_1782], %max3A_1779 {strides = array<i32>} : memref<2176xf32, #tpu.memory_space<vmem>>, vector<16xf32>,
      %add3A_1784 = arith.constant 48 : i32
      %add3A_1785 = arith.addi %mul3A_1744, %add3A_1784 : i32
      %get3A_1786 = arith.index_cast %add3A_1785 : i32 to index
      %get3A_1787 = tpu.vector_load %arg10[%get3A_1786] {strides = array<i32>} : memref<2176xf32, #tpu.memory_space<vmem>>, vector<16xf32>,
      %get3A_1788 = arith.constant 15 : i32
      %get3A_1789 = arith.index_cast %get3A_1788 : i32 to index
      %get3A_1790 = arith.constant 48 : index
      %get3A_1791 = tpu.vector_load %arg9[%get3A_1789, %get3A_1790] {strides = array<i32>} : memref<16x128xf32, #tpu.memory_space<vmem>>, vector<16xf32>,
      %max3A_1792 = arith.maximumf %get3A_1787, %get3A_1791 : vector<16xf32>
      %add3A_1793 = arith.constant 48 : i32
      %add3A_1794 = arith.addi %mul3A_1744, %add3A_1793 : i32
      %swap3A_1795 = arith.index_cast %add3A_1794 : i32 to index
      %swap3A_1796 = tpu.vector_load %arg10[%swap3A_1795] {strides = array<i32>} : memref<2176xf32, #tpu.memory_space<vmem>>, vector<16xf32>,
      tpu.vector_store %arg10[%swap3A_1795], %max3A_1792 {strides = array<i32>} : memref<2176xf32, #tpu.memory_space<vmem>>, vector<16xf32>,
      %add3A_1797 = arith.constant 64 : i32
      %add3A_1798 = arith.addi %mul3A_1744, %add3A_1797 : i32
      %get3A_1799 = arith.index_cast %add3A_1798 : i32 to index
      %get3A_1800 = tpu.vector_load %arg10[%get3A_1799] {strides = array<i32>} : memref<2176xf32, #tpu.memory_space<vmem>>, vector<16xf32>,
      %get3A_1801 = arith.constant 15 : i32
      %get3A_1802 = arith.index_cast %get3A_1801 : i32 to index
      %get3A_1803 = arith.constant 64 : index
      %get3A_1804 = tpu.vector_load %arg9[%get3A_1802, %get3A_1803] {strides = array<i32>} : memref<16x128xf32, #tpu.memory_space<vmem>>, vector<16xf32>,
      %max3A_1805 = arith.maximumf %get3A_1800, %get3A_1804 : vector<16xf32>
      %add3A_1806 = arith.constant 64 : i32
      %add3A_1807 = arith.addi %mul3A_1744, %add3A_1806 : i32
      %swap3A_1808 = arith.index_cast %add3A_1807 : i32 to index
      %swap3A_1809 = tpu.vector_load %arg10[%swap3A_1808] {strides = array<i32>} : memref<2176xf32, #tpu.memory_space<vmem>>, vector<16xf32>,
      tpu.vector_store %arg10[%swap3A_1808], %max3A_1805 {strides = array<i32>} : memref<2176xf32, #tpu.memory_space<vmem>>, vector<16xf32>,
      %add3A_1810 = arith.constant 80 : i32
      %add3A_1811 = arith.addi %mul3A_1744, %add3A_1810 : i32
      %get3A_1812 = arith.index_cast %add3A_1811 : i32 to index
      %get3A_1813 = tpu.vector_load %arg10[%get3A_1812] {strides = array<i32>} : memref<2176xf32, #tpu.memory_space<vmem>>, vector<16xf32>,
      %get3A_1814 = arith.constant 15 : i32
      %get3A_1815 = arith.index_cast %get3A_1814 : i32 to index
      %get3A_1816 = arith.constant 80 : index
      %get3A_1817 = tpu.vector_load %arg9[%get3A_1815, %get3A_1816] {strides = array<i32>} : memref<16x128xf32, #tpu.memory_space<vmem>>, vector<16xf32>,
      %max3A_1818 = arith.maximumf %get3A_1813, %get3A_1817 : vector<16xf32>
      %add3A_1819 = arith.constant 80 : i32
      %add3A_1820 = arith.addi %mul3A_1744, %add3A_1819 : i32
      %swap3A_1821 = arith.index_cast %add3A_1820 : i32 to index
      %swap3A_1822 = tpu.vector_load %arg10[%swap3A_1821] {strides = array<i32>} : memref<2176xf32, #tpu.memory_space<vmem>>, vector<16xf32>,
      tpu.vector_store %arg10[%swap3A_1821], %max3A_1818 {strides = array<i32>} : memref<2176xf32, #tpu.memory_space<vmem>>, vector<16xf32>,
      %add3A_1823 = arith.constant 96 : i32
      %add3A_1824 = arith.addi %mul3A_1744, %add3A_1823 : i32
      %get3A_1825 = arith.index_cast %add3A_1824 : i32 to index
      %get3A_1826 = tpu.vector_load %arg10[%get3A_1825] {strides = array<i32>} : memref<2176xf32, #tpu.memory_space<vmem>>, vector<16xf32>,
      %get3A_1827 = arith.constant 15 : i32
      %get3A_1828 = arith.index_cast %get3A_1827 : i32 to index
      %get3A_1829 = arith.constant 96 : index
      %get3A_1830 = tpu.vector_load %arg9[%get3A_1828, %get3A_1829] {strides = array<i32>} : memref<16x128xf32, #tpu.memory_space<vmem>>, vector<16xf32>,
      %max3A_1831 = arith.maximumf %get3A_1826, %get3A_1830 : vector<16xf32>
      %add3A_1832 = arith.constant 96 : i32
      %add3A_1833 = arith.addi %mul3A_1744, %add3A_1832 : i32
      %swap3A_1834 = arith.index_cast %add3A_1833 : i32 to index
      %swap3A_1835 = tpu.vector_load %arg10[%swap3A_1834] {strides = array<i32>} : memref<2176xf32, #tpu.memory_space<vmem>>, vector<16xf32>,
      tpu.vector_store %arg10[%swap3A_1834], %max3A_1831 {strides = array<i32>} : memref<2176xf32, #tpu.memory_space<vmem>>, vector<16xf32>,
      %add3A_1836 = arith.constant 112 : i32
      %add3A_1837 = arith.addi %mul3A_1744, %add3A_1836 : i32
      %get3A_1838 = arith.index_cast %add3A_1837 : i32 to index
      %get3A_1839 = tpu.vector_load %arg10[%get3A_1838] {strides = array<i32>} : memref<2176xf32, #tpu.memory_space<vmem>>, vector<16xf32>,
      %get3A_1840 = arith.constant 15 : i32
      %get3A_1841 = arith.index_cast %get3A_1840 : i32 to index
      %get3A_1842 = arith.constant 112 : index
      %get3A_1843 = tpu.vector_load %arg9[%get3A_1841, %get3A_1842] {strides = array<i32>} : memref<16x128xf32, #tpu.memory_space<vmem>>, vector<16xf32>,
      %max3A_1844 = arith.maximumf %get3A_1839, %get3A_1843 : vector<16xf32>
      %add3A_1845 = arith.constant 112 : i32
      %add3A_1846 = arith.addi %mul3A_1744, %add3A_1845 : i32
      %swap3A_1847 = arith.index_cast %add3A_1846 : i32 to index
      %swap3A_1848 = tpu.vector_load %arg10[%swap3A_1847] {strides = array<i32>} : memref<2176xf32, #tpu.memory_space<vmem>>, vector<16xf32>,
      tpu.vector_store %arg10[%swap3A_1847], %max3A_1844 {strides = array<i32>} : memref<2176xf32, #tpu.memory_space<vmem>>, vector<16xf32>,
    }
    %while3A_94 = arith.constant 1 : i32
    scf.for %while3A_95 = %while3A_92 to %while3A_88 step %while3A_94  : i32 {
      %mul3A_96 = arith.constant 16 : i32
      %mul3A_97 = arith.muli %while3A_95, %mul3A_96 : i32
      %get3A_98 = arith.index_cast %mul3A_97 : i32 to index
      %get3A_99 = tpu.vector_load %arg7[%get3A_98] {strides = array<i32>} : memref<10016xi32, #tpu.memory_space<vmem>>, vector<16xi32>,
      %mul3A_100 = arith.constant 16 : i32
      %mul3A_101 = arith.muli %while3A_95, %mul3A_100 : i32
      %add3A_102 = vector.broadcast %mul3A_101 : i32 to vector<16xi32>
      %add3A_103 = arith.addi %iota3A, %add3A_102 : vector<16xi32>
      %lt3A = vector.broadcast %get3A_68 : i32 to vector<16xi32>
      %lt3A_104 = arith.cmpi slt, %add3A_103, %lt3A : vector<16xi32>
      %and3A = arith.constant 15 : i32
      %and3A_105 = vector.broadcast %and3A : i32 to vector<16xi32>
      %and3A_106 = arith.andi %get3A_99, %and3A_105 : vector<16xi32>
      %select_n3A_107 = arith.select %lt3A_104, %and3A_106, %broadcast_in_dim3A_80 : vector<16xi1>, vector<16xi32>
      %shift_right_logical3A_108 = arith.constant 4 : i32
      %shift_right_logical3A_109 = vector.broadcast %shift_right_logical3A_108 : i32 to vector<16xi32>
      %shift_right_logical3A_110 = arith.shrui %get3A_99, %shift_right_logical3A_109 : vector<16xi32>
      %jit3A_111 = arith.constant 0 : i32
      %broadcast_in_dim3A_112 = vector.broadcast %jit3A_111 : i32 to vector<16xi32>
      %select_n3A_113 = arith.select %lt3A_104, %shift_right_logical3A_110, %broadcast_in_dim3A_112 : vector<16xi1>, vector<16xi32>
      %swap3A_114 = arith.constant 0 : index
      %swap3A_115 = tpu.vector_load %arg8[%swap3A_114] {strides = array<i32>} : memref<16xi32, #tpu.memory_space<vmem>>, vector<16xi32>,
      tpu.vector_store %arg8[%swap3A_114], %select_n3A_113 {strides = array<i32>} : memref<16xi32, #tpu.memory_space<vmem>>, vector<16xi32>,
      %dma_start3A_116 = arith.constant 0 : i32
      %dma_start3A_117 = arith.constant 0 : i32
      %dma_start3A_118 = tpu.memref_slice %arg11[%dma_start3A_116, %dma_start3A_117] : memref<10000x128xf32, #tpu.memory_space<vmem_shared>> -> memref<10000x128xf32, #tpu.memory_space<vmem_shared>>
      tpu.enqueue_indirect_dma source(%dma_start3A_118 : memref<10000x128xf32, #tpu.memory_space<vmem_shared>>) target(%arg9 : memref<16x128xf32, #tpu.memory_space<vmem>>) offsets(%arg8 : memref<16xi32, #tpu.memory_space<vmem>>) semaphore(%arg13 : memref<!tpu.dma_semaphore, #tpu.memory_space<semaphore_mem>>)
      %dma_wait3A_119 = arith.constant 0 : i32
      %dma_wait3A_120 = arith.constant 0 : i32
      %dma_wait3A_121 = tpu.memref_slice %arg11[%dma_wait3A_119, %dma_wait3A_120] : memref<10000x128xf32, #tpu.memory_space<vmem_shared>> -> memref<10000x128xf32, #tpu.memory_space<vmem_shared>>
      tpu.wait_indirect_dma semaphore(%arg13 : memref<!tpu.dma_semaphore, #tpu.memory_space<semaphore_mem>>) src(%dma_wait3A_121 : memref<10000x128xf32, #tpu.memory_space<vmem_shared>>) dst(%arg9 : memref<16x128xf32, #tpu.memory_space<vmem>>)
      %slice3A_122 = vector.extract_strided_slice %select_n3A_107 {offsets = [0], sizes = [1], strides = [1]} : vector<16xi32> to vector<1xi32>
      %squeeze3A_123 = vector.extract %slice3A_122[0] : i32 from vector<1xi32>
      %mul3A_124 = arith.constant 128 : i32
      %mul3A_125 = arith.muli %squeeze3A_123, %mul3A_124 : i32
      %add3A_126 = arith.constant 0 : i32
      %add3A_127 = arith.addi %mul3A_125, %add3A_126 : i32
      %get3A_128 = arith.index_cast %add3A_127 : i32 to index
      %get3A_129 = tpu.vector_load %arg10[%get3A_128] {strides = array<i32>} : memref<2176xf32, #tpu.memory_space<vmem>>, vector<16xf32>,
      %get3A_130 = arith.constant 0 : i32
      %get3A_131 = arith.index_cast %get3A_130 : i32 to index
      %get3A_132 = arith.constant 0 : index
      %get3A_133 = tpu.vector_load %arg9[%get3A_131, %get3A_132] {strides = array<i32>} : memref<16x128xf32, #tpu.memory_space<vmem>>, vector<16xf32>,
      %max3A = arith.maximumf %get3A_129, %get3A_133 : vector<16xf32>
      %add3A_134 = arith.constant 0 : i32
      %add3A_135 = arith.addi %mul3A_125, %add3A_134 : i32
      %swap3A_136 = arith.index_cast %add3A_135 : i32 to index
      %swap3A_137 = tpu.vector_load %arg10[%swap3A_136] {strides = array<i32>} : memref<2176xf32, #tpu.memory_space<vmem>>, vector<16xf32>,
      tpu.vector_store %arg10[%swap3A_136], %max3A {strides = array<i32>} : memref<2176xf32, #tpu.memory_space<vmem>>, vector<16xf32>,
      %add3A_138 = arith.constant 16 : i32
      %add3A_139 = arith.addi %mul3A_125, %add3A_138 : i32
      %get3A_140 = arith.index_cast %add3A_139 : i32 to index
      %get3A_141 = tpu.vector_load %arg10[%get3A_140] {strides = array<i32>} : memref<2176xf32, #tpu.memory_space<vmem>>, vector<16xf32>,
      %get3A_142 = arith.constant 0 : i32
      %get3A_143 = arith.index_cast %get3A_142 : i32 to index
      %get3A_144 = arith.constant 16 : index
      %get3A_145 = tpu.vector_load %arg9[%get3A_143, %get3A_144] {strides = array<i32>} : memref<16x128xf32, #tpu.memory_space<vmem>>, vector<16xf32>,
      %max3A_146 = arith.maximumf %get3A_141, %get3A_145 : vector<16xf32>
      %add3A_147 = arith.constant 16 : i32
      %add3A_148 = arith.addi %mul3A_125, %add3A_147 : i32
      %swap3A_149 = arith.index_cast %add3A_148 : i32 to index
      %swap3A_150 = tpu.vector_load %arg10[%swap3A_149] {strides = array<i32>} : memref<2176xf32, #tpu.memory_space<vmem>>, vector<16xf32>,
      tpu.vector_store %arg10[%swap3A_149], %max3A_146 {strides = array<i32>} : memref<2176xf32, #tpu.memory_space<vmem>>, vector<16xf32>,
      %add3A_151 = arith.constant 32 : i32
      %add3A_152 = arith.addi %mul3A_125, %add3A_151 : i32
      %get3A_153 = arith.index_cast %add3A_152 : i32 to index
      %get3A_154 = tpu.vector_load %arg10[%get3A_153] {strides = array<i32>} : memref<2176xf32, #tpu.memory_space<vmem>>, vector<16xf32>,
      %get3A_155 = arith.constant 0 : i32
      %get3A_156 = arith.index_cast %get3A_155 : i32 to index
      %get3A_157 = arith.constant 32 : index
      %get3A_158 = tpu.vector_load %arg9[%get3A_156, %get3A_157] {strides = array<i32>} : memref<16x128xf32, #tpu.memory_space<vmem>>, vector<16xf32>,
      %max3A_159 = arith.maximumf %get3A_154, %get3A_158 : vector<16xf32>
      %add3A_160 = arith.constant 32 : i32
      %add3A_161 = arith.addi %mul3A_125, %add3A_160 : i32
      %swap3A_162 = arith.index_cast %add3A_161 : i32 to index
      %swap3A_163 = tpu.vector_load %arg10[%swap3A_162] {strides = array<i32>} : memref<2176xf32, #tpu.memory_space<vmem>>, vector<16xf32>,
      tpu.vector_store %arg10[%swap3A_162], %max3A_159 {strides = array<i32>} : memref<2176xf32, #tpu.memory_space<vmem>>, vector<16xf32>,
      %add3A_164 = arith.constant 48 : i32
      %add3A_165 = arith.addi %mul3A_125, %add3A_164 : i32
      %get3A_166 = arith.index_cast %add3A_165 : i32 to index
      %get3A_167 = tpu.vector_load %arg10[%get3A_166] {strides = array<i32>} : memref<2176xf32, #tpu.memory_space<vmem>>, vector<16xf32>,
      %get3A_168 = arith.constant 0 : i32
      %get3A_169 = arith.index_cast %get3A_168 : i32 to index
      %get3A_170 = arith.constant 48 : index
      %get3A_171 = tpu.vector_load %arg9[%get3A_169, %get3A_170] {strides = array<i32>} : memref<16x128xf32, #tpu.memory_space<vmem>>, vector<16xf32>,
      %max3A_172 = arith.maximumf %get3A_167, %get3A_171 : vector<16xf32>
      %add3A_173 = arith.constant 48 : i32
      %add3A_174 = arith.addi %mul3A_125, %add3A_173 : i32
      %swap3A_175 = arith.index_cast %add3A_174 : i32 to index
      %swap3A_176 = tpu.vector_load %arg10[%swap3A_175] {strides = array<i32>} : memref<2176xf32, #tpu.memory_space<vmem>>, vector<16xf32>,
      tpu.vector_store %arg10[%swap3A_175], %max3A_172 {strides = array<i32>} : memref<2176xf32, #tpu.memory_space<vmem>>, vector<16xf32>,
      %add3A_177 = arith.constant 64 : i32
      %add3A_178 = arith.addi %mul3A_125, %add3A_177 : i32
      %get3A_179 = arith.index_cast %add3A_178 : i32 to index
      %get3A_180 = tpu.vector_load %arg10[%get3A_179] {strides = array<i32>} : memref<2176xf32, #tpu.memory_space<vmem>>, vector<16xf32>,
      %get3A_181 = arith.constant 0 : i32
      %get3A_182 = arith.index_cast %get3A_181 : i32 to index
      %get3A_183 = arith.constant 64 : index
      %get3A_184 = tpu.vector_load %arg9[%get3A_182, %get3A_183] {strides = array<i32>} : memref<16x128xf32, #tpu.memory_space<vmem>>, vector<16xf32>,
      %max3A_185 = arith.maximumf %get3A_180, %get3A_184 : vector<16xf32>
      %add3A_186 = arith.constant 64 : i32
      %add3A_187 = arith.addi %mul3A_125, %add3A_186 : i32
      %swap3A_188 = arith.index_cast %add3A_187 : i32 to index
      %swap3A_189 = tpu.vector_load %arg10[%swap3A_188] {strides = array<i32>} : memref<2176xf32, #tpu.memory_space<vmem>>, vector<16xf32>,
      tpu.vector_store %arg10[%swap3A_188], %max3A_185 {strides = array<i32>} : memref<2176xf32, #tpu.memory_space<vmem>>, vector<16xf32>,
      %add3A_190 = arith.constant 80 : i32
      %add3A_191 = arith.addi %mul3A_125, %add3A_190 : i32
      %get3A_192 = arith.index_cast %add3A_191 : i32 to index
      %get3A_193 = tpu.vector_load %arg10[%get3A_192] {strides = array<i32>} : memref<2176xf32, #tpu.memory_space<vmem>>, vector<16xf32>,
      %get3A_194 = arith.constant 0 : i32
      %get3A_195 = arith.index_cast %get3A_194 : i32 to index
      %get3A_196 = arith.constant 80 : index
      %get3A_197 = tpu.vector_load %arg9[%get3A_195, %get3A_196] {strides = array<i32>} : memref<16x128xf32, #tpu.memory_space<vmem>>, vector<16xf32>,
      %max3A_198 = arith.maximumf %get3A_193, %get3A_197 : vector<16xf32>
      %add3A_199 = arith.constant 80 : i32
      %add3A_200 = arith.addi %mul3A_125, %add3A_199 : i32
      %swap3A_201 = arith.index_cast %add3A_200 : i32 to index
      %swap3A_202 = tpu.vector_load %arg10[%swap3A_201] {strides = array<i32>} : memref<2176xf32, #tpu.memory_space<vmem>>, vector<16xf32>,
      tpu.vector_store %arg10[%swap3A_201], %max3A_198 {strides = array<i32>} : memref<2176xf32, #tpu.memory_space<vmem>>, vector<16xf32>,
      %add3A_203 = arith.constant 96 : i32
      %add3A_204 = arith.addi %mul3A_125, %add3A_203 : i32
      %get3A_205 = arith.index_cast %add3A_204 : i32 to index
      %get3A_206 = tpu.vector_load %arg10[%get3A_205] {strides = array<i32>} : memref<2176xf32, #tpu.memory_space<vmem>>, vector<16xf32>,
      %get3A_207 = arith.constant 0 : i32
      %get3A_208 = arith.index_cast %get3A_207 : i32 to index
      %get3A_209 = arith.constant 96 : index
      %get3A_210 = tpu.vector_load %arg9[%get3A_208, %get3A_209] {strides = array<i32>} : memref<16x128xf32, #tpu.memory_space<vmem>>, vector<16xf32>,
      %max3A_211 = arith.maximumf %get3A_206, %get3A_210 : vector<16xf32>
      %add3A_212 = arith.constant 96 : i32
      %add3A_213 = arith.addi %mul3A_125, %add3A_212 : i32
      %swap3A_214 = arith.index_cast %add3A_213 : i32 to index
      %swap3A_215 = tpu.vector_load %arg10[%swap3A_214] {strides = array<i32>} : memref<2176xf32, #tpu.memory_space<vmem>>, vector<16xf32>,
      tpu.vector_store %arg10[%swap3A_214], %max3A_211 {strides = array<i32>} : memref<2176xf32, #tpu.memory_space<vmem>>, vector<16xf32>,
      %add3A_216 = arith.constant 112 : i32
      %add3A_217 = arith.addi %mul3A_125, %add3A_216 : i32
      %get3A_218 = arith.index_cast %add3A_217 : i32 to index
      %get3A_219 = tpu.vector_load %arg10[%get3A_218] {strides = array<i32>} : memref<2176xf32, #tpu.memory_space<vmem>>, vector<16xf32>,
      %get3A_220 = arith.constant 0 : i32
      %get3A_221 = arith.index_cast %get3A_220 : i32 to index
      %get3A_222 = arith.constant 112 : index
      %get3A_223 = tpu.vector_load %arg9[%get3A_221, %get3A_222] {strides = array<i32>} : memref<16x128xf32, #tpu.memory_space<vmem>>, vector<16xf32>,
      %max3A_224 = arith.maximumf %get3A_219, %get3A_223 : vector<16xf32>
      %add3A_225 = arith.constant 112 : i32
      %add3A_226 = arith.addi %mul3A_125, %add3A_225 : i32
      %swap3A_227 = arith.index_cast %add3A_226 : i32 to index
      %swap3A_228 = tpu.vector_load %arg10[%swap3A_227] {strides = array<i32>} : memref<2176xf32, #tpu.memory_space<vmem>>, vector<16xf32>,
      tpu.vector_store %arg10[%swap3A_227], %max3A_224 {strides = array<i32>} : memref<2176xf32, #tpu.memory_space<vmem>>, vector<16xf32>,
      %slice3A_229 = vector.extract_strided_slice %select_n3A_107 {offsets = [1], sizes = [1], strides = [1]} : vector<16xi32> to vector<1xi32>
      %squeeze3A_230 = vector.extract %slice3A_229[0] : i32 from vector<1xi32>
      %mul3A_231 = arith.constant 128 : i32
      %mul3A_232 = arith.muli %squeeze3A_230, %mul3A_231 : i32
      %add3A_233 = arith.constant 0 : i32
      %add3A_234 = arith.addi %mul3A_232, %add3A_233 : i32
      %get3A_235 = arith.index_cast %add3A_234 : i32 to index
      %get3A_236 = tpu.vector_load %arg10[%get3A_235] {strides = array<i32>} : memref<2176xf32, #tpu.memory_space<vmem>>, vector<16xf32>,
      %get3A_237 = arith.constant 1 : i32
      %get3A_238 = arith.index_cast %get3A_237 : i32 to index
      %get3A_239 = arith.constant 0 : index
      %get3A_240 = tpu.vector_load %arg9[%get3A_238, %get3A_239] {strides = array<i32>} : memref<16x128xf32, #tpu.memory_space<vmem>>, vector<16xf32>,
      %max3A_241 = arith.maximumf %get3A_236, %get3A_240 : vector<16xf32>
      %add3A_242 = arith.constant 0 : i32
      %add3A_243 = arith.addi %mul3A_232, %add3A_242 : i32
      %swap3A_244 = arith.index_cast %add3A_243 : i32 to index
      %swap3A_245 = tpu.vector_load %arg10[%swap3A_244] {strides = array<i32>} : memref<2176xf32, #tpu.memory_space<vmem>>, vector<16xf32>,
      tpu.vector_store %arg10[%swap3A_244], %max3A_241 {strides = array<i32>} : memref<2176xf32, #tpu.memory_space<vmem>>, vector<16xf32>,
      %add3A_246 = arith.constant 16 : i32
      %add3A_247 = arith.addi %mul3A_232, %add3A_246 : i32
      %get3A_248 = arith.index_cast %add3A_247 : i32 to index
      %get3A_249 = tpu.vector_load %arg10[%get3A_248] {strides = array<i32>} : memref<2176xf32, #tpu.memory_space<vmem>>, vector<16xf32>,
      %get3A_250 = arith.constant 1 : i32
      %get3A_251 = arith.index_cast %get3A_250 : i32 to index
      %get3A_252 = arith.constant 16 : index
      %get3A_253 = tpu.vector_load %arg9[%get3A_251, %get3A_252] {strides = array<i32>} : memref<16x128xf32, #tpu.memory_space<vmem>>, vector<16xf32>,
      %max3A_254 = arith.maximumf %get3A_249, %get3A_253 : vector<16xf32>
      %add3A_255 = arith.constant 16 : i32
      %add3A_256 = arith.addi %mul3A_232, %add3A_255 : i32
      %swap3A_257 = arith.index_cast %add3A_256 : i32 to index
      %swap3A_258 = tpu.vector_load %arg10[%swap3A_257] {strides = array<i32>} : memref<2176xf32, #tpu.memory_space<vmem>>, vector<16xf32>,
      tpu.vector_store %arg10[%swap3A_257], %max3A_254 {strides = array<i32>} : memref<2176xf32, #tpu.memory_space<vmem>>, vector<16xf32>,
      %add3A_259 = arith.constant 32 : i32
      %add3A_260 = arith.addi %mul3A_232, %add3A_259 : i32
      %get3A_261 = arith.index_cast %add3A_260 : i32 to index
      %get3A_262 = tpu.vector_load %arg10[%get3A_261] {strides = array<i32>} : memref<2176xf32, #tpu.memory_space<vmem>>, vector<16xf32>,
      %get3A_263 = arith.constant 1 : i32
      %get3A_264 = arith.index_cast %get3A_263 : i32 to index
      %get3A_265 = arith.constant 32 : index
      %get3A_266 = tpu.vector_load %arg9[%get3A_264, %get3A_265] {strides = array<i32>} : memref<16x128xf32, #tpu.memory_space<vmem>>, vector<16xf32>,
      %max3A_267 = arith.maximumf %get3A_262, %get3A_266 : vector<16xf32>
      %add3A_268 = arith.constant 32 : i32
      %add3A_269 = arith.addi %mul3A_232, %add3A_268 : i32
      %swap3A_270 = arith.index_cast %add3A_269 : i32 to index
      %swap3A_271 = tpu.vector_load %arg10[%swap3A_270] {strides = array<i32>} : memref<2176xf32, #tpu.memory_space<vmem>>, vector<16xf32>,
      tpu.vector_store %arg10[%swap3A_270], %max3A_267 {strides = array<i32>} : memref<2176xf32, #tpu.memory_space<vmem>>, vector<16xf32>,
      %add3A_272 = arith.constant 48 : i32
      %add3A_273 = arith.addi %mul3A_232, %add3A_272 : i32
      %get3A_274 = arith.index_cast %add3A_273 : i32 to index
      %get3A_275 = tpu.vector_load %arg10[%get3A_274] {strides = array<i32>} : memref<2176xf32, #tpu.memory_space<vmem>>, vector<16xf32>,
      %get3A_276 = arith.constant 1 : i32
      %get3A_277 = arith.index_cast %get3A_276 : i32 to index
      %get3A_278 = arith.constant 48 : index
      %get3A_279 = tpu.vector_load %arg9[%get3A_277, %get3A_278] {strides = array<i32>} : memref<16x128xf32, #tpu.memory_space<vmem>>, vector<16xf32>,
      %max3A_280 = arith.maximumf %get3A_275, %get3A_279 : vector<16xf32>
      %add3A_281 = arith.constant 48 : i32
      %add3A_282 = arith.addi %mul3A_232, %add3A_281 : i32
      %swap3A_283 = arith.index_cast %add3A_282 : i32 to index
      %swap3A_284 = tpu.vector_load %arg10[%swap3A_283] {strides = array<i32>} : memref<2176xf32, #tpu.memory_space<vmem>>, vector<16xf32>,
      tpu.vector_store %arg10[%swap3A_283], %max3A_280 {strides = array<i32>} : memref<2176xf32, #tpu.memory_space<vmem>>, vector<16xf32>,
      %add3A_285 = arith.constant 64 : i32
      %add3A_286 = arith.addi %mul3A_232, %add3A_285 : i32
      %get3A_287 = arith.index_cast %add3A_286 : i32 to index
      %get3A_288 = tpu.vector_load %arg10[%get3A_287] {strides = array<i32>} : memref<2176xf32, #tpu.memory_space<vmem>>, vector<16xf32>,
      %get3A_289 = arith.constant 1 : i32
      %get3A_290 = arith.index_cast %get3A_289 : i32 to index
      %get3A_291 = arith.constant 64 : index
      %get3A_292 = tpu.vector_load %arg9[%get3A_290, %get3A_291] {strides = array<i32>} : memref<16x128xf32, #tpu.memory_space<vmem>>, vector<16xf32>,
      %max3A_293 = arith.maximumf %get3A_288, %get3A_292 : vector<16xf32>
      %add3A_294 = arith.constant 64 : i32
      %add3A_295 = arith.addi %mul3A_232, %add3A_294 : i32
      %swap3A_296 = arith.index_cast %add3A_295 : i32 to index
      %swap3A_297 = tpu.vector_load %arg10[%swap3A_296] {strides = array<i32>} : memref<2176xf32, #tpu.memory_space<vmem>>, vector<16xf32>,
      tpu.vector_store %arg10[%swap3A_296], %max3A_293 {strides = array<i32>} : memref<2176xf32, #tpu.memory_space<vmem>>, vector<16xf32>,
      %add3A_298 = arith.constant 80 : i32
      %add3A_299 = arith.addi %mul3A_232, %add3A_298 : i32
      %get3A_300 = arith.index_cast %add3A_299 : i32 to index
      %get3A_301 = tpu.vector_load %arg10[%get3A_300] {strides = array<i32>} : memref<2176xf32, #tpu.memory_space<vmem>>, vector<16xf32>,
      %get3A_302 = arith.constant 1 : i32
      %get3A_303 = arith.index_cast %get3A_302 : i32 to index
      %get3A_304 = arith.constant 80 : index
      %get3A_305 = tpu.vector_load %arg9[%get3A_303, %get3A_304] {strides = array<i32>} : memref<16x128xf32, #tpu.memory_space<vmem>>, vector<16xf32>,
      %max3A_306 = arith.maximumf %get3A_301, %get3A_305 : vector<16xf32>
      %add3A_307 = arith.constant 80 : i32
      %add3A_308 = arith.addi %mul3A_232, %add3A_307 : i32
      %swap3A_309 = arith.index_cast %add3A_308 : i32 to index
      %swap3A_310 = tpu.vector_load %arg10[%swap3A_309] {strides = array<i32>} : memref<2176xf32, #tpu.memory_space<vmem>>, vector<16xf32>,
      tpu.vector_store %arg10[%swap3A_309], %max3A_306 {strides = array<i32>} : memref<2176xf32, #tpu.memory_space<vmem>>, vector<16xf32>,
      %add3A_311 = arith.constant 96 : i32
      %add3A_312 = arith.addi %mul3A_232, %add3A_311 : i32
      %get3A_313 = arith.index_cast %add3A_312 : i32 to index
      %get3A_314 = tpu.vector_load %arg10[%get3A_313] {strides = array<i32>} : memref<2176xf32, #tpu.memory_space<vmem>>, vector<16xf32>,
      %get3A_315 = arith.constant 1 : i32
      %get3A_316 = arith.index_cast %get3A_315 : i32 to index
      %get3A_317 = arith.constant 96 : index
      %get3A_318 = tpu.vector_load %arg9[%get3A_316, %get3A_317] {strides = array<i32>} : memref<16x128xf32, #tpu.memory_space<vmem>>, vector<16xf32>,
      %max3A_319 = arith.maximumf %get3A_314, %get3A_318 : vector<16xf32>
      %add3A_320 = arith.constant 96 : i32
      %add3A_321 = arith.addi %mul3A_232, %add3A_320 : i32
      %swap3A_322 = arith.index_cast %add3A_321 : i32 to index
      %swap3A_323 = tpu.vector_load %arg10[%swap3A_322] {strides = array<i32>} : memref<2176xf32, #tpu.memory_space<vmem>>, vector<16xf32>,
      tpu.vector_store %arg10[%swap3A_322], %max3A_319 {strides = array<i32>} : memref<2176xf32, #tpu.memory_space<vmem>>, vector<16xf32>,
      %add3A_324 = arith.constant 112 : i32
      %add3A_325 = arith.addi %mul3A_232, %add3A_324 : i32
      %get3A_326 = arith.index_cast %add3A_325 : i32 to index
      %get3A_327 = tpu.vector_load %arg10[%get3A_326] {strides = array<i32>} : memref<2176xf32, #tpu.memory_space<vmem>>, vector<16xf32>,
      %get3A_328 = arith.constant 1 : i32
      %get3A_329 = arith.index_cast %get3A_328 : i32 to index
      %get3A_330 = arith.constant 112 : index
      %get3A_331 = tpu.vector_load %arg9[%get3A_329, %get3A_330] {strides = array<i32>} : memref<16x128xf32, #tpu.memory_space<vmem>>, vector<16xf32>,
      %max3A_332 = arith.maximumf %get3A_327, %get3A_331 : vector<16xf32>
      %add3A_333 = arith.constant 112 : i32
      %add3A_334 = arith.addi %mul3A_232, %add3A_333 : i32
      %swap3A_335 = arith.index_cast %add3A_334 : i32 to index
      %swap3A_336 = tpu.vector_load %arg10[%swap3A_335] {strides = array<i32>} : memref<2176xf32, #tpu.memory_space<vmem>>, vector<16xf32>,
      tpu.vector_store %arg10[%swap3A_335], %max3A_332 {strides = array<i32>} : memref<2176xf32, #tpu.memory_space<vmem>>, vector<16xf32>,
      %slice3A_337 = vector.extract_strided_slice %select_n3A_107 {offsets = [2], sizes = [1], strides = [1]} : vector<16xi32> to vector<1xi32>
      %squeeze3A_338 = vector.extract %slice3A_337[0] : i32 from vector<1xi32>
      %mul3A_339 = arith.constant 128 : i32
      %mul3A_340 = arith.muli %squeeze3A_338, %mul3A_339 : i32
      %add3A_341 = arith.constant 0 : i32
      %add3A_342 = arith.addi %mul3A_340, %add3A_341 : i32
      %get3A_343 = arith.index_cast %add3A_342 : i32 to index
      %get3A_344 = tpu.vector_load %arg10[%get3A_343] {strides = array<i32>} : memref<2176xf32, #tpu.memory_space<vmem>>, vector<16xf32>,
      %get3A_345 = arith.constant 2 : i32
      %get3A_346 = arith.index_cast %get3A_345 : i32 to index
      %get3A_347 = arith.constant 0 : index
      %get3A_348 = tpu.vector_load %arg9[%get3A_346, %get3A_347] {strides = array<i32>} : memref<16x128xf32, #tpu.memory_space<vmem>>, vector<16xf32>,
      %max3A_349 = arith.maximumf %get3A_344, %get3A_348 : vector<16xf32>
      %add3A_350 = arith.constant 0 : i32
      %add3A_351 = arith.addi %mul3A_340, %add3A_350 : i32
      %swap3A_352 = arith.index_cast %add3A_351 : i32 to index
      %swap3A_353 = tpu.vector_load %arg10[%swap3A_352] {strides = array<i32>} : memref<2176xf32, #tpu.memory_space<vmem>>, vector<16xf32>,
      tpu.vector_store %arg10[%swap3A_352], %max3A_349 {strides = array<i32>} : memref<2176xf32, #tpu.memory_space<vmem>>, vector<16xf32>,
      %add3A_354 = arith.constant 16 : i32
      %add3A_355 = arith.addi %mul3A_340, %add3A_354 : i32
      %get3A_356 = arith.index_cast %add3A_355 : i32 to index
      %get3A_357 = tpu.vector_load %arg10[%get3A_356] {strides = array<i32>} : memref<2176xf32, #tpu.memory_space<vmem>>, vector<16xf32>,
      %get3A_358 = arith.constant 2 : i32
      %get3A_359 = arith.index_cast %get3A_358 : i32 to index
      %get3A_360 = arith.constant 16 : index
      %get3A_361 = tpu.vector_load %arg9[%get3A_359, %get3A_360] {strides = array<i32>} : memref<16x128xf32, #tpu.memory_space<vmem>>, vector<16xf32>,
      %max3A_362 = arith.maximumf %get3A_357, %get3A_361 : vector<16xf32>
      %add3A_363 = arith.constant 16 : i32
      %add3A_364 = arith.addi %mul3A_340, %add3A_363 : i32
      %swap3A_365 = arith.index_cast %add3A_364 : i32 to index
      %swap3A_366 = tpu.vector_load %arg10[%swap3A_365] {strides = array<i32>} : memref<2176xf32, #tpu.memory_space<vmem>>, vector<16xf32>,
      tpu.vector_store %arg10[%swap3A_365], %max3A_362 {strides = array<i32>} : memref<2176xf32, #tpu.memory_space<vmem>>, vector<16xf32>,
      %add3A_367 = arith.constant 32 : i32
      %add3A_368 = arith.addi %mul3A_340, %add3A_367 : i32
      %get3A_369 = arith.index_cast %add3A_368 : i32 to index
      %get3A_370 = tpu.vector_load %arg10[%get3A_369] {strides = array<i32>} : memref<2176xf32, #tpu.memory_space<vmem>>, vector<16xf32>,
      %get3A_371 = arith.constant 2 : i32
      %get3A_372 = arith.index_cast %get3A_371 : i32 to index
      %get3A_373 = arith.constant 32 : index
      %get3A_374 = tpu.vector_load %arg9[%get3A_372, %get3A_373] {strides = array<i32>} : memref<16x128xf32, #tpu.memory_space<vmem>>, vector<16xf32>,
      %max3A_375 = arith.maximumf %get3A_370, %get3A_374 : vector<16xf32>
      %add3A_376 = arith.constant 32 : i32
      %add3A_377 = arith.addi %mul3A_340, %add3A_376 : i32
      %swap3A_378 = arith.index_cast %add3A_377 : i32 to index
      %swap3A_379 = tpu.vector_load %arg10[%swap3A_378] {strides = array<i32>} : memref<2176xf32, #tpu.memory_space<vmem>>, vector<16xf32>,
      tpu.vector_store %arg10[%swap3A_378], %max3A_375 {strides = array<i32>} : memref<2176xf32, #tpu.memory_space<vmem>>, vector<16xf32>,
      %add3A_380 = arith.constant 48 : i32
      %add3A_381 = arith.addi %mul3A_340, %add3A_380 : i32
      %get3A_382 = arith.index_cast %add3A_381 : i32 to index
      %get3A_383 = tpu.vector_load %arg10[%get3A_382] {strides = array<i32>} : memref<2176xf32, #tpu.memory_space<vmem>>, vector<16xf32>,
      %get3A_384 = arith.constant 2 : i32
      %get3A_385 = arith.index_cast %get3A_384 : i32 to index
      %get3A_386 = arith.constant 48 : index
      %get3A_387 = tpu.vector_load %arg9[%get3A_385, %get3A_386] {strides = array<i32>} : memref<16x128xf32, #tpu.memory_space<vmem>>, vector<16xf32>,
      %max3A_388 = arith.maximumf %get3A_383, %get3A_387 : vector<16xf32>
      %add3A_389 = arith.constant 48 : i32
      %add3A_390 = arith.addi %mul3A_340, %add3A_389 : i32
      %swap3A_391 = arith.index_cast %add3A_390 : i32 to index
      %swap3A_392 = tpu.vector_load %arg10[%swap3A_391] {strides = array<i32>} : memref<2176xf32, #tpu.memory_space<vmem>>, vector<16xf32>,
      tpu.vector_store %arg10[%swap3A_391], %max3A_388 {strides = array<i32>} : memref<2176xf32, #tpu.memory_space<vmem>>, vector<16xf32>,
      %add3A_393 = arith.constant 64 : i32
      %add3A_394 = arith.addi %mul3A_340, %add3A_393 : i32
      %get3A_395 = arith.index_cast %add3A_394 : i32 to index
      %get3A_396 = tpu.vector_load %arg10[%get3A_395] {strides = array<i32>} : memref<2176xf32, #tpu.memory_space<vmem>>, vector<16xf32>,
      %get3A_397 = arith.constant 2 : i32
      %get3A_398 = arith.index_cast %get3A_397 : i32 to index
      %get3A_399 = arith.constant 64 : index
      %get3A_400 = tpu.vector_load %arg9[%get3A_398, %get3A_399] {strides = array<i32>} : memref<16x128xf32, #tpu.memory_space<vmem>>, vector<16xf32>,
      %max3A_401 = arith.maximumf %get3A_396, %get3A_400 : vector<16xf32>
      %add3A_402 = arith.constant 64 : i32
      %add3A_403 = arith.addi %mul3A_340, %add3A_402 : i32
      %swap3A_404 = arith.index_cast %add3A_403 : i32 to index
      %swap3A_405 = tpu.vector_load %arg10[%swap3A_404] {strides = array<i32>} : memref<2176xf32, #tpu.memory_space<vmem>>, vector<16xf32>,
      tpu.vector_store %arg10[%swap3A_404], %max3A_401 {strides = array<i32>} : memref<2176xf32, #tpu.memory_space<vmem>>, vector<16xf32>,
      %add3A_406 = arith.constant 80 : i32
      %add3A_407 = arith.addi %mul3A_340, %add3A_406 : i32
      %get3A_408 = arith.index_cast %add3A_407 : i32 to index
      %get3A_409 = tpu.vector_load %arg10[%get3A_408] {strides = array<i32>} : memref<2176xf32, #tpu.memory_space<vmem>>, vector<16xf32>,
      %get3A_410 = arith.constant 2 : i32
      %get3A_411 = arith.index_cast %get3A_410 : i32 to index
      %get3A_412 = arith.constant 80 : index
      %get3A_413 = tpu.vector_load %arg9[%get3A_411, %get3A_412] {strides = array<i32>} : memref<16x128xf32, #tpu.memory_space<vmem>>, vector<16xf32>,
      %max3A_414 = arith.maximumf %get3A_409, %get3A_413 : vector<16xf32>
      %add3A_415 = arith.constant 80 : i32
      %add3A_416 = arith.addi %mul3A_340, %add3A_415 : i32
      %swap3A_417 = arith.index_cast %add3A_416 : i32 to index
      %swap3A_418 = tpu.vector_load %arg10[%swap3A_417] {strides = array<i32>} : memref<2176xf32, #tpu.memory_space<vmem>>, vector<16xf32>,
      tpu.vector_store %arg10[%swap3A_417], %max3A_414 {strides = array<i32>} : memref<2176xf32, #tpu.memory_space<vmem>>, vector<16xf32>,
      %add3A_419 = arith.constant 96 : i32
      %add3A_420 = arith.addi %mul3A_340, %add3A_419 : i32
      %get3A_421 = arith.index_cast %add3A_420 : i32 to index
      %get3A_422 = tpu.vector_load %arg10[%get3A_421] {strides = array<i32>} : memref<2176xf32, #tpu.memory_space<vmem>>, vector<16xf32>,
      %get3A_423 = arith.constant 2 : i32
      %get3A_424 = arith.index_cast %get3A_423 : i32 to index
      %get3A_425 = arith.constant 96 : index
      %get3A_426 = tpu.vector_load %arg9[%get3A_424, %get3A_425] {strides = array<i32>} : memref<16x128xf32, #tpu.memory_space<vmem>>, vector<16xf32>,
      %max3A_427 = arith.maximumf %get3A_422, %get3A_426 : vector<16xf32>
      %add3A_428 = arith.constant 96 : i32
      %add3A_429 = arith.addi %mul3A_340, %add3A_428 : i32
      %swap3A_430 = arith.index_cast %add3A_429 : i32 to index
      %swap3A_431 = tpu.vector_load %arg10[%swap3A_430] {strides = array<i32>} : memref<2176xf32, #tpu.memory_space<vmem>>, vector<16xf32>,
      tpu.vector_store %arg10[%swap3A_430], %max3A_427 {strides = array<i32>} : memref<2176xf32, #tpu.memory_space<vmem>>, vector<16xf32>,
      %add3A_432 = arith.constant 112 : i32
      %add3A_433 = arith.addi %mul3A_340, %add3A_432 : i32
      %get3A_434 = arith.index_cast %add3A_433 : i32 to index
      %get3A_435 = tpu.vector_load %arg10[%get3A_434] {strides = array<i32>} : memref<2176xf32, #tpu.memory_space<vmem>>, vector<16xf32>,
      %get3A_436 = arith.constant 2 : i32
      %get3A_437 = arith.index_cast %get3A_436 : i32 to index
      %get3A_438 = arith.constant 112 : index
      %get3A_439 = tpu.vector_load %arg9[%get3A_437, %get3A_438] {strides = array<i32>} : memref<16x128xf32, #tpu.memory_space<vmem>>, vector<16xf32>,
      %max3A_440 = arith.maximumf %get3A_435, %get3A_439 : vector<16xf32>
      %add3A_441 = arith.constant 112 : i32
      %add3A_442 = arith.addi %mul3A_340, %add3A_441 : i32
      %swap3A_443 = arith.index_cast %add3A_442 : i32 to index
      %swap3A_444 = tpu.vector_load %arg10[%swap3A_443] {strides = array<i32>} : memref<2176xf32, #tpu.memory_space<vmem>>, vector<16xf32>,
      tpu.vector_store %arg10[%swap3A_443], %max3A_440 {strides = array<i32>} : memref<2176xf32, #tpu.memory_space<vmem>>, vector<16xf32>,
      %slice3A_445 = vector.extract_strided_slice %select_n3A_107 {offsets = [3], sizes = [1], strides = [1]} : vector<16xi32> to vector<1xi32>
      %squeeze3A_446 = vector.extract %slice3A_445[0] : i32 from vector<1xi32>
      %mul3A_447 = arith.constant 128 : i32
      %mul3A_448 = arith.muli %squeeze3A_446, %mul3A_447 : i32
      %add3A_449 = arith.constant 0 : i32
      %add3A_450 = arith.addi %mul3A_448, %add3A_449 : i32
      %get3A_451 = arith.index_cast %add3A_450 : i32 to index
      %get3A_452 = tpu.vector_load %arg10[%get3A_451] {strides = array<i32>} : memref<2176xf32, #tpu.memory_space<vmem>>, vector<16xf32>,
      %get3A_453 = arith.constant 3 : i32
      %get3A_454 = arith.index_cast %get3A_453 : i32 to index
      %get3A_455 = arith.constant 0 : index
      %get3A_456 = tpu.vector_load %arg9[%get3A_454, %get3A_455] {strides = array<i32>} : memref<16x128xf32, #tpu.memory_space<vmem>>, vector<16xf32>,
      %max3A_457 = arith.maximumf %get3A_452, %get3A_456 : vector<16xf32>
      %add3A_458 = arith.constant 0 : i32
      %add3A_459 = arith.addi %mul3A_448, %add3A_458 : i32
      %swap3A_460 = arith.index_cast %add3A_459 : i32 to index
      %swap3A_461 = tpu.vector_load %arg10[%swap3A_460] {strides = array<i32>} : memref<2176xf32, #tpu.memory_space<vmem>>, vector<16xf32>,
      tpu.vector_store %arg10[%swap3A_460], %max3A_457 {strides = array<i32>} : memref<2176xf32, #tpu.memory_space<vmem>>, vector<16xf32>,
      %add3A_462 = arith.constant 16 : i32
      %add3A_463 = arith.addi %mul3A_448, %add3A_462 : i32
      %get3A_464 = arith.index_cast %add3A_463 : i32 to index
      %get3A_465 = tpu.vector_load %arg10[%get3A_464] {strides = array<i32>} : memref<2176xf32, #tpu.memory_space<vmem>>, vector<16xf32>,
      %get3A_466 = arith.constant 3 : i32
      %get3A_467 = arith.index_cast %get3A_466 : i32 to index
      %get3A_468 = arith.constant 16 : index
      %get3A_469 = tpu.vector_load %arg9[%get3A_467, %get3A_468] {strides = array<i32>} : memref<16x128xf32, #tpu.memory_space<vmem>>, vector<16xf32>,
      %max3A_470 = arith.maximumf %get3A_465, %get3A_469 : vector<16xf32>
      %add3A_471 = arith.constant 16 : i32
      %add3A_472 = arith.addi %mul3A_448, %add3A_471 : i32
      %swap3A_473 = arith.index_cast %add3A_472 : i32 to index
      %swap3A_474 = tpu.vector_load %arg10[%swap3A_473] {strides = array<i32>} : memref<2176xf32, #tpu.memory_space<vmem>>, vector<16xf32>,
      tpu.vector_store %arg10[%swap3A_473], %max3A_470 {strides = array<i32>} : memref<2176xf32, #tpu.memory_space<vmem>>, vector<16xf32>,
      %add3A_475 = arith.constant 32 : i32
      %add3A_476 = arith.addi %mul3A_448, %add3A_475 : i32
      %get3A_477 = arith.index_cast %add3A_476 : i32 to index
      %get3A_478 = tpu.vector_load %arg10[%get3A_477] {strides = array<i32>} : memref<2176xf32, #tpu.memory_space<vmem>>, vector<16xf32>,
      %get3A_479 = arith.constant 3 : i32
      %get3A_480 = arith.index_cast %get3A_479 : i32 to index
      %get3A_481 = arith.constant 32 : index
      %get3A_482 = tpu.vector_load %arg9[%get3A_480, %get3A_481] {strides = array<i32>} : memref<16x128xf32, #tpu.memory_space<vmem>>, vector<16xf32>,
      %max3A_483 = arith.maximumf %get3A_478, %get3A_482 : vector<16xf32>
      %add3A_484 = arith.constant 32 : i32
      %add3A_485 = arith.addi %mul3A_448, %add3A_484 : i32
      %swap3A_486 = arith.index_cast %add3A_485 : i32 to index
      %swap3A_487 = tpu.vector_load %arg10[%swap3A_486] {strides = array<i32>} : memref<2176xf32, #tpu.memory_space<vmem>>, vector<16xf32>,
      tpu.vector_store %arg10[%swap3A_486], %max3A_483 {strides = array<i32>} : memref<2176xf32, #tpu.memory_space<vmem>>, vector<16xf32>,
      %add3A_488 = arith.constant 48 : i32
      %add3A_489 = arith.addi %mul3A_448, %add3A_488 : i32
      %get3A_490 = arith.index_cast %add3A_489 : i32 to index
      %get3A_491 = tpu.vector_load %arg10[%get3A_490] {strides = array<i32>} : memref<2176xf32, #tpu.memory_space<vmem>>, vector<16xf32>,
      %get3A_492 = arith.constant 3 : i32
      %get3A_493 = arith.index_cast %get3A_492 : i32 to index
      %get3A_494 = arith.constant 48 : index
      %get3A_495 = tpu.vector_load %arg9[%get3A_493, %get3A_494] {strides = array<i32>} : memref<16x128xf32, #tpu.memory_space<vmem>>, vector<16xf32>,
      %max3A_496 = arith.maximumf %get3A_491, %get3A_495 : vector<16xf32>
      %add3A_497 = arith.constant 48 : i32
      %add3A_498 = arith.addi %mul3A_448, %add3A_497 : i32
      %swap3A_499 = arith.index_cast %add3A_498 : i32 to index
      %swap3A_500 = tpu.vector_load %arg10[%swap3A_499] {strides = array<i32>} : memref<2176xf32, #tpu.memory_space<vmem>>, vector<16xf32>,
      tpu.vector_store %arg10[%swap3A_499], %max3A_496 {strides = array<i32>} : memref<2176xf32, #tpu.memory_space<vmem>>, vector<16xf32>,
      %add3A_501 = arith.constant 64 : i32
      %add3A_502 = arith.addi %mul3A_448, %add3A_501 : i32
      %get3A_503 = arith.index_cast %add3A_502 : i32 to index
      %get3A_504 = tpu.vector_load %arg10[%get3A_503] {strides = array<i32>} : memref<2176xf32, #tpu.memory_space<vmem>>, vector<16xf32>,
      %get3A_505 = arith.constant 3 : i32
      %get3A_506 = arith.index_cast %get3A_505 : i32 to index
      %get3A_507 = arith.constant 64 : index
      %get3A_508 = tpu.vector_load %arg9[%get3A_506, %get3A_507] {strides = array<i32>} : memref<16x128xf32, #tpu.memory_space<vmem>>, vector<16xf32>,
      %max3A_509 = arith.maximumf %get3A_504, %get3A_508 : vector<16xf32>
      %add3A_510 = arith.constant 64 : i32
      %add3A_511 = arith.addi %mul3A_448, %add3A_510 : i32
      %swap3A_512 = arith.index_cast %add3A_511 : i32 to index
      %swap3A_513 = tpu.vector_load %arg10[%swap3A_512] {strides = array<i32>} : memref<2176xf32, #tpu.memory_space<vmem>>, vector<16xf32>,
      tpu.vector_store %arg10[%swap3A_512], %max3A_509 {strides = array<i32>} : memref<2176xf32, #tpu.memory_space<vmem>>, vector<16xf32>,
      %add3A_514 = arith.constant 80 : i32
      %add3A_515 = arith.addi %mul3A_448, %add3A_514 : i32
      %get3A_516 = arith.index_cast %add3A_515 : i32 to index
      %get3A_517 = tpu.vector_load %arg10[%get3A_516] {strides = array<i32>} : memref<2176xf32, #tpu.memory_space<vmem>>, vector<16xf32>,
      %get3A_518 = arith.constant 3 : i32
      %get3A_519 = arith.index_cast %get3A_518 : i32 to index
      %get3A_520 = arith.constant 80 : index
      %get3A_521 = tpu.vector_load %arg9[%get3A_519, %get3A_520] {strides = array<i32>} : memref<16x128xf32, #tpu.memory_space<vmem>>, vector<16xf32>,
      %max3A_522 = arith.maximumf %get3A_517, %get3A_521 : vector<16xf32>
      %add3A_523 = arith.constant 80 : i32
      %add3A_524 = arith.addi %mul3A_448, %add3A_523 : i32
      %swap3A_525 = arith.index_cast %add3A_524 : i32 to index
      %swap3A_526 = tpu.vector_load %arg10[%swap3A_525] {strides = array<i32>} : memref<2176xf32, #tpu.memory_space<vmem>>, vector<16xf32>,
      tpu.vector_store %arg10[%swap3A_525], %max3A_522 {strides = array<i32>} : memref<2176xf32, #tpu.memory_space<vmem>>, vector<16xf32>,
      %add3A_527 = arith.constant 96 : i32
      %add3A_528 = arith.addi %mul3A_448, %add3A_527 : i32
      %get3A_529 = arith.index_cast %add3A_528 : i32 to index
      %get3A_530 = tpu.vector_load %arg10[%get3A_529] {strides = array<i32>} : memref<2176xf32, #tpu.memory_space<vmem>>, vector<16xf32>,
      %get3A_531 = arith.constant 3 : i32
      %get3A_532 = arith.index_cast %get3A_531 : i32 to index
      %get3A_533 = arith.constant 96 : index
      %get3A_534 = tpu.vector_load %arg9[%get3A_532, %get3A_533] {strides = array<i32>} : memref<16x128xf32, #tpu.memory_space<vmem>>, vector<16xf32>,
      %max3A_535 = arith.maximumf %get3A_530, %get3A_534 : vector<16xf32>
      %add3A_536 = arith.constant 96 : i32
      %add3A_537 = arith.addi %mul3A_448, %add3A_536 : i32
      %swap3A_538 = arith.index_cast %add3A_537 : i32 to index
      %swap3A_539 = tpu.vector_load %arg10[%swap3A_538] {strides = array<i32>} : memref<2176xf32, #tpu.memory_space<vmem>>, vector<16xf32>,
      tpu.vector_store %arg10[%swap3A_538], %max3A_535 {strides = array<i32>} : memref<2176xf32, #tpu.memory_space<vmem>>, vector<16xf32>,
      %add3A_540 = arith.constant 112 : i32
      %add3A_541 = arith.addi %mul3A_448, %add3A_540 : i32
      %get3A_542 = arith.index_cast %add3A_541 : i32 to index
      %get3A_543 = tpu.vector_load %arg10[%get3A_542] {strides = array<i32>} : memref<2176xf32, #tpu.memory_space<vmem>>, vector<16xf32>,
      %get3A_544 = arith.constant 3 : i32
      %get3A_545 = arith.index_cast %get3A_544 : i32 to index
      %get3A_546 = arith.constant 112 : index
      %get3A_547 = tpu.vector_load %arg9[%get3A_545, %get3A_546] {strides = array<i32>} : memref<16x128xf32, #tpu.memory_space<vmem>>, vector<16xf32>,
      %max3A_548 = arith.maximumf %get3A_543, %get3A_547 : vector<16xf32>
      %add3A_549 = arith.constant 112 : i32
      %add3A_550 = arith.addi %mul3A_448, %add3A_549 : i32
      %swap3A_551 = arith.index_cast %add3A_550 : i32 to index
      %swap3A_552 = tpu.vector_load %arg10[%swap3A_551] {strides = array<i32>} : memref<2176xf32, #tpu.memory_space<vmem>>, vector<16xf32>,
      tpu.vector_store %arg10[%swap3A_551], %max3A_548 {strides = array<i32>} : memref<2176xf32, #tpu.memory_space<vmem>>, vector<16xf32>,
      %slice3A_553 = vector.extract_strided_slice %select_n3A_107 {offsets = [4], sizes = [1], strides = [1]} : vector<16xi32> to vector<1xi32>
      %squeeze3A_554 = vector.extract %slice3A_553[0] : i32 from vector<1xi32>
      %mul3A_555 = arith.constant 128 : i32
      %mul3A_556 = arith.muli %squeeze3A_554, %mul3A_555 : i32
      %add3A_557 = arith.constant 0 : i32
      %add3A_558 = arith.addi %mul3A_556, %add3A_557 : i32
      %get3A_559 = arith.index_cast %add3A_558 : i32 to index
      %get3A_560 = tpu.vector_load %arg10[%get3A_559] {strides = array<i32>} : memref<2176xf32, #tpu.memory_space<vmem>>, vector<16xf32>,
      %get3A_561 = arith.constant 4 : i32
      %get3A_562 = arith.index_cast %get3A_561 : i32 to index
      %get3A_563 = arith.constant 0 : index
      %get3A_564 = tpu.vector_load %arg9[%get3A_562, %get3A_563] {strides = array<i32>} : memref<16x128xf32, #tpu.memory_space<vmem>>, vector<16xf32>,
      %max3A_565 = arith.maximumf %get3A_560, %get3A_564 : vector<16xf32>
      %add3A_566 = arith.constant 0 : i32
      %add3A_567 = arith.addi %mul3A_556, %add3A_566 : i32
      %swap3A_568 = arith.index_cast %add3A_567 : i32 to index
      %swap3A_569 = tpu.vector_load %arg10[%swap3A_568] {strides = array<i32>} : memref<2176xf32, #tpu.memory_space<vmem>>, vector<16xf32>,
      tpu.vector_store %arg10[%swap3A_568], %max3A_565 {strides = array<i32>} : memref<2176xf32, #tpu.memory_space<vmem>>, vector<16xf32>,
      %add3A_570 = arith.constant 16 : i32
      %add3A_571 = arith.addi %mul3A_556, %add3A_570 : i32
      %get3A_572 = arith.index_cast %add3A_571 : i32 to index
      %get3A_573 = tpu.vector_load %arg10[%get3A_572] {strides = array<i32>} : memref<2176xf32, #tpu.memory_space<vmem>>, vector<16xf32>,
      %get3A_574 = arith.constant 4 : i32
      %get3A_575 = arith.index_cast %get3A_574 : i32 to index
      %get3A_576 = arith.constant 16 : index
      %get3A_577 = tpu.vector_load %arg9[%get3A_575, %get3A_576] {strides = array<i32>} : memref<16x128xf32, #tpu.memory_space<vmem>>, vector<16xf32>,
      %max3A_578 = arith.maximumf %get3A_573, %get3A_577 : vector<16xf32>
      %add3A_579 = arith.constant 16 : i32
      %add3A_580 = arith.addi %mul3A_556, %add3A_579 : i32
      %swap3A_581 = arith.index_cast %add3A_580 : i32 to index
      %swap3A_582 = tpu.vector_load %arg10[%swap3A_581] {strides = array<i32>} : memref<2176xf32, #tpu.memory_space<vmem>>, vector<16xf32>,
      tpu.vector_store %arg10[%swap3A_581], %max3A_578 {strides = array<i32>} : memref<2176xf32, #tpu.memory_space<vmem>>, vector<16xf32>,
      %add3A_583 = arith.constant 32 : i32
      %add3A_584 = arith.addi %mul3A_556, %add3A_583 : i32
      %get3A_585 = arith.index_cast %add3A_584 : i32 to index
      %get3A_586 = tpu.vector_load %arg10[%get3A_585] {strides = array<i32>} : memref<2176xf32, #tpu.memory_space<vmem>>, vector<16xf32>,
      %get3A_587 = arith.constant 4 : i32
      %get3A_588 = arith.index_cast %get3A_587 : i32 to index
      %get3A_589 = arith.constant 32 : index
      %get3A_590 = tpu.vector_load %arg9[%get3A_588, %get3A_589] {strides = array<i32>} : memref<16x128xf32, #tpu.memory_space<vmem>>, vector<16xf32>,
      %max3A_591 = arith.maximumf %get3A_586, %get3A_590 : vector<16xf32>
      %add3A_592 = arith.constant 32 : i32
      %add3A_593 = arith.addi %mul3A_556, %add3A_592 : i32
      %swap3A_594 = arith.index_cast %add3A_593 : i32 to index
      %swap3A_595 = tpu.vector_load %arg10[%swap3A_594] {strides = array<i32>} : memref<2176xf32, #tpu.memory_space<vmem>>, vector<16xf32>,
      tpu.vector_store %arg10[%swap3A_594], %max3A_591 {strides = array<i32>} : memref<2176xf32, #tpu.memory_space<vmem>>, vector<16xf32>,
      %add3A_596 = arith.constant 48 : i32
      %add3A_597 = arith.addi %mul3A_556, %add3A_596 : i32
      %get3A_598 = arith.index_cast %add3A_597 : i32 to index
      %get3A_599 = tpu.vector_load %arg10[%get3A_598] {strides = array<i32>} : memref<2176xf32, #tpu.memory_space<vmem>>, vector<16xf32>,
      %get3A_600 = arith.constant 4 : i32
      %get3A_601 = arith.index_cast %get3A_600 : i32 to index
      %get3A_602 = arith.constant 48 : index
      %get3A_603 = tpu.vector_load %arg9[%get3A_601, %get3A_602] {strides = array<i32>} : memref<16x128xf32, #tpu.memory_space<vmem>>, vector<16xf32>,
      %max3A_604 = arith.maximumf %get3A_599, %get3A_603 : vector<16xf32>
      %add3A_605 = arith.constant 48 : i32
      %add3A_606 = arith.addi %mul3A_556, %add3A_605 : i32
      %swap3A_607 = arith.index_cast %add3A_606 : i32 to index
      %swap3A_608 = tpu.vector_load %arg10[%swap3A_607] {strides = array<i32>} : memref<2176xf32, #tpu.memory_space<vmem>>, vector<16xf32>,
      tpu.vector_store %arg10[%swap3A_607], %max3A_604 {strides = array<i32>} : memref<2176xf32, #tpu.memory_space<vmem>>, vector<16xf32>,
      %add3A_609 = arith.constant 64 : i32
      %add3A_610 = arith.addi %mul3A_556, %add3A_609 : i32
      %get3A_611 = arith.index_cast %add3A_610 : i32 to index
      %get3A_612 = tpu.vector_load %arg10[%get3A_611] {strides = array<i32>} : memref<2176xf32, #tpu.memory_space<vmem>>, vector<16xf32>,
      %get3A_613 = arith.constant 4 : i32
      %get3A_614 = arith.index_cast %get3A_613 : i32 to index
      %get3A_615 = arith.constant 64 : index
      %get3A_616 = tpu.vector_load %arg9[%get3A_614, %get3A_615] {strides = array<i32>} : memref<16x128xf32, #tpu.memory_space<vmem>>, vector<16xf32>,
      %max3A_617 = arith.maximumf %get3A_612, %get3A_616 : vector<16xf32>
      %add3A_618 = arith.constant 64 : i32
      %add3A_619 = arith.addi %mul3A_556, %add3A_618 : i32
      %swap3A_620 = arith.index_cast %add3A_619 : i32 to index
      %swap3A_621 = tpu.vector_load %arg10[%swap3A_620] {strides = array<i32>} : memref<2176xf32, #tpu.memory_space<vmem>>, vector<16xf32>,
      tpu.vector_store %arg10[%swap3A_620], %max3A_617 {strides = array<i32>} : memref<2176xf32, #tpu.memory_space<vmem>>, vector<16xf32>,
      %add3A_622 = arith.constant 80 : i32
      %add3A_623 = arith.addi %mul3A_556, %add3A_622 : i32
      %get3A_624 = arith.index_cast %add3A_623 : i32 to index
      %get3A_625 = tpu.vector_load %arg10[%get3A_624] {strides = array<i32>} : memref<2176xf32, #tpu.memory_space<vmem>>, vector<16xf32>,
      %get3A_626 = arith.constant 4 : i32
      %get3A_627 = arith.index_cast %get3A_626 : i32 to index
      %get3A_628 = arith.constant 80 : index
      %get3A_629 = tpu.vector_load %arg9[%get3A_627, %get3A_628] {strides = array<i32>} : memref<16x128xf32, #tpu.memory_space<vmem>>, vector<16xf32>,
      %max3A_630 = arith.maximumf %get3A_625, %get3A_629 : vector<16xf32>
      %add3A_631 = arith.constant 80 : i32
      %add3A_632 = arith.addi %mul3A_556, %add3A_631 : i32
      %swap3A_633 = arith.index_cast %add3A_632 : i32 to index
      %swap3A_634 = tpu.vector_load %arg10[%swap3A_633] {strides = array<i32>} : memref<2176xf32, #tpu.memory_space<vmem>>, vector<16xf32>,
      tpu.vector_store %arg10[%swap3A_633], %max3A_630 {strides = array<i32>} : memref<2176xf32, #tpu.memory_space<vmem>>, vector<16xf32>,
      %add3A_635 = arith.constant 96 : i32
      %add3A_636 = arith.addi %mul3A_556, %add3A_635 : i32
      %get3A_637 = arith.index_cast %add3A_636 : i32 to index
      %get3A_638 = tpu.vector_load %arg10[%get3A_637] {strides = array<i32>} : memref<2176xf32, #tpu.memory_space<vmem>>, vector<16xf32>,
      %get3A_639 = arith.constant 4 : i32
      %get3A_640 = arith.index_cast %get3A_639 : i32 to index
      %get3A_641 = arith.constant 96 : index
      %get3A_642 = tpu.vector_load %arg9[%get3A_640, %get3A_641] {strides = array<i32>} : memref<16x128xf32, #tpu.memory_space<vmem>>, vector<16xf32>,
      %max3A_643 = arith.maximumf %get3A_638, %get3A_642 : vector<16xf32>
      %add3A_644 = arith.constant 96 : i32
      %add3A_645 = arith.addi %mul3A_556, %add3A_644 : i32
      %swap3A_646 = arith.index_cast %add3A_645 : i32 to index
      %swap3A_647 = tpu.vector_load %arg10[%swap3A_646] {strides = array<i32>} : memref<2176xf32, #tpu.memory_space<vmem>>, vector<16xf32>,
      tpu.vector_store %arg10[%swap3A_646], %max3A_643 {strides = array<i32>} : memref<2176xf32, #tpu.memory_space<vmem>>, vector<16xf32>,
      %add3A_648 = arith.constant 112 : i32
      %add3A_649 = arith.addi %mul3A_556, %add3A_648 : i32
      %get3A_650 = arith.index_cast %add3A_649 : i32 to index
      %get3A_651 = tpu.vector_load %arg10[%get3A_650] {strides = array<i32>} : memref<2176xf32, #tpu.memory_space<vmem>>, vector<16xf32>,
      %get3A_652 = arith.constant 4 : i32
      %get3A_653 = arith.index_cast %get3A_652 : i32 to index
      %get3A_654 = arith.constant 112 : index
      %get3A_655 = tpu.vector_load %arg9[%get3A_653, %get3A_654] {strides = array<i32>} : memref<16x128xf32, #tpu.memory_space<vmem>>, vector<16xf32>,
      %max3A_656 = arith.maximumf %get3A_651, %get3A_655 : vector<16xf32>
      %add3A_657 = arith.constant 112 : i32
      %add3A_658 = arith.addi %mul3A_556, %add3A_657 : i32
      %swap3A_659 = arith.index_cast %add3A_658 : i32 to index
      %swap3A_660 = tpu.vector_load %arg10[%swap3A_659] {strides = array<i32>} : memref<2176xf32, #tpu.memory_space<vmem>>, vector<16xf32>,
      tpu.vector_store %arg10[%swap3A_659], %max3A_656 {strides = array<i32>} : memref<2176xf32, #tpu.memory_space<vmem>>, vector<16xf32>,
      %slice3A_661 = vector.extract_strided_slice %select_n3A_107 {offsets = [5], sizes = [1], strides = [1]} : vector<16xi32> to vector<1xi32>
      %squeeze3A_662 = vector.extract %slice3A_661[0] : i32 from vector<1xi32>
      %mul3A_663 = arith.constant 128 : i32
      %mul3A_664 = arith.muli %squeeze3A_662, %mul3A_663 : i32
      %add3A_665 = arith.constant 0 : i32
      %add3A_666 = arith.addi %mul3A_664, %add3A_665 : i32
      %get3A_667 = arith.index_cast %add3A_666 : i32 to index
      %get3A_668 = tpu.vector_load %arg10[%get3A_667] {strides = array<i32>} : memref<2176xf32, #tpu.memory_space<vmem>>, vector<16xf32>,
      %get3A_669 = arith.constant 5 : i32
      %get3A_670 = arith.index_cast %get3A_669 : i32 to index
      %get3A_671 = arith.constant 0 : index
      %get3A_672 = tpu.vector_load %arg9[%get3A_670, %get3A_671] {strides = array<i32>} : memref<16x128xf32, #tpu.memory_space<vmem>>, vector<16xf32>,
      %max3A_673 = arith.maximumf %get3A_668, %get3A_672 : vector<16xf32>
      %add3A_674 = arith.constant 0 : i32
      %add3A_675 = arith.addi %mul3A_664, %add3A_674 : i32
      %swap3A_676 = arith.index_cast %add3A_675 : i32 to index
      %swap3A_677 = tpu.vector_load %arg10[%swap3A_676] {strides = array<i32>} : memref<2176xf32, #tpu.memory_space<vmem>>, vector<16xf32>,
      tpu.vector_store %arg10[%swap3A_676], %max3A_673 {strides = array<i32>} : memref<2176xf32, #tpu.memory_space<vmem>>, vector<16xf32>,
      %add3A_678 = arith.constant 16 : i32
      %add3A_679 = arith.addi %mul3A_664, %add3A_678 : i32
      %get3A_680 = arith.index_cast %add3A_679 : i32 to index
      %get3A_681 = tpu.vector_load %arg10[%get3A_680] {strides = array<i32>} : memref<2176xf32, #tpu.memory_space<vmem>>, vector<16xf32>,
      %get3A_682 = arith.constant 5 : i32
      %get3A_683 = arith.index_cast %get3A_682 : i32 to index
      %get3A_684 = arith.constant 16 : index
      %get3A_685 = tpu.vector_load %arg9[%get3A_683, %get3A_684] {strides = array<i32>} : memref<16x128xf32, #tpu.memory_space<vmem>>, vector<16xf32>,
      %max3A_686 = arith.maximumf %get3A_681, %get3A_685 : vector<16xf32>
      %add3A_687 = arith.constant 16 : i32
      %add3A_688 = arith.addi %mul3A_664, %add3A_687 : i32
      %swap3A_689 = arith.index_cast %add3A_688 : i32 to index
      %swap3A_690 = tpu.vector_load %arg10[%swap3A_689] {strides = array<i32>} : memref<2176xf32, #tpu.memory_space<vmem>>, vector<16xf32>,
      tpu.vector_store %arg10[%swap3A_689], %max3A_686 {strides = array<i32>} : memref<2176xf32, #tpu.memory_space<vmem>>, vector<16xf32>,
      %add3A_691 = arith.constant 32 : i32
      %add3A_692 = arith.addi %mul3A_664, %add3A_691 : i32
      %get3A_693 = arith.index_cast %add3A_692 : i32 to index
      %get3A_694 = tpu.vector_load %arg10[%get3A_693] {strides = array<i32>} : memref<2176xf32, #tpu.memory_space<vmem>>, vector<16xf32>,
      %get3A_695 = arith.constant 5 : i32
      %get3A_696 = arith.index_cast %get3A_695 : i32 to index
      %get3A_697 = arith.constant 32 : index
      %get3A_698 = tpu.vector_load %arg9[%get3A_696, %get3A_697] {strides = array<i32>} : memref<16x128xf32, #tpu.memory_space<vmem>>, vector<16xf32>,
      %max3A_699 = arith.maximumf %get3A_694, %get3A_698 : vector<16xf32>
      %add3A_700 = arith.constant 32 : i32
      %add3A_701 = arith.addi %mul3A_664, %add3A_700 : i32
      %swap3A_702 = arith.index_cast %add3A_701 : i32 to index
      %swap3A_703 = tpu.vector_load %arg10[%swap3A_702] {strides = array<i32>} : memref<2176xf32, #tpu.memory_space<vmem>>, vector<16xf32>,
      tpu.vector_store %arg10[%swap3A_702], %max3A_699 {strides = array<i32>} : memref<2176xf32, #tpu.memory_space<vmem>>, vector<16xf32>,
      %add3A_704 = arith.constant 48 : i32
      %add3A_705 = arith.addi %mul3A_664, %add3A_704 : i32
      %get3A_706 = arith.index_cast %add3A_705 : i32 to index
      %get3A_707 = tpu.vector_load %arg10[%get3A_706] {strides = array<i32>} : memref<2176xf32, #tpu.memory_space<vmem>>, vector<16xf32>,
      %get3A_708 = arith.constant 5 : i32
      %get3A_709 = arith.index_cast %get3A_708 : i32 to index
      %get3A_710 = arith.constant 48 : index
      %get3A_711 = tpu.vector_load %arg9[%get3A_709, %get3A_710] {strides = array<i32>} : memref<16x128xf32, #tpu.memory_space<vmem>>, vector<16xf32>,
      %max3A_712 = arith.maximumf %get3A_707, %get3A_711 : vector<16xf32>
      %add3A_713 = arith.constant 48 : i32
      %add3A_714 = arith.addi %mul3A_664, %add3A_713 : i32
      %swap3A_715 = arith.index_cast %add3A_714 : i32 to index
      %swap3A_716 = tpu.vector_load %arg10[%swap3A_715] {strides = array<i32>} : memref<2176xf32, #tpu.memory_space<vmem>>, vector<16xf32>,
      tpu.vector_store %arg10[%swap3A_715], %max3A_712 {strides = array<i32>} : memref<2176xf32, #tpu.memory_space<vmem>>, vector<16xf32>,
      %add3A_717 = arith.constant 64 : i32
      %add3A_718 = arith.addi %mul3A_664, %add3A_717 : i32
      %get3A_719 = arith.index_cast %add3A_718 : i32 to index
      %get3A_720 = tpu.vector_load %arg10[%get3A_719] {strides = array<i32>} : memref<2176xf32, #tpu.memory_space<vmem>>, vector<16xf32>,
      %get3A_721 = arith.constant 5 : i32
      %get3A_722 = arith.index_cast %get3A_721 : i32 to index
      %get3A_723 = arith.constant 64 : index
      %get3A_724 = tpu.vector_load %arg9[%get3A_722, %get3A_723] {strides = array<i32>} : memref<16x128xf32, #tpu.memory_space<vmem>>, vector<16xf32>,
      %max3A_725 = arith.maximumf %get3A_720, %get3A_724 : vector<16xf32>
      %add3A_726 = arith.constant 64 : i32
      %add3A_727 = arith.addi %mul3A_664, %add3A_726 : i32
      %swap3A_728 = arith.index_cast %add3A_727 : i32 to index
      %swap3A_729 = tpu.vector_load %arg10[%swap3A_728] {strides = array<i32>} : memref<2176xf32, #tpu.memory_space<vmem>>, vector<16xf32>,
      tpu.vector_store %arg10[%swap3A_728], %max3A_725 {strides = array<i32>} : memref<2176xf32, #tpu.memory_space<vmem>>, vector<16xf32>,
      %add3A_730 = arith.constant 80 : i32
      %add3A_731 = arith.addi %mul3A_664, %add3A_730 : i32
      %get3A_732 = arith.index_cast %add3A_731 : i32 to index
      %get3A_733 = tpu.vector_load %arg10[%get3A_732] {strides = array<i32>} : memref<2176xf32, #tpu.memory_space<vmem>>, vector<16xf32>,
      %get3A_734 = arith.constant 5 : i32
      %get3A_735 = arith.index_cast %get3A_734 : i32 to index
      %get3A_736 = arith.constant 80 : index
      %get3A_737 = tpu.vector_load %arg9[%get3A_735, %get3A_736] {strides = array<i32>} : memref<16x128xf32, #tpu.memory_space<vmem>>, vector<16xf32>,
      %max3A_738 = arith.maximumf %get3A_733, %get3A_737 : vector<16xf32>
      %add3A_739 = arith.constant 80 : i32
      %add3A_740 = arith.addi %mul3A_664, %add3A_739 : i32
      %swap3A_741 = arith.index_cast %add3A_740 : i32 to index
      %swap3A_742 = tpu.vector_load %arg10[%swap3A_741] {strides = array<i32>} : memref<2176xf32, #tpu.memory_space<vmem>>, vector<16xf32>,
      tpu.vector_store %arg10[%swap3A_741], %max3A_738 {strides = array<i32>} : memref<2176xf32, #tpu.memory_space<vmem>>, vector<16xf32>,
      %add3A_743 = arith.constant 96 : i32
      %add3A_744 = arith.addi %mul3A_664, %add3A_743 : i32
      %get3A_745 = arith.index_cast %add3A_744 : i32 to index
      %get3A_746 = tpu.vector_load %arg10[%get3A_745] {strides = array<i32>} : memref<2176xf32, #tpu.memory_space<vmem>>, vector<16xf32>,
      %get3A_747 = arith.constant 5 : i32
      %get3A_748 = arith.index_cast %get3A_747 : i32 to index
      %get3A_749 = arith.constant 96 : index
      %get3A_750 = tpu.vector_load %arg9[%get3A_748, %get3A_749] {strides = array<i32>} : memref<16x128xf32, #tpu.memory_space<vmem>>, vector<16xf32>,
      %max3A_751 = arith.maximumf %get3A_746, %get3A_750 : vector<16xf32>
      %add3A_752 = arith.constant 96 : i32
      %add3A_753 = arith.addi %mul3A_664, %add3A_752 : i32
      %swap3A_754 = arith.index_cast %add3A_753 : i32 to index
      %swap3A_755 = tpu.vector_load %arg10[%swap3A_754] {strides = array<i32>} : memref<2176xf32, #tpu.memory_space<vmem>>, vector<16xf32>,
      tpu.vector_store %arg10[%swap3A_754], %max3A_751 {strides = array<i32>} : memref<2176xf32, #tpu.memory_space<vmem>>, vector<16xf32>,
      %add3A_756 = arith.constant 112 : i32
      %add3A_757 = arith.addi %mul3A_664, %add3A_756 : i32
      %get3A_758 = arith.index_cast %add3A_757 : i32 to index
      %get3A_759 = tpu.vector_load %arg10[%get3A_758] {strides = array<i32>} : memref<2176xf32, #tpu.memory_space<vmem>>, vector<16xf32>,
      %get3A_760 = arith.constant 5 : i32
      %get3A_761 = arith.index_cast %get3A_760 : i32 to index
      %get3A_762 = arith.constant 112 : index
      %get3A_763 = tpu.vector_load %arg9[%get3A_761, %get3A_762] {strides = array<i32>} : memref<16x128xf32, #tpu.memory_space<vmem>>, vector<16xf32>,
      %max3A_764 = arith.maximumf %get3A_759, %get3A_763 : vector<16xf32>
      %add3A_765 = arith.constant 112 : i32
      %add3A_766 = arith.addi %mul3A_664, %add3A_765 : i32
      %swap3A_767 = arith.index_cast %add3A_766 : i32 to index
      %swap3A_768 = tpu.vector_load %arg10[%swap3A_767] {strides = array<i32>} : memref<2176xf32, #tpu.memory_space<vmem>>, vector<16xf32>,
      tpu.vector_store %arg10[%swap3A_767], %max3A_764 {strides = array<i32>} : memref<2176xf32, #tpu.memory_space<vmem>>, vector<16xf32>,
      %slice3A_769 = vector.extract_strided_slice %select_n3A_107 {offsets = [6], sizes = [1], strides = [1]} : vector<16xi32> to vector<1xi32>
      %squeeze3A_770 = vector.extract %slice3A_769[0] : i32 from vector<1xi32>
      %mul3A_771 = arith.constant 128 : i32
      %mul3A_772 = arith.muli %squeeze3A_770, %mul3A_771 : i32
      %add3A_773 = arith.constant 0 : i32
      %add3A_774 = arith.addi %mul3A_772, %add3A_773 : i32
      %get3A_775 = arith.index_cast %add3A_774 : i32 to index
      %get3A_776 = tpu.vector_load %arg10[%get3A_775] {strides = array<i32>} : memref<2176xf32, #tpu.memory_space<vmem>>, vector<16xf32>,
      %get3A_777 = arith.constant 6 : i32
      %get3A_778 = arith.index_cast %get3A_777 : i32 to index
      %get3A_779 = arith.constant 0 : index
      %get3A_780 = tpu.vector_load %arg9[%get3A_778, %get3A_779] {strides = array<i32>} : memref<16x128xf32, #tpu.memory_space<vmem>>, vector<16xf32>,
      %max3A_781 = arith.maximumf %get3A_776, %get3A_780 : vector<16xf32>
      %add3A_782 = arith.constant 0 : i32
      %add3A_783 = arith.addi %mul3A_772, %add3A_782 : i32
      %swap3A_784 = arith.index_cast %add3A_783 : i32 to index
      %swap3A_785 = tpu.vector_load %arg10[%swap3A_784] {strides = array<i32>} : memref<2176xf32, #tpu.memory_space<vmem>>, vector<16xf32>,
      tpu.vector_store %arg10[%swap3A_784], %max3A_781 {strides = array<i32>} : memref<2176xf32, #tpu.memory_space<vmem>>, vector<16xf32>,
      %add3A_786 = arith.constant 16 : i32
      %add3A_787 = arith.addi %mul3A_772, %add3A_786 : i32
      %get3A_788 = arith.index_cast %add3A_787 : i32 to index
      %get3A_789 = tpu.vector_load %arg10[%get3A_788] {strides = array<i32>} : memref<2176xf32, #tpu.memory_space<vmem>>, vector<16xf32>,
      %get3A_790 = arith.constant 6 : i32
      %get3A_791 = arith.index_cast %get3A_790 : i32 to index
      %get3A_792 = arith.constant 16 : index
      %get3A_793 = tpu.vector_load %arg9[%get3A_791, %get3A_792] {strides = array<i32>} : memref<16x128xf32, #tpu.memory_space<vmem>>, vector<16xf32>,
      %max3A_794 = arith.maximumf %get3A_789, %get3A_793 : vector<16xf32>
      %add3A_795 = arith.constant 16 : i32
      %add3A_796 = arith.addi %mul3A_772, %add3A_795 : i32
      %swap3A_797 = arith.index_cast %add3A_796 : i32 to index
      %swap3A_798 = tpu.vector_load %arg10[%swap3A_797] {strides = array<i32>} : memref<2176xf32, #tpu.memory_space<vmem>>, vector<16xf32>,
      tpu.vector_store %arg10[%swap3A_797], %max3A_794 {strides = array<i32>} : memref<2176xf32, #tpu.memory_space<vmem>>, vector<16xf32>,
      %add3A_799 = arith.constant 32 : i32
      %add3A_800 = arith.addi %mul3A_772, %add3A_799 : i32
      %get3A_801 = arith.index_cast %add3A_800 : i32 to index
      %get3A_802 = tpu.vector_load %arg10[%get3A_801] {strides = array<i32>} : memref<2176xf32, #tpu.memory_space<vmem>>, vector<16xf32>,
      %get3A_803 = arith.constant 6 : i32
      %get3A_804 = arith.index_cast %get3A_803 : i32 to index
      %get3A_805 = arith.constant 32 : index
      %get3A_806 = tpu.vector_load %arg9[%get3A_804, %get3A_805] {strides = array<i32>} : memref<16x128xf32, #tpu.memory_space<vmem>>, vector<16xf32>,
      %max3A_807 = arith.maximumf %get3A_802, %get3A_806 : vector<16xf32>
      %add3A_808 = arith.constant 32 : i32
      %add3A_809 = arith.addi %mul3A_772, %add3A_808 : i32
      %swap3A_810 = arith.index_cast %add3A_809 : i32 to index
      %swap3A_811 = tpu.vector_load %arg10[%swap3A_810] {strides = array<i32>} : memref<2176xf32, #tpu.memory_space<vmem>>, vector<16xf32>,
      tpu.vector_store %arg10[%swap3A_810], %max3A_807 {strides = array<i32>} : memref<2176xf32, #tpu.memory_space<vmem>>, vector<16xf32>,
      %add3A_812 = arith.constant 48 : i32
      %add3A_813 = arith.addi %mul3A_772, %add3A_812 : i32
      %get3A_814 = arith.index_cast %add3A_813 : i32 to index
      %get3A_815 = tpu.vector_load %arg10[%get3A_814] {strides = array<i32>} : memref<2176xf32, #tpu.memory_space<vmem>>, vector<16xf32>,
      %get3A_816 = arith.constant 6 : i32
      %get3A_817 = arith.index_cast %get3A_816 : i32 to index
      %get3A_818 = arith.constant 48 : index
      %get3A_819 = tpu.vector_load %arg9[%get3A_817, %get3A_818] {strides = array<i32>} : memref<16x128xf32, #tpu.memory_space<vmem>>, vector<16xf32>,
      %max3A_820 = arith.maximumf %get3A_815, %get3A_819 : vector<16xf32>
      %add3A_821 = arith.constant 48 : i32
      %add3A_822 = arith.addi %mul3A_772, %add3A_821 : i32
      %swap3A_823 = arith.index_cast %add3A_822 : i32 to index
      %swap3A_824 = tpu.vector_load %arg10[%swap3A_823] {strides = array<i32>} : memref<2176xf32, #tpu.memory_space<vmem>>, vector<16xf32>,
      tpu.vector_store %arg10[%swap3A_823], %max3A_820 {strides = array<i32>} : memref<2176xf32, #tpu.memory_space<vmem>>, vector<16xf32>,
      %add3A_825 = arith.constant 64 : i32
      %add3A_826 = arith.addi %mul3A_772, %add3A_825 : i32
      %get3A_827 = arith.index_cast %add3A_826 : i32 to index
      %get3A_828 = tpu.vector_load %arg10[%get3A_827] {strides = array<i32>} : memref<2176xf32, #tpu.memory_space<vmem>>, vector<16xf32>,
      %get3A_829 = arith.constant 6 : i32
      %get3A_830 = arith.index_cast %get3A_829 : i32 to index
      %get3A_831 = arith.constant 64 : index
      %get3A_832 = tpu.vector_load %arg9[%get3A_830, %get3A_831] {strides = array<i32>} : memref<16x128xf32, #tpu.memory_space<vmem>>, vector<16xf32>,
      %max3A_833 = arith.maximumf %get3A_828, %get3A_832 : vector<16xf32>
      %add3A_834 = arith.constant 64 : i32
      %add3A_835 = arith.addi %mul3A_772, %add3A_834 : i32
      %swap3A_836 = arith.index_cast %add3A_835 : i32 to index
      %swap3A_837 = tpu.vector_load %arg10[%swap3A_836] {strides = array<i32>} : memref<2176xf32, #tpu.memory_space<vmem>>, vector<16xf32>,
      tpu.vector_store %arg10[%swap3A_836], %max3A_833 {strides = array<i32>} : memref<2176xf32, #tpu.memory_space<vmem>>, vector<16xf32>,
      %add3A_838 = arith.constant 80 : i32
      %add3A_839 = arith.addi %mul3A_772, %add3A_838 : i32
      %get3A_840 = arith.index_cast %add3A_839 : i32 to index
      %get3A_841 = tpu.vector_load %arg10[%get3A_840] {strides = array<i32>} : memref<2176xf32, #tpu.memory_space<vmem>>, vector<16xf32>,
      %get3A_842 = arith.constant 6 : i32
      %get3A_843 = arith.index_cast %get3A_842 : i32 to index
      %get3A_844 = arith.constant 80 : index
      %get3A_845 = tpu.vector_load %arg9[%get3A_843, %get3A_844] {strides = array<i32>} : memref<16x128xf32, #tpu.memory_space<vmem>>, vector<16xf32>,
      %max3A_846 = arith.maximumf %get3A_841, %get3A_845 : vector<16xf32>
      %add3A_847 = arith.constant 80 : i32
      %add3A_848 = arith.addi %mul3A_772, %add3A_847 : i32
      %swap3A_849 = arith.index_cast %add3A_848 : i32 to index
      %swap3A_850 = tpu.vector_load %arg10[%swap3A_849] {strides = array<i32>} : memref<2176xf32, #tpu.memory_space<vmem>>, vector<16xf32>,
      tpu.vector_store %arg10[%swap3A_849], %max3A_846 {strides = array<i32>} : memref<2176xf32, #tpu.memory_space<vmem>>, vector<16xf32>,
      %add3A_851 = arith.constant 96 : i32
      %add3A_852 = arith.addi %mul3A_772, %add3A_851 : i32
      %get3A_853 = arith.index_cast %add3A_852 : i32 to index
      %get3A_854 = tpu.vector_load %arg10[%get3A_853] {strides = array<i32>} : memref<2176xf32, #tpu.memory_space<vmem>>, vector<16xf32>,
      %get3A_855 = arith.constant 6 : i32
      %get3A_856 = arith.index_cast %get3A_855 : i32 to index
      %get3A_857 = arith.constant 96 : index
      %get3A_858 = tpu.vector_load %arg9[%get3A_856, %get3A_857] {strides = array<i32>} : memref<16x128xf32, #tpu.memory_space<vmem>>, vector<16xf32>,
      %max3A_859 = arith.maximumf %get3A_854, %get3A_858 : vector<16xf32>
      %add3A_860 = arith.constant 96 : i32
      %add3A_861 = arith.addi %mul3A_772, %add3A_860 : i32
      %swap3A_862 = arith.index_cast %add3A_861 : i32 to index
      %swap3A_863 = tpu.vector_load %arg10[%swap3A_862] {strides = array<i32>} : memref<2176xf32, #tpu.memory_space<vmem>>, vector<16xf32>,
      tpu.vector_store %arg10[%swap3A_862], %max3A_859 {strides = array<i32>} : memref<2176xf32, #tpu.memory_space<vmem>>, vector<16xf32>,
      %add3A_864 = arith.constant 112 : i32
      %add3A_865 = arith.addi %mul3A_772, %add3A_864 : i32
      %get3A_866 = arith.index_cast %add3A_865 : i32 to index
      %get3A_867 = tpu.vector_load %arg10[%get3A_866] {strides = array<i32>} : memref<2176xf32, #tpu.memory_space<vmem>>, vector<16xf32>,
      %get3A_868 = arith.constant 6 : i32
      %get3A_869 = arith.index_cast %get3A_868 : i32 to index
      %get3A_870 = arith.constant 112 : index
      %get3A_871 = tpu.vector_load %arg9[%get3A_869, %get3A_870] {strides = array<i32>} : memref<16x128xf32, #tpu.memory_space<vmem>>, vector<16xf32>,
      %max3A_872 = arith.maximumf %get3A_867, %get3A_871 : vector<16xf32>
      %add3A_873 = arith.constant 112 : i32
      %add3A_874 = arith.addi %mul3A_772, %add3A_873 : i32
      %swap3A_875 = arith.index_cast %add3A_874 : i32 to index
      %swap3A_876 = tpu.vector_load %arg10[%swap3A_875] {strides = array<i32>} : memref<2176xf32, #tpu.memory_space<vmem>>, vector<16xf32>,
      tpu.vector_store %arg10[%swap3A_875], %max3A_872 {strides = array<i32>} : memref<2176xf32, #tpu.memory_space<vmem>>, vector<16xf32>,
      %slice3A_877 = vector.extract_strided_slice %select_n3A_107 {offsets = [7], sizes = [1], strides = [1]} : vector<16xi32> to vector<1xi32>
      %squeeze3A_878 = vector.extract %slice3A_877[0] : i32 from vector<1xi32>
      %mul3A_879 = arith.constant 128 : i32
      %mul3A_880 = arith.muli %squeeze3A_878, %mul3A_879 : i32
      %add3A_881 = arith.constant 0 : i32
      %add3A_882 = arith.addi %mul3A_880, %add3A_881 : i32
      %get3A_883 = arith.index_cast %add3A_882 : i32 to index
      %get3A_884 = tpu.vector_load %arg10[%get3A_883] {strides = array<i32>} : memref<2176xf32, #tpu.memory_space<vmem>>, vector<16xf32>,
      %get3A_885 = arith.constant 7 : i32
      %get3A_886 = arith.index_cast %get3A_885 : i32 to index
      %get3A_887 = arith.constant 0 : index
      %get3A_888 = tpu.vector_load %arg9[%get3A_886, %get3A_887] {strides = array<i32>} : memref<16x128xf32, #tpu.memory_space<vmem>>, vector<16xf32>,
      %max3A_889 = arith.maximumf %get3A_884, %get3A_888 : vector<16xf32>
      %add3A_890 = arith.constant 0 : i32
      %add3A_891 = arith.addi %mul3A_880, %add3A_890 : i32
      %swap3A_892 = arith.index_cast %add3A_891 : i32 to index
      %swap3A_893 = tpu.vector_load %arg10[%swap3A_892] {strides = array<i32>} : memref<2176xf32, #tpu.memory_space<vmem>>, vector<16xf32>,
      tpu.vector_store %arg10[%swap3A_892], %max3A_889 {strides = array<i32>} : memref<2176xf32, #tpu.memory_space<vmem>>, vector<16xf32>,
      %add3A_894 = arith.constant 16 : i32
      %add3A_895 = arith.addi %mul3A_880, %add3A_894 : i32
      %get3A_896 = arith.index_cast %add3A_895 : i32 to index
      %get3A_897 = tpu.vector_load %arg10[%get3A_896] {strides = array<i32>} : memref<2176xf32, #tpu.memory_space<vmem>>, vector<16xf32>,
      %get3A_898 = arith.constant 7 : i32
      %get3A_899 = arith.index_cast %get3A_898 : i32 to index
      %get3A_900 = arith.constant 16 : index
      %get3A_901 = tpu.vector_load %arg9[%get3A_899, %get3A_900] {strides = array<i32>} : memref<16x128xf32, #tpu.memory_space<vmem>>, vector<16xf32>,
      %max3A_902 = arith.maximumf %get3A_897, %get3A_901 : vector<16xf32>
      %add3A_903 = arith.constant 16 : i32
      %add3A_904 = arith.addi %mul3A_880, %add3A_903 : i32
      %swap3A_905 = arith.index_cast %add3A_904 : i32 to index
      %swap3A_906 = tpu.vector_load %arg10[%swap3A_905] {strides = array<i32>} : memref<2176xf32, #tpu.memory_space<vmem>>, vector<16xf32>,
      tpu.vector_store %arg10[%swap3A_905], %max3A_902 {strides = array<i32>} : memref<2176xf32, #tpu.memory_space<vmem>>, vector<16xf32>,
      %add3A_907 = arith.constant 32 : i32
      %add3A_908 = arith.addi %mul3A_880, %add3A_907 : i32
      %get3A_909 = arith.index_cast %add3A_908 : i32 to index
      %get3A_910 = tpu.vector_load %arg10[%get3A_909] {strides = array<i32>} : memref<2176xf32, #tpu.memory_space<vmem>>, vector<16xf32>,
      %get3A_911 = arith.constant 7 : i32
      %get3A_912 = arith.index_cast %get3A_911 : i32 to index
      %get3A_913 = arith.constant 32 : index
      %get3A_914 = tpu.vector_load %arg9[%get3A_912, %get3A_913] {strides = array<i32>} : memref<16x128xf32, #tpu.memory_space<vmem>>, vector<16xf32>,
      %max3A_915 = arith.maximumf %get3A_910, %get3A_914 : vector<16xf32>
      %add3A_916 = arith.constant 32 : i32
      %add3A_917 = arith.addi %mul3A_880, %add3A_916 : i32
      %swap3A_918 = arith.index_cast %add3A_917 : i32 to index
      %swap3A_919 = tpu.vector_load %arg10[%swap3A_918] {strides = array<i32>} : memref<2176xf32, #tpu.memory_space<vmem>>, vector<16xf32>,
      tpu.vector_store %arg10[%swap3A_918], %max3A_915 {strides = array<i32>} : memref<2176xf32, #tpu.memory_space<vmem>>, vector<16xf32>,
      %add3A_920 = arith.constant 48 : i32
      %add3A_921 = arith.addi %mul3A_880, %add3A_920 : i32
      %get3A_922 = arith.index_cast %add3A_921 : i32 to index
      %get3A_923 = tpu.vector_load %arg10[%get3A_922] {strides = array<i32>} : memref<2176xf32, #tpu.memory_space<vmem>>, vector<16xf32>,
      %get3A_924 = arith.constant 7 : i32
      %get3A_925 = arith.index_cast %get3A_924 : i32 to index
      %get3A_926 = arith.constant 48 : index
      %get3A_927 = tpu.vector_load %arg9[%get3A_925, %get3A_926] {strides = array<i32>} : memref<16x128xf32, #tpu.memory_space<vmem>>, vector<16xf32>,
      %max3A_928 = arith.maximumf %get3A_923, %get3A_927 : vector<16xf32>
      %add3A_929 = arith.constant 48 : i32
      %add3A_930 = arith.addi %mul3A_880, %add3A_929 : i32
      %swap3A_931 = arith.index_cast %add3A_930 : i32 to index
      %swap3A_932 = tpu.vector_load %arg10[%swap3A_931] {strides = array<i32>} : memref<2176xf32, #tpu.memory_space<vmem>>, vector<16xf32>,
      tpu.vector_store %arg10[%swap3A_931], %max3A_928 {strides = array<i32>} : memref<2176xf32, #tpu.memory_space<vmem>>, vector<16xf32>,
      %add3A_933 = arith.constant 64 : i32
      %add3A_934 = arith.addi %mul3A_880, %add3A_933 : i32
      %get3A_935 = arith.index_cast %add3A_934 : i32 to index
      %get3A_936 = tpu.vector_load %arg10[%get3A_935] {strides = array<i32>} : memref<2176xf32, #tpu.memory_space<vmem>>, vector<16xf32>,
      %get3A_937 = arith.constant 7 : i32
      %get3A_938 = arith.index_cast %get3A_937 : i32 to index
      %get3A_939 = arith.constant 64 : index
      %get3A_940 = tpu.vector_load %arg9[%get3A_938, %get3A_939] {strides = array<i32>} : memref<16x128xf32, #tpu.memory_space<vmem>>, vector<16xf32>,
      %max3A_941 = arith.maximumf %get3A_936, %get3A_940 : vector<16xf32>
      %add3A_942 = arith.constant 64 : i32
      %add3A_943 = arith.addi %mul3A_880, %add3A_942 : i32
      %swap3A_944 = arith.index_cast %add3A_943 : i32 to index
      %swap3A_945 = tpu.vector_load %arg10[%swap3A_944] {strides = array<i32>} : memref<2176xf32, #tpu.memory_space<vmem>>, vector<16xf32>,
      tpu.vector_store %arg10[%swap3A_944], %max3A_941 {strides = array<i32>} : memref<2176xf32, #tpu.memory_space<vmem>>, vector<16xf32>,
      %add3A_946 = arith.constant 80 : i32
      %add3A_947 = arith.addi %mul3A_880, %add3A_946 : i32
      %get3A_948 = arith.index_cast %add3A_947 : i32 to index
      %get3A_949 = tpu.vector_load %arg10[%get3A_948] {strides = array<i32>} : memref<2176xf32, #tpu.memory_space<vmem>>, vector<16xf32>,
      %get3A_950 = arith.constant 7 : i32
      %get3A_951 = arith.index_cast %get3A_950 : i32 to index
      %get3A_952 = arith.constant 80 : index
      %get3A_953 = tpu.vector_load %arg9[%get3A_951, %get3A_952] {strides = array<i32>} : memref<16x128xf32, #tpu.memory_space<vmem>>, vector<16xf32>,
      %max3A_954 = arith.maximumf %get3A_949, %get3A_953 : vector<16xf32>
      %add3A_955 = arith.constant 80 : i32
      %add3A_956 = arith.addi %mul3A_880, %add3A_955 : i32
      %swap3A_957 = arith.index_cast %add3A_956 : i32 to index
      %swap3A_958 = tpu.vector_load %arg10[%swap3A_957] {strides = array<i32>} : memref<2176xf32, #tpu.memory_space<vmem>>, vector<16xf32>,
      tpu.vector_store %arg10[%swap3A_957], %max3A_954 {strides = array<i32>} : memref<2176xf32, #tpu.memory_space<vmem>>, vector<16xf32>,
      %add3A_959 = arith.constant 96 : i32
      %add3A_960 = arith.addi %mul3A_880, %add3A_959 : i32
      %get3A_961 = arith.index_cast %add3A_960 : i32 to index
      %get3A_962 = tpu.vector_load %arg10[%get3A_961] {strides = array<i32>} : memref<2176xf32, #tpu.memory_space<vmem>>, vector<16xf32>,
      %get3A_963 = arith.constant 7 : i32
      %get3A_964 = arith.index_cast %get3A_963 : i32 to index
      %get3A_965 = arith.constant 96 : index
      %get3A_966 = tpu.vector_load %arg9[%get3A_964, %get3A_965] {strides = array<i32>} : memref<16x128xf32, #tpu.memory_space<vmem>>, vector<16xf32>,
      %max3A_967 = arith.maximumf %get3A_962, %get3A_966 : vector<16xf32>
      %add3A_968 = arith.constant 96 : i32
      %add3A_969 = arith.addi %mul3A_880, %add3A_968 : i32
      %swap3A_970 = arith.index_cast %add3A_969 : i32 to index
      %swap3A_971 = tpu.vector_load %arg10[%swap3A_970] {strides = array<i32>} : memref<2176xf32, #tpu.memory_space<vmem>>, vector<16xf32>,
      tpu.vector_store %arg10[%swap3A_970], %max3A_967 {strides = array<i32>} : memref<2176xf32, #tpu.memory_space<vmem>>, vector<16xf32>,
      %add3A_972 = arith.constant 112 : i32
      %add3A_973 = arith.addi %mul3A_880, %add3A_972 : i32
      %get3A_974 = arith.index_cast %add3A_973 : i32 to index
      %get3A_975 = tpu.vector_load %arg10[%get3A_974] {strides = array<i32>} : memref<2176xf32, #tpu.memory_space<vmem>>, vector<16xf32>,
      %get3A_976 = arith.constant 7 : i32
      %get3A_977 = arith.index_cast %get3A_976 : i32 to index
      %get3A_978 = arith.constant 112 : index
      %get3A_979 = tpu.vector_load %arg9[%get3A_977, %get3A_978] {strides = array<i32>} : memref<16x128xf32, #tpu.memory_space<vmem>>, vector<16xf32>,
      %max3A_980 = arith.maximumf %get3A_975, %get3A_979 : vector<16xf32>
      %add3A_981 = arith.constant 112 : i32
      %add3A_982 = arith.addi %mul3A_880, %add3A_981 : i32
      %swap3A_983 = arith.index_cast %add3A_982 : i32 to index
      %swap3A_984 = tpu.vector_load %arg10[%swap3A_983] {strides = array<i32>} : memref<2176xf32, #tpu.memory_space<vmem>>, vector<16xf32>,
      tpu.vector_store %arg10[%swap3A_983], %max3A_980 {strides = array<i32>} : memref<2176xf32, #tpu.memory_space<vmem>>, vector<16xf32>,
      %slice3A_985 = vector.extract_strided_slice %select_n3A_107 {offsets = [8], sizes = [1], strides = [1]} : vector<16xi32> to vector<1xi32>
      %squeeze3A_986 = vector.extract %slice3A_985[0] : i32 from vector<1xi32>
      %mul3A_987 = arith.constant 128 : i32
      %mul3A_988 = arith.muli %squeeze3A_986, %mul3A_987 : i32
      %add3A_989 = arith.constant 0 : i32
      %add3A_990 = arith.addi %mul3A_988, %add3A_989 : i32
      %get3A_991 = arith.index_cast %add3A_990 : i32 to index
      %get3A_992 = tpu.vector_load %arg10[%get3A_991] {strides = array<i32>} : memref<2176xf32, #tpu.memory_space<vmem>>, vector<16xf32>,
      %get3A_993 = arith.constant 8 : i32
      %get3A_994 = arith.index_cast %get3A_993 : i32 to index
      %get3A_995 = arith.constant 0 : index
      %get3A_996 = tpu.vector_load %arg9[%get3A_994, %get3A_995] {strides = array<i32>} : memref<16x128xf32, #tpu.memory_space<vmem>>, vector<16xf32>,
      %max3A_997 = arith.maximumf %get3A_992, %get3A_996 : vector<16xf32>
      %add3A_998 = arith.constant 0 : i32
      %add3A_999 = arith.addi %mul3A_988, %add3A_998 : i32
      %swap3A_1000 = arith.index_cast %add3A_999 : i32 to index
      %swap3A_1001 = tpu.vector_load %arg10[%swap3A_1000] {strides = array<i32>} : memref<2176xf32, #tpu.memory_space<vmem>>, vector<16xf32>,
      tpu.vector_store %arg10[%swap3A_1000], %max3A_997 {strides = array<i32>} : memref<2176xf32, #tpu.memory_space<vmem>>, vector<16xf32>,
      %add3A_1002 = arith.constant 16 : i32
      %add3A_1003 = arith.addi %mul3A_988, %add3A_1002 : i32
      %get3A_1004 = arith.index_cast %add3A_1003 : i32 to index
      %get3A_1005 = tpu.vector_load %arg10[%get3A_1004] {strides = array<i32>} : memref<2176xf32, #tpu.memory_space<vmem>>, vector<16xf32>,
      %get3A_1006 = arith.constant 8 : i32
      %get3A_1007 = arith.index_cast %get3A_1006 : i32 to index
      %get3A_1008 = arith.constant 16 : index
      %get3A_1009 = tpu.vector_load %arg9[%get3A_1007, %get3A_1008] {strides = array<i32>} : memref<16x128xf32, #tpu.memory_space<vmem>>, vector<16xf32>,
      %max3A_1010 = arith.maximumf %get3A_1005, %get3A_1009 : vector<16xf32>
      %add3A_1011 = arith.constant 16 : i32
      %add3A_1012 = arith.addi %mul3A_988, %add3A_1011 : i32
      %swap3A_1013 = arith.index_cast %add3A_1012 : i32 to index
      %swap3A_1014 = tpu.vector_load %arg10[%swap3A_1013] {strides = array<i32>} : memref<2176xf32, #tpu.memory_space<vmem>>, vector<16xf32>,
      tpu.vector_store %arg10[%swap3A_1013], %max3A_1010 {strides = array<i32>} : memref<2176xf32, #tpu.memory_space<vmem>>, vector<16xf32>,
      %add3A_1015 = arith.constant 32 : i32
      %add3A_1016 = arith.addi %mul3A_988, %add3A_1015 : i32
      %get3A_1017 = arith.index_cast %add3A_1016 : i32 to index
      %get3A_1018 = tpu.vector_load %arg10[%get3A_1017] {strides = array<i32>} : memref<2176xf32, #tpu.memory_space<vmem>>, vector<16xf32>,
      %get3A_1019 = arith.constant 8 : i32
      %get3A_1020 = arith.index_cast %get3A_1019 : i32 to index
      %get3A_1021 = arith.constant 32 : index
      %get3A_1022 = tpu.vector_load %arg9[%get3A_1020, %get3A_1021] {strides = array<i32>} : memref<16x128xf32, #tpu.memory_space<vmem>>, vector<16xf32>,
      %max3A_1023 = arith.maximumf %get3A_1018, %get3A_1022 : vector<16xf32>
      %add3A_1024 = arith.constant 32 : i32
      %add3A_1025 = arith.addi %mul3A_988, %add3A_1024 : i32
      %swap3A_1026 = arith.index_cast %add3A_1025 : i32 to index
      %swap3A_1027 = tpu.vector_load %arg10[%swap3A_1026] {strides = array<i32>} : memref<2176xf32, #tpu.memory_space<vmem>>, vector<16xf32>,
      tpu.vector_store %arg10[%swap3A_1026], %max3A_1023 {strides = array<i32>} : memref<2176xf32, #tpu.memory_space<vmem>>, vector<16xf32>,
      %add3A_1028 = arith.constant 48 : i32
      %add3A_1029 = arith.addi %mul3A_988, %add3A_1028 : i32
      %get3A_1030 = arith.index_cast %add3A_1029 : i32 to index
      %get3A_1031 = tpu.vector_load %arg10[%get3A_1030] {strides = array<i32>} : memref<2176xf32, #tpu.memory_space<vmem>>, vector<16xf32>,
      %get3A_1032 = arith.constant 8 : i32
      %get3A_1033 = arith.index_cast %get3A_1032 : i32 to index
      %get3A_1034 = arith.constant 48 : index
      %get3A_1035 = tpu.vector_load %arg9[%get3A_1033, %get3A_1034] {strides = array<i32>} : memref<16x128xf32, #tpu.memory_space<vmem>>, vector<16xf32>,
      %max3A_1036 = arith.maximumf %get3A_1031, %get3A_1035 : vector<16xf32>
      %add3A_1037 = arith.constant 48 : i32
      %add3A_1038 = arith.addi %mul3A_988, %add3A_1037 : i32
      %swap3A_1039 = arith.index_cast %add3A_1038 : i32 to index
      %swap3A_1040 = tpu.vector_load %arg10[%swap3A_1039] {strides = array<i32>} : memref<2176xf32, #tpu.memory_space<vmem>>, vector<16xf32>,
      tpu.vector_store %arg10[%swap3A_1039], %max3A_1036 {strides = array<i32>} : memref<2176xf32, #tpu.memory_space<vmem>>, vector<16xf32>,
      %add3A_1041 = arith.constant 64 : i32
      %add3A_1042 = arith.addi %mul3A_988, %add3A_1041 : i32
      %get3A_1043 = arith.index_cast %add3A_1042 : i32 to index
      %get3A_1044 = tpu.vector_load %arg10[%get3A_1043] {strides = array<i32>} : memref<2176xf32, #tpu.memory_space<vmem>>, vector<16xf32>,
      %get3A_1045 = arith.constant 8 : i32
      %get3A_1046 = arith.index_cast %get3A_1045 : i32 to index
      %get3A_1047 = arith.constant 64 : index
      %get3A_1048 = tpu.vector_load %arg9[%get3A_1046, %get3A_1047] {strides = array<i32>} : memref<16x128xf32, #tpu.memory_space<vmem>>, vector<16xf32>,
      %max3A_1049 = arith.maximumf %get3A_1044, %get3A_1048 : vector<16xf32>
      %add3A_1050 = arith.constant 64 : i32
      %add3A_1051 = arith.addi %mul3A_988, %add3A_1050 : i32
      %swap3A_1052 = arith.index_cast %add3A_1051 : i32 to index
      %swap3A_1053 = tpu.vector_load %arg10[%swap3A_1052] {strides = array<i32>} : memref<2176xf32, #tpu.memory_space<vmem>>, vector<16xf32>,
      tpu.vector_store %arg10[%swap3A_1052], %max3A_1049 {strides = array<i32>} : memref<2176xf32, #tpu.memory_space<vmem>>, vector<16xf32>,
      %add3A_1054 = arith.constant 80 : i32
      %add3A_1055 = arith.addi %mul3A_988, %add3A_1054 : i32
      %get3A_1056 = arith.index_cast %add3A_1055 : i32 to index
      %get3A_1057 = tpu.vector_load %arg10[%get3A_1056] {strides = array<i32>} : memref<2176xf32, #tpu.memory_space<vmem>>, vector<16xf32>,
      %get3A_1058 = arith.constant 8 : i32
      %get3A_1059 = arith.index_cast %get3A_1058 : i32 to index
      %get3A_1060 = arith.constant 80 : index
      %get3A_1061 = tpu.vector_load %arg9[%get3A_1059, %get3A_1060] {strides = array<i32>} : memref<16x128xf32, #tpu.memory_space<vmem>>, vector<16xf32>,
      %max3A_1062 = arith.maximumf %get3A_1057, %get3A_1061 : vector<16xf32>
      %add3A_1063 = arith.constant 80 : i32
      %add3A_1064 = arith.addi %mul3A_988, %add3A_1063 : i32
      %swap3A_1065 = arith.index_cast %add3A_1064 : i32 to index
      %swap3A_1066 = tpu.vector_load %arg10[%swap3A_1065] {strides = array<i32>} : memref<2176xf32, #tpu.memory_space<vmem>>, vector<16xf32>,
      tpu.vector_store %arg10[%swap3A_1065], %max3A_1062 {strides = array<i32>} : memref<2176xf32, #tpu.memory_space<vmem>>, vector<16xf32>,
      %add3A_1067 = arith.constant 96 : i32
      %add3A_1068 = arith.addi %mul3A_988, %add3A_1067 : i32
      %get3A_1069 = arith.index_cast %add3A_1068 : i32 to index
      %get3A_1070 = tpu.vector_load %arg10[%get3A_1069] {strides = array<i32>} : memref<2176xf32, #tpu.memory_space<vmem>>, vector<16xf32>,
      %get3A_1071 = arith.constant 8 : i32
      %get3A_1072 = arith.index_cast %get3A_1071 : i32 to index
      %get3A_1073 = arith.constant 96 : index
      %get3A_1074 = tpu.vector_load %arg9[%get3A_1072, %get3A_1073] {strides = array<i32>} : memref<16x128xf32, #tpu.memory_space<vmem>>, vector<16xf32>,
      %max3A_1075 = arith.maximumf %get3A_1070, %get3A_1074 : vector<16xf32>
      %add3A_1076 = arith.constant 96 : i32
      %add3A_1077 = arith.addi %mul3A_988, %add3A_1076 : i32
      %swap3A_1078 = arith.index_cast %add3A_1077 : i32 to index
      %swap3A_1079 = tpu.vector_load %arg10[%swap3A_1078] {strides = array<i32>} : memref<2176xf32, #tpu.memory_space<vmem>>, vector<16xf32>,
      tpu.vector_store %arg10[%swap3A_1078], %max3A_1075 {strides = array<i32>} : memref<2176xf32, #tpu.memory_space<vmem>>, vector<16xf32>,
      %add3A_1080 = arith.constant 112 : i32
      %add3A_1081 = arith.addi %mul3A_988, %add3A_1080 : i32
      %get3A_1082 = arith.index_cast %add3A_1081 : i32 to index
      %get3A_1083 = tpu.vector_load %arg10[%get3A_1082] {strides = array<i32>} : memref<2176xf32, #tpu.memory_space<vmem>>, vector<16xf32>,
      %get3A_1084 = arith.constant 8 : i32
      %get3A_1085 = arith.index_cast %get3A_1084 : i32 to index
      %get3A_1086 = arith.constant 112 : index
      %get3A_1087 = tpu.vector_load %arg9[%get3A_1085, %get3A_1086] {strides = array<i32>} : memref<16x128xf32, #tpu.memory_space<vmem>>, vector<16xf32>,
      %max3A_1088 = arith.maximumf %get3A_1083, %get3A_1087 : vector<16xf32>
      %add3A_1089 = arith.constant 112 : i32
      %add3A_1090 = arith.addi %mul3A_988, %add3A_1089 : i32
      %swap3A_1091 = arith.index_cast %add3A_1090 : i32 to index
      %swap3A_1092 = tpu.vector_load %arg10[%swap3A_1091] {strides = array<i32>} : memref<2176xf32, #tpu.memory_space<vmem>>, vector<16xf32>,
      tpu.vector_store %arg10[%swap3A_1091], %max3A_1088 {strides = array<i32>} : memref<2176xf32, #tpu.memory_space<vmem>>, vector<16xf32>,
      %slice3A_1093 = vector.extract_strided_slice %select_n3A_107 {offsets = [9], sizes = [1], strides = [1]} : vector<16xi32> to vector<1xi32>
      %squeeze3A_1094 = vector.extract %slice3A_1093[0] : i32 from vector<1xi32>
      %mul3A_1095 = arith.constant 128 : i32
      %mul3A_1096 = arith.muli %squeeze3A_1094, %mul3A_1095 : i32
      %add3A_1097 = arith.constant 0 : i32
      %add3A_1098 = arith.addi %mul3A_1096, %add3A_1097 : i32
      %get3A_1099 = arith.index_cast %add3A_1098 : i32 to index
      %get3A_1100 = tpu.vector_load %arg10[%get3A_1099] {strides = array<i32>} : memref<2176xf32, #tpu.memory_space<vmem>>, vector<16xf32>,
      %get3A_1101 = arith.constant 9 : i32
      %get3A_1102 = arith.index_cast %get3A_1101 : i32 to index
      %get3A_1103 = arith.constant 0 : index
      %get3A_1104 = tpu.vector_load %arg9[%get3A_1102, %get3A_1103] {strides = array<i32>} : memref<16x128xf32, #tpu.memory_space<vmem>>, vector<16xf32>,
      %max3A_1105 = arith.maximumf %get3A_1100, %get3A_1104 : vector<16xf32>
      %add3A_1106 = arith.constant 0 : i32
      %add3A_1107 = arith.addi %mul3A_1096, %add3A_1106 : i32
      %swap3A_1108 = arith.index_cast %add3A_1107 : i32 to index
      %swap3A_1109 = tpu.vector_load %arg10[%swap3A_1108] {strides = array<i32>} : memref<2176xf32, #tpu.memory_space<vmem>>, vector<16xf32>,
      tpu.vector_store %arg10[%swap3A_1108], %max3A_1105 {strides = array<i32>} : memref<2176xf32, #tpu.memory_space<vmem>>, vector<16xf32>,
      %add3A_1110 = arith.constant 16 : i32
      %add3A_1111 = arith.addi %mul3A_1096, %add3A_1110 : i32
      %get3A_1112 = arith.index_cast %add3A_1111 : i32 to index
      %get3A_1113 = tpu.vector_load %arg10[%get3A_1112] {strides = array<i32>} : memref<2176xf32, #tpu.memory_space<vmem>>, vector<16xf32>,
      %get3A_1114 = arith.constant 9 : i32
      %get3A_1115 = arith.index_cast %get3A_1114 : i32 to index
      %get3A_1116 = arith.constant 16 : index
      %get3A_1117 = tpu.vector_load %arg9[%get3A_1115, %get3A_1116] {strides = array<i32>} : memref<16x128xf32, #tpu.memory_space<vmem>>, vector<16xf32>,
      %max3A_1118 = arith.maximumf %get3A_1113, %get3A_1117 : vector<16xf32>
      %add3A_1119 = arith.constant 16 : i32
      %add3A_1120 = arith.addi %mul3A_1096, %add3A_1119 : i32
      %swap3A_1121 = arith.index_cast %add3A_1120 : i32 to index
      %swap3A_1122 = tpu.vector_load %arg10[%swap3A_1121] {strides = array<i32>} : memref<2176xf32, #tpu.memory_space<vmem>>, vector<16xf32>,
      tpu.vector_store %arg10[%swap3A_1121], %max3A_1118 {strides = array<i32>} : memref<2176xf32, #tpu.memory_space<vmem>>, vector<16xf32>,
      %add3A_1123 = arith.constant 32 : i32
      %add3A_1124 = arith.addi %mul3A_1096, %add3A_1123 : i32
      %get3A_1125 = arith.index_cast %add3A_1124 : i32 to index
      %get3A_1126 = tpu.vector_load %arg10[%get3A_1125] {strides = array<i32>} : memref<2176xf32, #tpu.memory_space<vmem>>, vector<16xf32>,
      %get3A_1127 = arith.constant 9 : i32
      %get3A_1128 = arith.index_cast %get3A_1127 : i32 to index
      %get3A_1129 = arith.constant 32 : index
      %get3A_1130 = tpu.vector_load %arg9[%get3A_1128, %get3A_1129] {strides = array<i32>} : memref<16x128xf32, #tpu.memory_space<vmem>>, vector<16xf32>,
      %max3A_1131 = arith.maximumf %get3A_1126, %get3A_1130 : vector<16xf32>
      %add3A_1132 = arith.constant 32 : i32
      %add3A_1133 = arith.addi %mul3A_1096, %add3A_1132 : i32
      %swap3A_1134 = arith.index_cast %add3A_1133 : i32 to index
      %swap3A_1135 = tpu.vector_load %arg10[%swap3A_1134] {strides = array<i32>} : memref<2176xf32, #tpu.memory_space<vmem>>, vector<16xf32>,
      tpu.vector_store %arg10[%swap3A_1134], %max3A_1131 {strides = array<i32>} : memref<2176xf32, #tpu.memory_space<vmem>>, vector<16xf32>,
      %add3A_1136 = arith.constant 48 : i32
      %add3A_1137 = arith.addi %mul3A_1096, %add3A_1136 : i32
      %get3A_1138 = arith.index_cast %add3A_1137 : i32 to index
      %get3A_1139 = tpu.vector_load %arg10[%get3A_1138] {strides = array<i32>} : memref<2176xf32, #tpu.memory_space<vmem>>, vector<16xf32>,
      %get3A_1140 = arith.constant 9 : i32
      %get3A_1141 = arith.index_cast %get3A_1140 : i32 to index
      %get3A_1142 = arith.constant 48 : index
      %get3A_1143 = tpu.vector_load %arg9[%get3A_1141, %get3A_1142] {strides = array<i32>} : memref<16x128xf32, #tpu.memory_space<vmem>>, vector<16xf32>,
      %max3A_1144 = arith.maximumf %get3A_1139, %get3A_1143 : vector<16xf32>
      %add3A_1145 = arith.constant 48 : i32
      %add3A_1146 = arith.addi %mul3A_1096, %add3A_1145 : i32
      %swap3A_1147 = arith.index_cast %add3A_1146 : i32 to index
      %swap3A_1148 = tpu.vector_load %arg10[%swap3A_1147] {strides = array<i32>} : memref<2176xf32, #tpu.memory_space<vmem>>, vector<16xf32>,
      tpu.vector_store %arg10[%swap3A_1147], %max3A_1144 {strides = array<i32>} : memref<2176xf32, #tpu.memory_space<vmem>>, vector<16xf32>,
      %add3A_1149 = arith.constant 64 : i32
      %add3A_1150 = arith.addi %mul3A_1096, %add3A_1149 : i32
      %get3A_1151 = arith.index_cast %add3A_1150 : i32 to index
      %get3A_1152 = tpu.vector_load %arg10[%get3A_1151] {strides = array<i32>} : memref<2176xf32, #tpu.memory_space<vmem>>, vector<16xf32>,
      %get3A_1153 = arith.constant 9 : i32
      %get3A_1154 = arith.index_cast %get3A_1153 : i32 to index
      %get3A_1155 = arith.constant 64 : index
      %get3A_1156 = tpu.vector_load %arg9[%get3A_1154, %get3A_1155] {strides = array<i32>} : memref<16x128xf32, #tpu.memory_space<vmem>>, vector<16xf32>,
      %max3A_1157 = arith.maximumf %get3A_1152, %get3A_1156 : vector<16xf32>
      %add3A_1158 = arith.constant 64 : i32
      %add3A_1159 = arith.addi %mul3A_1096, %add3A_1158 : i32
      %swap3A_1160 = arith.index_cast %add3A_1159 : i32 to index
      %swap3A_1161 = tpu.vector_load %arg10[%swap3A_1160] {strides = array<i32>} : memref<2176xf32, #tpu.memory_space<vmem>>, vector<16xf32>,
      tpu.vector_store %arg10[%swap3A_1160], %max3A_1157 {strides = array<i32>} : memref<2176xf32, #tpu.memory_space<vmem>>, vector<16xf32>,
      %add3A_1162 = arith.constant 80 : i32
      %add3A_1163 = arith.addi %mul3A_1096, %add3A_1162 : i32
      %get3A_1164 = arith.index_cast %add3A_1163 : i32 to index
      %get3A_1165 = tpu.vector_load %arg10[%get3A_1164] {strides = array<i32>} : memref<2176xf32, #tpu.memory_space<vmem>>, vector<16xf32>,
      %get3A_1166 = arith.constant 9 : i32
      %get3A_1167 = arith.index_cast %get3A_1166 : i32 to index
      %get3A_1168 = arith.constant 80 : index
      %get3A_1169 = tpu.vector_load %arg9[%get3A_1167, %get3A_1168] {strides = array<i32>} : memref<16x128xf32, #tpu.memory_space<vmem>>, vector<16xf32>,
      %max3A_1170 = arith.maximumf %get3A_1165, %get3A_1169 : vector<16xf32>
      %add3A_1171 = arith.constant 80 : i32
      %add3A_1172 = arith.addi %mul3A_1096, %add3A_1171 : i32
      %swap3A_1173 = arith.index_cast %add3A_1172 : i32 to index
      %swap3A_1174 = tpu.vector_load %arg10[%swap3A_1173] {strides = array<i32>} : memref<2176xf32, #tpu.memory_space<vmem>>, vector<16xf32>,
      tpu.vector_store %arg10[%swap3A_1173], %max3A_1170 {strides = array<i32>} : memref<2176xf32, #tpu.memory_space<vmem>>, vector<16xf32>,
      %add3A_1175 = arith.constant 96 : i32
      %add3A_1176 = arith.addi %mul3A_1096, %add3A_1175 : i32
      %get3A_1177 = arith.index_cast %add3A_1176 : i32 to index
      %get3A_1178 = tpu.vector_load %arg10[%get3A_1177] {strides = array<i32>} : memref<2176xf32, #tpu.memory_space<vmem>>, vector<16xf32>,
      %get3A_1179 = arith.constant 9 : i32
      %get3A_1180 = arith.index_cast %get3A_1179 : i32 to index
      %get3A_1181 = arith.constant 96 : index
      %get3A_1182 = tpu.vector_load %arg9[%get3A_1180, %get3A_1181] {strides = array<i32>} : memref<16x128xf32, #tpu.memory_space<vmem>>, vector<16xf32>,
      %max3A_1183 = arith.maximumf %get3A_1178, %get3A_1182 : vector<16xf32>
      %add3A_1184 = arith.constant 96 : i32
      %add3A_1185 = arith.addi %mul3A_1096, %add3A_1184 : i32
      %swap3A_1186 = arith.index_cast %add3A_1185 : i32 to index
      %swap3A_1187 = tpu.vector_load %arg10[%swap3A_1186] {strides = array<i32>} : memref<2176xf32, #tpu.memory_space<vmem>>, vector<16xf32>,
      tpu.vector_store %arg10[%swap3A_1186], %max3A_1183 {strides = array<i32>} : memref<2176xf32, #tpu.memory_space<vmem>>, vector<16xf32>,
      %add3A_1188 = arith.constant 112 : i32
      %add3A_1189 = arith.addi %mul3A_1096, %add3A_1188 : i32
      %get3A_1190 = arith.index_cast %add3A_1189 : i32 to index
      %get3A_1191 = tpu.vector_load %arg10[%get3A_1190] {strides = array<i32>} : memref<2176xf32, #tpu.memory_space<vmem>>, vector<16xf32>,
      %get3A_1192 = arith.constant 9 : i32
      %get3A_1193 = arith.index_cast %get3A_1192 : i32 to index
      %get3A_1194 = arith.constant 112 : index
      %get3A_1195 = tpu.vector_load %arg9[%get3A_1193, %get3A_1194] {strides = array<i32>} : memref<16x128xf32, #tpu.memory_space<vmem>>, vector<16xf32>,
      %max3A_1196 = arith.maximumf %get3A_1191, %get3A_1195 : vector<16xf32>
      %add3A_1197 = arith.constant 112 : i32
      %add3A_1198 = arith.addi %mul3A_1096, %add3A_1197 : i32
      %swap3A_1199 = arith.index_cast %add3A_1198 : i32 to index
      %swap3A_1200 = tpu.vector_load %arg10[%swap3A_1199] {strides = array<i32>} : memref<2176xf32, #tpu.memory_space<vmem>>, vector<16xf32>,
      tpu.vector_store %arg10[%swap3A_1199], %max3A_1196 {strides = array<i32>} : memref<2176xf32, #tpu.memory_space<vmem>>, vector<16xf32>,
      %slice3A_1201 = vector.extract_strided_slice %select_n3A_107 {offsets = [10], sizes = [1], strides = [1]} : vector<16xi32> to vector<1xi32>
      %squeeze3A_1202 = vector.extract %slice3A_1201[0] : i32 from vector<1xi32>
      %mul3A_1203 = arith.constant 128 : i32
      %mul3A_1204 = arith.muli %squeeze3A_1202, %mul3A_1203 : i32
      %add3A_1205 = arith.constant 0 : i32
      %add3A_1206 = arith.addi %mul3A_1204, %add3A_1205 : i32
      %get3A_1207 = arith.index_cast %add3A_1206 : i32 to index
      %get3A_1208 = tpu.vector_load %arg10[%get3A_1207] {strides = array<i32>} : memref<2176xf32, #tpu.memory_space<vmem>>, vector<16xf32>,
      %get3A_1209 = arith.constant 10 : i32
      %get3A_1210 = arith.index_cast %get3A_1209 : i32 to index
      %get3A_1211 = arith.constant 0 : index
      %get3A_1212 = tpu.vector_load %arg9[%get3A_1210, %get3A_1211] {strides = array<i32>} : memref<16x128xf32, #tpu.memory_space<vmem>>, vector<16xf32>,
      %max3A_1213 = arith.maximumf %get3A_1208, %get3A_1212 : vector<16xf32>
      %add3A_1214 = arith.constant 0 : i32
      %add3A_1215 = arith.addi %mul3A_1204, %add3A_1214 : i32
      %swap3A_1216 = arith.index_cast %add3A_1215 : i32 to index
      %swap3A_1217 = tpu.vector_load %arg10[%swap3A_1216] {strides = array<i32>} : memref<2176xf32, #tpu.memory_space<vmem>>, vector<16xf32>,
      tpu.vector_store %arg10[%swap3A_1216], %max3A_1213 {strides = array<i32>} : memref<2176xf32, #tpu.memory_space<vmem>>, vector<16xf32>,
      %add3A_1218 = arith.constant 16 : i32
      %add3A_1219 = arith.addi %mul3A_1204, %add3A_1218 : i32
      %get3A_1220 = arith.index_cast %add3A_1219 : i32 to index
      %get3A_1221 = tpu.vector_load %arg10[%get3A_1220] {strides = array<i32>} : memref<2176xf32, #tpu.memory_space<vmem>>, vector<16xf32>,
      %get3A_1222 = arith.constant 10 : i32
      %get3A_1223 = arith.index_cast %get3A_1222 : i32 to index
      %get3A_1224 = arith.constant 16 : index
      %get3A_1225 = tpu.vector_load %arg9[%get3A_1223, %get3A_1224] {strides = array<i32>} : memref<16x128xf32, #tpu.memory_space<vmem>>, vector<16xf32>,
      %max3A_1226 = arith.maximumf %get3A_1221, %get3A_1225 : vector<16xf32>
      %add3A_1227 = arith.constant 16 : i32
      %add3A_1228 = arith.addi %mul3A_1204, %add3A_1227 : i32
      %swap3A_1229 = arith.index_cast %add3A_1228 : i32 to index
      %swap3A_1230 = tpu.vector_load %arg10[%swap3A_1229] {strides = array<i32>} : memref<2176xf32, #tpu.memory_space<vmem>>, vector<16xf32>,
      tpu.vector_store %arg10[%swap3A_1229], %max3A_1226 {strides = array<i32>} : memref<2176xf32, #tpu.memory_space<vmem>>, vector<16xf32>,
      %add3A_1231 = arith.constant 32 : i32
      %add3A_1232 = arith.addi %mul3A_1204, %add3A_1231 : i32
      %get3A_1233 = arith.index_cast %add3A_1232 : i32 to index
      %get3A_1234 = tpu.vector_load %arg10[%get3A_1233] {strides = array<i32>} : memref<2176xf32, #tpu.memory_space<vmem>>, vector<16xf32>,
      %get3A_1235 = arith.constant 10 : i32
      %get3A_1236 = arith.index_cast %get3A_1235 : i32 to index
      %get3A_1237 = arith.constant 32 : index
      %get3A_1238 = tpu.vector_load %arg9[%get3A_1236, %get3A_1237] {strides = array<i32>} : memref<16x128xf32, #tpu.memory_space<vmem>>, vector<16xf32>,
      %max3A_1239 = arith.maximumf %get3A_1234, %get3A_1238 : vector<16xf32>
      %add3A_1240 = arith.constant 32 : i32
      %add3A_1241 = arith.addi %mul3A_1204, %add3A_1240 : i32
      %swap3A_1242 = arith.index_cast %add3A_1241 : i32 to index
      %swap3A_1243 = tpu.vector_load %arg10[%swap3A_1242] {strides = array<i32>} : memref<2176xf32, #tpu.memory_space<vmem>>, vector<16xf32>,
      tpu.vector_store %arg10[%swap3A_1242], %max3A_1239 {strides = array<i32>} : memref<2176xf32, #tpu.memory_space<vmem>>, vector<16xf32>,
      %add3A_1244 = arith.constant 48 : i32
      %add3A_1245 = arith.addi %mul3A_1204, %add3A_1244 : i32
      %get3A_1246 = arith.index_cast %add3A_1245 : i32 to index
      %get3A_1247 = tpu.vector_load %arg10[%get3A_1246] {strides = array<i32>} : memref<2176xf32, #tpu.memory_space<vmem>>, vector<16xf32>,
      %get3A_1248 = arith.constant 10 : i32
      %get3A_1249 = arith.index_cast %get3A_1248 : i32 to index
      %get3A_1250 = arith.constant 48 : index
      %get3A_1251 = tpu.vector_load %arg9[%get3A_1249, %get3A_1250] {strides = array<i32>} : memref<16x128xf32, #tpu.memory_space<vmem>>, vector<16xf32>,
      %max3A_1252 = arith.maximumf %get3A_1247, %get3A_1251 : vector<16xf32>
      %add3A_1253 = arith.constant 48 : i32
      %add3A_1254 = arith.addi %mul3A_1204, %add3A_1253 : i32
      %swap3A_1255 = arith.index_cast %add3A_1254 : i32 to index
      %swap3A_1256 = tpu.vector_load %arg10[%swap3A_1255] {strides = array<i32>} : memref<2176xf32, #tpu.memory_space<vmem>>, vector<16xf32>,
      tpu.vector_store %arg10[%swap3A_1255], %max3A_1252 {strides = array<i32>} : memref<2176xf32, #tpu.memory_space<vmem>>, vector<16xf32>,
      %add3A_1257 = arith.constant 64 : i32
      %add3A_1258 = arith.addi %mul3A_1204, %add3A_1257 : i32
      %get3A_1259 = arith.index_cast %add3A_1258 : i32 to index
      %get3A_1260 = tpu.vector_load %arg10[%get3A_1259] {strides = array<i32>} : memref<2176xf32, #tpu.memory_space<vmem>>, vector<16xf32>,
      %get3A_1261 = arith.constant 10 : i32
      %get3A_1262 = arith.index_cast %get3A_1261 : i32 to index
      %get3A_1263 = arith.constant 64 : index
      %get3A_1264 = tpu.vector_load %arg9[%get3A_1262, %get3A_1263] {strides = array<i32>} : memref<16x128xf32, #tpu.memory_space<vmem>>, vector<16xf32>,
      %max3A_1265 = arith.maximumf %get3A_1260, %get3A_1264 : vector<16xf32>
      %add3A_1266 = arith.constant 64 : i32
      %add3A_1267 = arith.addi %mul3A_1204, %add3A_1266 : i32
      %swap3A_1268 = arith.index_cast %add3A_1267 : i32 to index
      %swap3A_1269 = tpu.vector_load %arg10[%swap3A_1268] {strides = array<i32>} : memref<2176xf32, #tpu.memory_space<vmem>>, vector<16xf32>,
      tpu.vector_store %arg10[%swap3A_1268], %max3A_1265 {strides = array<i32>} : memref<2176xf32, #tpu.memory_space<vmem>>, vector<16xf32>,
      %add3A_1270 = arith.constant 80 : i32
      %add3A_1271 = arith.addi %mul3A_1204, %add3A_1270 : i32
      %get3A_1272 = arith.index_cast %add3A_1271 : i32 to index
      %get3A_1273 = tpu.vector_load %arg10[%get3A_1272] {strides = array<i32>} : memref<2176xf32, #tpu.memory_space<vmem>>, vector<16xf32>,
      %get3A_1274 = arith.constant 10 : i32
      %get3A_1275 = arith.index_cast %get3A_1274 : i32 to index
      %get3A_1276 = arith.constant 80 : index
      %get3A_1277 = tpu.vector_load %arg9[%get3A_1275, %get3A_1276] {strides = array<i32>} : memref<16x128xf32, #tpu.memory_space<vmem>>, vector<16xf32>,
      %max3A_1278 = arith.maximumf %get3A_1273, %get3A_1277 : vector<16xf32>
      %add3A_1279 = arith.constant 80 : i32
      %add3A_1280 = arith.addi %mul3A_1204, %add3A_1279 : i32
      %swap3A_1281 = arith.index_cast %add3A_1280 : i32 to index
      %swap3A_1282 = tpu.vector_load %arg10[%swap3A_1281] {strides = array<i32>} : memref<2176xf32, #tpu.memory_space<vmem>>, vector<16xf32>,
      tpu.vector_store %arg10[%swap3A_1281], %max3A_1278 {strides = array<i32>} : memref<2176xf32, #tpu.memory_space<vmem>>, vector<16xf32>,
      %add3A_1283 = arith.constant 96 : i32
      %add3A_1284 = arith.addi %mul3A_1204, %add3A_1283 : i32
      %get3A_1285 = arith.index_cast %add3A_1284 : i32 to index
      %get3A_1286 = tpu.vector_load %arg10[%get3A_1285] {strides = array<i32>} : memref<2176xf32, #tpu.memory_space<vmem>>, vector<16xf32>,
      %get3A_1287 = arith.constant 10 : i32
      %get3A_1288 = arith.index_cast %get3A_1287 : i32 to index
      %get3A_1289 = arith.constant 96 : index
      %get3A_1290 = tpu.vector_load %arg9[%get3A_1288, %get3A_1289] {strides = array<i32>} : memref<16x128xf32, #tpu.memory_space<vmem>>, vector<16xf32>,
      %max3A_1291 = arith.maximumf %get3A_1286, %get3A_1290 : vector<16xf32>
      %add3A_1292 = arith.constant 96 : i32
      %add3A_1293 = arith.addi %mul3A_1204, %add3A_1292 : i32
      %swap3A_1294 = arith.index_cast %add3A_1293 : i32 to index
      %swap3A_1295 = tpu.vector_load %arg10[%swap3A_1294] {strides = array<i32>} : memref<2176xf32, #tpu.memory_space<vmem>>, vector<16xf32>,
      tpu.vector_store %arg10[%swap3A_1294], %max3A_1291 {strides = array<i32>} : memref<2176xf32, #tpu.memory_space<vmem>>, vector<16xf32>,
      %add3A_1296 = arith.constant 112 : i32
      %add3A_1297 = arith.addi %mul3A_1204, %add3A_1296 : i32
      %get3A_1298 = arith.index_cast %add3A_1297 : i32 to index
      %get3A_1299 = tpu.vector_load %arg10[%get3A_1298] {strides = array<i32>} : memref<2176xf32, #tpu.memory_space<vmem>>, vector<16xf32>,
      %get3A_1300 = arith.constant 10 : i32
      %get3A_1301 = arith.index_cast %get3A_1300 : i32 to index
      %get3A_1302 = arith.constant 112 : index
      %get3A_1303 = tpu.vector_load %arg9[%get3A_1301, %get3A_1302] {strides = array<i32>} : memref<16x128xf32, #tpu.memory_space<vmem>>, vector<16xf32>,
      %max3A_1304 = arith.maximumf %get3A_1299, %get3A_1303 : vector<16xf32>
      %add3A_1305 = arith.constant 112 : i32
      %add3A_1306 = arith.addi %mul3A_1204, %add3A_1305 : i32
      %swap3A_1307 = arith.index_cast %add3A_1306 : i32 to index
      %swap3A_1308 = tpu.vector_load %arg10[%swap3A_1307] {strides = array<i32>} : memref<2176xf32, #tpu.memory_space<vmem>>, vector<16xf32>,
      tpu.vector_store %arg10[%swap3A_1307], %max3A_1304 {strides = array<i32>} : memref<2176xf32, #tpu.memory_space<vmem>>, vector<16xf32>,
      %slice3A_1309 = vector.extract_strided_slice %select_n3A_107 {offsets = [11], sizes = [1], strides = [1]} : vector<16xi32> to vector<1xi32>
      %squeeze3A_1310 = vector.extract %slice3A_1309[0] : i32 from vector<1xi32>
      %mul3A_1311 = arith.constant 128 : i32
      %mul3A_1312 = arith.muli %squeeze3A_1310, %mul3A_1311 : i32
      %add3A_1313 = arith.constant 0 : i32
      %add3A_1314 = arith.addi %mul3A_1312, %add3A_1313 : i32
      %get3A_1315 = arith.index_cast %add3A_1314 : i32 to index
      %get3A_1316 = tpu.vector_load %arg10[%get3A_1315] {strides = array<i32>} : memref<2176xf32, #tpu.memory_space<vmem>>, vector<16xf32>,
      %get3A_1317 = arith.constant 11 : i32
      %get3A_1318 = arith.index_cast %get3A_1317 : i32 to index
      %get3A_1319 = arith.constant 0 : index
      %get3A_1320 = tpu.vector_load %arg9[%get3A_1318, %get3A_1319] {strides = array<i32>} : memref<16x128xf32, #tpu.memory_space<vmem>>, vector<16xf32>,
      %max3A_1321 = arith.maximumf %get3A_1316, %get3A_1320 : vector<16xf32>
      %add3A_1322 = arith.constant 0 : i32
      %add3A_1323 = arith.addi %mul3A_1312, %add3A_1322 : i32
      %swap3A_1324 = arith.index_cast %add3A_1323 : i32 to index
      %swap3A_1325 = tpu.vector_load %arg10[%swap3A_1324] {strides = array<i32>} : memref<2176xf32, #tpu.memory_space<vmem>>, vector<16xf32>,
      tpu.vector_store %arg10[%swap3A_1324], %max3A_1321 {strides = array<i32>} : memref<2176xf32, #tpu.memory_space<vmem>>, vector<16xf32>,
      %add3A_1326 = arith.constant 16 : i32
      %add3A_1327 = arith.addi %mul3A_1312, %add3A_1326 : i32
      %get3A_1328 = arith.index_cast %add3A_1327 : i32 to index
      %get3A_1329 = tpu.vector_load %arg10[%get3A_1328] {strides = array<i32>} : memref<2176xf32, #tpu.memory_space<vmem>>, vector<16xf32>,
      %get3A_1330 = arith.constant 11 : i32
      %get3A_1331 = arith.index_cast %get3A_1330 : i32 to index
      %get3A_1332 = arith.constant 16 : index
      %get3A_1333 = tpu.vector_load %arg9[%get3A_1331, %get3A_1332] {strides = array<i32>} : memref<16x128xf32, #tpu.memory_space<vmem>>, vector<16xf32>,
      %max3A_1334 = arith.maximumf %get3A_1329, %get3A_1333 : vector<16xf32>
      %add3A_1335 = arith.constant 16 : i32
      %add3A_1336 = arith.addi %mul3A_1312, %add3A_1335 : i32
      %swap3A_1337 = arith.index_cast %add3A_1336 : i32 to index
      %swap3A_1338 = tpu.vector_load %arg10[%swap3A_1337] {strides = array<i32>} : memref<2176xf32, #tpu.memory_space<vmem>>, vector<16xf32>,
      tpu.vector_store %arg10[%swap3A_1337], %max3A_1334 {strides = array<i32>} : memref<2176xf32, #tpu.memory_space<vmem>>, vector<16xf32>,
      %add3A_1339 = arith.constant 32 : i32
      %add3A_1340 = arith.addi %mul3A_1312, %add3A_1339 : i32
      %get3A_1341 = arith.index_cast %add3A_1340 : i32 to index
      %get3A_1342 = tpu.vector_load %arg10[%get3A_1341] {strides = array<i32>} : memref<2176xf32, #tpu.memory_space<vmem>>, vector<16xf32>,
      %get3A_1343 = arith.constant 11 : i32
      %get3A_1344 = arith.index_cast %get3A_1343 : i32 to index
      %get3A_1345 = arith.constant 32 : index
      %get3A_1346 = tpu.vector_load %arg9[%get3A_1344, %get3A_1345] {strides = array<i32>} : memref<16x128xf32, #tpu.memory_space<vmem>>, vector<16xf32>,
      %max3A_1347 = arith.maximumf %get3A_1342, %get3A_1346 : vector<16xf32>
      %add3A_1348 = arith.constant 32 : i32
      %add3A_1349 = arith.addi %mul3A_1312, %add3A_1348 : i32
      %swap3A_1350 = arith.index_cast %add3A_1349 : i32 to index
      %swap3A_1351 = tpu.vector_load %arg10[%swap3A_1350] {strides = array<i32>} : memref<2176xf32, #tpu.memory_space<vmem>>, vector<16xf32>,
      tpu.vector_store %arg10[%swap3A_1350], %max3A_1347 {strides = array<i32>} : memref<2176xf32, #tpu.memory_space<vmem>>, vector<16xf32>,
      %add3A_1352 = arith.constant 48 : i32
      %add3A_1353 = arith.addi %mul3A_1312, %add3A_1352 : i32
      %get3A_1354 = arith.index_cast %add3A_1353 : i32 to index
      %get3A_1355 = tpu.vector_load %arg10[%get3A_1354] {strides = array<i32>} : memref<2176xf32, #tpu.memory_space<vmem>>, vector<16xf32>,
      %get3A_1356 = arith.constant 11 : i32
      %get3A_1357 = arith.index_cast %get3A_1356 : i32 to index
      %get3A_1358 = arith.constant 48 : index
      %get3A_1359 = tpu.vector_load %arg9[%get3A_1357, %get3A_1358] {strides = array<i32>} : memref<16x128xf32, #tpu.memory_space<vmem>>, vector<16xf32>,
      %max3A_1360 = arith.maximumf %get3A_1355, %get3A_1359 : vector<16xf32>
      %add3A_1361 = arith.constant 48 : i32
      %add3A_1362 = arith.addi %mul3A_1312, %add3A_1361 : i32
      %swap3A_1363 = arith.index_cast %add3A_1362 : i32 to index
      %swap3A_1364 = tpu.vector_load %arg10[%swap3A_1363] {strides = array<i32>} : memref<2176xf32, #tpu.memory_space<vmem>>, vector<16xf32>,
      tpu.vector_store %arg10[%swap3A_1363], %max3A_1360 {strides = array<i32>} : memref<2176xf32, #tpu.memory_space<vmem>>, vector<16xf32>,
      %add3A_1365 = arith.constant 64 : i32
      %add3A_1366 = arith.addi %mul3A_1312, %add3A_1365 : i32
      %get3A_1367 = arith.index_cast %add3A_1366 : i32 to index
      %get3A_1368 = tpu.vector_load %arg10[%get3A_1367] {strides = array<i32>} : memref<2176xf32, #tpu.memory_space<vmem>>, vector<16xf32>,
      %get3A_1369 = arith.constant 11 : i32
      %get3A_1370 = arith.index_cast %get3A_1369 : i32 to index
      %get3A_1371 = arith.constant 64 : index
      %get3A_1372 = tpu.vector_load %arg9[%get3A_1370, %get3A_1371] {strides = array<i32>} : memref<16x128xf32, #tpu.memory_space<vmem>>, vector<16xf32>,
      %max3A_1373 = arith.maximumf %get3A_1368, %get3A_1372 : vector<16xf32>
      %add3A_1374 = arith.constant 64 : i32
      %add3A_1375 = arith.addi %mul3A_1312, %add3A_1374 : i32
      %swap3A_1376 = arith.index_cast %add3A_1375 : i32 to index
      %swap3A_1377 = tpu.vector_load %arg10[%swap3A_1376] {strides = array<i32>} : memref<2176xf32, #tpu.memory_space<vmem>>, vector<16xf32>,
      tpu.vector_store %arg10[%swap3A_1376], %max3A_1373 {strides = array<i32>} : memref<2176xf32, #tpu.memory_space<vmem>>, vector<16xf32>,
      %add3A_1378 = arith.constant 80 : i32
      %add3A_1379 = arith.addi %mul3A_1312, %add3A_1378 : i32
      %get3A_1380 = arith.index_cast %add3A_1379 : i32 to index
      %get3A_1381 = tpu.vector_load %arg10[%get3A_1380] {strides = array<i32>} : memref<2176xf32, #tpu.memory_space<vmem>>, vector<16xf32>,
      %get3A_1382 = arith.constant 11 : i32
      %get3A_1383 = arith.index_cast %get3A_1382 : i32 to index
      %get3A_1384 = arith.constant 80 : index
      %get3A_1385 = tpu.vector_load %arg9[%get3A_1383, %get3A_1384] {strides = array<i32>} : memref<16x128xf32, #tpu.memory_space<vmem>>, vector<16xf32>,
      %max3A_1386 = arith.maximumf %get3A_1381, %get3A_1385 : vector<16xf32>
      %add3A_1387 = arith.constant 80 : i32
      %add3A_1388 = arith.addi %mul3A_1312, %add3A_1387 : i32
      %swap3A_1389 = arith.index_cast %add3A_1388 : i32 to index
      %swap3A_1390 = tpu.vector_load %arg10[%swap3A_1389] {strides = array<i32>} : memref<2176xf32, #tpu.memory_space<vmem>>, vector<16xf32>,
      tpu.vector_store %arg10[%swap3A_1389], %max3A_1386 {strides = array<i32>} : memref<2176xf32, #tpu.memory_space<vmem>>, vector<16xf32>,
      %add3A_1391 = arith.constant 96 : i32
      %add3A_1392 = arith.addi %mul3A_1312, %add3A_1391 : i32
      %get3A_1393 = arith.index_cast %add3A_1392 : i32 to index
      %get3A_1394 = tpu.vector_load %arg10[%get3A_1393] {strides = array<i32>} : memref<2176xf32, #tpu.memory_space<vmem>>, vector<16xf32>,
      %get3A_1395 = arith.constant 11 : i32
      %get3A_1396 = arith.index_cast %get3A_1395 : i32 to index
      %get3A_1397 = arith.constant 96 : index
      %get3A_1398 = tpu.vector_load %arg9[%get3A_1396, %get3A_1397] {strides = array<i32>} : memref<16x128xf32, #tpu.memory_space<vmem>>, vector<16xf32>,
      %max3A_1399 = arith.maximumf %get3A_1394, %get3A_1398 : vector<16xf32>
      %add3A_1400 = arith.constant 96 : i32
      %add3A_1401 = arith.addi %mul3A_1312, %add3A_1400 : i32
      %swap3A_1402 = arith.index_cast %add3A_1401 : i32 to index
      %swap3A_1403 = tpu.vector_load %arg10[%swap3A_1402] {strides = array<i32>} : memref<2176xf32, #tpu.memory_space<vmem>>, vector<16xf32>,
      tpu.vector_store %arg10[%swap3A_1402], %max3A_1399 {strides = array<i32>} : memref<2176xf32, #tpu.memory_space<vmem>>, vector<16xf32>,
      %add3A_1404 = arith.constant 112 : i32
      %add3A_1405 = arith.addi %mul3A_1312, %add3A_1404 : i32
      %get3A_1406 = arith.index_cast %add3A_1405 : i32 to index
      %get3A_1407 = tpu.vector_load %arg10[%get3A_1406] {strides = array<i32>} : memref<2176xf32, #tpu.memory_space<vmem>>, vector<16xf32>,
      %get3A_1408 = arith.constant 11 : i32
      %get3A_1409 = arith.index_cast %get3A_1408 : i32 to index
      %get3A_1410 = arith.constant 112 : index
      %get3A_1411 = tpu.vector_load %arg9[%get3A_1409, %get3A_1410] {strides = array<i32>} : memref<16x128xf32, #tpu.memory_space<vmem>>, vector<16xf32>,
      %max3A_1412 = arith.maximumf %get3A_1407, %get3A_1411 : vector<16xf32>
      %add3A_1413 = arith.constant 112 : i32
      %add3A_1414 = arith.addi %mul3A_1312, %add3A_1413 : i32
      %swap3A_1415 = arith.index_cast %add3A_1414 : i32 to index
      %swap3A_1416 = tpu.vector_load %arg10[%swap3A_1415] {strides = array<i32>} : memref<2176xf32, #tpu.memory_space<vmem>>, vector<16xf32>,
      tpu.vector_store %arg10[%swap3A_1415], %max3A_1412 {strides = array<i32>} : memref<2176xf32, #tpu.memory_space<vmem>>, vector<16xf32>,
      %slice3A_1417 = vector.extract_strided_slice %select_n3A_107 {offsets = [12], sizes = [1], strides = [1]} : vector<16xi32> to vector<1xi32>
      %squeeze3A_1418 = vector.extract %slice3A_1417[0] : i32 from vector<1xi32>
      %mul3A_1419 = arith.constant 128 : i32
      %mul3A_1420 = arith.muli %squeeze3A_1418, %mul3A_1419 : i32
      %add3A_1421 = arith.constant 0 : i32
      %add3A_1422 = arith.addi %mul3A_1420, %add3A_1421 : i32
      %get3A_1423 = arith.index_cast %add3A_1422 : i32 to index
      %get3A_1424 = tpu.vector_load %arg10[%get3A_1423] {strides = array<i32>} : memref<2176xf32, #tpu.memory_space<vmem>>, vector<16xf32>,
      %get3A_1425 = arith.constant 12 : i32
      %get3A_1426 = arith.index_cast %get3A_1425 : i32 to index
      %get3A_1427 = arith.constant 0 : index
      %get3A_1428 = tpu.vector_load %arg9[%get3A_1426, %get3A_1427] {strides = array<i32>} : memref<16x128xf32, #tpu.memory_space<vmem>>, vector<16xf32>,
      %max3A_1429 = arith.maximumf %get3A_1424, %get3A_1428 : vector<16xf32>
      %add3A_1430 = arith.constant 0 : i32
      %add3A_1431 = arith.addi %mul3A_1420, %add3A_1430 : i32
      %swap3A_1432 = arith.index_cast %add3A_1431 : i32 to index
      %swap3A_1433 = tpu.vector_load %arg10[%swap3A_1432] {strides = array<i32>} : memref<2176xf32, #tpu.memory_space<vmem>>, vector<16xf32>,
      tpu.vector_store %arg10[%swap3A_1432], %max3A_1429 {strides = array<i32>} : memref<2176xf32, #tpu.memory_space<vmem>>, vector<16xf32>,
      %add3A_1434 = arith.constant 16 : i32
      %add3A_1435 = arith.addi %mul3A_1420, %add3A_1434 : i32
      %get3A_1436 = arith.index_cast %add3A_1435 : i32 to index
      %get3A_1437 = tpu.vector_load %arg10[%get3A_1436] {strides = array<i32>} : memref<2176xf32, #tpu.memory_space<vmem>>, vector<16xf32>,
      %get3A_1438 = arith.constant 12 : i32
      %get3A_1439 = arith.index_cast %get3A_1438 : i32 to index
      %get3A_1440 = arith.constant 16 : index
      %get3A_1441 = tpu.vector_load %arg9[%get3A_1439, %get3A_1440] {strides = array<i32>} : memref<16x128xf32, #tpu.memory_space<vmem>>, vector<16xf32>,
      %max3A_1442 = arith.maximumf %get3A_1437, %get3A_1441 : vector<16xf32>
      %add3A_1443 = arith.constant 16 : i32
      %add3A_1444 = arith.addi %mul3A_1420, %add3A_1443 : i32
      %swap3A_1445 = arith.index_cast %add3A_1444 : i32 to index
      %swap3A_1446 = tpu.vector_load %arg10[%swap3A_1445] {strides = array<i32>} : memref<2176xf32, #tpu.memory_space<vmem>>, vector<16xf32>,
      tpu.vector_store %arg10[%swap3A_1445], %max3A_1442 {strides = array<i32>} : memref<2176xf32, #tpu.memory_space<vmem>>, vector<16xf32>,
      %add3A_1447 = arith.constant 32 : i32
      %add3A_1448 = arith.addi %mul3A_1420, %add3A_1447 : i32
      %get3A_1449 = arith.index_cast %add3A_1448 : i32 to index
      %get3A_1450 = tpu.vector_load %arg10[%get3A_1449] {strides = array<i32>} : memref<2176xf32, #tpu.memory_space<vmem>>, vector<16xf32>,
      %get3A_1451 = arith.constant 12 : i32
      %get3A_1452 = arith.index_cast %get3A_1451 : i32 to index
      %get3A_1453 = arith.constant 32 : index
      %get3A_1454 = tpu.vector_load %arg9[%get3A_1452, %get3A_1453] {strides = array<i32>} : memref<16x128xf32, #tpu.memory_space<vmem>>, vector<16xf32>,
      %max3A_1455 = arith.maximumf %get3A_1450, %get3A_1454 : vector<16xf32>
      %add3A_1456 = arith.constant 32 : i32
      %add3A_1457 = arith.addi %mul3A_1420, %add3A_1456 : i32
      %swap3A_1458 = arith.index_cast %add3A_1457 : i32 to index
      %swap3A_1459 = tpu.vector_load %arg10[%swap3A_1458] {strides = array<i32>} : memref<2176xf32, #tpu.memory_space<vmem>>, vector<16xf32>,
      tpu.vector_store %arg10[%swap3A_1458], %max3A_1455 {strides = array<i32>} : memref<2176xf32, #tpu.memory_space<vmem>>, vector<16xf32>,
      %add3A_1460 = arith.constant 48 : i32
      %add3A_1461 = arith.addi %mul3A_1420, %add3A_1460 : i32
      %get3A_1462 = arith.index_cast %add3A_1461 : i32 to index
      %get3A_1463 = tpu.vector_load %arg10[%get3A_1462] {strides = array<i32>} : memref<2176xf32, #tpu.memory_space<vmem>>, vector<16xf32>,
      %get3A_1464 = arith.constant 12 : i32
      %get3A_1465 = arith.index_cast %get3A_1464 : i32 to index
      %get3A_1466 = arith.constant 48 : index
      %get3A_1467 = tpu.vector_load %arg9[%get3A_1465, %get3A_1466] {strides = array<i32>} : memref<16x128xf32, #tpu.memory_space<vmem>>, vector<16xf32>,
      %max3A_1468 = arith.maximumf %get3A_1463, %get3A_1467 : vector<16xf32>
      %add3A_1469 = arith.constant 48 : i32
      %add3A_1470 = arith.addi %mul3A_1420, %add3A_1469 : i32
      %swap3A_1471 = arith.index_cast %add3A_1470 : i32 to index
      %swap3A_1472 = tpu.vector_load %arg10[%swap3A_1471] {strides = array<i32>} : memref<2176xf32, #tpu.memory_space<vmem>>, vector<16xf32>,
      tpu.vector_store %arg10[%swap3A_1471], %max3A_1468 {strides = array<i32>} : memref<2176xf32, #tpu.memory_space<vmem>>, vector<16xf32>,
      %add3A_1473 = arith.constant 64 : i32
      %add3A_1474 = arith.addi %mul3A_1420, %add3A_1473 : i32
      %get3A_1475 = arith.index_cast %add3A_1474 : i32 to index
      %get3A_1476 = tpu.vector_load %arg10[%get3A_1475] {strides = array<i32>} : memref<2176xf32, #tpu.memory_space<vmem>>, vector<16xf32>,
      %get3A_1477 = arith.constant 12 : i32
      %get3A_1478 = arith.index_cast %get3A_1477 : i32 to index
      %get3A_1479 = arith.constant 64 : index
      %get3A_1480 = tpu.vector_load %arg9[%get3A_1478, %get3A_1479] {strides = array<i32>} : memref<16x128xf32, #tpu.memory_space<vmem>>, vector<16xf32>,
      %max3A_1481 = arith.maximumf %get3A_1476, %get3A_1480 : vector<16xf32>
      %add3A_1482 = arith.constant 64 : i32
      %add3A_1483 = arith.addi %mul3A_1420, %add3A_1482 : i32
      %swap3A_1484 = arith.index_cast %add3A_1483 : i32 to index
      %swap3A_1485 = tpu.vector_load %arg10[%swap3A_1484] {strides = array<i32>} : memref<2176xf32, #tpu.memory_space<vmem>>, vector<16xf32>,
      tpu.vector_store %arg10[%swap3A_1484], %max3A_1481 {strides = array<i32>} : memref<2176xf32, #tpu.memory_space<vmem>>, vector<16xf32>,
      %add3A_1486 = arith.constant 80 : i32
      %add3A_1487 = arith.addi %mul3A_1420, %add3A_1486 : i32
      %get3A_1488 = arith.index_cast %add3A_1487 : i32 to index
      %get3A_1489 = tpu.vector_load %arg10[%get3A_1488] {strides = array<i32>} : memref<2176xf32, #tpu.memory_space<vmem>>, vector<16xf32>,
      %get3A_1490 = arith.constant 12 : i32
      %get3A_1491 = arith.index_cast %get3A_1490 : i32 to index
      %get3A_1492 = arith.constant 80 : index
      %get3A_1493 = tpu.vector_load %arg9[%get3A_1491, %get3A_1492] {strides = array<i32>} : memref<16x128xf32, #tpu.memory_space<vmem>>, vector<16xf32>,
      %max3A_1494 = arith.maximumf %get3A_1489, %get3A_1493 : vector<16xf32>
      %add3A_1495 = arith.constant 80 : i32
      %add3A_1496 = arith.addi %mul3A_1420, %add3A_1495 : i32
      %swap3A_1497 = arith.index_cast %add3A_1496 : i32 to index
      %swap3A_1498 = tpu.vector_load %arg10[%swap3A_1497] {strides = array<i32>} : memref<2176xf32, #tpu.memory_space<vmem>>, vector<16xf32>,
      tpu.vector_store %arg10[%swap3A_1497], %max3A_1494 {strides = array<i32>} : memref<2176xf32, #tpu.memory_space<vmem>>, vector<16xf32>,
      %add3A_1499 = arith.constant 96 : i32
      %add3A_1500 = arith.addi %mul3A_1420, %add3A_1499 : i32
      %get3A_1501 = arith.index_cast %add3A_1500 : i32 to index
      %get3A_1502 = tpu.vector_load %arg10[%get3A_1501] {strides = array<i32>} : memref<2176xf32, #tpu.memory_space<vmem>>, vector<16xf32>,
      %get3A_1503 = arith.constant 12 : i32
      %get3A_1504 = arith.index_cast %get3A_1503 : i32 to index
      %get3A_1505 = arith.constant 96 : index
      %get3A_1506 = tpu.vector_load %arg9[%get3A_1504, %get3A_1505] {strides = array<i32>} : memref<16x128xf32, #tpu.memory_space<vmem>>, vector<16xf32>,
      %max3A_1507 = arith.maximumf %get3A_1502, %get3A_1506 : vector<16xf32>
      %add3A_1508 = arith.constant 96 : i32
      %add3A_1509 = arith.addi %mul3A_1420, %add3A_1508 : i32
      %swap3A_1510 = arith.index_cast %add3A_1509 : i32 to index
      %swap3A_1511 = tpu.vector_load %arg10[%swap3A_1510] {strides = array<i32>} : memref<2176xf32, #tpu.memory_space<vmem>>, vector<16xf32>,
      tpu.vector_store %arg10[%swap3A_1510], %max3A_1507 {strides = array<i32>} : memref<2176xf32, #tpu.memory_space<vmem>>, vector<16xf32>,
      %add3A_1512 = arith.constant 112 : i32
      %add3A_1513 = arith.addi %mul3A_1420, %add3A_1512 : i32
      %get3A_1514 = arith.index_cast %add3A_1513 : i32 to index
      %get3A_1515 = tpu.vector_load %arg10[%get3A_1514] {strides = array<i32>} : memref<2176xf32, #tpu.memory_space<vmem>>, vector<16xf32>,
      %get3A_1516 = arith.constant 12 : i32
      %get3A_1517 = arith.index_cast %get3A_1516 : i32 to index
      %get3A_1518 = arith.constant 112 : index
      %get3A_1519 = tpu.vector_load %arg9[%get3A_1517, %get3A_1518] {strides = array<i32>} : memref<16x128xf32, #tpu.memory_space<vmem>>, vector<16xf32>,
      %max3A_1520 = arith.maximumf %get3A_1515, %get3A_1519 : vector<16xf32>
      %add3A_1521 = arith.constant 112 : i32
      %add3A_1522 = arith.addi %mul3A_1420, %add3A_1521 : i32
      %swap3A_1523 = arith.index_cast %add3A_1522 : i32 to index
      %swap3A_1524 = tpu.vector_load %arg10[%swap3A_1523] {strides = array<i32>} : memref<2176xf32, #tpu.memory_space<vmem>>, vector<16xf32>,
      tpu.vector_store %arg10[%swap3A_1523], %max3A_1520 {strides = array<i32>} : memref<2176xf32, #tpu.memory_space<vmem>>, vector<16xf32>,
      %slice3A_1525 = vector.extract_strided_slice %select_n3A_107 {offsets = [13], sizes = [1], strides = [1]} : vector<16xi32> to vector<1xi32>
      %squeeze3A_1526 = vector.extract %slice3A_1525[0] : i32 from vector<1xi32>
      %mul3A_1527 = arith.constant 128 : i32
      %mul3A_1528 = arith.muli %squeeze3A_1526, %mul3A_1527 : i32
      %add3A_1529 = arith.constant 0 : i32
      %add3A_1530 = arith.addi %mul3A_1528, %add3A_1529 : i32
      %get3A_1531 = arith.index_cast %add3A_1530 : i32 to index
      %get3A_1532 = tpu.vector_load %arg10[%get3A_1531] {strides = array<i32>} : memref<2176xf32, #tpu.memory_space<vmem>>, vector<16xf32>,
      %get3A_1533 = arith.constant 13 : i32
      %get3A_1534 = arith.index_cast %get3A_1533 : i32 to index
      %get3A_1535 = arith.constant 0 : index
      %get3A_1536 = tpu.vector_load %arg9[%get3A_1534, %get3A_1535] {strides = array<i32>} : memref<16x128xf32, #tpu.memory_space<vmem>>, vector<16xf32>,
      %max3A_1537 = arith.maximumf %get3A_1532, %get3A_1536 : vector<16xf32>
      %add3A_1538 = arith.constant 0 : i32
      %add3A_1539 = arith.addi %mul3A_1528, %add3A_1538 : i32
      %swap3A_1540 = arith.index_cast %add3A_1539 : i32 to index
      %swap3A_1541 = tpu.vector_load %arg10[%swap3A_1540] {strides = array<i32>} : memref<2176xf32, #tpu.memory_space<vmem>>, vector<16xf32>,
      tpu.vector_store %arg10[%swap3A_1540], %max3A_1537 {strides = array<i32>} : memref<2176xf32, #tpu.memory_space<vmem>>, vector<16xf32>,
      %add3A_1542 = arith.constant 16 : i32
      %add3A_1543 = arith.addi %mul3A_1528, %add3A_1542 : i32
      %get3A_1544 = arith.index_cast %add3A_1543 : i32 to index
      %get3A_1545 = tpu.vector_load %arg10[%get3A_1544] {strides = array<i32>} : memref<2176xf32, #tpu.memory_space<vmem>>, vector<16xf32>,
      %get3A_1546 = arith.constant 13 : i32
      %get3A_1547 = arith.index_cast %get3A_1546 : i32 to index
      %get3A_1548 = arith.constant 16 : index
      %get3A_1549 = tpu.vector_load %arg9[%get3A_1547, %get3A_1548] {strides = array<i32>} : memref<16x128xf32, #tpu.memory_space<vmem>>, vector<16xf32>,
      %max3A_1550 = arith.maximumf %get3A_1545, %get3A_1549 : vector<16xf32>
      %add3A_1551 = arith.constant 16 : i32
      %add3A_1552 = arith.addi %mul3A_1528, %add3A_1551 : i32
      %swap3A_1553 = arith.index_cast %add3A_1552 : i32 to index
      %swap3A_1554 = tpu.vector_load %arg10[%swap3A_1553] {strides = array<i32>} : memref<2176xf32, #tpu.memory_space<vmem>>, vector<16xf32>,
      tpu.vector_store %arg10[%swap3A_1553], %max3A_1550 {strides = array<i32>} : memref<2176xf32, #tpu.memory_space<vmem>>, vector<16xf32>,
      %add3A_1555 = arith.constant 32 : i32
      %add3A_1556 = arith.addi %mul3A_1528, %add3A_1555 : i32
      %get3A_1557 = arith.index_cast %add3A_1556 : i32 to index
      %get3A_1558 = tpu.vector_load %arg10[%get3A_1557] {strides = array<i32>} : memref<2176xf32, #tpu.memory_space<vmem>>, vector<16xf32>,
      %get3A_1559 = arith.constant 13 : i32
      %get3A_1560 = arith.index_cast %get3A_1559 : i32 to index
      %get3A_1561 = arith.constant 32 : index
      %get3A_1562 = tpu.vector_load %arg9[%get3A_1560, %get3A_1561] {strides = array<i32>} : memref<16x128xf32, #tpu.memory_space<vmem>>, vector<16xf32>,
      %max3A_1563 = arith.maximumf %get3A_1558, %get3A_1562 : vector<16xf32>
      %add3A_1564 = arith.constant 32 : i32
      %add3A_1565 = arith.addi %mul3A_1528, %add3A_1564 : i32
      %swap3A_1566 = arith.index_cast %add3A_1565 : i32 to index
      %swap3A_1567 = tpu.vector_load %arg10[%swap3A_1566] {strides = array<i32>} : memref<2176xf32, #tpu.memory_space<vmem>>, vector<16xf32>,
      tpu.vector_store %arg10[%swap3A_1566], %max3A_1563 {strides = array<i32>} : memref<2176xf32, #tpu.memory_space<vmem>>, vector<16xf32>,
      %add3A_1568 = arith.constant 48 : i32
      %add3A_1569 = arith.addi %mul3A_1528, %add3A_1568 : i32
      %get3A_1570 = arith.index_cast %add3A_1569 : i32 to index
      %get3A_1571 = tpu.vector_load %arg10[%get3A_1570] {strides = array<i32>} : memref<2176xf32, #tpu.memory_space<vmem>>, vector<16xf32>,
      %get3A_1572 = arith.constant 13 : i32
      %get3A_1573 = arith.index_cast %get3A_1572 : i32 to index
      %get3A_1574 = arith.constant 48 : index
      %get3A_1575 = tpu.vector_load %arg9[%get3A_1573, %get3A_1574] {strides = array<i32>} : memref<16x128xf32, #tpu.memory_space<vmem>>, vector<16xf32>,
      %max3A_1576 = arith.maximumf %get3A_1571, %get3A_1575 : vector<16xf32>
      %add3A_1577 = arith.constant 48 : i32
      %add3A_1578 = arith.addi %mul3A_1528, %add3A_1577 : i32
      %swap3A_1579 = arith.index_cast %add3A_1578 : i32 to index
      %swap3A_1580 = tpu.vector_load %arg10[%swap3A_1579] {strides = array<i32>} : memref<2176xf32, #tpu.memory_space<vmem>>, vector<16xf32>,
      tpu.vector_store %arg10[%swap3A_1579], %max3A_1576 {strides = array<i32>} : memref<2176xf32, #tpu.memory_space<vmem>>, vector<16xf32>,
      %add3A_1581 = arith.constant 64 : i32
      %add3A_1582 = arith.addi %mul3A_1528, %add3A_1581 : i32
      %get3A_1583 = arith.index_cast %add3A_1582 : i32 to index
      %get3A_1584 = tpu.vector_load %arg10[%get3A_1583] {strides = array<i32>} : memref<2176xf32, #tpu.memory_space<vmem>>, vector<16xf32>,
      %get3A_1585 = arith.constant 13 : i32
      %get3A_1586 = arith.index_cast %get3A_1585 : i32 to index
      %get3A_1587 = arith.constant 64 : index
      %get3A_1588 = tpu.vector_load %arg9[%get3A_1586, %get3A_1587] {strides = array<i32>} : memref<16x128xf32, #tpu.memory_space<vmem>>, vector<16xf32>,
      %max3A_1589 = arith.maximumf %get3A_1584, %get3A_1588 : vector<16xf32>
      %add3A_1590 = arith.constant 64 : i32
      %add3A_1591 = arith.addi %mul3A_1528, %add3A_1590 : i32
      %swap3A_1592 = arith.index_cast %add3A_1591 : i32 to index
      %swap3A_1593 = tpu.vector_load %arg10[%swap3A_1592] {strides = array<i32>} : memref<2176xf32, #tpu.memory_space<vmem>>, vector<16xf32>,
      tpu.vector_store %arg10[%swap3A_1592], %max3A_1589 {strides = array<i32>} : memref<2176xf32, #tpu.memory_space<vmem>>, vector<16xf32>,
      %add3A_1594 = arith.constant 80 : i32
      %add3A_1595 = arith.addi %mul3A_1528, %add3A_1594 : i32
      %get3A_1596 = arith.index_cast %add3A_1595 : i32 to index
      %get3A_1597 = tpu.vector_load %arg10[%get3A_1596] {strides = array<i32>} : memref<2176xf32, #tpu.memory_space<vmem>>, vector<16xf32>,
      %get3A_1598 = arith.constant 13 : i32
      %get3A_1599 = arith.index_cast %get3A_1598 : i32 to index
      %get3A_1600 = arith.constant 80 : index
      %get3A_1601 = tpu.vector_load %arg9[%get3A_1599, %get3A_1600] {strides = array<i32>} : memref<16x128xf32, #tpu.memory_space<vmem>>, vector<16xf32>,
      %max3A_1602 = arith.maximumf %get3A_1597, %get3A_1601 : vector<16xf32>
      %add3A_1603 = arith.constant 80 : i32
      %add3A_1604 = arith.addi %mul3A_1528, %add3A_1603 : i32
      %swap3A_1605 = arith.index_cast %add3A_1604 : i32 to index
      %swap3A_1606 = tpu.vector_load %arg10[%swap3A_1605] {strides = array<i32>} : memref<2176xf32, #tpu.memory_space<vmem>>, vector<16xf32>,
      tpu.vector_store %arg10[%swap3A_1605], %max3A_1602 {strides = array<i32>} : memref<2176xf32, #tpu.memory_space<vmem>>, vector<16xf32>,
      %add3A_1607 = arith.constant 96 : i32
      %add3A_1608 = arith.addi %mul3A_1528, %add3A_1607 : i32
      %get3A_1609 = arith.index_cast %add3A_1608 : i32 to index
      %get3A_1610 = tpu.vector_load %arg10[%get3A_1609] {strides = array<i32>} : memref<2176xf32, #tpu.memory_space<vmem>>, vector<16xf32>,
      %get3A_1611 = arith.constant 13 : i32
      %get3A_1612 = arith.index_cast %get3A_1611 : i32 to index
      %get3A_1613 = arith.constant 96 : index
      %get3A_1614 = tpu.vector_load %arg9[%get3A_1612, %get3A_1613] {strides = array<i32>} : memref<16x128xf32, #tpu.memory_space<vmem>>, vector<16xf32>,
      %max3A_1615 = arith.maximumf %get3A_1610, %get3A_1614 : vector<16xf32>
      %add3A_1616 = arith.constant 96 : i32
      %add3A_1617 = arith.addi %mul3A_1528, %add3A_1616 : i32
      %swap3A_1618 = arith.index_cast %add3A_1617 : i32 to index
      %swap3A_1619 = tpu.vector_load %arg10[%swap3A_1618] {strides = array<i32>} : memref<2176xf32, #tpu.memory_space<vmem>>, vector<16xf32>,
      tpu.vector_store %arg10[%swap3A_1618], %max3A_1615 {strides = array<i32>} : memref<2176xf32, #tpu.memory_space<vmem>>, vector<16xf32>,
      %add3A_1620 = arith.constant 112 : i32
      %add3A_1621 = arith.addi %mul3A_1528, %add3A_1620 : i32
      %get3A_1622 = arith.index_cast %add3A_1621 : i32 to index
      %get3A_1623 = tpu.vector_load %arg10[%get3A_1622] {strides = array<i32>} : memref<2176xf32, #tpu.memory_space<vmem>>, vector<16xf32>,
      %get3A_1624 = arith.constant 13 : i32
      %get3A_1625 = arith.index_cast %get3A_1624 : i32 to index
      %get3A_1626 = arith.constant 112 : index
      %get3A_1627 = tpu.vector_load %arg9[%get3A_1625, %get3A_1626] {strides = array<i32>} : memref<16x128xf32, #tpu.memory_space<vmem>>, vector<16xf32>,
      %max3A_1628 = arith.maximumf %get3A_1623, %get3A_1627 : vector<16xf32>
      %add3A_1629 = arith.constant 112 : i32
      %add3A_1630 = arith.addi %mul3A_1528, %add3A_1629 : i32
      %swap3A_1631 = arith.index_cast %add3A_1630 : i32 to index
      %swap3A_1632 = tpu.vector_load %arg10[%swap3A_1631] {strides = array<i32>} : memref<2176xf32, #tpu.memory_space<vmem>>, vector<16xf32>,
      tpu.vector_store %arg10[%swap3A_1631], %max3A_1628 {strides = array<i32>} : memref<2176xf32, #tpu.memory_space<vmem>>, vector<16xf32>,
      %slice3A_1633 = vector.extract_strided_slice %select_n3A_107 {offsets = [14], sizes = [1], strides = [1]} : vector<16xi32> to vector<1xi32>
      %squeeze3A_1634 = vector.extract %slice3A_1633[0] : i32 from vector<1xi32>
      %mul3A_1635 = arith.constant 128 : i32
      %mul3A_1636 = arith.muli %squeeze3A_1634, %mul3A_1635 : i32
      %add3A_1637 = arith.constant 0 : i32
      %add3A_1638 = arith.addi %mul3A_1636, %add3A_1637 : i32
      %get3A_1639 = arith.index_cast %add3A_1638 : i32 to index
      %get3A_1640 = tpu.vector_load %arg10[%get3A_1639] {strides = array<i32>} : memref<2176xf32, #tpu.memory_space<vmem>>, vector<16xf32>,
      %get3A_1641 = arith.constant 14 : i32
      %get3A_1642 = arith.index_cast %get3A_1641 : i32 to index
      %get3A_1643 = arith.constant 0 : index
      %get3A_1644 = tpu.vector_load %arg9[%get3A_1642, %get3A_1643] {strides = array<i32>} : memref<16x128xf32, #tpu.memory_space<vmem>>, vector<16xf32>,
      %max3A_1645 = arith.maximumf %get3A_1640, %get3A_1644 : vector<16xf32>
      %add3A_1646 = arith.constant 0 : i32
      %add3A_1647 = arith.addi %mul3A_1636, %add3A_1646 : i32
      %swap3A_1648 = arith.index_cast %add3A_1647 : i32 to index
      %swap3A_1649 = tpu.vector_load %arg10[%swap3A_1648] {strides = array<i32>} : memref<2176xf32, #tpu.memory_space<vmem>>, vector<16xf32>,
      tpu.vector_store %arg10[%swap3A_1648], %max3A_1645 {strides = array<i32>} : memref<2176xf32, #tpu.memory_space<vmem>>, vector<16xf32>,
      %add3A_1650 = arith.constant 16 : i32
      %add3A_1651 = arith.addi %mul3A_1636, %add3A_1650 : i32
      %get3A_1652 = arith.index_cast %add3A_1651 : i32 to index
      %get3A_1653 = tpu.vector_load %arg10[%get3A_1652] {strides = array<i32>} : memref<2176xf32, #tpu.memory_space<vmem>>, vector<16xf32>,
      %get3A_1654 = arith.constant 14 : i32
      %get3A_1655 = arith.index_cast %get3A_1654 : i32 to index
      %get3A_1656 = arith.constant 16 : index
      %get3A_1657 = tpu.vector_load %arg9[%get3A_1655, %get3A_1656] {strides = array<i32>} : memref<16x128xf32, #tpu.memory_space<vmem>>, vector<16xf32>,
      %max3A_1658 = arith.maximumf %get3A_1653, %get3A_1657 : vector<16xf32>
      %add3A_1659 = arith.constant 16 : i32
      %add3A_1660 = arith.addi %mul3A_1636, %add3A_1659 : i32
      %swap3A_1661 = arith.index_cast %add3A_1660 : i32 to index
      %swap3A_1662 = tpu.vector_load %arg10[%swap3A_1661] {strides = array<i32>} : memref<2176xf32, #tpu.memory_space<vmem>>, vector<16xf32>,
      tpu.vector_store %arg10[%swap3A_1661], %max3A_1658 {strides = array<i32>} : memref<2176xf32, #tpu.memory_space<vmem>>, vector<16xf32>,
      %add3A_1663 = arith.constant 32 : i32
      %add3A_1664 = arith.addi %mul3A_1636, %add3A_1663 : i32
      %get3A_1665 = arith.index_cast %add3A_1664 : i32 to index
      %get3A_1666 = tpu.vector_load %arg10[%get3A_1665] {strides = array<i32>} : memref<2176xf32, #tpu.memory_space<vmem>>, vector<16xf32>,
      %get3A_1667 = arith.constant 14 : i32
      %get3A_1668 = arith.index_cast %get3A_1667 : i32 to index
      %get3A_1669 = arith.constant 32 : index
      %get3A_1670 = tpu.vector_load %arg9[%get3A_1668, %get3A_1669] {strides = array<i32>} : memref<16x128xf32, #tpu.memory_space<vmem>>, vector<16xf32>,
      %max3A_1671 = arith.maximumf %get3A_1666, %get3A_1670 : vector<16xf32>
      %add3A_1672 = arith.constant 32 : i32
      %add3A_1673 = arith.addi %mul3A_1636, %add3A_1672 : i32
      %swap3A_1674 = arith.index_cast %add3A_1673 : i32 to index
      %swap3A_1675 = tpu.vector_load %arg10[%swap3A_1674] {strides = array<i32>} : memref<2176xf32, #tpu.memory_space<vmem>>, vector<16xf32>,
      tpu.vector_store %arg10[%swap3A_1674], %max3A_1671 {strides = array<i32>} : memref<2176xf32, #tpu.memory_space<vmem>>, vector<16xf32>,
      %add3A_1676 = arith.constant 48 : i32
      %add3A_1677 = arith.addi %mul3A_1636, %add3A_1676 : i32
      %get3A_1678 = arith.index_cast %add3A_1677 : i32 to index
      %get3A_1679 = tpu.vector_load %arg10[%get3A_1678] {strides = array<i32>} : memref<2176xf32, #tpu.memory_space<vmem>>, vector<16xf32>,
      %get3A_1680 = arith.constant 14 : i32
      %get3A_1681 = arith.index_cast %get3A_1680 : i32 to index
      %get3A_1682 = arith.constant 48 : index
      %get3A_1683 = tpu.vector_load %arg9[%get3A_1681, %get3A_1682] {strides = array<i32>} : memref<16x128xf32, #tpu.memory_space<vmem>>, vector<16xf32>,
      %max3A_1684 = arith.maximumf %get3A_1679, %get3A_1683 : vector<16xf32>
      %add3A_1685 = arith.constant 48 : i32
      %add3A_1686 = arith.addi %mul3A_1636, %add3A_1685 : i32
      %swap3A_1687 = arith.index_cast %add3A_1686 : i32 to index
      %swap3A_1688 = tpu.vector_load %arg10[%swap3A_1687] {strides = array<i32>} : memref<2176xf32, #tpu.memory_space<vmem>>, vector<16xf32>,
      tpu.vector_store %arg10[%swap3A_1687], %max3A_1684 {strides = array<i32>} : memref<2176xf32, #tpu.memory_space<vmem>>, vector<16xf32>,
      %add3A_1689 = arith.constant 64 : i32
      %add3A_1690 = arith.addi %mul3A_1636, %add3A_1689 : i32
      %get3A_1691 = arith.index_cast %add3A_1690 : i32 to index
      %get3A_1692 = tpu.vector_load %arg10[%get3A_1691] {strides = array<i32>} : memref<2176xf32, #tpu.memory_space<vmem>>, vector<16xf32>,
      %get3A_1693 = arith.constant 14 : i32
      %get3A_1694 = arith.index_cast %get3A_1693 : i32 to index
      %get3A_1695 = arith.constant 64 : index
      %get3A_1696 = tpu.vector_load %arg9[%get3A_1694, %get3A_1695] {strides = array<i32>} : memref<16x128xf32, #tpu.memory_space<vmem>>, vector<16xf32>,
      %max3A_1697 = arith.maximumf %get3A_1692, %get3A_1696 : vector<16xf32>
      %add3A_1698 = arith.constant 64 : i32
      %add3A_1699 = arith.addi %mul3A_1636, %add3A_1698 : i32
      %swap3A_1700 = arith.index_cast %add3A_1699 : i32 to index
      %swap3A_1701 = tpu.vector_load %arg10[%swap3A_1700] {strides = array<i32>} : memref<2176xf32, #tpu.memory_space<vmem>>, vector<16xf32>,
      tpu.vector_store %arg10[%swap3A_1700], %max3A_1697 {strides = array<i32>} : memref<2176xf32, #tpu.memory_space<vmem>>, vector<16xf32>,
      %add3A_1702 = arith.constant 80 : i32
      %add3A_1703 = arith.addi %mul3A_1636, %add3A_1702 : i32
      %get3A_1704 = arith.index_cast %add3A_1703 : i32 to index
      %get3A_1705 = tpu.vector_load %arg10[%get3A_1704] {strides = array<i32>} : memref<2176xf32, #tpu.memory_space<vmem>>, vector<16xf32>,
      %get3A_1706 = arith.constant 14 : i32
      %get3A_1707 = arith.index_cast %get3A_1706 : i32 to index
      %get3A_1708 = arith.constant 80 : index
      %get3A_1709 = tpu.vector_load %arg9[%get3A_1707, %get3A_1708] {strides = array<i32>} : memref<16x128xf32, #tpu.memory_space<vmem>>, vector<16xf32>,
      %max3A_1710 = arith.maximumf %get3A_1705, %get3A_1709 : vector<16xf32>
      %add3A_1711 = arith.constant 80 : i32
      %add3A_1712 = arith.addi %mul3A_1636, %add3A_1711 : i32
      %swap3A_1713 = arith.index_cast %add3A_1712 : i32 to index
      %swap3A_1714 = tpu.vector_load %arg10[%swap3A_1713] {strides = array<i32>} : memref<2176xf32, #tpu.memory_space<vmem>>, vector<16xf32>,
      tpu.vector_store %arg10[%swap3A_1713], %max3A_1710 {strides = array<i32>} : memref<2176xf32, #tpu.memory_space<vmem>>, vector<16xf32>,
      %add3A_1715 = arith.constant 96 : i32
      %add3A_1716 = arith.addi %mul3A_1636, %add3A_1715 : i32
      %get3A_1717 = arith.index_cast %add3A_1716 : i32 to index
      %get3A_1718 = tpu.vector_load %arg10[%get3A_1717] {strides = array<i32>} : memref<2176xf32, #tpu.memory_space<vmem>>, vector<16xf32>,
      %get3A_1719 = arith.constant 14 : i32
      %get3A_1720 = arith.index_cast %get3A_1719 : i32 to index
      %get3A_1721 = arith.constant 96 : index
      %get3A_1722 = tpu.vector_load %arg9[%get3A_1720, %get3A_1721] {strides = array<i32>} : memref<16x128xf32, #tpu.memory_space<vmem>>, vector<16xf32>,
      %max3A_1723 = arith.maximumf %get3A_1718, %get3A_1722 : vector<16xf32>
      %add3A_1724 = arith.constant 96 : i32
      %add3A_1725 = arith.addi %mul3A_1636, %add3A_1724 : i32
      %swap3A_1726 = arith.index_cast %add3A_1725 : i32 to index
      %swap3A_1727 = tpu.vector_load %arg10[%swap3A_1726] {strides = array<i32>} : memref<2176xf32, #tpu.memory_space<vmem>>, vector<16xf32>,
      tpu.vector_store %arg10[%swap3A_1726], %max3A_1723 {strides = array<i32>} : memref<2176xf32, #tpu.memory_space<vmem>>, vector<16xf32>,
      %add3A_1728 = arith.constant 112 : i32
      %add3A_1729 = arith.addi %mul3A_1636, %add3A_1728 : i32
      %get3A_1730 = arith.index_cast %add3A_1729 : i32 to index
      %get3A_1731 = tpu.vector_load %arg10[%get3A_1730] {strides = array<i32>} : memref<2176xf32, #tpu.memory_space<vmem>>, vector<16xf32>,
      %get3A_1732 = arith.constant 14 : i32
      %get3A_1733 = arith.index_cast %get3A_1732 : i32 to index
      %get3A_1734 = arith.constant 112 : index
      %get3A_1735 = tpu.vector_load %arg9[%get3A_1733, %get3A_1734] {strides = array<i32>} : memref<16x128xf32, #tpu.memory_space<vmem>>, vector<16xf32>,
      %max3A_1736 = arith.maximumf %get3A_1731, %get3A_1735 : vector<16xf32>
      %add3A_1737 = arith.constant 112 : i32
      %add3A_1738 = arith.addi %mul3A_1636, %add3A_1737 : i32
      %swap3A_1739 = arith.index_cast %add3A_1738 : i32 to index
      %swap3A_1740 = tpu.vector_load %arg10[%swap3A_1739] {strides = array<i32>} : memref<2176xf32, #tpu.memory_space<vmem>>, vector<16xf32>,
      tpu.vector_store %arg10[%swap3A_1739], %max3A_1736 {strides = array<i32>} : memref<2176xf32, #tpu.memory_space<vmem>>, vector<16xf32>,
      %slice3A_1741 = vector.extract_strided_slice %select_n3A_107 {offsets = [15], sizes = [1], strides = [1]} : vector<16xi32> to vector<1xi32>
      %squeeze3A_1742 = vector.extract %slice3A_1741[0] : i32 from vector<1xi32>
      %mul3A_1743 = arith.constant 128 : i32
      %mul3A_1744 = arith.muli %squeeze3A_1742, %mul3A_1743 : i32
      %add3A_1745 = arith.constant 0 : i32
      %add3A_1746 = arith.addi %mul3A_1744, %add3A_1745 : i32
      %get3A_1747 = arith.index_cast %add3A_1746 : i32 to index
      %get3A_1748 = tpu.vector_load %arg10[%get3A_1747] {strides = array<i32>} : memref<2176xf32, #tpu.memory_space<vmem>>, vector<16xf32>,
      %get3A_1749 = arith.constant 15 : i32
      %get3A_1750 = arith.index_cast %get3A_1749 : i32 to index
      %get3A_1751 = arith.constant 0 : index
      %get3A_1752 = tpu.vector_load %arg9[%get3A_1750, %get3A_1751] {strides = array<i32>} : memref<16x128xf32, #tpu.memory_space<vmem>>, vector<16xf32>,
      %max3A_1753 = arith.maximumf %get3A_1748, %get3A_1752 : vector<16xf32>
      %add3A_1754 = arith.constant 0 : i32
      %add3A_1755 = arith.addi %mul3A_1744, %add3A_1754 : i32
      %swap3A_1756 = arith.index_cast %add3A_1755 : i32 to index
      %swap3A_1757 = tpu.vector_load %arg10[%swap3A_1756] {strides = array<i32>} : memref<2176xf32, #tpu.memory_space<vmem>>, vector<16xf32>,
      tpu.vector_store %arg10[%swap3A_1756], %max3A_1753 {strides = array<i32>} : memref<2176xf32, #tpu.memory_space<vmem>>, vector<16xf32>,
      %add3A_1758 = arith.constant 16 : i32
      %add3A_1759 = arith.addi %mul3A_1744, %add3A_1758 : i32
      %get3A_1760 = arith.index_cast %add3A_1759 : i32 to index
      %get3A_1761 = tpu.vector_load %arg10[%get3A_1760] {strides = array<i32>} : memref<2176xf32, #tpu.memory_space<vmem>>, vector<16xf32>,
      %get3A_1762 = arith.constant 15 : i32
      %get3A_1763 = arith.index_cast %get3A_1762 : i32 to index
      %get3A_1764 = arith.constant 16 : index
      %get3A_1765 = tpu.vector_load %arg9[%get3A_1763, %get3A_1764] {strides = array<i32>} : memref<16x128xf32, #tpu.memory_space<vmem>>, vector<16xf32>,
      %max3A_1766 = arith.maximumf %get3A_1761, %get3A_1765 : vector<16xf32>
      %add3A_1767 = arith.constant 16 : i32
      %add3A_1768 = arith.addi %mul3A_1744, %add3A_1767 : i32
      %swap3A_1769 = arith.index_cast %add3A_1768 : i32 to index
      %swap3A_1770 = tpu.vector_load %arg10[%swap3A_1769] {strides = array<i32>} : memref<2176xf32, #tpu.memory_space<vmem>>, vector<16xf32>,
      tpu.vector_store %arg10[%swap3A_1769], %max3A_1766 {strides = array<i32>} : memref<2176xf32, #tpu.memory_space<vmem>>, vector<16xf32>,
      %add3A_1771 = arith.constant 32 : i32
      %add3A_1772 = arith.addi %mul3A_1744, %add3A_1771 : i32
      %get3A_1773 = arith.index_cast %add3A_1772 : i32 to index
      %get3A_1774 = tpu.vector_load %arg10[%get3A_1773] {strides = array<i32>} : memref<2176xf32, #tpu.memory_space<vmem>>, vector<16xf32>,
      %get3A_1775 = arith.constant 15 : i32
      %get3A_1776 = arith.index_cast %get3A_1775 : i32 to index
      %get3A_1777 = arith.constant 32 : index
      %get3A_1778 = tpu.vector_load %arg9[%get3A_1776, %get3A_1777] {strides = array<i32>} : memref<16x128xf32, #tpu.memory_space<vmem>>, vector<16xf32>,
      %max3A_1779 = arith.maximumf %get3A_1774, %get3A_1778 : vector<16xf32>
      %add3A_1780 = arith.constant 32 : i32
      %add3A_1781 = arith.addi %mul3A_1744, %add3A_1780 : i32
      %swap3A_1782 = arith.index_cast %add3A_1781 : i32 to index
      %swap3A_1783 = tpu.vector_load %arg10[%swap3A_1782] {strides = array<i32>} : memref<2176xf32, #tpu.memory_space<vmem>>, vector<16xf32>,
      tpu.vector_store %arg10[%swap3A_1782], %max3A_1779 {strides = array<i32>} : memref<2176xf32, #tpu.memory_space<vmem>>, vector<16xf32>,
      %add3A_1784 = arith.constant 48 : i32
      %add3A_1785 = arith.addi %mul3A_1744, %add3A_1784 : i32
      %get3A_1786 = arith.index_cast %add3A_1785 : i32 to index
      %get3A_1787 = tpu.vector_load %arg10[%get3A_1786] {strides = array<i32>} : memref<2176xf32, #tpu.memory_space<vmem>>, vector<16xf32>,
      %get3A_1788 = arith.constant 15 : i32
      %get3A_1789 = arith.index_cast %get3A_1788 : i32 to index
      %get3A_1790 = arith.constant 48 : index
      %get3A_1791 = tpu.vector_load %arg9[%get3A_1789, %get3A_1790] {strides = array<i32>} : memref<16x128xf32, #tpu.memory_space<vmem>>, vector<16xf32>,
      %max3A_1792 = arith.maximumf %get3A_1787, %get3A_1791 : vector<16xf32>
      %add3A_1793 = arith.constant 48 : i32
      %add3A_1794 = arith.addi %mul3A_1744, %add3A_1793 : i32
      %swap3A_1795 = arith.index_cast %add3A_1794 : i32 to index
      %swap3A_1796 = tpu.vector_load %arg10[%swap3A_1795] {strides = array<i32>} : memref<2176xf32, #tpu.memory_space<vmem>>, vector<16xf32>,
      tpu.vector_store %arg10[%swap3A_1795], %max3A_1792 {strides = array<i32>} : memref<2176xf32, #tpu.memory_space<vmem>>, vector<16xf32>,
      %add3A_1797 = arith.constant 64 : i32
      %add3A_1798 = arith.addi %mul3A_1744, %add3A_1797 : i32
      %get3A_1799 = arith.index_cast %add3A_1798 : i32 to index
      %get3A_1800 = tpu.vector_load %arg10[%get3A_1799] {strides = array<i32>} : memref<2176xf32, #tpu.memory_space<vmem>>, vector<16xf32>,
      %get3A_1801 = arith.constant 15 : i32
      %get3A_1802 = arith.index_cast %get3A_1801 : i32 to index
      %get3A_1803 = arith.constant 64 : index
      %get3A_1804 = tpu.vector_load %arg9[%get3A_1802, %get3A_1803] {strides = array<i32>} : memref<16x128xf32, #tpu.memory_space<vmem>>, vector<16xf32>,
      %max3A_1805 = arith.maximumf %get3A_1800, %get3A_1804 : vector<16xf32>
      %add3A_1806 = arith.constant 64 : i32
      %add3A_1807 = arith.addi %mul3A_1744, %add3A_1806 : i32
      %swap3A_1808 = arith.index_cast %add3A_1807 : i32 to index
      %swap3A_1809 = tpu.vector_load %arg10[%swap3A_1808] {strides = array<i32>} : memref<2176xf32, #tpu.memory_space<vmem>>, vector<16xf32>,
      tpu.vector_store %arg10[%swap3A_1808], %max3A_1805 {strides = array<i32>} : memref<2176xf32, #tpu.memory_space<vmem>>, vector<16xf32>,
      %add3A_1810 = arith.constant 80 : i32
      %add3A_1811 = arith.addi %mul3A_1744, %add3A_1810 : i32
      %get3A_1812 = arith.index_cast %add3A_1811 : i32 to index
      %get3A_1813 = tpu.vector_load %arg10[%get3A_1812] {strides = array<i32>} : memref<2176xf32, #tpu.memory_space<vmem>>, vector<16xf32>,
      %get3A_1814 = arith.constant 15 : i32
      %get3A_1815 = arith.index_cast %get3A_1814 : i32 to index
      %get3A_1816 = arith.constant 80 : index
      %get3A_1817 = tpu.vector_load %arg9[%get3A_1815, %get3A_1816] {strides = array<i32>} : memref<16x128xf32, #tpu.memory_space<vmem>>, vector<16xf32>,
      %max3A_1818 = arith.maximumf %get3A_1813, %get3A_1817 : vector<16xf32>
      %add3A_1819 = arith.constant 80 : i32
      %add3A_1820 = arith.addi %mul3A_1744, %add3A_1819 : i32
      %swap3A_1821 = arith.index_cast %add3A_1820 : i32 to index
      %swap3A_1822 = tpu.vector_load %arg10[%swap3A_1821] {strides = array<i32>} : memref<2176xf32, #tpu.memory_space<vmem>>, vector<16xf32>,
      tpu.vector_store %arg10[%swap3A_1821], %max3A_1818 {strides = array<i32>} : memref<2176xf32, #tpu.memory_space<vmem>>, vector<16xf32>,
      %add3A_1823 = arith.constant 96 : i32
      %add3A_1824 = arith.addi %mul3A_1744, %add3A_1823 : i32
      %get3A_1825 = arith.index_cast %add3A_1824 : i32 to index
      %get3A_1826 = tpu.vector_load %arg10[%get3A_1825] {strides = array<i32>} : memref<2176xf32, #tpu.memory_space<vmem>>, vector<16xf32>,
      %get3A_1827 = arith.constant 15 : i32
      %get3A_1828 = arith.index_cast %get3A_1827 : i32 to index
      %get3A_1829 = arith.constant 96 : index
      %get3A_1830 = tpu.vector_load %arg9[%get3A_1828, %get3A_1829] {strides = array<i32>} : memref<16x128xf32, #tpu.memory_space<vmem>>, vector<16xf32>,
      %max3A_1831 = arith.maximumf %get3A_1826, %get3A_1830 : vector<16xf32>
      %add3A_1832 = arith.constant 96 : i32
      %add3A_1833 = arith.addi %mul3A_1744, %add3A_1832 : i32
      %swap3A_1834 = arith.index_cast %add3A_1833 : i32 to index
      %swap3A_1835 = tpu.vector_load %arg10[%swap3A_1834] {strides = array<i32>} : memref<2176xf32, #tpu.memory_space<vmem>>, vector<16xf32>,
      tpu.vector_store %arg10[%swap3A_1834], %max3A_1831 {strides = array<i32>} : memref<2176xf32, #tpu.memory_space<vmem>>, vector<16xf32>,
      %add3A_1836 = arith.constant 112 : i32
      %add3A_1837 = arith.addi %mul3A_1744, %add3A_1836 : i32
      %get3A_1838 = arith.index_cast %add3A_1837 : i32 to index
      %get3A_1839 = tpu.vector_load %arg10[%get3A_1838] {strides = array<i32>} : memref<2176xf32, #tpu.memory_space<vmem>>, vector<16xf32>,
      %get3A_1840 = arith.constant 15 : i32
      %get3A_1841 = arith.index_cast %get3A_1840 : i32 to index
      %get3A_1842 = arith.constant 112 : index
      %get3A_1843 = tpu.vector_load %arg9[%get3A_1841, %get3A_1842] {strides = array<i32>} : memref<16x128xf32, #tpu.memory_space<vmem>>, vector<16xf32>,
      %max3A_1844 = arith.maximumf %get3A_1839, %get3A_1843 : vector<16xf32>
      %add3A_1845 = arith.constant 112 : i32
      %add3A_1846 = arith.addi %mul3A_1744, %add3A_1845 : i32
      %swap3A_1847 = arith.index_cast %add3A_1846 : i32 to index
      %swap3A_1848 = tpu.vector_load %arg10[%swap3A_1847] {strides = array<i32>} : memref<2176xf32, #tpu.memory_space<vmem>>, vector<16xf32>,
      tpu.vector_store %arg10[%swap3A_1847], %max3A_1844 {strides = array<i32>} : memref<2176xf32, #tpu.memory_space<vmem>>, vector<16xf32>,
    }
    "tpu.region"() ({
      %run_scoped3A = tpu.sem_alloc : memref<!tpu.dma_semaphore, #tpu.memory_space<semaphore_mem>>
      %dma_start3A_95 = arith.constant 0 : i32
      %dma_start3A_96 = tpu.memref_slice %arg10[%dma_start3A_95] : memref<2176xf32, #tpu.memory_space<vmem>> -> memref<2048xf32, #tpu.memory_space<vmem>>
      %dma_start3A_97 = arith.constant 0 : i32
      %dma_start3A_98 = tpu.memref_slice %arg4[%add3A, %dma_start3A_97] : memref<32x2048xf32, #tpu.memory_space<hbm>> -> memref<1x2048xf32, #tpu.memory_space<hbm>>
      %dma_start3A_99 = tpu.memref_squeeze %dma_start3A_98 : memref<1x2048xf32, #tpu.memory_space<hbm>> -> memref<2048xf32, #tpu.memory_space<hbm>>
      %dma_start3A_100 = arith.constant 0 : i32
      %dma_start3A_101 = tpu.memref_slice %arg4[%add3A, %dma_start3A_100] : memref<32x2048xf32, #tpu.memory_space<hbm>> -> memref<1x2048xf32, #tpu.memory_space<hbm>>
      %dma_start3A_102 = tpu.memref_squeeze %dma_start3A_101 : memref<1x2048xf32, #tpu.memory_space<hbm>> -> memref<2048xf32, #tpu.memory_space<hbm>>
      %dma_start3A_103 = arith.constant 0 : i32
      %dma_start3A_104 = tpu.memref_slice %arg10[%dma_start3A_103] : memref<2176xf32, #tpu.memory_space<vmem>> -> memref<2048xf32, #tpu.memory_space<vmem>>
      tpu.enqueue_dma source(%dma_start3A_104 : memref<2048xf32, #tpu.memory_space<vmem>>) target(%dma_start3A_102 : memref<2048xf32, #tpu.memory_space<hbm>>) target_semaphore(%run_scoped3A : memref<!tpu.dma_semaphore, #tpu.memory_space<semaphore_mem>>)
      %dma_wait3A_105 = arith.constant 0 : i32
      %dma_wait3A_106 = tpu.memref_slice %arg10[%dma_wait3A_105] : memref<2176xf32, #tpu.memory_space<vmem>> -> memref<2048xf32, #tpu.memory_space<vmem>>
      %dma_wait3A_107 = arith.constant 0 : i32
      %dma_wait3A_108 = tpu.memref_slice %arg4[%add3A, %dma_wait3A_107] : memref<32x2048xf32, #tpu.memory_space<hbm>> -> memref<1x2048xf32, #tpu.memory_space<hbm>>
      %dma_wait3A_109 = tpu.memref_squeeze %dma_wait3A_108 : memref<1x2048xf32, #tpu.memory_space<hbm>> -> memref<2048xf32, #tpu.memory_space<hbm>>
      %dma_wait3A_110 = arith.constant 0 : i32
      %dma_wait3A_111 = tpu.memref_slice %arg4[%add3A, %dma_wait3A_110] : memref<32x2048xf32, #tpu.memory_space<hbm>> -> memref<1x2048xf32, #tpu.memory_space<hbm>>
      %dma_wait3A_112 = tpu.memref_squeeze %dma_wait3A_111 : memref<1x2048xf32, #tpu.memory_space<hbm>> -> memref<2048xf32, #tpu.memory_space<hbm>>
      %dma_wait3A_113 = arith.constant 0 : i32
      %dma_wait3A_114 = tpu.memref_slice %arg10[%dma_wait3A_113] : memref<2176xf32, #tpu.memory_space<vmem>> -> memref<2048xf32, #tpu.memory_space<vmem>>
      tpu.wait_dma2 semaphore(%run_scoped3A : memref<!tpu.dma_semaphore, #tpu.memory_space<semaphore_mem>>) src(%dma_wait3A_114 : memref<2048xf32, #tpu.memory_space<vmem>>) dst(%dma_wait3A_112 : memref<2048xf32, #tpu.memory_space<hbm>>)
      tpu.yield
    }) : () -> ()
    return
  }
}

module attributes {stable_mosaic.version = 14 : i64} {
  func.func @_tc_body(%arg0: memref<32x16x128xf32, #tpu.memory_space<vmem>>, %arg1: memref<16x128xf32, #tpu.memory_space<vmem>>) attributes {dimension_semantics = [], scalar_prefetch = 0 : i64, scratch_operands = 0 : i64, tpu.core_type = #tpu.core_type<tc>} {
    %get3A = arith.constant 0 : index
    %get3A_0 = arith.constant 0 : index
    %get3A_1 = arith.constant 0 : index
    %get3A_2 = vector.load %arg0[%get3A, %get3A_0, %get3A_1] : memref<32x16x128xf32, #tpu.memory_space<vmem>>, vector<32x16x128xf32>
    %reduce_max3A = arith.constant dense<0xFF800000> : vector<16x128xf32>
    %reduce_max3A_3 = vector.multi_reduction <maximumf>, %get3A_2, %reduce_max3A [0] : vector<32x16x128xf32> to vector<16x128xf32>
    %eq3A = arith.constant 0xFF800000 : f32
    %eq3A_4 = vector.broadcast %eq3A : f32 to vector<16x128xf32>
    %eq3A_5 = arith.cmpf oeq, %reduce_max3A_3, %eq3A_4 : vector<16x128xf32>
    %jit3A = arith.constant 0.000000e+00 : f32
    %broadcast_in_dim3A = vector.broadcast %jit3A : f32 to vector<16x128xf32>
    %select_n3A = arith.select %eq3A_5, %broadcast_in_dim3A, %reduce_max3A_3 : vector<16x128xi1>, vector<16x128xf32>
    %swap3A = arith.constant 0 : index
    %swap3A_6 = arith.constant 0 : index
    %swap3A_7 = vector.load %arg1[%swap3A, %swap3A_6] : memref<16x128xf32, #tpu.memory_space<vmem>>, vector<16x128xf32>
    tpu.vector_store %arg1[%swap3A, %swap3A_6], %select_n3A {strides = array<i32>} : memref<16x128xf32, #tpu.memory_space<vmem>>, vector<16x128xf32>,
    return
  }
}

</mosaic_0001>

<sc_bundles>
// kernel: kernel.4.cloned.1.call-start
scs
__scs_entry_jumppad:
0x0: {  	(pc) =	sbr.rel $0x88, $3  }
0x1: {  	(tag) =	ssettag $0x0;
	lr =	simm.s32 $0x1  }
0x2: {  	[smem:$0x3F9F] =	sst lr;
	_ =	strace $0xD0000000  }
0x3: {  	_ = 	snop  }
0x4: {  	_ = 	snop  }
0x5: {  	_ = 	snop  }
0x6: {  	_ = 	snop  }
0x7: {  	_ = 	snop  }
__scs_overlays_trampoline_lowered:
0x8: {  	[smem:$0x3FAE] =	sst s0  }
0x9: {  	[smem:$0x3FAF] =	sst s1  }
0xa: {  	[smem:$0x3FB0] =	sst s2  }
0xb: {  	[smem:$0x3FB1] =	sst s3  }
0xc: {  	[smem:$0x3FB2] =	sst s4  }
0xd: {  	[smem:$0x3FB3] =	sst s5  }
0xe: {  	[smem:$0x3FB4] =	sst s6  }
0xf: {  	[smem:$0x3FB5] =	sst s7  }
0x10: {  	[smem:$0x3FB6] =	sst s8  }
0x11: {  	[smem:$0x3FB7] =	sst s9;
	s0 =	simm.s32 @!p0 $0x0  }
0x12: {  	s1 =	sld [smem:$0x3F9D];
	s0 =	simm.s32 @p0 $0x1  }
0x13: {  	[smem:$0x3FB8] =	sst s0;
	s0 =	simm.s32 @!p1 $0x0  }
0x14: {  	s2 =	sld [smem:$0x3F9C];
	s0 =	simm.s32 @p1 $0x1  }
0x15: {  	[smem:$0x3FB9] =	sst s0;
	s0 =	simm.s32 @!p2 $0x0  }
0x16: {  	s3 =	sld [smem:$0x3FDB];
	s0 =	simm.s32 @p2 $0x1  }
0x17: {  	s4 =	simm.s32 $0x1BF5;
	[smem:$0x3FBB] =	sst s0  }
0x18: {  	s0 =	sld [smem:$0x3F9E];
	_ =	swait.ge [sflag:s4], $0x0  }
0x19: {  	s7 =	sld [smem:$0x3F9F]  }
0x1a: {  	s8 =	sadd.s32 $0xFFFFE003, lr  }
0x1b: {  	s9 =	sadd.s32 $0xFFFFFEF7, lr;
	s5 =	simm.s32 $0xFFFFFFFF;
	p2 =	slt.u32 s8, $0xFFFFF086  }
0x1c: {  	p1 =	slt.u32 s9, $0xF7A;
	s5 =	simm.s32 @!p2 $0x0  }
0x1d: {  	s5 =	simm.s32 @p1 $0x1;
	p0 =	seq.s32 s7, s2  }
0x1e: {  	s7 =	smul.u32 @!p0 $0xF7A, s2;
	p2 =	seq.s32 @!p0 s5, $0x0  }
0x1f: {  	s9 =	smul.u32 $0xF7A, s1;
	s8 =	simm.s32 @!p0 $0x1BF5;
	p2 =	por !p2, p0  }
0x20: {  	[sflag:s8] =	ssyncset.s32 @!p0 $0xFFFFF086;
	s6 =	sadd.s32 @!p0 s3, s7;
	s7 =	simm.s32 @!p0 $0x108  }
0x21: {  	s3 =	sadd.s32 s3, s9;
	s6 =	sadd.s32 @!p0 $0x88, s6;
	s7 =	simm.s32 @p2 $0x1082  }
0x22: {  	[simem:s7], [sflag:s8] =	dma.local @!p0 [hbm:s6], $0xF7A  }
0x23: {  	s9 =	sor.u32 $0xD0000000, s2;
	s6 =	simm.s32 $0x108;
	_ =	swait.ge @!p0 [sflag:s8], $0x0  }
0x24: {  	s3 =	sadd.s32 $0x88, s3;
	s6 =	simm.s32 @!p1 $0x1082;
	[sflag:s4] =	ssyncset.s32 $0xFFFFF086  }
0x25: {  	[simem:s6], [sflag:s4] =	dma.local [hbm:s3], $0xF7A  }
0x26: {  	[smem:$0x3F9F] =	sst s1;
	(tag) =	ssettag s2;
	_ =	strace s9  }
0x27: {  	s1 =	sld [smem:$0x3FAF]  }
0x28: {  	s2 =	sld [smem:$0x3FB0]  }
0x29: {  	s4 =	sld [smem:$0x3FB2]  }
0x2a: {  	p0 =	seq.s32 s5, $0x0;
	s5 =	sld [smem:$0x3FB3]  }
0x2b: {  	s6 =	sld [smem:$0x3FB4]  }
0x2c: {  	s7 =	sld [smem:$0x3FB5]  }
0x2d: {  	s3 =	simm.s32 $0x108;
	s8 =	sld [smem:$0x3FB6]  }
0x2e: {  	s3 =	simm.s32 @!p0 $0x1082;
	s9 =	sld [smem:$0x3FB7]  }
0x2f: {  	lr =	sadd.s32 s0, s3;
	s0 =	sld [smem:$0x3FAE]  }
0x30: {  	s3 =	sld [smem:$0x3FB1]  }
0x31: {  	[smem:$0x3FBA] =	sst s10  }
0x32: {  	s10 =	sld [smem:$0x3FB8];
	_ =	sdelay $0x3  }
0x33: {  	p0 =	seq.s32 s10, $0x1;
	s10 =	sld [smem:$0x3FBA];
	_ =	sdelay $0x3  }
0x34: {  	[smem:$0x3FBA] =	sst s10  }
0x35: {  	s10 =	sld [smem:$0x3FB9];
	_ =	sdelay $0x3  }
0x36: {  	p1 =	seq.s32 s10, $0x1;
	s10 =	sld [smem:$0x3FBA];
	_ =	sdelay $0x3  }
0x37: {  	[smem:$0x3FBA] =	sst s10  }
0x38: {  	s10 =	sld [smem:$0x3FBB]  }
0x39: {  	_ = 	snop;
	(pc) =	sbr.ind lr, $3  }
0x3a: {  	_ = 	snop  }
0x3b: {  	_ = 	snop  }
0x3c: {  	p2 =	seq.s32 s10, $0x1;
	s10 =	sld [smem:$0x3FBA]  }
0x3d: {  	_ =	shalt  }
0x3e: {  	_ =	shalt  }
0x3f: {  	_ =	shalt  }
0x40: {  	_ =	shalt  }
0x41: {  	_ =	shalt  }
0x42: {  	_ =	shalt  }
0x43: {  	_ =	shalt  }
0x44: {  	_ =	shalt  }
0x45: {  	_ =	shalt  }
0x46: {  	_ =	shalt  }
0x47: {  	_ =	shalt  }
0x48: {  	_ =	shalt  }
0x49: {  	_ =	shalt  }
0x4a: {  	_ =	shalt  }
0x4b: {  	_ =	shalt  }
0x4c: {  	_ =	shalt  }
0x4d: {  	_ =	shalt  }
0x4e: {  	_ =	shalt  }
0x4f: {  	_ =	shalt  }
0x50: {  	_ =	shalt  }
0x51: {  	_ =	shalt  }
0x52: {  	_ =	shalt  }
0x53: {  	_ =	shalt  }
0x54: {  	_ =	shalt  }
0x55: {  	_ =	shalt  }
0x56: {  	_ =	shalt  }
0x57: {  	_ =	shalt  }
0x58: {  	_ =	shalt  }
0x59: {  	_ =	shalt  }
0x5a: {  	_ =	shalt  }
0x5b: {  	_ =	shalt  }
0x5c: {  	_ =	shalt  }
0x5d: {  	_ =	shalt  }
0x5e: {  	_ =	shalt  }
0x5f: {  	_ =	shalt  }
0x60: {  	_ =	shalt  }
0x61: {  	_ =	shalt  }
0x62: {  	_ =	shalt  }
0x63: {  	_ =	shalt  }
0x64: {  	_ =	shalt  }
0x65: {  	_ =	shalt  }
0x66: {  	_ =	shalt  }
0x67: {  	_ =	shalt  }
0x68: {  	_ =	shalt  }
0x69: {  	_ =	shalt  }
0x6a: {  	_ =	shalt  }
0x6b: {  	_ =	shalt  }
0x6c: {  	_ =	shalt  }
0x6d: {  	_ =	shalt  }
0x6e: {  	_ =	shalt  }
0x6f: {  	_ =	shalt  }
0x70: {  	_ =	shalt  }
0x71: {  	_ =	shalt  }
0x72: {  	_ =	shalt  }
0x73: {  	_ =	shalt  }
0x74: {  	_ =	shalt  }
0x75: {  	_ =	shalt  }
0x76: {  	_ =	shalt  }
0x77: {  	_ =	shalt  }
0x78: {  	_ =	shalt  }
0x79: {  	_ =	shalt  }
0x7a: {  	_ =	shalt  }
0x7b: {  	_ =	shalt  }
0x7c: {  	_ =	shalt  }
0x7d: {  	_ =	shalt  }
0x7e: {  	_ =	shalt  }
0x7f: {  	_ =	shalt  }
0x80: {  	_ =	shalt  }
0x81: {  	_ =	shalt  }
0x82: {  	_ =	shalt  }
0x83: {  	_ =	shalt  }
0x84: {  	_ =	shalt  }
0x85: {  	_ =	shalt  }
0x86: {  	_ =	shalt  }
0x87: {  	_ =	shalt  }
.Lfunc_end0:
.L_simem_size_0:
called_computation_lowered:
.L_overlay_start_0:
0x88: {  	s2 =	sld [smem:$0x3FD9]  }
0x89: {  	s3 =	sld [smem:$0x3FFE];
	_ =	sdelay $0x1  }
0x8a: {  	s1 =	srdreg.scid  }
0x8b: {  	s0 =	sand.u32 $0x1, s1  }
0x8c: {  	s17 =	sshll.u32 s0, $0xA;
	s2 =	sadd.s32 s3, s2  }
0x8d: {  	s2 =	sadd.s32 s2, s17  }
0x8e: {  	[smem:$0x3FC6] =	sst s2  }
0x8f: {  	_ = 	snop  }
0x90: {  	s2 =	sld [smem:$0x3FC9];
	(tm) =	ssettm $0x1  }
0x91: {  	s18 =	sld [smem:$0x3FFB];
	_ =	sdelay $0x3  }
0x92: {  	_ =	strace s18  }
0x93: {  	s3 =	sld [smem:$0x3FFC];
	_ =	sdelay $0x3  }
0x94: {  	_ =	strace s3  }
0x95: {  	s3 =	sld [smem:$0x3FFD];
	_ =	sdelay $0x3  }
0x96: {  	_ =	strace s3  }
0x97: {  	_ =	strace $0x8FFFFFFF  }
0x98: {  	s19 =	sld [smem:$0x3FDB];
	_ =	sdelay $0x1  }
0x99: {  	s4 =	simm.s32 $_scs_section_size  }
0x9a: {  	s5 =	simm.s32 $_size__tile_overlayer_lowered;
	s6 =	simm.s32 $_tile_overlayer_lowered  }
0x9b: {  	s22 =	simm.s32 $0x1BFF;
	s21 =	sshll.u32 s6, $0x1;
	s3 =	sadd.s32 s4, s19  }
0x9c: {  	s7 =	simm.s32 $0x0;
	s20 =	sshll.u32 s5, $0x1;
	s5 =	sadd.s32 s21, s3  }
0x9d: {  	[timem:s7], [sflag:s22] =	dma.local [hbm:s5], s20  }
0x9e: {  	_ =	swait.ge [sflag:s22], s20  }
0x9f: {  	s4 =	ssub.s32 $0x0, s20;
	[sflag:s22] =	ssyncset.done $0x0  }
0xa0: {  	[sflag:s22] =	ssyncadd.s32 s4;
	_ =	sdelay $0x1  }
0xa1: {  	s23 =	simm.s32 $0x1B8B  }
0xa2: {  	_ =	swait.ge [sflag:s23], $0x1  }
0xa3: {  	[sflag:s23] =	ssyncset.done $0x0  }
0xa4: {  	s25 =	simm.s32 $0x1B8E;
	s24 =	sld [smem:$0x3FFE];
	[sflag:s23] =	ssyncadd.s32 $0xFFFFFFFF  }
0xa5: {  	s26 =	simm.s32 $execute0_lowered;
	[smem:$0x3FD2] =	sst s25  }
0xa6: {  	s5 =	sshll.u32 s26, $0x1;
	_ =	strace $0x80000046;
	[dreg:$0x1] =	wrdreg $0xFFFFFFFF  }
0xa7: {  	s28 =	simm.s32 $_size_execute0_lowered;
	s3 =	sadd.s32 s3, s5;
	[dreg:$0x0] =	wrdreg $0x0  }
0xa8: {  	s5 =	sshll.u32 s28, $0x1;
	[dreg:$0x2] =	wrdreg s3  }
0xa9: {  	[dreg:$0x3] =	wrdreg s5  }
0xaa: {  	[dreg:$0x4] =	wrdreg $0xC0  }
0xab: {  	_ =	task [dreg:s7], $0x5FFFF  }
0xac: {  	[dreg:$0x1] =	wrdreg $0xFFFFFFFF  }
0xad: {  	[dreg:$0x0] =	wrdreg $0x60  }
0xae: {  	[dreg:$0x2] =	wrdreg s2  }
0xaf: {  	[dreg:$0x3] =	wrdreg s24  }
0xb0: {  	[dreg:$0x4] =	wrdreg $0x87800  }
0xb1: {  	[dreg:$0x5] =	wrdreg $0x9  }
0xb2: {  	_ =	task.clear_ibuf [dreg:s7], $0x6FFFF;
	_ =	strace $0x90000046  }
0xb3: {  	s29 =	simm.s32 $0x9;
	_ =	strace $0x80000048  }
0xb4: {  	_ =	swait.ge [sflag:s29], $0x1  }
0xb5: {  	[sflag:s29] =	ssyncadd.s32 $0xFFFFFFFF  }
0xb6: {  	_ =	strace $0x90000048  }
0xb7: {  	_ =	sfence  }
0xb8: {  	s30 =	sld [smem:$0x0];
	_ =	sdelay $0x2  }
0xb9: {  	s31 =	sshll.u32 s1, $0xD;
	s1 =	sshrl.u32 s1, $0x2  }
0xba: {  	s3 =	sand.u32 $0x4000, s31;
	s1 =	sadd.s32 s1, s30  }
0xbb: {  	s0 =	sor.u32 s3, s0;
	s1 =	sshll.u32 s1, $0x11  }
0xbc: {  	s0 =	sor.u32 s1, s0  }
0xbd: {  	s0 =	sadd.s32 $0x8F2B, s0  }
0xbe: {  	[sflag:s0] =	ssyncadd.remote.s32 $0x1  }
0xbf: {  	_ =	sfence.sel $0xFFFF  }
0xc0: {  	[dreg:$0x0] =	wrdreg $0xFFFFFFFF;
	(pc) =	sbr.abs _section_cstart, $3  }
0xc1: {  	[dreg:$0x1] =	wrdreg $0xFFFFFFFF  }
0xc2: {  	_ =	task.clear_ibuf [dreg:s7], $0x2FFFF;
	_ =	strace $0x9FFFFFFF  }
0xc3: {  	(tm) =	ssettm $0x7FFFFFFF  }
tec
execute0_lowered:
.L_overlay_start_1:
0x0: {  	(tag) =	ssettag $0x1  }
0x1: {  	s0 =	srdreg.scid;
	s4 =	rddreg [dreg:$0x1]  }
0x2: {  	s1 =	stileid.u32;
	s2 =	rddreg [dreg:$0x2];
	s10 =	simm.s32 $0x1  }
0x3: {  	s11 =	simm.s32 $0x4F00;
	s12 =	simm.s32 $0x10;
	s13 =	simm.s32 $0x7680  }
0x4: {  	s14 =	simm.s32 $0x7700;
	s16 =	simm.s32 $0x400;
	s17 =	simm.s32 $0x7F00  }
0x5: {  	s18 =	simm.s32 $0x3;
	s19 =	simm.s32 $0x0;
	s0 =	sand.u32 $0x1, s0  }
0x6: {  	s3 =	sshll.u32 s1, $0x1;
	s7 =	sshll.u32 s1, $0x9;
	p0 =	sne.s32 s1, $0x0  }
0x7: {  	s5 =	sor.u32 s0, s3;
	s3 =	simm.s32 $0x0;
	s0 =	ssub.s32 $0x2, s0  }
0x8: {  	s7 =	sand.u32 $0x1800, s7;
	s9 =	sshrl.u32 @!p0 s2, $0x3;
	s6 =	smul.u32 $0x2710, s5  }
.Ltmp0:
0x9: {  	[smem:$0x7FF] =	sst s3;
	s8 =	sshrl.u32 s0, $0x1;
	(pc) =	sbr.rel .LBB2_1-.Ltmp0, $4  }
0xa: {  	s5 =	sshll.u32 s5, $0x4;
	s7 =	sadd.s32 s7, s4;
	_ =	strace $0x80000047  }
0xb: {  	s0 =	ssub.s32 s0, s8;
	s30 =	sand.u32 $0x70, s5;
	s6 =	sshrl.u32 s6, $0x3  }
0xc: {  	s31 =	sadd.s32 s30, s7;
	s7 =	smax.u32 s0, $0x1;
	s6 =	sadd.s32 s6, s4  }
0xd: {  	v0 =	vimm.f32 $-Inf;
	v1 =	vimm.s32 $0x0;
	v2 =	vlaneseq.u32;
	s4 =	sadd.s32 $0x400, s6;
	s5 =	sadd.s32 $0xA040, s6;
	s6 =	sadd.s32 $0x13E00, s31  }
.LBB2_56:
0xe: {  	s19 =	sadd.s32 $0x1, s19  }
0xf: {  	p1 =	sne.s32 s19, s7  }
.Ltmp1:
0x10: {  	s0 =	simm.s32 $0x80;
	(pc) =	sbr.rel @!p1 .LBB2_57-.Ltmp1, $4  }
0x11: {  	[hbm4b:s6+s0] =	stream.strided.scatter [tilespmem:s17], [sflag:$0x3], $0x800, s16, s0, $0x38;
	[tilespmem:$0x1C000] =	vst v63  }
0x12: {  	_ =	swait.ge [sflag:s18], $0x800  }
0x13: {  	[sflag:s18] =	ssyncset.done $0x0  }
0x14: {  	[sflag:s18] =	ssyncadd.s32 $0xFFFFF800  }
.LBB2_1:
0x15: {  	[tilespmem:s3], [sflag:$0x1] =	stream.linear.gather [hbm4b:s4+s3], $0x2710, $0x38;
	[tilespmem:$0x1C000] =	vst v63  }
0x16: {  	s0 =	simm.s32 $0x2780  }
0x17: {  	[tilespmem:s0], [sflag:$0x1] =	stream.linear.gather [hbm4b:s5+s3], $0x2710, $0x38;
	[tilespmem:$0x1C000] =	vst v63  }
0x18: {  	s1 =	rddreg [dreg:$0x0];
	s0 =	simm.s32 @!p0 $0x1C02  }
0x19: {  	[spmem:s9], [sflag:s0] =	dma.local @!p0 [hbm:s1], $0x27100  }
0x1a: {  	s0 =	simm.s32 $0x40;
	s1 =	simm.s32 $0x0  }
.LBB2_2:
0x1b: {  	p1 =	sne.s32 s0, $0x21C0;
	[tilespmem:s1+$0x7F00] =	vst v0;
	s1 =	smov.u32 s0;
	s0 =	sadd.s32 $0x40, s0  }
.Ltmp2:
0x1c: {  	(pc) =	sbr.rel @p1 .LBB2_2-.Ltmp2, $2  }
0x1d: {  	_ =	sdelay $0x2  }
0x1e: {  	s1 =	sshra.s32 s1, $0x2  }
0x1f: {  	[tilespmem:s1+$0x7F00] =	vst v0  }
0x20: {  	_ =	swait.ge [sflag:s10], $0x2710  }
0x21: {  	[sflag:s10] =	ssyncset.done $0x0  }
.Ltmp3:
0x22: {  	[sflag:s10] =	ssyncadd.s32 $0xFFFFD8F0;
	(pc) =	sbr.rel .LBB2_4-.Ltmp3, $4  }
0x23: {  	_ =	swait.ge [sflag:s10], $0x2710  }
0x24: {  	[sflag:s10] =	ssyncset.done $0x0  }
0x25: {  	s20 =	simm.s32 $0x0;
	[sflag:s10] =	ssyncadd.s32 $0xFFFFD8F0  }
0x26: {  	s21 =	simm.s32 $0x0;
	[smem:$0x0] =	sst s20  }
.LBB2_47:
0x27: {  	s21 =	sadd.s32 $0x1, s21  }
0x28: {  	p1 =	sne.s32 s21, $0x4E  }
.Ltmp4:
0x29: {  	_ = 	snop;
	(pc) =	sbr.rel @!p1 .LBB2_48-.Ltmp4, $1  }
0x2a: {  	_ =	sdelay $0x3  }
.LBB2_4:
0x2b: {  	s22 =	sshll.u32 s21, $0x7  }
0x2c: {  	v3 =	vld [tilespmem:s22+$0x2780]  }
0x2d: {  	v4 =	vld [tilespmem:s22+$0x2790];
	_ =	sdelay $0x2  }
0x2e: {  	v5 =	vld [tilespmem:s22+$0x27A0]  }
0x2f: {  	v7 =	vld [tilespmem:s22+$0x27B0];
	v6 =	vmul.u32 $0x1899D, v3  }
0x30: {  	v9 =	vld [tilespmem:s22+$0x27C0];
	v8 =	vmul.u32 $0x1899D, v4  }
0x31: {  	v6 =	vshrl.u32 v6, $0x1A  }
0x32: {  	v10 =	vld [tilespmem:s22+$0x27D0];
	v8 =	vshrl.u32 v8, $0x1A;
	v6 =	vmul.u32 $0xFFFFFD66, v6  }
0x33: {  	v3 =	vsub.s32 $0x0, v3;
	v11 =	vmul.u32 $0x1899D, v5;
	v8 =	vmul.u32 $0xFFFFFD66, v8  }
0x34: {  	v53 =	vmul.u32 $0x1899D, v7;
	vm1 =	veq.s32 v6, v3;
	v3 =	vsub.s32 $0x0, v4  }
0x35: {  	v55 =	vld [tilespmem:s22+$0x27E0];
	v54 =	vmul.u32 $0x1899D, v9;
	vm0 =	veq.s32 v8, v3;
	v3 =	vshrl.u32 v11, $0x1A  }
0x36: {  	v56 =	vld [tilespmem:s22+$0x27F0];
	v5 =	vsub.s32 $0x0, v5;
	v4 =	vshrl.u32 v53, $0x1A;
	v3 =	vmul.u32 $0xFFFFFD66, v3  }
0x37: {  	v12 =	vmul.u32 $0x1899D, v10;
	v6 =	vshrl.u32 v54, $0x1A;
	v4 =	vmul.u32 $0xFFFFFD66, v4  }
0x38: {  	v57 =	vmul.u32 $0xFFFFFD66, v6;
	vm2 =	veq.s32 v3, v5;
	v3 =	vsub.s32 $0x0, v7  }
0x39: {  	v58 =	vshrl.u32 v12, $0x1A;
	vm4 =	veq.s32 v4, v3;
	v3 =	vsub.s32 $0x0, v9  }
0x3a: {  	v59 =	vmul.u32 $0x1899D, v55;
	vm3 =	veq.s32 v57, v3;
	v3 =	vmul.u32 $0xFFFFFD66, v58  }
0x3b: {  	v60 =	vsub.s32 $0x0, v10;
	v61 =	vmul.u32 $0x1899D, v56;
	vm6 =	vmor vm1, vm0  }
0x3c: {  	vm6 =	vmor vm6, vm2;
	vm5 =	veq.s32 v3, v60;
	v3 =	vshrl.u32 v59, $0x1A  }
0x3d: {  	v62 =	vshrl.u32 v61, $0x1A;
	vm6 =	vmor vm6, vm4;
	v3 =	vmul.u32 $0xFFFFFD66, v3  }
0x3e: {  	v63 =	vsub.s32 $0x0, v55;
	v4 =	vmul.u32 $0xFFFFFD66, v62;
	vm7 =	vmor vm6, vm3  }
0x3f: {  	vm8 =	vmor vm7, vm5;
	vm6 =	veq.s32 v3, v63;
	v3 =	vsub.s32 $0x0, v56  }
0x40: {  	vm7 =	veq.s32 v4, v3;
	vm8 =	vmor vm8, vm6  }
0x41: {  	vm8 =	vmor vm8, vm7  }
0x42: {  	v3 =	vmpcnt.ones.xlane vm8;
	_ =	sdelay $0x1  }
0x43: {  	(v2sf) =	vpush v3, $0x0;
	_ =	sdelay $0xe  }
0x44: {  	s0 =	spop (v2sf)  }
0x45: {  	s0 =	sadd.s32 $0xF, s0  }
0x46: {  	s23 =	sshra.s32 s0, $0x4  }
0x47: {  	p1 =	slt.s32 s23, $0x1  }
.Ltmp5:
0x48: {  	_ = 	snop;
	(pc) =	sbr.rel @p1 .LBB2_47-.Ltmp5, $1  }
0x49: {  	_ =	sdelay $0x3  }
0x4a: {  	v3 =	vmpcnt.ones.xlane vm1;
	_ =	sdelay $0x1  }
0x4b: {  	(v2sf) =	vpush v3, $0x0;
	_ =	sdelay $0xd  }
.Ltmp6:
0x4c: {  	_ = 	snop;
	(pc) =	sbr.rel .LBB2_6-.Ltmp6, $4  }
0x4d: {  	s24 =	sor.u32 $0x10, s22;
	s25 =	sor.u32 $0x20, s22;
	v4 =	vmpcnt.ones.xlane vm2;
	s0 =	spop (v2sf)  }
0x4e: {  	s26 =	sor.u32 $0x30, s22;
	s28 =	sor.u32 $0x40, s22;
	v5 =	vmpcnt.ones.xlane vm4;
	v6 =	vmpcnt.ones.xlane vm3;
	s0 =	sadd.s32 $0xF, s0  }
0x4f: {  	s29 =	sor.u32 $0x50, s22;
	s30 =	sor.u32 $0x60, s22;
	v7 =	vmpcnt.ones.xlane vm5;
	v8 =	vmpcnt.ones.xlane vm6;
	s31 =	sshra.s32 s0, $0x4  }
0x50: {  	s1 =	sor.u32 $0x70, s22;
	v9 =	vmpcnt.ones.xlane vm7;
	v3 =	vmpcnt.ones.xlane vm0;
	s0 =	simm.s32 $0x0;
	p1 =	slt.s32 s31, $0x1  }
.LBB2_45:
0x51: {  	v11 =	vsel vm0, $0x1, v1  }
0x52: {  	(xrf0) =	vadd.scan.msk.s32 $0xffff, v11;
	_ =	sdelay $0x5  }
0x53: {  	v11, _, _ =	vpop (xrf0)  }
0x54: {  	(v2sf) =	vpush v11, $0xF;
	_ =	sdelay $0x9  }
0x55: {  	v12 =	vld [tilespmem:s1+$0x0];
	v13 =	vsel vm0, $0xFFFFFFFF, v1  }
0x56: {  	v13 =	vadd.s32 s20, v13  }
0x57: {  	v11 =	vadd.s32 v11, v13;
	_ =	sdelay $0x2  }
0x58: {  	v12 =	vshll.u32 v12, $0x4;
	s8 =	spop (v2sf)  }
0x59: {  	[smem:$0x0] =	sst @p2 s20;
	v10 =	vadd.s32 v10, v12;
	s20 =	sadd.s32 s20, s8  }
0x5a: {  	[tilespmem:v11+s11+$0x0] =	vst.idx.msk vm0, v10;
	[smem:$0x0] =	sst s20  }
.LBB2_46:
0x5b: {  	s0 =	sadd.s32 $0x1, s0  }
0x5c: {  	p2 =	sne.s32 s0, s23  }
.Ltmp7:
0x5d: {  	_ = 	snop;
	(pc) =	sbr.rel @!p2 .LBB2_47-.Ltmp7, $1  }
0x5e: {  	_ =	sdelay $0x3  }
.LBB2_6:
.Ltmp8:
0x5f: {  	(pc) =	sbr.rel @p1 .LBB2_11-.Ltmp8, $1  }
0x60: {  	_ =	sdelay $0x3  }
0x61: {  	v11 =	vld [tilespmem:s22+$0x2780];
	_ =	sdelay $0x4  }
0x62: {  	p3 =	sne.s32 s31, $0x1;
	v10 =	vmul.u32 $0x1899D, v11  }
.Ltmp9:
0x63: {  	_ = 	snop;
	(pc) =	sbr.rel @!p3 .LBB2_10-.Ltmp9, $4  }
0x64: {  	v10 =	vshrl.u32 v10, $0x1A  }
0x65: {  	v12 =	vmul.u32 $0xFFFFFD66, v10  }
0x66: {  	v11 =	vsub.s32 $0x0, v11  }
0x67: {  	s8 =	sadd.s32 $0xFFFFFFFF, s31;
	p2 =	por $0x0, $0x0;
	vm0 =	veq.s32 v12, v11  }
0x68: {  	v11 =	vsel vm0, $0x1, v1  }
0x69: {  	(xrf0) =	vadd.scan.msk.s32 $0xffff, v11;
	_ =	sdelay $0x4  }
0x6a: {  	v12 =	vsel vm0, $0xFFFFFFFF, v1;
	v11 =	vld [tilespmem:s22+$0x0]  }
0x6b: {  	v12 =	vadd.s32 s20, v12;
	v13, _, _ =	vpop (xrf0)  }
0x6c: {  	v12 =	vadd.s32 v13, v12;
	(v2sf) =	vpush v13, $0xF;
	_ =	sdelay $0x2  }
0x6d: {  	v11 =	vshll.u32 v11, $0x4  }
0x6e: {  	v10 =	vadd.s32 v10, v11  }
0x6f: {  	[tilespmem:v12+s11+$0x0] =	vst.idx.msk vm0, v10  }
0x70: {  	v11 =	vld [tilespmem:s22+$0x2780];
	_ =	sdelay $0x4  }
0x71: {  	p3 =	sne.s32 s8, $0x1;
	v10 =	vmul.u32 $0x1899D, v11  }
.Ltmp10:
0x72: {  	_ = 	snop;
	(pc) =	sbr.rel @!p3 .LBB2_10-.Ltmp10, $4  }
0x73: {  	v10 =	vshrl.u32 v10, $0x1A  }
0x74: {  	v63 =	vmul.u32 $0xFFFFFD66, v10  }
0x75: {  	v11 =	vsub.s32 $0x0, v11;
	s15 =	spop (v2sf)  }
0x76: {  	s8 =	sadd.s32 $0xFFFFFFFF, s8;
	p2 =	por $0x1, $0x1;
	vm0 =	veq.s32 v63, v11;
	s20 =	sadd.s32 s20, s15  }
.LBB2_9:
0x77: {  	p3 =	sne.s32 s8, $0x1;
	s8 =	sadd.s32 $0xFFFFFFFF, s8;
	v11 =	vsel vm0, $0x1, v1;
	[smem:$0x0] =	sst s20  }
0x78: {  	(xrf0) =	vadd.scan.msk.s32 $0xffff, v11;
	_ =	sdelay $0x4  }
0x79: {  	v12 =	vsel vm0, $0xFFFFFFFF, v1;
	v11 =	vld [tilespmem:s22+$0x0]  }
0x7a: {  	v12 =	vadd.s32 s20, v12;
	v13, _, _ =	vpop (xrf0)  }
0x7b: {  	v12 =	vadd.s32 v13, v12;
	(v2sf) =	vpush v13, $0xF;
	_ =	sdelay $0x2  }
0x7c: {  	v11 =	vshll.u32 v11, $0x4  }
0x7d: {  	v10 =	vadd.s32 v10, v11  }
0x7e: {  	[tilespmem:v12+s11+$0x0] =	vst.idx.msk vm0, v10  }
0x7f: {  	v11 =	vld [tilespmem:s22+$0x2780];
	_ =	sdelay $0x4  }
0x80: {  	v10 =	vmul.u32 $0x1899D, v11  }
.Ltmp11:
0x81: {  	(pc) =	sbr.rel @p3 .LBB2_9-.Ltmp11, $4  }
0x82: {  	v10 =	vshrl.u32 v10, $0x1A  }
0x83: {  	v12 =	vmul.u32 $0xFFFFFD66, v10  }
0x84: {  	v11 =	vsub.s32 $0x0, v11;
	s15 =	spop (v2sf)  }
0x85: {  	vm0 =	veq.s32 v12, v11;
	s20 =	sadd.s32 s20, s15  }
.LBB2_10:
0x86: {  	v11 =	vsel vm0, $0x1, v1  }
0x87: {  	(xrf0) =	vadd.scan.msk.s32 $0xffff, v11;
	_ =	sdelay $0x5  }
0x88: {  	v11, _, _ =	vpop (xrf0)  }
0x89: {  	(v2sf) =	vpush v11, $0xF;
	_ =	sdelay $0x9  }
0x8a: {  	v12 =	vld [tilespmem:s22+$0x0];
	v13 =	vsel vm0, $0xFFFFFFFF, v1  }
0x8b: {  	v13 =	vadd.s32 s20, v13  }
0x8c: {  	v11 =	vadd.s32 v11, v13;
	_ =	sdelay $0x2  }
0x8d: {  	v12 =	vshll.u32 v12, $0x4;
	s8 =	spop (v2sf)  }
0x8e: {  	[smem:$0x0] =	sst @p2 s20;
	v10 =	vadd.s32 v10, v12;
	s20 =	sadd.s32 s20, s8  }
0x8f: {  	[tilespmem:v11+s11+$0x0] =	vst.idx.msk vm0, v10;
	[smem:$0x0] =	sst s20  }
.LBB2_11:
0x90: {  	(v2sf) =	vpush v3, $0x0;
	_ =	sdelay $0xe  }
0x91: {  	s8 =	spop (v2sf)  }
0x92: {  	s8 =	sadd.s32 $0xF, s8  }
0x93: {  	s8 =	sshra.s32 s8, $0x4  }
0x94: {  	p2 =	slt.s32 s8, $0x1  }
.Ltmp12:
0x95: {  	_ = 	snop;
	(pc) =	sbr.rel @p2 .LBB2_16-.Ltmp12, $1  }
0x96: {  	_ =	sdelay $0x3  }
0x97: {  	v11 =	vld [tilespmem:s22+$0x2790];
	_ =	sdelay $0x4  }
0x98: {  	p3 =	sne.s32 s8, $0x1;
	v10 =	vmul.u32 $0x1899D, v11  }
.Ltmp13:
0x99: {  	_ = 	snop;
	(pc) =	sbr.rel @!p3 .LBB2_15-.Ltmp13, $4  }
0x9a: {  	v10 =	vshrl.u32 v10, $0x1A  }
0x9b: {  	v12 =	vmul.u32 $0xFFFFFD66, v10  }
0x9c: {  	v11 =	vsub.s32 $0x0, v11  }
0x9d: {  	s8 =	sadd.s32 $0xFFFFFFFF, s8;
	p2 =	por $0x0, $0x0;
	vm0 =	veq.s32 v12, v11  }
0x9e: {  	v11 =	vsel vm0, $0x1, v1  }
0x9f: {  	(xrf0) =	vadd.scan.msk.s32 $0xffff, v11;
	_ =	sdelay $0x4  }
0xa0: {  	v12 =	vsel vm0, $0xFFFFFFFF, v1;
	v11 =	vld [tilespmem:s24+$0x0]  }
0xa1: {  	v12 =	vadd.s32 s20, v12;
	v13, _, _ =	vpop (xrf0)  }
0xa2: {  	v12 =	vadd.s32 v13, v12;
	(v2sf) =	vpush v13, $0xF;
	_ =	sdelay $0x2  }
0xa3: {  	v11 =	vshll.u32 v11, $0x4  }
0xa4: {  	v10 =	vadd.s32 v10, v11  }
0xa5: {  	[tilespmem:v12+s11+$0x0] =	vst.idx.msk vm0, v10  }
0xa6: {  	v11 =	vld [tilespmem:s22+$0x2790];
	_ =	sdelay $0x4  }
0xa7: {  	p3 =	sne.s32 s8, $0x1;
	v10 =	vmul.u32 $0x1899D, v11  }
.Ltmp14:
0xa8: {  	_ = 	snop;
	(pc) =	sbr.rel @!p3 .LBB2_15-.Ltmp14, $4  }
0xa9: {  	v10 =	vshrl.u32 v10, $0x1A  }
0xaa: {  	v63 =	vmul.u32 $0xFFFFFD66, v10  }
0xab: {  	v11 =	vsub.s32 $0x0, v11;
	s15 =	spop (v2sf)  }
0xac: {  	s8 =	sadd.s32 $0xFFFFFFFF, s8;
	p2 =	por $0x1, $0x1;
	vm0 =	veq.s32 v63, v11;
	s20 =	sadd.s32 s20, s15  }
.LBB2_14:
0xad: {  	p3 =	sne.s32 s8, $0x1;
	s8 =	sadd.s32 $0xFFFFFFFF, s8;
	v11 =	vsel vm0, $0x1, v1;
	[smem:$0x0] =	sst s20  }
0xae: {  	(xrf0) =	vadd.scan.msk.s32 $0xffff, v11;
	_ =	sdelay $0x4  }
0xaf: {  	v12 =	vsel vm0, $0xFFFFFFFF, v1;
	v11 =	vld [tilespmem:s24+$0x0]  }
0xb0: {  	v12 =	vadd.s32 s20, v12;
	v13, _, _ =	vpop (xrf0)  }
0xb1: {  	v12 =	vadd.s32 v13, v12;
	(v2sf) =	vpush v13, $0xF;
	_ =	sdelay $0x2  }
0xb2: {  	v11 =	vshll.u32 v11, $0x4  }
0xb3: {  	v10 =	vadd.s32 v10, v11  }
0xb4: {  	[tilespmem:v12+s11+$0x0] =	vst.idx.msk vm0, v10  }
0xb5: {  	v11 =	vld [tilespmem:s22+$0x2790];
	_ =	sdelay $0x4  }
0xb6: {  	v10 =	vmul.u32 $0x1899D, v11  }
.Ltmp15:
0xb7: {  	(pc) =	sbr.rel @p3 .LBB2_14-.Ltmp15, $4  }
0xb8: {  	v10 =	vshrl.u32 v10, $0x1A  }
0xb9: {  	v12 =	vmul.u32 $0xFFFFFD66, v10  }
0xba: {  	v11 =	vsub.s32 $0x0, v11;
	s15 =	spop (v2sf)  }
0xbb: {  	vm0 =	veq.s32 v12, v11;
	s20 =	sadd.s32 s20, s15  }
.LBB2_15:
0xbc: {  	v11 =	vsel vm0, $0x1, v1  }
0xbd: {  	(xrf0) =	vadd.scan.msk.s32 $0xffff, v11;
	_ =	sdelay $0x5  }
0xbe: {  	v11, _, _ =	vpop (xrf0)  }
0xbf: {  	(v2sf) =	vpush v11, $0xF;
	_ =	sdelay $0x9  }
0xc0: {  	v12 =	vld [tilespmem:s24+$0x0];
	v13 =	vsel vm0, $0xFFFFFFFF, v1  }
0xc1: {  	v13 =	vadd.s32 s20, v13  }
0xc2: {  	v11 =	vadd.s32 v11, v13;
	_ =	sdelay $0x2  }
0xc3: {  	v12 =	vshll.u32 v12, $0x4;
	s8 =	spop (v2sf)  }
0xc4: {  	[smem:$0x0] =	sst @p2 s20;
	v10 =	vadd.s32 v10, v12;
	s20 =	sadd.s32 s20, s8  }
0xc5: {  	[tilespmem:v11+s11+$0x0] =	vst.idx.msk vm0, v10;
	[smem:$0x0] =	sst s20  }
.LBB2_16:
0xc6: {  	(v2sf) =	vpush v4, $0x0;
	_ =	sdelay $0xe  }
0xc7: {  	s8 =	spop (v2sf)  }
0xc8: {  	s8 =	sadd.s32 $0xF, s8  }
0xc9: {  	s8 =	sshra.s32 s8, $0x4  }
0xca: {  	p2 =	slt.s32 s8, $0x1  }
.Ltmp16:
0xcb: {  	_ = 	snop;
	(pc) =	sbr.rel @p2 .LBB2_21-.Ltmp16, $1  }
0xcc: {  	_ =	sdelay $0x3  }
0xcd: {  	v11 =	vld [tilespmem:s22+$0x27A0];
	_ =	sdelay $0x4  }
0xce: {  	p3 =	sne.s32 s8, $0x1;
	v10 =	vmul.u32 $0x1899D, v11  }
.Ltmp17:
0xcf: {  	_ = 	snop;
	(pc) =	sbr.rel @!p3 .LBB2_20-.Ltmp17, $4  }
0xd0: {  	v10 =	vshrl.u32 v10, $0x1A  }
0xd1: {  	v12 =	vmul.u32 $0xFFFFFD66, v10  }
0xd2: {  	v11 =	vsub.s32 $0x0, v11  }
0xd3: {  	s8 =	sadd.s32 $0xFFFFFFFF, s8;
	p2 =	por $0x0, $0x0;
	vm0 =	veq.s32 v12, v11  }
0xd4: {  	v11 =	vsel vm0, $0x1, v1  }
0xd5: {  	(xrf0) =	vadd.scan.msk.s32 $0xffff, v11;
	_ =	sdelay $0x4  }
0xd6: {  	v12 =	vsel vm0, $0xFFFFFFFF, v1;
	v11 =	vld [tilespmem:s25+$0x0]  }
0xd7: {  	v12 =	vadd.s32 s20, v12;
	v13, _, _ =	vpop (xrf0)  }
0xd8: {  	v12 =	vadd.s32 v13, v12;
	(v2sf) =	vpush v13, $0xF;
	_ =	sdelay $0x2  }
0xd9: {  	v11 =	vshll.u32 v11, $0x4  }
0xda: {  	v10 =	vadd.s32 v10, v11  }
0xdb: {  	[tilespmem:v12+s11+$0x0] =	vst.idx.msk vm0, v10  }
0xdc: {  	v11 =	vld [tilespmem:s22+$0x27A0];
	_ =	sdelay $0x4  }
0xdd: {  	p3 =	sne.s32 s8, $0x1;
	v10 =	vmul.u32 $0x1899D, v11  }
.Ltmp18:
0xde: {  	_ = 	snop;
	(pc) =	sbr.rel @!p3 .LBB2_20-.Ltmp18, $4  }
0xdf: {  	v10 =	vshrl.u32 v10, $0x1A  }
0xe0: {  	v63 =	vmul.u32 $0xFFFFFD66, v10  }
0xe1: {  	v11 =	vsub.s32 $0x0, v11;
	s15 =	spop (v2sf)  }
0xe2: {  	s8 =	sadd.s32 $0xFFFFFFFF, s8;
	p2 =	por $0x1, $0x1;
	vm0 =	veq.s32 v63, v11;
	s20 =	sadd.s32 s20, s15  }
.LBB2_19:
0xe3: {  	p3 =	sne.s32 s8, $0x1;
	s8 =	sadd.s32 $0xFFFFFFFF, s8;
	v11 =	vsel vm0, $0x1, v1;
	[smem:$0x0] =	sst s20  }
0xe4: {  	(xrf0) =	vadd.scan.msk.s32 $0xffff, v11;
	_ =	sdelay $0x4  }
0xe5: {  	v12 =	vsel vm0, $0xFFFFFFFF, v1;
	v11 =	vld [tilespmem:s25+$0x0]  }
0xe6: {  	v12 =	vadd.s32 s20, v12;
	v13, _, _ =	vpop (xrf0)  }
0xe7: {  	v12 =	vadd.s32 v13, v12;
	(v2sf) =	vpush v13, $0xF;
	_ =	sdelay $0x2  }
0xe8: {  	v11 =	vshll.u32 v11, $0x4  }
0xe9: {  	v10 =	vadd.s32 v10, v11  }
0xea: {  	[tilespmem:v12+s11+$0x0] =	vst.idx.msk vm0, v10  }
0xeb: {  	v11 =	vld [tilespmem:s22+$0x27A0];
	_ =	sdelay $0x4  }
0xec: {  	v10 =	vmul.u32 $0x1899D, v11  }
.Ltmp19:
0xed: {  	(pc) =	sbr.rel @p3 .LBB2_19-.Ltmp19, $4  }
0xee: {  	v10 =	vshrl.u32 v10, $0x1A  }
0xef: {  	v12 =	vmul.u32 $0xFFFFFD66, v10  }
0xf0: {  	v11 =	vsub.s32 $0x0, v11;
	s15 =	spop (v2sf)  }
0xf1: {  	vm0 =	veq.s32 v12, v11;
	s20 =	sadd.s32 s20, s15  }
.LBB2_20:
0xf2: {  	v11 =	vsel vm0, $0x1, v1  }
0xf3: {  	(xrf0) =	vadd.scan.msk.s32 $0xffff, v11;
	_ =	sdelay $0x5  }
0xf4: {  	v11, _, _ =	vpop (xrf0)  }
0xf5: {  	(v2sf) =	vpush v11, $0xF;
	_ =	sdelay $0x9  }
0xf6: {  	v12 =	vld [tilespmem:s25+$0x0];
	v13 =	vsel vm0, $0xFFFFFFFF, v1  }
0xf7: {  	v13 =	vadd.s32 s20, v13  }
0xf8: {  	v11 =	vadd.s32 v11, v13;
	_ =	sdelay $0x2  }
0xf9: {  	v12 =	vshll.u32 v12, $0x4;
	s8 =	spop (v2sf)  }
0xfa: {  	[smem:$0x0] =	sst @p2 s20;
	v10 =	vadd.s32 v10, v12;
	s20 =	sadd.s32 s20, s8  }
0xfb: {  	[tilespmem:v11+s11+$0x0] =	vst.idx.msk vm0, v10;
	[smem:$0x0] =	sst s20  }
.LBB2_21:
0xfc: {  	(v2sf) =	vpush v5, $0x0;
	_ =	sdelay $0xe  }
0xfd: {  	s8 =	spop (v2sf)  }
0xfe: {  	s8 =	sadd.s32 $0xF, s8  }
0xff: {  	s8 =	sshra.s32 s8, $0x4  }
0x100: {  	p2 =	slt.s32 s8, $0x1  }
.Ltmp20:
0x101: {  	_ = 	snop;
	(pc) =	sbr.rel @p2 .LBB2_26-.Ltmp20, $1  }
0x102: {  	_ =	sdelay $0x3  }
0x103: {  	v11 =	vld [tilespmem:s22+$0x27B0];
	_ =	sdelay $0x4  }
0x104: {  	p3 =	sne.s32 s8, $0x1;
	v10 =	vmul.u32 $0x1899D, v11  }
.Ltmp21:
0x105: {  	_ = 	snop;
	(pc) =	sbr.rel @!p3 .LBB2_25-.Ltmp21, $4  }
0x106: {  	v10 =	vshrl.u32 v10, $0x1A  }
0x107: {  	v12 =	vmul.u32 $0xFFFFFD66, v10  }
0x108: {  	v11 =	vsub.s32 $0x0, v11  }
0x109: {  	s8 =	sadd.s32 $0xFFFFFFFF, s8;
	p2 =	por $0x0, $0x0;
	vm0 =	veq.s32 v12, v11  }
0x10a: {  	v11 =	vsel vm0, $0x1, v1  }
0x10b: {  	(xrf0) =	vadd.scan.msk.s32 $0xffff, v11;
	_ =	sdelay $0x4  }
0x10c: {  	v12 =	vsel vm0, $0xFFFFFFFF, v1;
	v11 =	vld [tilespmem:s26+$0x0]  }
0x10d: {  	v12 =	vadd.s32 s20, v12;
	v13, _, _ =	vpop (xrf0)  }
0x10e: {  	v12 =	vadd.s32 v13, v12;
	(v2sf) =	vpush v13, $0xF;
	_ =	sdelay $0x2  }
0x10f: {  	v11 =	vshll.u32 v11, $0x4  }
0x110: {  	v10 =	vadd.s32 v10, v11  }
0x111: {  	[tilespmem:v12+s11+$0x0] =	vst.idx.msk vm0, v10  }
0x112: {  	v11 =	vld [tilespmem:s22+$0x27B0];
	_ =	sdelay $0x4  }
0x113: {  	p3 =	sne.s32 s8, $0x1;
	v10 =	vmul.u32 $0x1899D, v11  }
.Ltmp22:
0x114: {  	_ = 	snop;
	(pc) =	sbr.rel @!p3 .LBB2_25-.Ltmp22, $4  }
0x115: {  	v10 =	vshrl.u32 v10, $0x1A  }
0x116: {  	v63 =	vmul.u32 $0xFFFFFD66, v10  }
0x117: {  	v11 =	vsub.s32 $0x0, v11;
	s15 =	spop (v2sf)  }
0x118: {  	s8 =	sadd.s32 $0xFFFFFFFF, s8;
	p2 =	por $0x1, $0x1;
	vm0 =	veq.s32 v63, v11;
	s20 =	sadd.s32 s20, s15  }
.LBB2_24:
0x119: {  	p3 =	sne.s32 s8, $0x1;
	s8 =	sadd.s32 $0xFFFFFFFF, s8;
	v11 =	vsel vm0, $0x1, v1;
	[smem:$0x0] =	sst s20  }
0x11a: {  	(xrf0) =	vadd.scan.msk.s32 $0xffff, v11;
	_ =	sdelay $0x4  }
0x11b: {  	v12 =	vsel vm0, $0xFFFFFFFF, v1;
	v11 =	vld [tilespmem:s26+$0x0]  }
0x11c: {  	v12 =	vadd.s32 s20, v12;
	v13, _, _ =	vpop (xrf0)  }
0x11d: {  	v12 =	vadd.s32 v13, v12;
	(v2sf) =	vpush v13, $0xF;
	_ =	sdelay $0x2  }
0x11e: {  	v11 =	vshll.u32 v11, $0x4  }
0x11f: {  	v10 =	vadd.s32 v10, v11  }
0x120: {  	[tilespmem:v12+s11+$0x0] =	vst.idx.msk vm0, v10  }
0x121: {  	v11 =	vld [tilespmem:s22+$0x27B0];
	_ =	sdelay $0x4  }
0x122: {  	v10 =	vmul.u32 $0x1899D, v11  }
.Ltmp23:
0x123: {  	(pc) =	sbr.rel @p3 .LBB2_24-.Ltmp23, $4  }
0x124: {  	v10 =	vshrl.u32 v10, $0x1A  }
0x125: {  	v12 =	vmul.u32 $0xFFFFFD66, v10  }
0x126: {  	v11 =	vsub.s32 $0x0, v11;
	s15 =	spop (v2sf)  }
0x127: {  	vm0 =	veq.s32 v12, v11;
	s20 =	sadd.s32 s20, s15  }
.LBB2_25:
0x128: {  	v11 =	vsel vm0, $0x1, v1  }
0x129: {  	(xrf0) =	vadd.scan.msk.s32 $0xffff, v11;
	_ =	sdelay $0x5  }
0x12a: {  	v11, _, _ =	vpop (xrf0)  }
0x12b: {  	(v2sf) =	vpush v11, $0xF;
	_ =	sdelay $0x9  }
0x12c: {  	v12 =	vld [tilespmem:s26+$0x0];
	v13 =	vsel vm0, $0xFFFFFFFF, v1  }
0x12d: {  	v13 =	vadd.s32 s20, v13  }
0x12e: {  	v11 =	vadd.s32 v11, v13;
	_ =	sdelay $0x2  }
0x12f: {  	v12 =	vshll.u32 v12, $0x4;
	s8 =	spop (v2sf)  }
0x130: {  	[smem:$0x0] =	sst @p2 s20;
	v10 =	vadd.s32 v10, v12;
	s20 =	sadd.s32 s20, s8  }
0x131: {  	[tilespmem:v11+s11+$0x0] =	vst.idx.msk vm0, v10;
	[smem:$0x0] =	sst s20  }
.LBB2_26:
0x132: {  	(v2sf) =	vpush v6, $0x0;
	_ =	sdelay $0xe  }
0x133: {  	s8 =	spop (v2sf)  }
0x134: {  	s8 =	sadd.s32 $0xF, s8  }
0x135: {  	s8 =	sshra.s32 s8, $0x4  }
0x136: {  	p2 =	slt.s32 s8, $0x1  }
.Ltmp24:
0x137: {  	_ = 	snop;
	(pc) =	sbr.rel @p2 .LBB2_31-.Ltmp24, $1  }
0x138: {  	_ =	sdelay $0x3  }
0x139: {  	v11 =	vld [tilespmem:s22+$0x27C0];
	_ =	sdelay $0x4  }
0x13a: {  	p3 =	sne.s32 s8, $0x1;
	v10 =	vmul.u32 $0x1899D, v11  }
.Ltmp25:
0x13b: {  	_ = 	snop;
	(pc) =	sbr.rel @!p3 .LBB2_30-.Ltmp25, $4  }
0x13c: {  	v10 =	vshrl.u32 v10, $0x1A  }
0x13d: {  	v12 =	vmul.u32 $0xFFFFFD66, v10  }
0x13e: {  	v11 =	vsub.s32 $0x0, v11  }
0x13f: {  	s8 =	sadd.s32 $0xFFFFFFFF, s8;
	p2 =	por $0x0, $0x0;
	vm0 =	veq.s32 v12, v11  }
0x140: {  	v11 =	vsel vm0, $0x1, v1  }
0x141: {  	(xrf0) =	vadd.scan.msk.s32 $0xffff, v11;
	_ =	sdelay $0x4  }
0x142: {  	v12 =	vsel vm0, $0xFFFFFFFF, v1;
	v11 =	vld [tilespmem:s28+$0x0]  }
0x143: {  	v12 =	vadd.s32 s20, v12;
	v13, _, _ =	vpop (xrf0)  }
0x144: {  	v12 =	vadd.s32 v13, v12;
	(v2sf) =	vpush v13, $0xF;
	_ =	sdelay $0x2  }
0x145: {  	v11 =	vshll.u32 v11, $0x4  }
0x146: {  	v10 =	vadd.s32 v10, v11  }
0x147: {  	[tilespmem:v12+s11+$0x0] =	vst.idx.msk vm0, v10  }
0x148: {  	v11 =	vld [tilespmem:s22+$0x27C0];
	_ =	sdelay $0x4  }
0x149: {  	p3 =	sne.s32 s8, $0x1;
	v10 =	vmul.u32 $0x1899D, v11  }
.Ltmp26:
0x14a: {  	_ = 	snop;
	(pc) =	sbr.rel @!p3 .LBB2_30-.Ltmp26, $4  }
0x14b: {  	v10 =	vshrl.u32 v10, $0x1A  }
0x14c: {  	v63 =	vmul.u32 $0xFFFFFD66, v10  }
0x14d: {  	v11 =	vsub.s32 $0x0, v11;
	s15 =	spop (v2sf)  }
0x14e: {  	s8 =	sadd.s32 $0xFFFFFFFF, s8;
	p2 =	por $0x1, $0x1;
	vm0 =	veq.s32 v63, v11;
	s20 =	sadd.s32 s20, s15  }
.LBB2_29:
0x14f: {  	p3 =	sne.s32 s8, $0x1;
	s8 =	sadd.s32 $0xFFFFFFFF, s8;
	v11 =	vsel vm0, $0x1, v1;
	[smem:$0x0] =	sst s20  }
0x150: {  	(xrf0) =	vadd.scan.msk.s32 $0xffff, v11;
	_ =	sdelay $0x4  }
0x151: {  	v12 =	vsel vm0, $0xFFFFFFFF, v1;
	v11 =	vld [tilespmem:s28+$0x0]  }
0x152: {  	v12 =	vadd.s32 s20, v12;
	v13, _, _ =	vpop (xrf0)  }
0x153: {  	v12 =	vadd.s32 v13, v12;
	(v2sf) =	vpush v13, $0xF;
	_ =	sdelay $0x2  }
0x154: {  	v11 =	vshll.u32 v11, $0x4  }
0x155: {  	v10 =	vadd.s32 v10, v11  }
0x156: {  	[tilespmem:v12+s11+$0x0] =	vst.idx.msk vm0, v10  }
0x157: {  	v11 =	vld [tilespmem:s22+$0x27C0];
	_ =	sdelay $0x4  }
0x158: {  	v10 =	vmul.u32 $0x1899D, v11  }
.Ltmp27:
0x159: {  	(pc) =	sbr.rel @p3 .LBB2_29-.Ltmp27, $4  }
0x15a: {  	v10 =	vshrl.u32 v10, $0x1A  }
0x15b: {  	v12 =	vmul.u32 $0xFFFFFD66, v10  }
0x15c: {  	v11 =	vsub.s32 $0x0, v11;
	s15 =	spop (v2sf)  }
0x15d: {  	vm0 =	veq.s32 v12, v11;
	s20 =	sadd.s32 s20, s15  }
.LBB2_30:
0x15e: {  	v11 =	vsel vm0, $0x1, v1  }
0x15f: {  	(xrf0) =	vadd.scan.msk.s32 $0xffff, v11;
	_ =	sdelay $0x5  }
0x160: {  	v11, _, _ =	vpop (xrf0)  }
0x161: {  	(v2sf) =	vpush v11, $0xF;
	_ =	sdelay $0x9  }
0x162: {  	v12 =	vld [tilespmem:s28+$0x0];
	v13 =	vsel vm0, $0xFFFFFFFF, v1  }
0x163: {  	v13 =	vadd.s32 s20, v13  }
0x164: {  	v11 =	vadd.s32 v11, v13;
	_ =	sdelay $0x2  }
0x165: {  	v12 =	vshll.u32 v12, $0x4;
	s8 =	spop (v2sf)  }
0x166: {  	[smem:$0x0] =	sst @p2 s20;
	v10 =	vadd.s32 v10, v12;
	s20 =	sadd.s32 s20, s8  }
0x167: {  	[tilespmem:v11+s11+$0x0] =	vst.idx.msk vm0, v10;
	[smem:$0x0] =	sst s20  }
.LBB2_31:
0x168: {  	(v2sf) =	vpush v7, $0x0;
	_ =	sdelay $0xe  }
0x169: {  	s8 =	spop (v2sf)  }
0x16a: {  	s8 =	sadd.s32 $0xF, s8  }
0x16b: {  	s8 =	sshra.s32 s8, $0x4  }
0x16c: {  	p2 =	slt.s32 s8, $0x1  }
.Ltmp28:
0x16d: {  	_ = 	snop;
	(pc) =	sbr.rel @p2 .LBB2_36-.Ltmp28, $1  }
0x16e: {  	_ =	sdelay $0x3  }
0x16f: {  	v11 =	vld [tilespmem:s22+$0x27D0];
	_ =	sdelay $0x4  }
0x170: {  	p3 =	sne.s32 s8, $0x1;
	v10 =	vmul.u32 $0x1899D, v11  }
.Ltmp29:
0x171: {  	_ = 	snop;
	(pc) =	sbr.rel @!p3 .LBB2_35-.Ltmp29, $4  }
0x172: {  	v10 =	vshrl.u32 v10, $0x1A  }
0x173: {  	v12 =	vmul.u32 $0xFFFFFD66, v10  }
0x174: {  	v11 =	vsub.s32 $0x0, v11  }
0x175: {  	s8 =	sadd.s32 $0xFFFFFFFF, s8;
	p2 =	por $0x0, $0x0;
	vm0 =	veq.s32 v12, v11  }
0x176: {  	v11 =	vsel vm0, $0x1, v1  }
0x177: {  	(xrf0) =	vadd.scan.msk.s32 $0xffff, v11;
	_ =	sdelay $0x4  }
0x178: {  	v12 =	vsel vm0, $0xFFFFFFFF, v1;
	v11 =	vld [tilespmem:s29+$0x0]  }
0x179: {  	v12 =	vadd.s32 s20, v12;
	v13, _, _ =	vpop (xrf0)  }
0x17a: {  	v12 =	vadd.s32 v13, v12;
	(v2sf) =	vpush v13, $0xF;
	_ =	sdelay $0x2  }
0x17b: {  	v11 =	vshll.u32 v11, $0x4  }
0x17c: {  	v10 =	vadd.s32 v10, v11  }
0x17d: {  	[tilespmem:v12+s11+$0x0] =	vst.idx.msk vm0, v10  }
0x17e: {  	v11 =	vld [tilespmem:s22+$0x27D0];
	_ =	sdelay $0x4  }
0x17f: {  	p3 =	sne.s32 s8, $0x1;
	v10 =	vmul.u32 $0x1899D, v11  }
.Ltmp30:
0x180: {  	_ = 	snop;
	(pc) =	sbr.rel @!p3 .LBB2_35-.Ltmp30, $4  }
0x181: {  	v10 =	vshrl.u32 v10, $0x1A  }
0x182: {  	v63 =	vmul.u32 $0xFFFFFD66, v10  }
0x183: {  	v11 =	vsub.s32 $0x0, v11;
	s15 =	spop (v2sf)  }
0x184: {  	s8 =	sadd.s32 $0xFFFFFFFF, s8;
	p2 =	por $0x1, $0x1;
	vm0 =	veq.s32 v63, v11;
	s20 =	sadd.s32 s20, s15  }
.LBB2_34:
0x185: {  	p3 =	sne.s32 s8, $0x1;
	s8 =	sadd.s32 $0xFFFFFFFF, s8;
	v11 =	vsel vm0, $0x1, v1;
	[smem:$0x0] =	sst s20  }
0x186: {  	(xrf0) =	vadd.scan.msk.s32 $0xffff, v11;
	_ =	sdelay $0x4  }
0x187: {  	v12 =	vsel vm0, $0xFFFFFFFF, v1;
	v11 =	vld [tilespmem:s29+$0x0]  }
0x188: {  	v12 =	vadd.s32 s20, v12;
	v13, _, _ =	vpop (xrf0)  }
0x189: {  	v12 =	vadd.s32 v13, v12;
	(v2sf) =	vpush v13, $0xF;
	_ =	sdelay $0x2  }
0x18a: {  	v11 =	vshll.u32 v11, $0x4  }
0x18b: {  	v10 =	vadd.s32 v10, v11  }
0x18c: {  	[tilespmem:v12+s11+$0x0] =	vst.idx.msk vm0, v10  }
0x18d: {  	v11 =	vld [tilespmem:s22+$0x27D0];
	_ =	sdelay $0x4  }
0x18e: {  	v10 =	vmul.u32 $0x1899D, v11  }
.Ltmp31:
0x18f: {  	(pc) =	sbr.rel @p3 .LBB2_34-.Ltmp31, $4  }
0x190: {  	v10 =	vshrl.u32 v10, $0x1A  }
0x191: {  	v12 =	vmul.u32 $0xFFFFFD66, v10  }
0x192: {  	v11 =	vsub.s32 $0x0, v11;
	s15 =	spop (v2sf)  }
0x193: {  	vm0 =	veq.s32 v12, v11;
	s20 =	sadd.s32 s20, s15  }
.LBB2_35:
0x194: {  	v11 =	vsel vm0, $0x1, v1  }
0x195: {  	(xrf0) =	vadd.scan.msk.s32 $0xffff, v11;
	_ =	sdelay $0x5  }
0x196: {  	v11, _, _ =	vpop (xrf0)  }
0x197: {  	(v2sf) =	vpush v11, $0xF;
	_ =	sdelay $0x9  }
0x198: {  	v12 =	vld [tilespmem:s29+$0x0];
	v13 =	vsel vm0, $0xFFFFFFFF, v1  }
0x199: {  	v13 =	vadd.s32 s20, v13  }
0x19a: {  	v11 =	vadd.s32 v11, v13;
	_ =	sdelay $0x2  }
0x19b: {  	v12 =	vshll.u32 v12, $0x4;
	s8 =	spop (v2sf)  }
0x19c: {  	[smem:$0x0] =	sst @p2 s20;
	v10 =	vadd.s32 v10, v12;
	s20 =	sadd.s32 s20, s8  }
0x19d: {  	[tilespmem:v11+s11+$0x0] =	vst.idx.msk vm0, v10;
	[smem:$0x0] =	sst s20  }
.LBB2_36:
0x19e: {  	(v2sf) =	vpush v8, $0x0;
	_ =	sdelay $0xe  }
0x19f: {  	s8 =	spop (v2sf)  }
0x1a0: {  	s8 =	sadd.s32 $0xF, s8  }
0x1a1: {  	s8 =	sshra.s32 s8, $0x4  }
0x1a2: {  	p2 =	slt.s32 s8, $0x1  }
.Ltmp32:
0x1a3: {  	_ = 	snop;
	(pc) =	sbr.rel @p2 .LBB2_41-.Ltmp32, $1  }
0x1a4: {  	_ =	sdelay $0x3  }
0x1a5: {  	v11 =	vld [tilespmem:s22+$0x27E0];
	_ =	sdelay $0x4  }
0x1a6: {  	p3 =	sne.s32 s8, $0x1;
	v10 =	vmul.u32 $0x1899D, v11  }
.Ltmp33:
0x1a7: {  	_ = 	snop;
	(pc) =	sbr.rel @!p3 .LBB2_40-.Ltmp33, $4  }
0x1a8: {  	v10 =	vshrl.u32 v10, $0x1A  }
0x1a9: {  	v12 =	vmul.u32 $0xFFFFFD66, v10  }
0x1aa: {  	v11 =	vsub.s32 $0x0, v11  }
0x1ab: {  	s8 =	sadd.s32 $0xFFFFFFFF, s8;
	p2 =	por $0x0, $0x0;
	vm0 =	veq.s32 v12, v11  }
0x1ac: {  	v11 =	vsel vm0, $0x1, v1  }
0x1ad: {  	(xrf0) =	vadd.scan.msk.s32 $0xffff, v11;
	_ =	sdelay $0x4  }
0x1ae: {  	v12 =	vsel vm0, $0xFFFFFFFF, v1;
	v11 =	vld [tilespmem:s30+$0x0]  }
0x1af: {  	v12 =	vadd.s32 s20, v12;
	v13, _, _ =	vpop (xrf0)  }
0x1b0: {  	v12 =	vadd.s32 v13, v12;
	(v2sf) =	vpush v13, $0xF;
	_ =	sdelay $0x2  }
0x1b1: {  	v11 =	vshll.u32 v11, $0x4  }
0x1b2: {  	v10 =	vadd.s32 v10, v11  }
0x1b3: {  	[tilespmem:v12+s11+$0x0] =	vst.idx.msk vm0, v10  }
0x1b4: {  	v11 =	vld [tilespmem:s22+$0x27E0];
	_ =	sdelay $0x4  }
0x1b5: {  	p3 =	sne.s32 s8, $0x1;
	v10 =	vmul.u32 $0x1899D, v11  }
.Ltmp34:
0x1b6: {  	_ = 	snop;
	(pc) =	sbr.rel @!p3 .LBB2_40-.Ltmp34, $4  }
0x1b7: {  	v10 =	vshrl.u32 v10, $0x1A  }
0x1b8: {  	v63 =	vmul.u32 $0xFFFFFD66, v10  }
0x1b9: {  	v11 =	vsub.s32 $0x0, v11;
	s15 =	spop (v2sf)  }
0x1ba: {  	s8 =	sadd.s32 $0xFFFFFFFF, s8;
	p2 =	por $0x1, $0x1;
	vm0 =	veq.s32 v63, v11;
	s20 =	sadd.s32 s20, s15  }
.LBB2_39:
0x1bb: {  	p3 =	sne.s32 s8, $0x1;
	s8 =	sadd.s32 $0xFFFFFFFF, s8;
	v11 =	vsel vm0, $0x1, v1;
	[smem:$0x0] =	sst s20  }
0x1bc: {  	(xrf0) =	vadd.scan.msk.s32 $0xffff, v11;
	_ =	sdelay $0x4  }
0x1bd: {  	v12 =	vsel vm0, $0xFFFFFFFF, v1;
	v11 =	vld [tilespmem:s30+$0x0]  }
0x1be: {  	v12 =	vadd.s32 s20, v12;
	v13, _, _ =	vpop (xrf0)  }
0x1bf: {  	v12 =	vadd.s32 v13, v12;
	(v2sf) =	vpush v13, $0xF;
	_ =	sdelay $0x2  }
0x1c0: {  	v11 =	vshll.u32 v11, $0x4  }
0x1c1: {  	v10 =	vadd.s32 v10, v11  }
0x1c2: {  	[tilespmem:v12+s11+$0x0] =	vst.idx.msk vm0, v10  }
0x1c3: {  	v11 =	vld [tilespmem:s22+$0x27E0];
	_ =	sdelay $0x4  }
0x1c4: {  	v10 =	vmul.u32 $0x1899D, v11  }
.Ltmp35:
0x1c5: {  	(pc) =	sbr.rel @p3 .LBB2_39-.Ltmp35, $4  }
0x1c6: {  	v10 =	vshrl.u32 v10, $0x1A  }
0x1c7: {  	v12 =	vmul.u32 $0xFFFFFD66, v10  }
0x1c8: {  	v11 =	vsub.s32 $0x0, v11;
	s15 =	spop (v2sf)  }
0x1c9: {  	vm0 =	veq.s32 v12, v11;
	s20 =	sadd.s32 s20, s15  }
.LBB2_40:
0x1ca: {  	v11 =	vsel vm0, $0x1, v1  }
0x1cb: {  	(xrf0) =	vadd.scan.msk.s32 $0xffff, v11;
	_ =	sdelay $0x5  }
0x1cc: {  	v11, _, _ =	vpop (xrf0)  }
0x1cd: {  	(v2sf) =	vpush v11, $0xF;
	_ =	sdelay $0x9  }
0x1ce: {  	v12 =	vld [tilespmem:s30+$0x0];
	v13 =	vsel vm0, $0xFFFFFFFF, v1  }
0x1cf: {  	v13 =	vadd.s32 s20, v13  }
0x1d0: {  	v11 =	vadd.s32 v11, v13;
	_ =	sdelay $0x2  }
0x1d1: {  	v12 =	vshll.u32 v12, $0x4;
	s8 =	spop (v2sf)  }
0x1d2: {  	[smem:$0x0] =	sst @p2 s20;
	v10 =	vadd.s32 v10, v12;
	s20 =	sadd.s32 s20, s8  }
0x1d3: {  	[tilespmem:v11+s11+$0x0] =	vst.idx.msk vm0, v10;
	[smem:$0x0] =	sst s20  }
.LBB2_41:
0x1d4: {  	(v2sf) =	vpush v9, $0x0;
	_ =	sdelay $0xe  }
0x1d5: {  	s8 =	spop (v2sf)  }
0x1d6: {  	s8 =	sadd.s32 $0xF, s8  }
0x1d7: {  	s8 =	sshra.s32 s8, $0x4  }
0x1d8: {  	p2 =	slt.s32 s8, $0x1  }
.Ltmp36:
0x1d9: {  	_ = 	snop;
	(pc) =	sbr.rel @p2 .LBB2_46-.Ltmp36, $1  }
0x1da: {  	_ =	sdelay $0x3  }
0x1db: {  	v11 =	vld [tilespmem:s22+$0x27F0];
	_ =	sdelay $0x4  }
0x1dc: {  	p3 =	sne.s32 s8, $0x1;
	v10 =	vmul.u32 $0x1899D, v11  }
.Ltmp37:
0x1dd: {  	_ = 	snop;
	(pc) =	sbr.rel @!p3 .LBB2_45-.Ltmp37, $4  }
0x1de: {  	v10 =	vshrl.u32 v10, $0x1A  }
0x1df: {  	v12 =	vmul.u32 $0xFFFFFD66, v10  }
0x1e0: {  	v11 =	vsub.s32 $0x0, v11  }
0x1e1: {  	s8 =	sadd.s32 $0xFFFFFFFF, s8;
	p2 =	por $0x0, $0x0;
	vm0 =	veq.s32 v12, v11  }
0x1e2: {  	v11 =	vsel vm0, $0x1, v1  }
0x1e3: {  	(xrf0) =	vadd.scan.msk.s32 $0xffff, v11;
	_ =	sdelay $0x4  }
0x1e4: {  	v12 =	vsel vm0, $0xFFFFFFFF, v1;
	v11 =	vld [tilespmem:s1+$0x0]  }
0x1e5: {  	v12 =	vadd.s32 s20, v12;
	v13, _, _ =	vpop (xrf0)  }
0x1e6: {  	v12 =	vadd.s32 v13, v12;
	(v2sf) =	vpush v13, $0xF;
	_ =	sdelay $0x2  }
0x1e7: {  	v11 =	vshll.u32 v11, $0x4  }
0x1e8: {  	v10 =	vadd.s32 v10, v11  }
0x1e9: {  	[tilespmem:v12+s11+$0x0] =	vst.idx.msk vm0, v10  }
0x1ea: {  	v11 =	vld [tilespmem:s22+$0x27F0];
	_ =	sdelay $0x4  }
0x1eb: {  	p3 =	sne.s32 s8, $0x1;
	v10 =	vmul.u32 $0x1899D, v11  }
.Ltmp38:
0x1ec: {  	_ = 	snop;
	(pc) =	sbr.rel @!p3 .LBB2_45-.Ltmp38, $4  }
0x1ed: {  	v10 =	vshrl.u32 v10, $0x1A  }
0x1ee: {  	v63 =	vmul.u32 $0xFFFFFD66, v10  }
0x1ef: {  	v11 =	vsub.s32 $0x0, v11;
	s15 =	spop (v2sf)  }
0x1f0: {  	s8 =	sadd.s32 $0xFFFFFFFF, s8;
	p2 =	por $0x1, $0x1;
	vm0 =	veq.s32 v63, v11;
	s20 =	sadd.s32 s20, s15  }
.LBB2_44:
0x1f1: {  	p3 =	sne.s32 s8, $0x1;
	s8 =	sadd.s32 $0xFFFFFFFF, s8;
	v11 =	vsel vm0, $0x1, v1;
	[smem:$0x0] =	sst s20  }
0x1f2: {  	(xrf0) =	vadd.scan.msk.s32 $0xffff, v11;
	_ =	sdelay $0x4  }
0x1f3: {  	v12 =	vsel vm0, $0xFFFFFFFF, v1;
	v11 =	vld [tilespmem:s1+$0x0]  }
0x1f4: {  	v12 =	vadd.s32 s20, v12;
	v13, _, _ =	vpop (xrf0)  }
0x1f5: {  	v12 =	vadd.s32 v13, v12;
	(v2sf) =	vpush v13, $0xF;
	_ =	sdelay $0x2  }
0x1f6: {  	v11 =	vshll.u32 v11, $0x4  }
0x1f7: {  	v10 =	vadd.s32 v10, v11  }
0x1f8: {  	[tilespmem:v12+s11+$0x0] =	vst.idx.msk vm0, v10  }
0x1f9: {  	v11 =	vld [tilespmem:s22+$0x27F0];
	_ =	sdelay $0x4  }
0x1fa: {  	v10 =	vmul.u32 $0x1899D, v11  }
.Ltmp39:
0x1fb: {  	(pc) =	sbr.rel @p3 .LBB2_44-.Ltmp39, $4  }
0x1fc: {  	v10 =	vshrl.u32 v10, $0x1A  }
0x1fd: {  	v12 =	vmul.u32 $0xFFFFFD66, v10  }
0x1fe: {  	v11 =	vsub.s32 $0x0, v11;
	s15 =	spop (v2sf)  }
0x1ff: {  	vm0 =	veq.s32 v12, v11;
	s20 =	sadd.s32 s20, s15  }
.Ltmp40:
0x200: {  	_ = 	snop;
	(pc) =	sbr.rel .LBB2_45-.Ltmp40, $1  }
0x201: {  	_ =	sdelay $0x3  }
.LBB2_48:
0x202: {  	v3 =	vld [tilespmem:$0x4E80];
	_ =	sdelay $0x4  }
0x203: {  	v4 =	vmul.u32 $0x1899D, v3;
	_ =	sdelay $0x1  }
0x204: {  	v4 =	vshrl.u32 v4, $0x1A  }
0x205: {  	v4 =	vmul.u32 $0xFFFFFD66, v4  }
0x206: {  	v3 =	vsub.s32 $0x0, v3  }
0x207: {  	vm0 =	veq.s32 v4, v3  }
0x208: {  	v3 =	vmpcnt.ones.xlane vm0;
	_ =	sdelay $0x1  }
0x209: {  	(v2sf) =	vpush v3, $0x0;
	_ =	sdelay $0xe  }
0x20a: {  	s0 =	spop (v2sf)  }
0x20b: {  	s0 =	sadd.s32 $0xF, s0  }
0x20c: {  	s0 =	sshra.s32 s0, $0x4  }
0x20d: {  	p1 =	slt.s32 s0, $0x1  }
.Ltmp41:
0x20e: {  	_ = 	snop;
	(pc) =	sbr.rel @p1 .LBB2_53-.Ltmp41, $1  }
0x20f: {  	_ =	sdelay $0x3  }
0x210: {  	v4 =	vld [tilespmem:$0x4E80];
	_ =	sdelay $0x4  }
0x211: {  	p2 =	sne.s32 s0, $0x1;
	v3 =	vmul.u32 $0x1899D, v4  }
.Ltmp42:
0x212: {  	_ = 	snop;
	(pc) =	sbr.rel @!p2 .LBB2_52-.Ltmp42, $4  }
0x213: {  	v3 =	vshrl.u32 v3, $0x1A  }
0x214: {  	v5 =	vmul.u32 $0xFFFFFD66, v3  }
0x215: {  	v4 =	vsub.s32 $0x0, v4  }
0x216: {  	s0 =	sadd.s32 $0xFFFFFFFF, s0;
	p1 =	por $0x0, $0x0;
	vm0 =	veq.s32 v5, v4  }
0x217: {  	v4 =	vsel vm0, $0x1, v1  }
0x218: {  	(xrf0) =	vadd.scan.msk.s32 $0xffff, v4;
	_ =	sdelay $0x4  }
0x219: {  	v5 =	vsel vm0, $0xFFFFFFFF, v1;
	v4 =	vld [tilespmem:$0x2700]  }
0x21a: {  	v5 =	vadd.s32 s20, v5;
	v6, _, _ =	vpop (xrf0)  }
0x21b: {  	v5 =	vadd.s32 v6, v5;
	(v2sf) =	vpush v6, $0xF;
	_ =	sdelay $0x2  }
0x21c: {  	v4 =	vshll.u32 v4, $0x4  }
0x21d: {  	v3 =	vadd.s32 v3, v4  }
0x21e: {  	[tilespmem:v5+s11+$0x0] =	vst.idx.msk vm0, v3  }
0x21f: {  	v4 =	vld [tilespmem:$0x4E80];
	_ =	sdelay $0x4  }
0x220: {  	p2 =	sne.s32 s0, $0x1;
	v3 =	vmul.u32 $0x1899D, v4  }
.Ltmp43:
0x221: {  	_ = 	snop;
	(pc) =	sbr.rel @!p2 .LBB2_52-.Ltmp43, $4  }
0x222: {  	v3 =	vshrl.u32 v3, $0x1A  }
0x223: {  	v5 =	vmul.u32 $0xFFFFFD66, v3  }
0x224: {  	v4 =	vsub.s32 $0x0, v4;
	s1 =	spop (v2sf)  }
0x225: {  	s0 =	sadd.s32 $0xFFFFFFFF, s0;
	p1 =	por $0x1, $0x1;
	vm0 =	veq.s32 v5, v4;
	s20 =	sadd.s32 s20, s1  }
.LBB2_51:
0x226: {  	p2 =	sne.s32 s0, $0x1;
	s0 =	sadd.s32 $0xFFFFFFFF, s0;
	v4 =	vsel vm0, $0x1, v1;
	[smem:$0x0] =	sst s20  }
0x227: {  	(xrf0) =	vadd.scan.msk.s32 $0xffff, v4;
	_ =	sdelay $0x4  }
0x228: {  	v5 =	vsel vm0, $0xFFFFFFFF, v1;
	v4 =	vld [tilespmem:$0x2700]  }
0x229: {  	v5 =	vadd.s32 s20, v5;
	v6, _, _ =	vpop (xrf0)  }
0x22a: {  	v5 =	vadd.s32 v6, v5;
	(v2sf) =	vpush v6, $0xF;
	_ =	sdelay $0x2  }
0x22b: {  	v4 =	vshll.u32 v4, $0x4  }
0x22c: {  	v3 =	vadd.s32 v3, v4  }
0x22d: {  	[tilespmem:v5+s11+$0x0] =	vst.idx.msk vm0, v3  }
0x22e: {  	v4 =	vld [tilespmem:$0x4E80];
	_ =	sdelay $0x4  }
0x22f: {  	v3 =	vmul.u32 $0x1899D, v4  }
.Ltmp44:
0x230: {  	(pc) =	sbr.rel @p2 .LBB2_51-.Ltmp44, $4  }
0x231: {  	v3 =	vshrl.u32 v3, $0x1A  }
0x232: {  	v5 =	vmul.u32 $0xFFFFFD66, v3  }
0x233: {  	v4 =	vsub.s32 $0x0, v4;
	s1 =	spop (v2sf)  }
0x234: {  	vm0 =	veq.s32 v5, v4;
	s20 =	sadd.s32 s20, s1  }
.LBB2_52:
0x235: {  	v4 =	vsel vm0, $0x1, v1  }
0x236: {  	(xrf0) =	vadd.scan.msk.s32 $0xffff, v4;
	_ =	sdelay $0x5  }
0x237: {  	v4, _, _ =	vpop (xrf0)  }
0x238: {  	(v2sf) =	vpush v4, $0xF;
	_ =	sdelay $0x9  }
0x239: {  	v5 =	vld [tilespmem:$0x2700];
	v6 =	vsel vm0, $0xFFFFFFFF, v1  }
0x23a: {  	v6 =	vadd.s32 s20, v6  }
0x23b: {  	v4 =	vadd.s32 v4, v6;
	_ =	sdelay $0x2  }
0x23c: {  	v5 =	vshll.u32 v5, $0x4;
	s0 =	spop (v2sf)  }
0x23d: {  	[smem:$0x0] =	sst @p1 s20;
	v3 =	vadd.s32 v3, v5;
	s20 =	sadd.s32 s20, s0  }
0x23e: {  	[tilespmem:v4+s11+$0x0] =	vst.idx.msk vm0, v3;
	[smem:$0x0] =	sst s20  }
.LBB2_53:
0x23f: {  	s0 =	sadd.s32 $0xF, s20  }
0x240: {  	s0 =	sshra.s32 s0, $0x4  }
0x241: {  	s1 =	simm.s32 @!p0 $0x2;
	p1 =	slt.s32 s0, $0x1  }
.Ltmp45:
0x242: {  	_ =	swait.ge @!p0 [sflag:s1], $0x27100;
	(pc) =	sbr.rel @p1 .LBB2_56-.Ltmp45, $3  }
0x243: {  	[sflag:s1] =	ssyncset.done @!p0 $0x0  }
0x244: {  	[sflag:s1] =	ssyncadd.s32 @!p0 $0xFFFD8F00  }
0x245: {  	[bflag:$0x0] =	sbarrier.arrive $0xFFFF;
	_ =	sdelay $0x1  }
0x246: {  	v3 =	vmov s20;
	s1 =	simm.s32 $0x4F00;
	s20 =	simm.s32 $0x0  }
.LBB2_55:
0x247: {  	v4 =	vld [tilespmem:s1+$0x0];
	_ =	sdelay $0x3  }
0x248: {  	v5 =	vor.u32 s20, v2  }
0x249: {  	vm0 =	vlt.s32 v5, v3;
	v5 =	vshrl.u32 v4, $0x4  }
0x24a: {  	v5 =	vnsel vm0, $0x0, v5  }
0x24b: {  	v4 =	vand.u32 $0xF, v4;
	[tilespmem:$0x7680] =	vst v5  }
0x24c: {  	v4 =	vnsel vm0, $0x10, v4;
	[tilespmem:s14], [sflag:$0x1] =	stream.indirect.gather [spmem:s2], $0x80, s13, s12, $0xb8;
	[tilespmem:$0x1C000] =	vst v63  }
0x24d: {  	v4 =	vshll.u32 v4, $0x7;
	_ =	swait.ge [sflag:s10], $0x800  }
0x24e: {  	(v2sf) =	vpush v4, $0x1  }
0x24f: {  	(v2sf) =	vpush v4, $0x0;
	_ =	sdelay $0xc  }
0x250: {  	[sflag:s10] =	ssyncset.done $0x0  }
0x251: {  	[sflag:s10] =	ssyncadd.s32 $0xFFFFF800;
	s21 =	spop (v2sf)  }
0x252: {  	v6 =	vld [tilespmem:$0x7700];
	s8 =	spop (v2sf)  }
0x253: {  	v5 =	vld [tilespmem:s8+$0x7F00];
	_ =	sdelay $0x4  }
0x254: {  	v5 =	vmax.f32 v5, v6  }
0x255: {  	[tilespmem:s8+$0x7F00] =	vst v5;
	v5 =	vld [tilespmem:s8+$0x7F10]  }
0x256: {  	v10 =	vld [tilespmem:$0x7710];
	_ =	sdelay $0x4  }
0x257: {  	v5 =	vmax.f32 v5, v10  }
0x258: {  	[tilespmem:s8+$0x7F10] =	vst v5;
	v5 =	vld [tilespmem:s8+$0x7F20]  }
0x259: {  	v11 =	vld [tilespmem:$0x7720];
	_ =	sdelay $0x4  }
0x25a: {  	v5 =	vmax.f32 v5, v11  }
0x25b: {  	[tilespmem:s8+$0x7F20] =	vst v5;
	v5 =	vld [tilespmem:s8+$0x7F30]  }
0x25c: {  	v12 =	vld [tilespmem:$0x7730];
	_ =	sdelay $0x4  }
0x25d: {  	v5 =	vmax.f32 v5, v12  }
0x25e: {  	[tilespmem:s8+$0x7F30] =	vst v5;
	v5 =	vld [tilespmem:s8+$0x7F40]  }
0x25f: {  	v13 =	vld [tilespmem:$0x7740];
	_ =	sdelay $0x4  }
0x260: {  	v5 =	vmax.f32 v5, v13  }
0x261: {  	[tilespmem:s8+$0x7F40] =	vst v5;
	v5 =	vld [tilespmem:s8+$0x7F50]  }
0x262: {  	v14 =	vld [tilespmem:$0x7750];
	_ =	sdelay $0x4  }
0x263: {  	v5 =	vmax.f32 v5, v14  }
0x264: {  	[tilespmem:s8+$0x7F50] =	vst v5;
	v5 =	vld [tilespmem:s8+$0x7F60]  }
0x265: {  	v15 =	vld [tilespmem:$0x7760];
	_ =	sdelay $0x4  }
0x266: {  	v5 =	vmax.f32 v5, v15  }
0x267: {  	[tilespmem:s8+$0x7F60] =	vst v5;
	v5 =	vld [tilespmem:s8+$0x7F70]  }
0x268: {  	v16 =	vld [tilespmem:$0x7770];
	_ =	sdelay $0x4  }
0x269: {  	v5 =	vmax.f32 v5, v16  }
0x26a: {  	[tilespmem:s8+$0x7F70] =	vst v5  }
0x26b: {  	v5 =	vld [tilespmem:s21+$0x7F00]  }
0x26c: {  	v17 =	vld [tilespmem:$0x7780];
	_ =	sdelay $0x4  }
0x26d: {  	v5 =	vmax.f32 v5, v17  }
0x26e: {  	[tilespmem:s21+$0x7F00] =	vst v5;
	v5 =	vld [tilespmem:s21+$0x7F10]  }
0x26f: {  	v18 =	vld [tilespmem:$0x7790];
	_ =	sdelay $0x4  }
0x270: {  	v5 =	vmax.f32 v5, v18  }
0x271: {  	[tilespmem:s21+$0x7F10] =	vst v5;
	v5 =	vld [tilespmem:s21+$0x7F20]  }
0x272: {  	v19 =	vld [tilespmem:$0x77A0];
	_ =	sdelay $0x4  }
0x273: {  	v5 =	vmax.f32 v5, v19  }
0x274: {  	[tilespmem:s21+$0x7F20] =	vst v5;
	v5 =	vld [tilespmem:s21+$0x7F30]  }
0x275: {  	v20 =	vld [tilespmem:$0x77B0];
	_ =	sdelay $0x4  }
0x276: {  	v5 =	vmax.f32 v5, v20  }
0x277: {  	[tilespmem:s21+$0x7F30] =	vst v5;
	v5 =	vld [tilespmem:s21+$0x7F40]  }
0x278: {  	v21 =	vld [tilespmem:$0x77C0];
	_ =	sdelay $0x4  }
0x279: {  	v5 =	vmax.f32 v5, v21  }
0x27a: {  	[tilespmem:s21+$0x7F40] =	vst v5;
	v5 =	vld [tilespmem:s21+$0x7F50]  }
0x27b: {  	v22 =	vld [tilespmem:$0x77D0];
	_ =	sdelay $0x3  }
0x27c: {  	(v2sf) =	vpush v4, $0x3  }
0x27d: {  	(v2sf) =	vpush v4, $0x2;
	v5 =	vmax.f32 v5, v22  }
0x27e: {  	[tilespmem:s21+$0x7F50] =	vst v5;
	v5 =	vld [tilespmem:s21+$0x7F60]  }
0x27f: {  	v23 =	vld [tilespmem:$0x77E0];
	_ =	sdelay $0x4  }
0x280: {  	v5 =	vmax.f32 v5, v23  }
0x281: {  	[tilespmem:s21+$0x7F60] =	vst v5;
	v5 =	vld [tilespmem:s21+$0x7F70]  }
0x282: {  	v24 =	vld [tilespmem:$0x77F0];
	_ =	sdelay $0x4  }
0x283: {  	s22 =	spop (v2sf);
	v5 =	vmax.f32 v5, v24  }
0x284: {  	s29 =	spop (v2sf);
	[tilespmem:s21+$0x7F70] =	vst v5  }
0x285: {  	v5 =	vld [tilespmem:s29+$0x7F00]  }
0x286: {  	v25 =	vld [tilespmem:$0x7800];
	_ =	sdelay $0x4  }
0x287: {  	v5 =	vmax.f32 v5, v25  }
0x288: {  	[tilespmem:s29+$0x7F00] =	vst v5;
	v5 =	vld [tilespmem:s29+$0x7F10]  }
0x289: {  	v26 =	vld [tilespmem:$0x7810];
	_ =	sdelay $0x4  }
0x28a: {  	v5 =	vmax.f32 v5, v26  }
0x28b: {  	[tilespmem:s29+$0x7F10] =	vst v5;
	v5 =	vld [tilespmem:s29+$0x7F20]  }
0x28c: {  	v27 =	vld [tilespmem:$0x7820];
	_ =	sdelay $0x4  }
0x28d: {  	v5 =	vmax.f32 v5, v27  }
0x28e: {  	[tilespmem:s29+$0x7F20] =	vst v5;
	v5 =	vld [tilespmem:s29+$0x7F30]  }
0x28f: {  	v28 =	vld [tilespmem:$0x7830];
	_ =	sdelay $0x4  }
0x290: {  	v5 =	vmax.f32 v5, v28  }
0x291: {  	[tilespmem:s29+$0x7F30] =	vst v5;
	v5 =	vld [tilespmem:s29+$0x7F40]  }
0x292: {  	v29 =	vld [tilespmem:$0x7840];
	_ =	sdelay $0x4  }
0x293: {  	v5 =	vmax.f32 v5, v29  }
0x294: {  	[tilespmem:s29+$0x7F40] =	vst v5;
	v5 =	vld [tilespmem:s29+$0x7F50]  }
0x295: {  	v30 =	vld [tilespmem:$0x7850];
	_ =	sdelay $0x4  }
0x296: {  	v5 =	vmax.f32 v5, v30  }
0x297: {  	[tilespmem:s29+$0x7F50] =	vst v5;
	v5 =	vld [tilespmem:s29+$0x7F60]  }
0x298: {  	v31 =	vld [tilespmem:$0x7860];
	_ =	sdelay $0x4  }
0x299: {  	v5 =	vmax.f32 v5, v31  }
0x29a: {  	[tilespmem:s29+$0x7F60] =	vst v5;
	v5 =	vld [tilespmem:s29+$0x7F70]  }
0x29b: {  	v32 =	vld [tilespmem:$0x7870];
	_ =	sdelay $0x4  }
0x29c: {  	v5 =	vmax.f32 v5, v32  }
0x29d: {  	[tilespmem:s29+$0x7F70] =	vst v5  }
0x29e: {  	v5 =	vld [tilespmem:s22+$0x7F00]  }
0x29f: {  	v33 =	vld [tilespmem:$0x7880];
	_ =	sdelay $0x4  }
0x2a0: {  	v5 =	vmax.f32 v5, v33  }
0x2a1: {  	[tilespmem:s22+$0x7F00] =	vst v5;
	v5 =	vld [tilespmem:s22+$0x7F10]  }
0x2a2: {  	v34 =	vld [tilespmem:$0x7890];
	_ =	sdelay $0x4  }
0x2a3: {  	v5 =	vmax.f32 v5, v34  }
0x2a4: {  	[tilespmem:s22+$0x7F10] =	vst v5;
	v5 =	vld [tilespmem:s22+$0x7F20]  }
0x2a5: {  	v35 =	vld [tilespmem:$0x78A0];
	_ =	sdelay $0x4  }
0x2a6: {  	v5 =	vmax.f32 v5, v35  }
0x2a7: {  	[tilespmem:s22+$0x7F20] =	vst v5;
	v5 =	vld [tilespmem:s22+$0x7F30]  }
0x2a8: {  	v36 =	vld [tilespmem:$0x78B0];
	_ =	sdelay $0x4  }
0x2a9: {  	v5 =	vmax.f32 v5, v36  }
0x2aa: {  	[tilespmem:s22+$0x7F30] =	vst v5;
	v5 =	vld [tilespmem:s22+$0x7F40]  }
0x2ab: {  	v37 =	vld [tilespmem:$0x78C0];
	_ =	sdelay $0x4  }
0x2ac: {  	v5 =	vmax.f32 v5, v37  }
0x2ad: {  	[tilespmem:s22+$0x7F40] =	vst v5;
	v5 =	vld [tilespmem:s22+$0x7F50]  }
0x2ae: {  	v38 =	vld [tilespmem:$0x78D0];
	_ =	sdelay $0x3  }
0x2af: {  	(v2sf) =	vpush v4, $0x5  }
0x2b0: {  	(v2sf) =	vpush v4, $0x4;
	v5 =	vmax.f32 v5, v38  }
0x2b1: {  	[tilespmem:s22+$0x7F50] =	vst v5;
	v5 =	vld [tilespmem:s22+$0x7F60]  }
0x2b2: {  	v39 =	vld [tilespmem:$0x78E0];
	_ =	sdelay $0x4  }
0x2b3: {  	v5 =	vmax.f32 v5, v39  }
0x2b4: {  	[tilespmem:s22+$0x7F60] =	vst v5;
	v5 =	vld [tilespmem:s22+$0x7F70]  }
0x2b5: {  	v40 =	vld [tilespmem:$0x78F0];
	_ =	sdelay $0x4  }
0x2b6: {  	s30 =	spop (v2sf);
	v5 =	vmax.f32 v5, v40  }
0x2b7: {  	s31 =	spop (v2sf);
	[tilespmem:s22+$0x7F70] =	vst v5  }
0x2b8: {  	v5 =	vld [tilespmem:s31+$0x7F00]  }
0x2b9: {  	v41 =	vld [tilespmem:$0x7900];
	_ =	sdelay $0x4  }
0x2ba: {  	v5 =	vmax.f32 v5, v41  }
0x2bb: {  	[tilespmem:s31+$0x7F00] =	vst v5;
	v5 =	vld [tilespmem:s31+$0x7F10]  }
0x2bc: {  	v42 =	vld [tilespmem:$0x7910];
	_ =	sdelay $0x4  }
0x2bd: {  	v5 =	vmax.f32 v5, v42  }
0x2be: {  	[tilespmem:s31+$0x7F10] =	vst v5;
	v5 =	vld [tilespmem:s31+$0x7F20]  }
0x2bf: {  	v43 =	vld [tilespmem:$0x7920];
	_ =	sdelay $0x4  }
0x2c0: {  	v5 =	vmax.f32 v5, v43  }
0x2c1: {  	[tilespmem:s31+$0x7F20] =	vst v5;
	v5 =	vld [tilespmem:s31+$0x7F30]  }
0x2c2: {  	v44 =	vld [tilespmem:$0x7930];
	_ =	sdelay $0x4  }
0x2c3: {  	v5 =	vmax.f32 v5, v44  }
0x2c4: {  	[tilespmem:s31+$0x7F30] =	vst v5;
	v5 =	vld [tilespmem:s31+$0x7F40]  }
0x2c5: {  	v45 =	vld [tilespmem:$0x7940];
	_ =	sdelay $0x4  }
0x2c6: {  	v5 =	vmax.f32 v5, v45  }
0x2c7: {  	[tilespmem:s31+$0x7F40] =	vst v5;
	v5 =	vld [tilespmem:s31+$0x7F50]  }
0x2c8: {  	v46 =	vld [tilespmem:$0x7950];
	_ =	sdelay $0x4  }
0x2c9: {  	v5 =	vmax.f32 v5, v46  }
0x2ca: {  	[tilespmem:s31+$0x7F50] =	vst v5;
	v5 =	vld [tilespmem:s31+$0x7F60]  }
0x2cb: {  	v47 =	vld [tilespmem:$0x7960];
	_ =	sdelay $0x4  }
0x2cc: {  	v5 =	vmax.f32 v5, v47  }
0x2cd: {  	[tilespmem:s31+$0x7F60] =	vst v5;
	v5 =	vld [tilespmem:s31+$0x7F70]  }
0x2ce: {  	v48 =	vld [tilespmem:$0x7970];
	_ =	sdelay $0x4  }
0x2cf: {  	v5 =	vmax.f32 v5, v48  }
0x2d0: {  	[tilespmem:s31+$0x7F70] =	vst v5  }
0x2d1: {  	v5 =	vld [tilespmem:s30+$0x7F00]  }
0x2d2: {  	v49 =	vld [tilespmem:$0x7980];
	_ =	sdelay $0x4  }
0x2d3: {  	v5 =	vmax.f32 v5, v49  }
0x2d4: {  	[tilespmem:s30+$0x7F00] =	vst v5;
	v5 =	vld [tilespmem:s30+$0x7F10]  }
0x2d5: {  	v50 =	vld [tilespmem:$0x7990];
	_ =	sdelay $0x4  }
0x2d6: {  	v5 =	vmax.f32 v5, v50  }
0x2d7: {  	[tilespmem:s30+$0x7F10] =	vst v5;
	v5 =	vld [tilespmem:s30+$0x7F20]  }
0x2d8: {  	v51 =	vld [tilespmem:$0x79A0];
	_ =	sdelay $0x4  }
0x2d9: {  	v5 =	vmax.f32 v5, v51  }
0x2da: {  	[tilespmem:s30+$0x7F20] =	vst v5;
	v5 =	vld [tilespmem:s30+$0x7F30]  }
0x2db: {  	v52 =	vld [tilespmem:$0x79B0];
	_ =	sdelay $0x4  }
0x2dc: {  	v5 =	vmax.f32 v5, v52  }
0x2dd: {  	[tilespmem:s30+$0x7F30] =	vst v5;
	v5 =	vld [tilespmem:s30+$0x7F40]  }
0x2de: {  	v53 =	vld [tilespmem:$0x79C0];
	_ =	sdelay $0x4  }
0x2df: {  	v5 =	vmax.f32 v5, v53  }
0x2e0: {  	[tilespmem:s30+$0x7F40] =	vst v5;
	v5 =	vld [tilespmem:s30+$0x7F50]  }
0x2e1: {  	v54 =	vld [tilespmem:$0x79D0];
	_ =	sdelay $0x3  }
0x2e2: {  	(v2sf) =	vpush v4, $0x7  }
0x2e3: {  	(v2sf) =	vpush v4, $0x6;
	v5 =	vmax.f32 v5, v54  }
0x2e4: {  	[tilespmem:s30+$0x7F50] =	vst v5;
	v5 =	vld [tilespmem:s30+$0x7F60]  }
0x2e5: {  	v55 =	vld [tilespmem:$0x79E0];
	_ =	sdelay $0x4  }
0x2e6: {  	v5 =	vmax.f32 v5, v55  }
0x2e7: {  	[tilespmem:s30+$0x7F60] =	vst v5;
	v5 =	vld [tilespmem:s30+$0x7F70]  }
0x2e8: {  	v56 =	vld [tilespmem:$0x79F0];
	_ =	sdelay $0x4  }
0x2e9: {  	s15 =	spop (v2sf);
	v5 =	vmax.f32 v5, v56  }
0x2ea: {  	s21 =	spop (v2sf);
	[tilespmem:s30+$0x7F70] =	vst v5  }
0x2eb: {  	v5 =	vld [tilespmem:s21+$0x7F00]  }
0x2ec: {  	v57 =	vld [tilespmem:$0x7A00];
	_ =	sdelay $0x4  }
0x2ed: {  	v5 =	vmax.f32 v5, v57  }
0x2ee: {  	[tilespmem:s21+$0x7F00] =	vst v5;
	v5 =	vld [tilespmem:s21+$0x7F10]  }
0x2ef: {  	v58 =	vld [tilespmem:$0x7A10];
	_ =	sdelay $0x4  }
0x2f0: {  	v5 =	vmax.f32 v5, v58  }
0x2f1: {  	[tilespmem:s21+$0x7F10] =	vst v5;
	v5 =	vld [tilespmem:s21+$0x7F20]  }
0x2f2: {  	v59 =	vld [tilespmem:$0x7A20];
	_ =	sdelay $0x4  }
0x2f3: {  	v5 =	vmax.f32 v5, v59  }
0x2f4: {  	[tilespmem:s21+$0x7F20] =	vst v5;
	v5 =	vld [tilespmem:s21+$0x7F30]  }
0x2f5: {  	v60 =	vld [tilespmem:$0x7A30];
	_ =	sdelay $0x4  }
0x2f6: {  	v5 =	vmax.f32 v5, v60  }
0x2f7: {  	[tilespmem:s21+$0x7F30] =	vst v5;
	v5 =	vld [tilespmem:s21+$0x7F40]  }
0x2f8: {  	v61 =	vld [tilespmem:$0x7A40];
	_ =	sdelay $0x4  }
0x2f9: {  	v5 =	vmax.f32 v5, v61  }
0x2fa: {  	[tilespmem:s21+$0x7F40] =	vst v5;
	v5 =	vld [tilespmem:s21+$0x7F50]  }
0x2fb: {  	v62 =	vld [tilespmem:$0x7A50];
	_ =	sdelay $0x4  }
0x2fc: {  	v5 =	vmax.f32 v5, v62  }
0x2fd: {  	[tilespmem:s21+$0x7F50] =	vst v5;
	v5 =	vld [tilespmem:s21+$0x7F60]  }
0x2fe: {  	v63 =	vld [tilespmem:$0x7A60];
	_ =	sdelay $0x4  }
0x2ff: {  	v5 =	vmax.f32 v5, v63  }
0x300: {  	[tilespmem:s21+$0x7F60] =	vst v5;
	v5 =	vld [tilespmem:s21+$0x7F70]  }
0x301: {  	v9 =	vld [tilespmem:$0x7A70];
	_ =	sdelay $0x4  }
0x302: {  	v5 =	vmax.f32 v5, v9  }
0x303: {  	[tilespmem:s21+$0x7F70] =	vst v5  }
0x304: {  	v5 =	vld [tilespmem:s15+$0x7F00]  }
0x305: {  	v10 =	vld [tilespmem:$0x7A80];
	_ =	sdelay $0x4  }
0x306: {  	v5 =	vmax.f32 v5, v10  }
0x307: {  	[tilespmem:s15+$0x7F00] =	vst v5;
	v5 =	vld [tilespmem:s15+$0x7F10]  }
0x308: {  	v11 =	vld [tilespmem:$0x7A90];
	_ =	sdelay $0x4  }
0x309: {  	v5 =	vmax.f32 v5, v11  }
0x30a: {  	[tilespmem:s15+$0x7F10] =	vst v5;
	v5 =	vld [tilespmem:s15+$0x7F20]  }
0x30b: {  	v12 =	vld [tilespmem:$0x7AA0];
	_ =	sdelay $0x4  }
0x30c: {  	v5 =	vmax.f32 v5, v12  }
0x30d: {  	[tilespmem:s15+$0x7F20] =	vst v5;
	v5 =	vld [tilespmem:s15+$0x7F30]  }
0x30e: {  	v13 =	vld [tilespmem:$0x7AB0];
	_ =	sdelay $0x4  }
0x30f: {  	v5 =	vmax.f32 v5, v13  }
0x310: {  	[tilespmem:s15+$0x7F30] =	vst v5;
	v5 =	vld [tilespmem:s15+$0x7F40]  }
0x311: {  	v14 =	vld [tilespmem:$0x7AC0];
	_ =	sdelay $0x4  }
0x312: {  	v5 =	vmax.f32 v5, v14  }
0x313: {  	[tilespmem:s15+$0x7F40] =	vst v5;
	v5 =	vld [tilespmem:s15+$0x7F50]  }
0x314: {  	v15 =	vld [tilespmem:$0x7AD0];
	_ =	sdelay $0x3  }
0x315: {  	(v2sf) =	vpush v4, $0x9  }
0x316: {  	(v2sf) =	vpush v4, $0x8;
	v5 =	vmax.f32 v5, v15  }
0x317: {  	[tilespmem:s15+$0x7F50] =	vst v5;
	v5 =	vld [tilespmem:s15+$0x7F60]  }
0x318: {  	v16 =	vld [tilespmem:$0x7AE0];
	_ =	sdelay $0x4  }
0x319: {  	v5 =	vmax.f32 v5, v16  }
0x31a: {  	[tilespmem:s15+$0x7F60] =	vst v5;
	v5 =	vld [tilespmem:s15+$0x7F70]  }
0x31b: {  	v17 =	vld [tilespmem:$0x7AF0];
	_ =	sdelay $0x4  }
0x31c: {  	s23 =	spop (v2sf);
	v5 =	vmax.f32 v5, v17  }
0x31d: {  	s24 =	spop (v2sf);
	[tilespmem:s15+$0x7F70] =	vst v5  }
0x31e: {  	v5 =	vld [tilespmem:s24+$0x7F00]  }
0x31f: {  	v18 =	vld [tilespmem:$0x7B00];
	_ =	sdelay $0x4  }
0x320: {  	v5 =	vmax.f32 v5, v18  }
0x321: {  	[tilespmem:s24+$0x7F00] =	vst v5;
	v5 =	vld [tilespmem:s24+$0x7F10]  }
0x322: {  	v19 =	vld [tilespmem:$0x7B10];
	_ =	sdelay $0x4  }
0x323: {  	v5 =	vmax.f32 v5, v19  }
0x324: {  	[tilespmem:s24+$0x7F10] =	vst v5;
	v5 =	vld [tilespmem:s24+$0x7F20]  }
0x325: {  	v20 =	vld [tilespmem:$0x7B20];
	_ =	sdelay $0x4  }
0x326: {  	v5 =	vmax.f32 v5, v20  }
0x327: {  	[tilespmem:s24+$0x7F20] =	vst v5;
	v5 =	vld [tilespmem:s24+$0x7F30]  }
0x328: {  	v21 =	vld [tilespmem:$0x7B30];
	_ =	sdelay $0x4  }
0x329: {  	v5 =	vmax.f32 v5, v21  }
0x32a: {  	[tilespmem:s24+$0x7F30] =	vst v5;
	v5 =	vld [tilespmem:s24+$0x7F40]  }
0x32b: {  	v22 =	vld [tilespmem:$0x7B40];
	_ =	sdelay $0x4  }
0x32c: {  	v5 =	vmax.f32 v5, v22  }
0x32d: {  	[tilespmem:s24+$0x7F40] =	vst v5;
	v5 =	vld [tilespmem:s24+$0x7F50]  }
0x32e: {  	v23 =	vld [tilespmem:$0x7B50];
	_ =	sdelay $0x4  }
0x32f: {  	v5 =	vmax.f32 v5, v23  }
0x330: {  	[tilespmem:s24+$0x7F50] =	vst v5;
	v5 =	vld [tilespmem:s24+$0x7F60]  }
0x331: {  	v24 =	vld [tilespmem:$0x7B60];
	_ =	sdelay $0x4  }
0x332: {  	v5 =	vmax.f32 v5, v24  }
0x333: {  	[tilespmem:s24+$0x7F60] =	vst v5;
	v5 =	vld [tilespmem:s24+$0x7F70]  }
0x334: {  	v25 =	vld [tilespmem:$0x7B70];
	_ =	sdelay $0x4  }
0x335: {  	v5 =	vmax.f32 v5, v25  }
0x336: {  	[tilespmem:s24+$0x7F70] =	vst v5  }
0x337: {  	v5 =	vld [tilespmem:s23+$0x7F00]  }
0x338: {  	v26 =	vld [tilespmem:$0x7B80];
	_ =	sdelay $0x4  }
0x339: {  	v5 =	vmax.f32 v5, v26  }
0x33a: {  	[tilespmem:s23+$0x7F00] =	vst v5;
	v5 =	vld [tilespmem:s23+$0x7F10]  }
0x33b: {  	v27 =	vld [tilespmem:$0x7B90];
	_ =	sdelay $0x4  }
0x33c: {  	v5 =	vmax.f32 v5, v27  }
0x33d: {  	[tilespmem:s23+$0x7F10] =	vst v5;
	v5 =	vld [tilespmem:s23+$0x7F20]  }
0x33e: {  	v28 =	vld [tilespmem:$0x7BA0];
	_ =	sdelay $0x4  }
0x33f: {  	v5 =	vmax.f32 v5, v28  }
0x340: {  	[tilespmem:s23+$0x7F20] =	vst v5;
	v5 =	vld [tilespmem:s23+$0x7F30]  }
0x341: {  	v29 =	vld [tilespmem:$0x7BB0];
	_ =	sdelay $0x4  }
0x342: {  	v5 =	vmax.f32 v5, v29  }
0x343: {  	[tilespmem:s23+$0x7F30] =	vst v5;
	v5 =	vld [tilespmem:s23+$0x7F40]  }
0x344: {  	v30 =	vld [tilespmem:$0x7BC0];
	_ =	sdelay $0x4  }
0x345: {  	v5 =	vmax.f32 v5, v30  }
0x346: {  	[tilespmem:s23+$0x7F40] =	vst v5;
	v5 =	vld [tilespmem:s23+$0x7F50]  }
0x347: {  	v31 =	vld [tilespmem:$0x7BD0];
	_ =	sdelay $0x3  }
0x348: {  	(v2sf) =	vpush v4, $0xB  }
0x349: {  	(v2sf) =	vpush v4, $0xA;
	v5 =	vmax.f32 v5, v31  }
0x34a: {  	[tilespmem:s23+$0x7F50] =	vst v5;
	v5 =	vld [tilespmem:s23+$0x7F60]  }
0x34b: {  	v32 =	vld [tilespmem:$0x7BE0];
	_ =	sdelay $0x4  }
0x34c: {  	v5 =	vmax.f32 v5, v32  }
0x34d: {  	[tilespmem:s23+$0x7F60] =	vst v5;
	v5 =	vld [tilespmem:s23+$0x7F70]  }
0x34e: {  	v33 =	vld [tilespmem:$0x7BF0];
	_ =	sdelay $0x4  }
0x34f: {  	s25 =	spop (v2sf);
	v5 =	vmax.f32 v5, v33  }
0x350: {  	s26 =	spop (v2sf);
	[tilespmem:s23+$0x7F70] =	vst v5  }
0x351: {  	v5 =	vld [tilespmem:s26+$0x7F00]  }
0x352: {  	v34 =	vld [tilespmem:$0x7C00];
	_ =	sdelay $0x4  }
0x353: {  	v5 =	vmax.f32 v5, v34  }
0x354: {  	[tilespmem:s26+$0x7F00] =	vst v5;
	v5 =	vld [tilespmem:s26+$0x7F10]  }
0x355: {  	v35 =	vld [tilespmem:$0x7C10];
	_ =	sdelay $0x4  }
0x356: {  	v5 =	vmax.f32 v5, v35  }
0x357: {  	[tilespmem:s26+$0x7F10] =	vst v5;
	v5 =	vld [tilespmem:s26+$0x7F20]  }
0x358: {  	v36 =	vld [tilespmem:$0x7C20];
	_ =	sdelay $0x4  }
0x359: {  	v5 =	vmax.f32 v5, v36  }
0x35a: {  	[tilespmem:s26+$0x7F20] =	vst v5;
	v5 =	vld [tilespmem:s26+$0x7F30]  }
0x35b: {  	v37 =	vld [tilespmem:$0x7C30];
	_ =	sdelay $0x4  }
0x35c: {  	v5 =	vmax.f32 v5, v37  }
0x35d: {  	[tilespmem:s26+$0x7F30] =	vst v5;
	v5 =	vld [tilespmem:s26+$0x7F40]  }
0x35e: {  	v38 =	vld [tilespmem:$0x7C40];
	_ =	sdelay $0x4  }
0x35f: {  	v5 =	vmax.f32 v5, v38  }
0x360: {  	[tilespmem:s26+$0x7F40] =	vst v5;
	v5 =	vld [tilespmem:s26+$0x7F50]  }
0x361: {  	v39 =	vld [tilespmem:$0x7C50];
	_ =	sdelay $0x4  }
0x362: {  	v5 =	vmax.f32 v5, v39  }
0x363: {  	[tilespmem:s26+$0x7F50] =	vst v5;
	v5 =	vld [tilespmem:s26+$0x7F60]  }
0x364: {  	v40 =	vld [tilespmem:$0x7C60];
	_ =	sdelay $0x4  }
0x365: {  	v5 =	vmax.f32 v5, v40  }
0x366: {  	[tilespmem:s26+$0x7F60] =	vst v5;
	v5 =	vld [tilespmem:s26+$0x7F70]  }
0x367: {  	v41 =	vld [tilespmem:$0x7C70];
	_ =	sdelay $0x4  }
0x368: {  	v5 =	vmax.f32 v5, v41  }
0x369: {  	[tilespmem:s26+$0x7F70] =	vst v5  }
0x36a: {  	v5 =	vld [tilespmem:s25+$0x7F00]  }
0x36b: {  	v42 =	vld [tilespmem:$0x7C80];
	_ =	sdelay $0x4  }
0x36c: {  	v5 =	vmax.f32 v5, v42  }
0x36d: {  	[tilespmem:s25+$0x7F00] =	vst v5;
	v5 =	vld [tilespmem:s25+$0x7F10]  }
0x36e: {  	v43 =	vld [tilespmem:$0x7C90];
	_ =	sdelay $0x4  }
0x36f: {  	v5 =	vmax.f32 v5, v43  }
0x370: {  	[tilespmem:s25+$0x7F10] =	vst v5;
	v5 =	vld [tilespmem:s25+$0x7F20]  }
0x371: {  	v44 =	vld [tilespmem:$0x7CA0];
	_ =	sdelay $0x4  }
0x372: {  	v5 =	vmax.f32 v5, v44  }
0x373: {  	[tilespmem:s25+$0x7F20] =	vst v5;
	v5 =	vld [tilespmem:s25+$0x7F30]  }
0x374: {  	v45 =	vld [tilespmem:$0x7CB0];
	_ =	sdelay $0x4  }
0x375: {  	v5 =	vmax.f32 v5, v45  }
0x376: {  	[tilespmem:s25+$0x7F30] =	vst v5;
	v5 =	vld [tilespmem:s25+$0x7F40]  }
0x377: {  	v46 =	vld [tilespmem:$0x7CC0];
	_ =	sdelay $0x4  }
0x378: {  	v5 =	vmax.f32 v5, v46  }
0x379: {  	[tilespmem:s25+$0x7F40] =	vst v5;
	v5 =	vld [tilespmem:s25+$0x7F50]  }
0x37a: {  	v47 =	vld [tilespmem:$0x7CD0];
	_ =	sdelay $0x3  }
0x37b: {  	(v2sf) =	vpush v4, $0xD  }
0x37c: {  	(v2sf) =	vpush v4, $0xC;
	v5 =	vmax.f32 v5, v47  }
0x37d: {  	[tilespmem:s25+$0x7F50] =	vst v5;
	v5 =	vld [tilespmem:s25+$0x7F60]  }
0x37e: {  	v48 =	vld [tilespmem:$0x7CE0];
	_ =	sdelay $0x4  }
0x37f: {  	v5 =	vmax.f32 v5, v48  }
0x380: {  	[tilespmem:s25+$0x7F60] =	vst v5;
	v5 =	vld [tilespmem:s25+$0x7F70]  }
0x381: {  	v49 =	vld [tilespmem:$0x7CF0];
	_ =	sdelay $0x4  }
0x382: {  	s28 =	spop (v2sf);
	v5 =	vmax.f32 v5, v49  }
0x383: {  	s29 =	spop (v2sf);
	[tilespmem:s25+$0x7F70] =	vst v5  }
0x384: {  	v5 =	vld [tilespmem:s29+$0x7F00]  }
0x385: {  	v50 =	vld [tilespmem:$0x7D00];
	_ =	sdelay $0x4  }
0x386: {  	v5 =	vmax.f32 v5, v50  }
0x387: {  	[tilespmem:s29+$0x7F00] =	vst v5;
	v5 =	vld [tilespmem:s29+$0x7F10]  }
0x388: {  	v51 =	vld [tilespmem:$0x7D10];
	_ =	sdelay $0x4  }
0x389: {  	v5 =	vmax.f32 v5, v51  }
0x38a: {  	[tilespmem:s29+$0x7F10] =	vst v5;
	v5 =	vld [tilespmem:s29+$0x7F20]  }
0x38b: {  	v52 =	vld [tilespmem:$0x7D20];
	_ =	sdelay $0x4  }
0x38c: {  	v5 =	vmax.f32 v5, v52  }
0x38d: {  	[tilespmem:s29+$0x7F20] =	vst v5;
	v5 =	vld [tilespmem:s29+$0x7F30]  }
0x38e: {  	v53 =	vld [tilespmem:$0x7D30];
	_ =	sdelay $0x4  }
0x38f: {  	v5 =	vmax.f32 v5, v53  }
0x390: {  	[tilespmem:s29+$0x7F30] =	vst v5;
	v5 =	vld [tilespmem:s29+$0x7F40]  }
0x391: {  	v54 =	vld [tilespmem:$0x7D40];
	_ =	sdelay $0x4  }
0x392: {  	v5 =	vmax.f32 v5, v54  }
0x393: {  	[tilespmem:s29+$0x7F40] =	vst v5;
	v5 =	vld [tilespmem:s29+$0x7F50]  }
0x394: {  	v55 =	vld [tilespmem:$0x7D50];
	_ =	sdelay $0x4  }
0x395: {  	v5 =	vmax.f32 v5, v55  }
0x396: {  	[tilespmem:s29+$0x7F50] =	vst v5;
	v5 =	vld [tilespmem:s29+$0x7F60]  }
0x397: {  	v56 =	vld [tilespmem:$0x7D60];
	_ =	sdelay $0x4  }
0x398: {  	v5 =	vmax.f32 v5, v56  }
0x399: {  	[tilespmem:s29+$0x7F60] =	vst v5;
	v5 =	vld [tilespmem:s29+$0x7F70]  }
0x39a: {  	v57 =	vld [tilespmem:$0x7D70];
	_ =	sdelay $0x4  }
0x39b: {  	v5 =	vmax.f32 v5, v57  }
0x39c: {  	[tilespmem:s29+$0x7F70] =	vst v5  }
0x39d: {  	v5 =	vld [tilespmem:s28+$0x7F00]  }
0x39e: {  	v58 =	vld [tilespmem:$0x7D80];
	_ =	sdelay $0x4  }
0x39f: {  	v5 =	vmax.f32 v5, v58  }
0x3a0: {  	[tilespmem:s28+$0x7F00] =	vst v5;
	v5 =	vld [tilespmem:s28+$0x7F10]  }
0x3a1: {  	v59 =	vld [tilespmem:$0x7D90];
	_ =	sdelay $0x4  }
0x3a2: {  	v5 =	vmax.f32 v5, v59  }
0x3a3: {  	[tilespmem:s28+$0x7F10] =	vst v5;
	v5 =	vld [tilespmem:s28+$0x7F20]  }
0x3a4: {  	v60 =	vld [tilespmem:$0x7DA0];
	_ =	sdelay $0x4  }
0x3a5: {  	v5 =	vmax.f32 v5, v60  }
0x3a6: {  	[tilespmem:s28+$0x7F20] =	vst v5;
	v5 =	vld [tilespmem:s28+$0x7F30]  }
0x3a7: {  	v61 =	vld [tilespmem:$0x7DB0];
	_ =	sdelay $0x4  }
0x3a8: {  	v5 =	vmax.f32 v5, v61  }
0x3a9: {  	[tilespmem:s28+$0x7F30] =	vst v5;
	v5 =	vld [tilespmem:s28+$0x7F40]  }
0x3aa: {  	v62 =	vld [tilespmem:$0x7DC0];
	_ =	sdelay $0x4  }
0x3ab: {  	v5 =	vmax.f32 v5, v62  }
0x3ac: {  	[tilespmem:s28+$0x7F40] =	vst v5;
	v5 =	vld [tilespmem:s28+$0x7F50]  }
0x3ad: {  	v63 =	vld [tilespmem:$0x7DD0];
	_ =	sdelay $0x3  }
0x3ae: {  	(v2sf) =	vpush v4, $0xF  }
0x3af: {  	(v2sf) =	vpush v4, $0xE;
	v5 =	vmax.f32 v5, v63  }
0x3b0: {  	v4 =	vld [tilespmem:s28+$0x7F60];
	[tilespmem:s28+$0x7F50] =	vst v5  }
0x3b1: {  	v5 =	vld [tilespmem:$0x7DE0];
	_ =	sdelay $0x4  }
0x3b2: {  	v4 =	vmax.f32 v4, v5  }
0x3b3: {  	[tilespmem:s28+$0x7F60] =	vst v4;
	v4 =	vld [tilespmem:s28+$0x7F70]  }
0x3b4: {  	v5 =	vld [tilespmem:$0x7DF0];
	_ =	sdelay $0x4  }
0x3b5: {  	s30 =	spop (v2sf);
	v4 =	vmax.f32 v4, v5  }
0x3b6: {  	s31 =	spop (v2sf);
	[tilespmem:s28+$0x7F70] =	vst v4  }
0x3b7: {  	v4 =	vld [tilespmem:s31+$0x7F00]  }
0x3b8: {  	v5 =	vld [tilespmem:$0x7E00];
	_ =	sdelay $0x4  }
0x3b9: {  	v4 =	vmax.f32 v4, v5  }
0x3ba: {  	[tilespmem:s31+$0x7F00] =	vst v4;
	v4 =	vld [tilespmem:s31+$0x7F10]  }
0x3bb: {  	v5 =	vld [tilespmem:$0x7E10];
	_ =	sdelay $0x4  }
0x3bc: {  	v4 =	vmax.f32 v4, v5  }
0x3bd: {  	[tilespmem:s31+$0x7F10] =	vst v4;
	v4 =	vld [tilespmem:s31+$0x7F20]  }
0x3be: {  	v5 =	vld [tilespmem:$0x7E20];
	_ =	sdelay $0x4  }
0x3bf: {  	v4 =	vmax.f32 v4, v5  }
0x3c0: {  	[tilespmem:s31+$0x7F20] =	vst v4;
	v4 =	vld [tilespmem:s31+$0x7F30]  }
0x3c1: {  	v5 =	vld [tilespmem:$0x7E30];
	_ =	sdelay $0x4  }
0x3c2: {  	v4 =	vmax.f32 v4, v5  }
0x3c3: {  	[tilespmem:s31+$0x7F30] =	vst v4;
	v4 =	vld [tilespmem:s31+$0x7F40]  }
0x3c4: {  	v5 =	vld [tilespmem:$0x7E40];
	_ =	sdelay $0x4  }
0x3c5: {  	v4 =	vmax.f32 v4, v5  }
0x3c6: {  	[tilespmem:s31+$0x7F40] =	vst v4;
	v4 =	vld [tilespmem:s31+$0x7F50]  }
0x3c7: {  	v5 =	vld [tilespmem:$0x7E50];
	_ =	sdelay $0x4  }
0x3c8: {  	v4 =	vmax.f32 v4, v5  }
0x3c9: {  	[tilespmem:s31+$0x7F50] =	vst v4;
	v4 =	vld [tilespmem:s31+$0x7F60]  }
0x3ca: {  	v5 =	vld [tilespmem:$0x7E60];
	_ =	sdelay $0x4  }
0x3cb: {  	v4 =	vmax.f32 v4, v5  }
0x3cc: {  	[tilespmem:s31+$0x7F60] =	vst v4;
	v4 =	vld [tilespmem:s31+$0x7F70]  }
0x3cd: {  	v5 =	vld [tilespmem:$0x7E70];
	_ =	sdelay $0x4  }
0x3ce: {  	v4 =	vmax.f32 v4, v5  }
0x3cf: {  	[tilespmem:s31+$0x7F70] =	vst v4  }
0x3d0: {  	v4 =	vld [tilespmem:s30+$0x7F00]  }
0x3d1: {  	v5 =	vld [tilespmem:$0x7E80];
	_ =	sdelay $0x4  }
0x3d2: {  	v4 =	vmax.f32 v4, v5  }
0x3d3: {  	[tilespmem:s30+$0x7F00] =	vst v4;
	v4 =	vld [tilespmem:s30+$0x7F10]  }
0x3d4: {  	v5 =	vld [tilespmem:$0x7E90];
	_ =	sdelay $0x4  }
0x3d5: {  	v4 =	vmax.f32 v4, v5  }
0x3d6: {  	[tilespmem:s30+$0x7F10] =	vst v4;
	v4 =	vld [tilespmem:s30+$0x7F20]  }
0x3d7: {  	v5 =	vld [tilespmem:$0x7EA0];
	_ =	sdelay $0x4  }
0x3d8: {  	v4 =	vmax.f32 v4, v5  }
0x3d9: {  	[tilespmem:s30+$0x7F20] =	vst v4;
	v4 =	vld [tilespmem:s30+$0x7F30]  }
0x3da: {  	v5 =	vld [tilespmem:$0x7EB0];
	_ =	sdelay $0x4  }
0x3db: {  	v4 =	vmax.f32 v4, v5  }
0x3dc: {  	[tilespmem:s30+$0x7F30] =	vst v4;
	v4 =	vld [tilespmem:s30+$0x7F40]  }
0x3dd: {  	v5 =	vld [tilespmem:$0x7EC0];
	_ =	sdelay $0x4  }
0x3de: {  	v4 =	vmax.f32 v4, v5  }
0x3df: {  	[tilespmem:s30+$0x7F40] =	vst v4;
	v4 =	vld [tilespmem:s30+$0x7F50]  }
0x3e0: {  	v5 =	vld [tilespmem:$0x7ED0];
	_ =	sdelay $0x4  }
0x3e1: {  	v4 =	vmax.f32 v4, v5  }
0x3e2: {  	[tilespmem:s30+$0x7F50] =	vst v4;
	v4 =	vld [tilespmem:s30+$0x7F60]  }
0x3e3: {  	v5 =	vld [tilespmem:$0x7EE0];
	_ =	sdelay $0x4  }
0x3e4: {  	v4 =	vmax.f32 v4, v5  }
0x3e5: {  	[tilespmem:s30+$0x7F60] =	vst v4;
	v4 =	vld [tilespmem:s30+$0x7F70]  }
0x3e6: {  	v5 =	vld [tilespmem:$0x7EF0]  }
0x3e7: {  	p1 =	sne.s32 s0, $0x1  }
.Ltmp46:
0x3e8: {  	_ = 	snop;
	(pc) =	sbr.rel @p1 .LBB2_55-.Ltmp46, $3  }
0x3e9: {  	_ =	sdelay $0x1  }
0x3ea: {  	v4 =	vmax.f32 v4, v5  }
0x3eb: {  	s1 =	sadd.s32 $0x10, s1;
	s20 =	sadd.s32 $0x10, s20;
	s0 =	sadd.s32 $0xFFFFFFFF, s0;
	[tilespmem:s30+$0x7F70] =	vst v4  }
.Ltmp47:
0x3ec: {  	_ = 	snop;
	(pc) =	sbr.rel .LBB2_56-.Ltmp47, $1  }
0x3ed: {  	_ =	sdelay $0x3  }
.LBB2_57:
0x3ee: {  	_ =	sfence.sel $0x180000  }
0x3ef: {  	[bflag:$0x0] =	sbarrier.arrive $0xFFFF  }
0x3f0: {  	_ =	strace $0x90000047  }
0x3f1: {  	[bflag:$0x2] =	sbarrier.arrive $0xFFFF  }
0x3f2: {  	s0 =	rddreg [dreg:$0x3]  }
0x3f3: {  	s0 =	sadd.s32 @!p0 $0x100000, s0  }
0x3f4: {  	[sflag:s0] =	ssyncadd.tile.s32 @!p0 $0x1;
	_ =	shalt  }
.Lfunc_end2:
_tile_overlayer_lowered:
.L_overlay_start_2:
0x3f5: {  	(tag) =	ssettag $0x2  }
0x3f6: {  	s0 =	rddreg [dreg:$0x0];
	s2 =	stileid.u32  }
0x3f7: {  	s1 =	rddreg [dreg:$0x1];
	p0 =	sne.s32 s2, $0x0  }
0x3f8: {  	s3 =	rddreg [dreg:$0x2];
	[bflag:$0x3] =	sbarrier.arrive $0xFFFF;
	s2 =	simm.s32 @!p0 $0x1C03  }
0x3f9: {  	[timem:s3], [sflag:s2] =	dma.local @!p0 [hbm:s0], s1  }
0x3fa: {  	s0 =	simm.s32 @!p0 $0x3  }
0x3fb: {  	_ =	swait.ge @!p0 [sflag:s0], s1  }
0x3fc: {  	s1 =	ssub.s32 @!p0 $0x0, s1;
	[sflag:s0] =	ssyncset.done @!p0 $0x0  }
0x3fd: {  	[sflag:s0] =	ssyncadd.s32 @!p0 s1  }
0x3fe: {  	[bflag:$0x3] =	sbarrier.arrive $0xFFFF  }
0x3ff: {  	_ =	shalt  }

</sc_bundles>
